<compile_context>
chip_gen: v7x
topology: tpu7x:2x2x1
jax: 0.10.2.dev20260603
libtpu: 0.0.44.dev20260713+nightly
codegen_flags: <defaults>
</compile_context>

<pallas_src>
import functools
import math

import jax
import jax.numpy as jnp
from jax import lax
from jax.experimental import pallas as pl
from jax.experimental.pallas import tpu as pltpu
from jax.experimental.pallas import tpu_sc as plsc

KNN = 16
H = 8
CW = 128
TK = 3072
_BIG_VMEM = pltpu.CompilerParams(vmem_limit_bytes=100 * 1024 * 1024)
NEG = -1e30

SC_NC = 2
SC_NS = 16
SC_NW = SC_NC * SC_NS

DIST_PREC = lax.Precision.DEFAULT
TAIL_PREC = lax.Precision.DEFAULT


def _dot_t(a, b, prec):
    return lax.dot_general(a, b, (((1,), (1,)), ((), ())), precision=prec,
                           preferred_element_type=jnp.float32)


def _dot(a, b, prec):
    return lax.dot_general(a, b, (((1,), (0,)), ((), ())), precision=prec,
                           preferred_element_type=jnp.float32)


def _dist_body(M, x_ref, wimg_ref, bimg_ref, k_ref, s_ref, tm_ref, q_ref):
    j = pl.program_id(0)

    @pl.when(j == 0)
    def _proj():
        q_ref[...] = (_dot_t(x_ref[...], wimg_ref[...], DIST_PREC)
                      + bimg_ref[...])

    Qb = q_ref[...]
    Kb = k_ref[...]
    B = Qb.shape[0]
    nc = TK // CW
    kvalid = (lax.broadcasted_iota(jnp.int32, (TK, 1), 0) + j * TK) < M
    Kb = jnp.where(kvalid, Kb, 0.0)
    qsq = jnp.sum(Qb * Qb, axis=1, keepdims=True)
    ksq = jnp.sum(Kb * Kb, axis=1, keepdims=True)
    ksq = jnp.where(kvalid, ksq, -NEG)
    qk = _dot_t(Qb, Kb, DIST_PREC)
    s = -(qsq - 2.0 * qk + ksq[:, 0][None, :])
    s_ref[...] = s.reshape(B, nc, CW)
    tm_ref[0] = jnp.max(s.reshape(B, nc, CW), axis=2)


def _distances(x, W_img, b_img, mem_keys):
    B, D = x.shape
    M = mem_keys.shape[0]
    nstep = math.ceil(M / TK)
    nt = nstep * (TK // CW)
    full = lambda a: pl.BlockSpec(a.shape, lambda j: (0,) * a.ndim)
    S, TM3, Q = pl.pallas_call(
        functools.partial(_dist_body, M),
        grid=(nstep,),
        in_specs=[
            full(x), full(W_img), pl.BlockSpec((1, D), lambda j: (0, 0)),
            pl.BlockSpec((TK, D), lambda j: (j, 0)),
        ],
        out_specs=[
            pl.BlockSpec((B, TK // CW, CW), lambda j: (0, j, 0)),
            pl.BlockSpec((1, B, TK // CW), lambda j: (j, 0, 0)),
            pl.BlockSpec((B, D), lambda j: (0, 0)),
        ],
        out_shape=[
            jax.ShapeDtypeStruct((B, nt, CW), jnp.float32),
            jax.ShapeDtypeStruct((nstep, B, TK // CW), jnp.float32),
            jax.ShapeDtypeStruct((B, D), jnp.float32),
        ],
        compiler_params=_BIG_VMEM,
    )(x, W_img, b_img.reshape(1, D), mem_keys)
    return S, TM3, Q, nt


def _chunksel_body(nt, rc, tm_ref, q_ref, w1_ref, b1_ref, wq_ref, wk_ref,
                   wv_ref, win_ref, bpre_ref, bin_ref,
                   gid_ref, f1_ref, wqc_ref, wkc_ref, wvc_ref, bc_ref):
    i = pl.program_id(0)
    D = q_ref.shape[1]
    vals = tm_ref[...]
    cid = lax.broadcasted_iota(jnp.int32, vals.shape, 1)
    ti = _extract16(vals, cid)
    row = lax.broadcasted_iota(jnp.int32, ti.shape, 0) + i * rc
    gid_ref[...] = row * nt + ti
    f1_ref[...] = _dot_t(q_ref[...], w1_ref[...], TAIL_PREC) + b1_ref[...]

    @pl.when(i == 0)
    def _weights():
        wiq = win_ref[0:D, :]
        wik = win_ref[D:2 * D, :]
        wiv = win_ref[2 * D:3 * D, :]
        wqc_ref[...] = _dot(wiq, wq_ref[...], TAIL_PREC)
        wkc_ref[...] = _dot(wik, wk_ref[...], TAIL_PREC)
        wvc_ref[...] = _dot(wiv, wv_ref[...], TAIL_PREC)
        bc_ref[...] = jnp.concatenate(
            [_dot_t(bpre_ref[0:1, :], wiq, TAIL_PREC) + bin_ref[0:1, :],
             _dot_t(bpre_ref[1:2, :], wik, TAIL_PREC) + bin_ref[1:2, :],
             _dot_t(bpre_ref[2:3, :], wiv, TAIL_PREC) + bin_ref[2:3, :]],
            axis=0)


def _chunk_select(TM, Q, W1, b1, Wq, Wk, Wv, W_in, b_pre, b_in3, nt):
    B, D = Q.shape
    o1 = W1.shape[0]
    rc = min(256, B)
    f32 = jnp.float32
    full = lambda a: pl.BlockSpec(a.shape, lambda i: (0,) * a.ndim)
    return pl.pallas_call(
        functools.partial(_chunksel_body, nt, rc),
        grid=(B // rc,),
        in_specs=[
            pl.BlockSpec((rc, nt), lambda i: (i, 0)),
            pl.BlockSpec((rc, D), lambda i: (i, 0)),
            full(W1), full(b1), full(Wq), full(Wk), full(Wv), full(W_in),
            full(b_pre), full(b_in3),
        ],
        out_specs=[
            pl.BlockSpec((rc, KNN), lambda i: (i, 0)),
            pl.BlockSpec((rc, o1), lambda i: (i, 0)),
            pl.BlockSpec((D, D), lambda i: (0, 0)),
            pl.BlockSpec((D, D), lambda i: (0, 0)),
            pl.BlockSpec((D, D), lambda i: (0, 0)),
            pl.BlockSpec((3, D), lambda i: (0, 0)),
        ],
        out_shape=[
            jax.ShapeDtypeStruct((B, KNN), jnp.int32),
            jax.ShapeDtypeStruct((B, o1), f32),
            jax.ShapeDtypeStruct((D, D), f32),
            jax.ShapeDtypeStruct((D, D), f32),
            jax.ShapeDtypeStruct((D, D), f32),
            jax.ShapeDtypeStruct((3, D), f32),
        ],
    )(TM, Q, W1, b1, Wq, Wk, Wv, W_in, b_pre, b_in3)


def _extract16(vals, ids):
    out_i = []
    big = jnp.int32(2**31 - 1)
    for _ in range(KNN):
        m = jnp.max(vals, axis=1, keepdims=True)
        sel = jnp.where(vals == m, ids, big)
        win = jnp.min(sel, axis=1, keepdims=True)
        out_i.append(win)
        vals = jnp.where(ids == win, -jnp.inf, vals)
    return jnp.concatenate(out_i, axis=1)


def _finalsel_body(nt, rc, cv_ref, gid_ref, idx_ref):
    i = pl.program_id(0)
    vals = cv_ref[...]
    gid = gid_ref[...]
    row = lax.broadcasted_iota(jnp.int32, gid.shape, 0) + i * rc
    base = (gid - row * nt) * CW
    lane = lax.broadcasted_iota(jnp.int32, (rc, CW), 1)
    ids = jnp.concatenate(
        [base[:, j:j + 1] + lane for j in range(KNN)], axis=1)
    idx_ref[...] = _extract16(vals, ids)


def _final_select(cand, GID, nt):
    B = GID.shape[0]
    rc = min(256, B)
    return pl.pallas_call(
        functools.partial(_finalsel_body, nt, rc),
        grid=(B // rc,),
        in_specs=[
            pl.BlockSpec((rc, KNN * CW), lambda i: (i, 0)),
            pl.BlockSpec((rc, KNN), lambda i: (i, 0)),
        ],
        out_specs=pl.BlockSpec((rc, KNN), lambda i: (i, 0)),
        out_shape=jax.ShapeDtypeStruct((B, KNN), jnp.int32),
    )(cand, GID)


def _sc_gather_chunks(S2, gid_flat):
    nrow = gid_flat.shape[0]
    per_w = nrow // SC_NW
    ch = 128
    mesh = plsc.VectorSubcoreMesh(core_axis_name="c", subcore_axis_name="s")

    @functools.partial(
        pl.kernel, mesh=mesh,
        out_type=jax.ShapeDtypeStruct((nrow, CW), jnp.float32),
        scratch_types=[
            pltpu.VMEM((ch,), jnp.int32),
            pltpu.VMEM((ch, CW), jnp.float32),
            pltpu.SemaphoreType.DMA,
        ],
    )
    def k(tbl, idxh, outh, idx_v, rows_v, sem):
        wid = lax.axis_index("s") * SC_NC + lax.axis_index("c")
        base = wid * per_w
        for c in range(per_w // ch):
            pltpu.sync_copy(idxh.at[pl.ds(base + c * ch, ch)], idx_v)
            pltpu.async_copy(tbl.at[idx_v], rows_v, sem).wait()
            pltpu.sync_copy(rows_v, outh.at[pl.ds(base + c * ch, ch)])

    return k(S2, gid_flat)


def _sc_gather_rows(mem_keys, mem_vals, idx_flat):
    nrow = idx_flat.shape[0]
    D = mem_keys.shape[1]
    per_w = nrow // SC_NW
    ch = 64
    mesh = plsc.VectorSubcoreMesh(core_axis_name="c", subcore_axis_name="s")

    @functools.partial(
        pl.kernel, mesh=mesh,
        out_type=(jax.ShapeDtypeStruct((nrow, D), jnp.float32),
                  jax.ShapeDtypeStruct((nrow, D), jnp.float32)),
        scratch_types=[
            pltpu.VMEM((per_w,), jnp.int32),
            pltpu.VMEM((ch, D), jnp.float32),
            pltpu.VMEM((ch, D), jnp.float32),
            pltpu.SemaphoreType.DMA,
            pltpu.SemaphoreType.DMA,
        ],
    )
    def k(keys_h, vals_h, idxh, kout, vout, idx_v, krows, vrows, ksem, vsem):
        wid = lax.axis_index("s") * SC_NC + lax.axis_index("c")
        base = wid * per_w
        pltpu.sync_copy(idxh.at[pl.ds(base, per_w)], idx_v)
        for c in range(per_w // ch):
            isl = idx_v.at[pl.ds(c * ch, ch)]
            kcp = pltpu.async_copy(keys_h.at[isl], krows, ksem)
            vcp = pltpu.async_copy(vals_h.at[isl], vrows, vsem)
            kcp.wait()
            pltpu.sync_copy(krows, kout.at[pl.ds(base + c * ch, ch)])
            vcp.wait()
            pltpu.sync_copy(vrows, vout.at[pl.ds(base + c * ch, ch)])

    return k(mem_keys, mem_vals, idx_flat)


def _tail_body(rt, q_ref, f1_ref, kn_ref, vn_ref, wqc_ref, wkc_ref, wvc_ref,
               bc_ref, wo_ref, bo_ref, w2_ref, b2_ref, w3_ref, b3_ref,
               out_ref):
    D = q_ref.shape[1]
    dh = D // H
    Qb = q_ref[...]

    q2 = _dot_t(Qb, wqc_ref[...], TAIL_PREC) + bc_ref[0:1, :]
    Kn = kn_ref[...]
    Vn = vn_ref[...]

    lgs = []
    for h in range(H):
        sl = slice(h * dh, (h + 1) * dh)
        gh = _dot(q2[:, sl], wkc_ref[sl, :], TAIL_PREC)
        bh = jnp.sum(q2[:, sl] * bc_ref[1:2, sl], axis=1)
        lh = jnp.sum(Kn * gh[None, :, :], axis=2, keepdims=True)
        lgs.append(lh + bh[None, :, None])
    logits = jnp.concatenate(lgs, axis=2)
    logits = logits * (1.0 / math.sqrt(dh))
    mx = jnp.max(logits, axis=0, keepdims=True)
    p = jnp.exp(logits - mx)
    p = p / jnp.sum(p, axis=0, keepdims=True)
    pb = jnp.concatenate(
        [jnp.broadcast_to(p[:, :, h:h + 1], (KNN, rt, dh)) for h in range(H)],
        axis=2)
    vsum = jnp.sum(pb * Vn, axis=0)
    ctx = _dot_t(vsum, wvc_ref[...], TAIL_PREC) + bc_ref[2:3, :]

    prior = _dot_t(ctx, wo_ref[...], TAIL_PREC) + bo_ref[...]
    feat2 = _dot_t(prior, w2_ref[...], TAIL_PREC) + b2_ref[...]
    feat = jnp.concatenate([f1_ref[...], feat2], axis=1)
    feat = feat * 0.5 * (1.0 + lax.erf(feat * (1.0 / math.sqrt(2.0))))
    out_ref[...] = _dot_t(feat, w3_ref[...], TAIL_PREC) + b3_ref[...]


def _tail(Q, F1, KnT, VnT, Wqc, Wkc, Wvc, bc, Wo, bo, W2, b2, W3, b3):
    B, D = Q.shape
    rt = min(256, B)
    o1 = F1.shape[1]
    o3 = W3.shape[0]
    full = lambda a: pl.BlockSpec(a.shape, lambda i: (0,) * a.ndim)
    return pl.pallas_call(
        functools.partial(_tail_body, rt),
        grid=(B // rt,),
        in_specs=[
            pl.BlockSpec((rt, D), lambda i: (i, 0)),
            pl.BlockSpec((rt, o1), lambda i: (i, 0)),
            pl.BlockSpec((KNN, rt, D), lambda i: (0, i, 0)),
            pl.BlockSpec((KNN, rt, D), lambda i: (0, i, 0)),
            full(Wqc), full(Wkc), full(Wvc), full(bc), full(Wo), full(bo),
            full(W2), full(b2), full(W3), full(b3),
        ],
        out_specs=pl.BlockSpec((rt, o3), lambda i: (i, 0)),
        out_shape=jax.ShapeDtypeStruct((B, o3), jnp.float32),
        compiler_params=_BIG_VMEM,
    )(Q, F1, KnT, VnT, Wqc, Wkc, Wvc, bc, Wo, bo, W2, b2, W3, b3)


def kernel(x, mem_keys, mem_vals, W_img, b_img, Wq, bq, Wk, bk, Wv, bv,
           W_in, b_in, Wo, bo, W1, b1, W2, b2, W3, b3):
    B, D = x.shape

    b_pre = jnp.stack([bq, bk, bv], axis=0)
    b_in3 = b_in.reshape(3, D)
    S, TM3, Q, nt = _distances(x, W_img, b_img, mem_keys)
    TM = TM3.transpose(1, 0, 2).reshape(B, nt)
    GID, F1, Wqc, Wkc, Wvc, bc = _chunk_select(
        TM, Q, W1, b1.reshape(1, -1), Wq, Wk, Wv, W_in, b_pre, b_in3, nt)
    cand = _sc_gather_chunks(S.reshape(B * nt, CW), GID.reshape(-1))
    idx = _final_select(cand.reshape(B, KNN * CW), GID, nt)

    idx_t = idx.T.reshape(-1)
    KnF, VnF = _sc_gather_rows(mem_keys, mem_vals, idx_t)
    KnT = KnF.reshape(KNN, B, D)
    VnT = VnF.reshape(KNN, B, D)

    feat = _tail(Q, F1, KnT, VnT, Wqc, Wkc, Wvc, bc, Wo,
                 bo.reshape(1, D), W2, b2.reshape(1, -1), W3,
                 b3.reshape(1, -1))
    return feat, Q

# --- scband reference (transcript-rebuilt; emitter-appended) ---
"""Pipeline reference for scband-mhaencoder-74148315398511 (READ-ONLY COPY).

The authoritative reference and input builder live on the scoring server;
editing this copy changes nothing except your own understanding.
"""

import jax, jax.numpy as jnp
import numpy as np

B = 1024
D = 512
H = 8
KNN = 16
M = 100000
OUT1 = int(2 * D * 0.8)   # 819
OUT2 = 2 * D - OUT1       # 205


def setup_inputs(seed: int = 0) -> dict:
    key = jax.random.key(seed)
    ks = jax.random.split(key, 24)
    s = 0.02
    n = jax.random.normal
    inp = {
        "x": n(ks[0], (B, D), jnp.float32),
        "mem_keys": n(ks[1], (M, D), jnp.float32),
        "mem_vals": n(ks[2], (M, D), jnp.float32),
        # img_encoder (BaseImageEncoder stand-in: linear projection to latent_dim)
        "W_img": n(ks[3], (D, D), jnp.float32) * s,
        "b_img": jnp.zeros((D,), jnp.float32),
        # MultiHeadAttention pre-projections
        "Wq": n(ks[4], (D, D), jnp.float32) * s,
        "bq": jnp.zeros((D,), jnp.float32),
        "Wk": n(ks[5], (D, D), jnp.float32) * s,
        "bk": jnp.zeros((D,), jnp.float32),
        "Wv": n(ks[6], (D, D), jnp.float32) * s,
        "bv": jnp.zeros((D,), jnp.float32),
        # nn.MultiheadAttention internal in_proj / out_proj
        "W_in": n(ks[7], (3 * D, D), jnp.float32) * s,
        "b_in": jnp.zeros((3 * D,), jnp.float32),
        "Wo": n(ks[8], (D, D), jnp.float32) * s,
        "bo": jnp.zeros((D,), jnp.float32),
        # feature heads
        "W1": n(ks[9], (2 * OUT1, D), jnp.float32) * s,
        "b1": jnp.zeros((2 * OUT1,), jnp.float32),
        "W2": n(ks[10], (2 * OUT2, D), jnp.float32) * s,
        "b2": jnp.zeros((2 * OUT2,), jnp.float32),
        "W3": n(ks[11], (2 * D, 4 * D), jnp.float32) * s,
        "b3": jnp.zeros((2 * D,), jnp.float32),
    }
    return inp


def _forward(x, mem_keys, mem_vals, W_img, b_img, Wq, bq, Wk, bk, Wv, bv,
             W_in, b_in, Wo, bo, W1, b1, W2, b2, W3, b3):
    # img encoder -> query embedding
    Q = x @ W_img.T + b_img  # [B, D]
    # k-nearest neighbors in memory by L2 distance (compute-heavy matmul)
    q_sq = jnp.sum(Q * Q, axis=1, keepdims=True)          # [B, 1]
    k_sq = jnp.sum(mem_keys * mem_keys, axis=1)           # [M]
    dist2 = q_sq - 2.0 * (Q @ mem_keys.T) + k_sq[None, :]  # [B, M]
    _, idx = jax.lax.top_k(-dist2, KNN)                   # [B, KNN]
    Kn = mem_keys[idx]                                    # [B, KNN, D]
    Vn = mem_vals[idx]                                    # [B, KNN, D]
    Qe = Q[:, None, :]                                    # [B, 1, D]
    # MultiHeadAttention wrapper pre-projections
    q1 = Qe @ Wq.T + bq
    k1 = Kn @ Wk.T + bk
    v1 = Vn @ Wv.T + bv
    # nn.MultiheadAttention internals (eval mode: no dropout)
    Wqi, Wki, Wvi = jnp.split(W_in, 3, axis=0)
    bqi, bki, bvi = jnp.split(b_in, 3, axis=0)
    q2 = q1 @ Wqi.T + bqi   # [B, 1, D]
    k2 = k1 @ Wki.T + bki   # [B, KNN, D]
    v2 = v1 @ Wvi.T + bvi   # [B, KNN, D]
    dh = D // H
    q2 = q2.reshape(B, 1, H, dh).transpose(0, 2, 1, 3)    # [B, H, 1, dh]
    k2 = k2.reshape(B, KNN, H, dh).transpose(0, 2, 1, 3)  # [B, H, KNN, dh]
    v2 = v2.reshape(B, KNN, H, dh).transpose(0, 2, 1, 3)
    scale = 1.0 / jnp.sqrt(jnp.float32(dh))
    attn = jax.nn.softmax(jnp.einsum('bhqd,bhkd->bhqk', q2, k2) * scale, axis=-1)
    ctx = jnp.einsum('bhqk,bhkd->bhqd', attn, v2)          # [B, H, 1, dh]
    ctx = ctx.transpose(0, 2, 1, 3).reshape(B, 1, D)
    prior = ctx @ Wo.T + bo                                # [B, 1, D]
    feat1 = (Qe @ W1.T + b1)[:, 0, :]                      # [B, 2*OUT1]
    feat2 = (prior @ W2.T + b2)[:, 0, :]                   # [B, 2*OUT2]
    feat = jnp.concatenate([feat1, feat2], axis=1)         # [B, 4D]
    feat = jax.nn.gelu(feat, approximate=False)
    feat = feat @ W3.T + b3                                # [B, 2D]
    return feat, Q


def reference(x, mem_keys, mem_vals, W_img, b_img, Wq, bq, Wk, bk, Wv, bv,
              W_in, b_in, Wo, bo, W1, b1, W2, b2, W3, b3):
    return _forward(x, mem_keys, mem_vals, W_img, b_img, Wq, bq, Wk, bk, Wv, bv,
                    W_in, b_in, Wo, bo, W1, b1, W2, b2, W3, b3)

if __name__ == "__main__":
    import jax
    _d = setup_inputs()
    print(jax.jit(kernel)(*tuple(_d.values())))

</pallas_src>

<mosaic_0001>
#map = affine_map<(d0, d1) -> (0, 0)>
#map1 = affine_map<(d0, d1) -> (0)>
module attributes {stable_mosaic.version = 14 : i64} {
  func.func @k(%arg0: i32, %arg1: i32, %arg2: memref<100000x512xf32, #tpu.memory_space<hbm>>, %arg3: memref<100000x512xf32, #tpu.memory_space<hbm>>, %arg4: memref<16384xi32, #tpu.memory_space<hbm>>, %arg5: memref<16384x512xf32, #tpu.memory_space<hbm>>, %arg6: memref<16384x512xf32, #tpu.memory_space<hbm>>, %arg7: memref<512xi32, #tpu.memory_space<vmem>>, %arg8: memref<64x512xf32, #tpu.memory_space<vmem>>, %arg9: memref<64x512xf32, #tpu.memory_space<vmem>>, %arg10: memref<!tpu.dma_semaphore, #tpu.memory_space<semaphore_mem>>, %arg11: memref<!tpu.dma_semaphore, #tpu.memory_space<semaphore_mem>>) attributes {dimension_semantics = [#tpu.dimension_semantics<core_parallel>, #tpu.dimension_semantics<subcore_parallel>], iteration_bounds = array<i64: 2, 16>, scalar_prefetch = 0 : i64, scratch_operands = 5 : i64, tpu.core_type = #tpu.core_type<sc_vector_subcore>, window_params = [{transform_indices = #map}, {transform_indices = #map}, {transform_indices = #map1}, {transform_indices = #map}, {transform_indices = #map}]} {
    %mul3A = arith.constant 2 : i32
    %mul3A_0 = arith.muli %arg1, %mul3A : i32
    %add3A = arith.addi %mul3A_0, %arg0 : i32
    %mul3A_1 = arith.constant 512 : i32
    %mul3A_2 = arith.muli %add3A, %mul3A_1 : i32
    "tpu.region"() ({
      %run_scoped3A = tpu.sem_alloc : memref<!tpu.dma_semaphore, #tpu.memory_space<semaphore_mem>>
      %dma_start3A_193 = tpu.memref_slice %arg4[%mul3A_2] : memref<16384xi32, #tpu.memory_space<hbm>> -> memref<512xi32, #tpu.memory_space<hbm>>
      %dma_start3A_194 = tpu.memref_slice %arg4[%mul3A_2] : memref<16384xi32, #tpu.memory_space<hbm>> -> memref<512xi32, #tpu.memory_space<hbm>>
      tpu.enqueue_dma source(%dma_start3A_194 : memref<512xi32, #tpu.memory_space<hbm>>) target(%arg7 : memref<512xi32, #tpu.memory_space<vmem>>) target_semaphore(%run_scoped3A : memref<!tpu.dma_semaphore, #tpu.memory_space<semaphore_mem>>)
      %dma_wait3A_195 = tpu.memref_slice %arg4[%mul3A_2] : memref<16384xi32, #tpu.memory_space<hbm>> -> memref<512xi32, #tpu.memory_space<hbm>>
      %dma_wait3A_196 = tpu.memref_slice %arg4[%mul3A_2] : memref<16384xi32, #tpu.memory_space<hbm>> -> memref<512xi32, #tpu.memory_space<hbm>>
      tpu.wait_dma2 semaphore(%run_scoped3A : memref<!tpu.dma_semaphore, #tpu.memory_space<semaphore_mem>>) src(%dma_wait3A_196 : memref<512xi32, #tpu.memory_space<hbm>>) dst(%arg7 : memref<512xi32, #tpu.memory_space<vmem>>)
      tpu.yield
    }) : () -> ()
    %dma_start3A = arith.constant 0 : i32
    %dma_start3A_3 = tpu.memref_slice %arg7[%dma_start3A] : memref<512xi32, #tpu.memory_space<vmem>> -> memref<64xi32, #tpu.memory_space<vmem>>
    %dma_start3A_4 = arith.constant 0 : i32
    %dma_start3A_5 = arith.constant 0 : i32
    %dma_start3A_6 = tpu.memref_slice %arg2[%dma_start3A_4, %dma_start3A_5] : memref<100000x512xf32, #tpu.memory_space<hbm>> -> memref<100000x512xf32, #tpu.memory_space<hbm>>
    tpu.enqueue_indirect_dma source(%dma_start3A_6 : memref<100000x512xf32, #tpu.memory_space<hbm>>) target(%arg8 : memref<64x512xf32, #tpu.memory_space<vmem>>) offsets(%dma_start3A_3 : memref<64xi32, #tpu.memory_space<vmem>>) semaphore(%arg10 : memref<!tpu.dma_semaphore, #tpu.memory_space<semaphore_mem>>)
    %dma_start3A_7 = arith.constant 0 : i32
    %dma_start3A_8 = tpu.memref_slice %arg7[%dma_start3A_7] : memref<512xi32, #tpu.memory_space<vmem>> -> memref<64xi32, #tpu.memory_space<vmem>>
    %dma_start3A_9 = arith.constant 0 : i32
    %dma_start3A_10 = arith.constant 0 : i32
    %dma_start3A_11 = tpu.memref_slice %arg3[%dma_start3A_9, %dma_start3A_10] : memref<100000x512xf32, #tpu.memory_space<hbm>> -> memref<100000x512xf32, #tpu.memory_space<hbm>>
    tpu.enqueue_indirect_dma source(%dma_start3A_11 : memref<100000x512xf32, #tpu.memory_space<hbm>>) target(%arg9 : memref<64x512xf32, #tpu.memory_space<vmem>>) offsets(%dma_start3A_8 : memref<64xi32, #tpu.memory_space<vmem>>) semaphore(%arg11 : memref<!tpu.dma_semaphore, #tpu.memory_space<semaphore_mem>>)
    %dma_wait3A = arith.constant 0 : i32
    %dma_wait3A_12 = tpu.memref_slice %arg7[%dma_wait3A] : memref<512xi32, #tpu.memory_space<vmem>> -> memref<64xi32, #tpu.memory_space<vmem>>
    %dma_wait3A_13 = arith.constant 0 : i32
    %dma_wait3A_14 = arith.constant 0 : i32
    %dma_wait3A_15 = tpu.memref_slice %arg2[%dma_wait3A_13, %dma_wait3A_14] : memref<100000x512xf32, #tpu.memory_space<hbm>> -> memref<100000x512xf32, #tpu.memory_space<hbm>>
    tpu.wait_indirect_dma semaphore(%arg10 : memref<!tpu.dma_semaphore, #tpu.memory_space<semaphore_mem>>) src(%dma_wait3A_15 : memref<100000x512xf32, #tpu.memory_space<hbm>>) dst(%arg8 : memref<64x512xf32, #tpu.memory_space<vmem>>)
    %add3A_16 = arith.constant 0 : i32
    %add3A_17 = arith.addi %mul3A_2, %add3A_16 : i32
    "tpu.region"() ({
      %run_scoped3A = tpu.sem_alloc : memref<!tpu.dma_semaphore, #tpu.memory_space<semaphore_mem>>
      %dma_start3A_193 = arith.constant 0 : i32
      %dma_start3A_194 = tpu.memref_slice %arg5[%add3A_17, %dma_start3A_193] : memref<16384x512xf32, #tpu.memory_space<hbm>> -> memref<64x512xf32, #tpu.memory_space<hbm>>
      %dma_start3A_195 = arith.constant 0 : i32
      %dma_start3A_196 = tpu.memref_slice %arg5[%add3A_17, %dma_start3A_195] : memref<16384x512xf32, #tpu.memory_space<hbm>> -> memref<64x512xf32, #tpu.memory_space<hbm>>
      tpu.enqueue_dma source(%arg8 : memref<64x512xf32, #tpu.memory_space<vmem>>) target(%dma_start3A_196 : memref<64x512xf32, #tpu.memory_space<hbm>>) target_semaphore(%run_scoped3A : memref<!tpu.dma_semaphore, #tpu.memory_space<semaphore_mem>>)
      %dma_wait3A_197 = arith.constant 0 : i32
      %dma_wait3A_198 = tpu.memref_slice %arg5[%add3A_17, %dma_wait3A_197] : memref<16384x512xf32, #tpu.memory_space<hbm>> -> memref<64x512xf32, #tpu.memory_space<hbm>>
      %dma_wait3A_199 = arith.constant 0 : i32
      %dma_wait3A_200 = tpu.memref_slice %arg5[%add3A_17, %dma_wait3A_199] : memref<16384x512xf32, #tpu.memory_space<hbm>> -> memref<64x512xf32, #tpu.memory_space<hbm>>
      tpu.wait_dma2 semaphore(%run_scoped3A : memref<!tpu.dma_semaphore, #tpu.memory_space<semaphore_mem>>) src(%arg8 : memref<64x512xf32, #tpu.memory_space<vmem>>) dst(%dma_wait3A_200 : memref<64x512xf32, #tpu.memory_space<hbm>>)
      tpu.yield
    }) : () -> ()
    %dma_wait3A_18 = arith.constant 0 : i32
    %dma_wait3A_19 = tpu.memref_slice %arg7[%dma_wait3A_18] : memref<512xi32, #tpu.memory_space<vmem>> -> memref<64xi32, #tpu.memory_space<vmem>>
    %dma_wait3A_20 = arith.constant 0 : i32
    %dma_wait3A_21 = arith.constant 0 : i32
    %dma_wait3A_22 = tpu.memref_slice %arg3[%dma_wait3A_20, %dma_wait3A_21] : memref<100000x512xf32, #tpu.memory_space<hbm>> -> memref<100000x512xf32, #tpu.memory_space<hbm>>
    tpu.wait_indirect_dma semaphore(%arg11 : memref<!tpu.dma_semaphore, #tpu.memory_space<semaphore_mem>>) src(%dma_wait3A_22 : memref<100000x512xf32, #tpu.memory_space<hbm>>) dst(%arg9 : memref<64x512xf32, #tpu.memory_space<vmem>>)
    %add3A_23 = arith.constant 0 : i32
    %add3A_24 = arith.addi %mul3A_2, %add3A_23 : i32
    "tpu.region"() ({
      %run_scoped3A = tpu.sem_alloc : memref<!tpu.dma_semaphore, #tpu.memory_space<semaphore_mem>>
      %dma_start3A_193 = arith.constant 0 : i32
      %dma_start3A_194 = tpu.memref_slice %arg6[%add3A_24, %dma_start3A_193] : memref<16384x512xf32, #tpu.memory_space<hbm>> -> memref<64x512xf32, #tpu.memory_space<hbm>>
      %dma_start3A_195 = arith.constant 0 : i32
      %dma_start3A_196 = tpu.memref_slice %arg6[%add3A_24, %dma_start3A_195] : memref<16384x512xf32, #tpu.memory_space<hbm>> -> memref<64x512xf32, #tpu.memory_space<hbm>>
      tpu.enqueue_dma source(%arg9 : memref<64x512xf32, #tpu.memory_space<vmem>>) target(%dma_start3A_196 : memref<64x512xf32, #tpu.memory_space<hbm>>) target_semaphore(%run_scoped3A : memref<!tpu.dma_semaphore, #tpu.memory_space<semaphore_mem>>)
      %dma_wait3A_197 = arith.constant 0 : i32
      %dma_wait3A_198 = tpu.memref_slice %arg6[%add3A_24, %dma_wait3A_197] : memref<16384x512xf32, #tpu.memory_space<hbm>> -> memref<64x512xf32, #tpu.memory_space<hbm>>
      %dma_wait3A_199 = arith.constant 0 : i32
      %dma_wait3A_200 = tpu.memref_slice %arg6[%add3A_24, %dma_wait3A_199] : memref<16384x512xf32, #tpu.memory_space<hbm>> -> memref<64x512xf32, #tpu.memory_space<hbm>>
      tpu.wait_dma2 semaphore(%run_scoped3A : memref<!tpu.dma_semaphore, #tpu.memory_space<semaphore_mem>>) src(%arg9 : memref<64x512xf32, #tpu.memory_space<vmem>>) dst(%dma_wait3A_200 : memref<64x512xf32, #tpu.memory_space<hbm>>)
      tpu.yield
    }) : () -> ()
    %dma_start3A_25 = arith.constant 64 : i32
    %dma_start3A_26 = tpu.memref_slice %arg7[%dma_start3A_25] : memref<512xi32, #tpu.memory_space<vmem>> -> memref<64xi32, #tpu.memory_space<vmem>>
    %dma_start3A_27 = arith.constant 0 : i32
    %dma_start3A_28 = arith.constant 0 : i32
    %dma_start3A_29 = tpu.memref_slice %arg2[%dma_start3A_27, %dma_start3A_28] : memref<100000x512xf32, #tpu.memory_space<hbm>> -> memref<100000x512xf32, #tpu.memory_space<hbm>>
    tpu.enqueue_indirect_dma source(%dma_start3A_29 : memref<100000x512xf32, #tpu.memory_space<hbm>>) target(%arg8 : memref<64x512xf32, #tpu.memory_space<vmem>>) offsets(%dma_start3A_26 : memref<64xi32, #tpu.memory_space<vmem>>) semaphore(%arg10 : memref<!tpu.dma_semaphore, #tpu.memory_space<semaphore_mem>>)
    %dma_start3A_30 = arith.constant 64 : i32
    %dma_start3A_31 = tpu.memref_slice %arg7[%dma_start3A_30] : memref<512xi32, #tpu.memory_space<vmem>> -> memref<64xi32, #tpu.memory_space<vmem>>
    %dma_start3A_32 = arith.constant 0 : i32
    %dma_start3A_33 = arith.constant 0 : i32
    %dma_start3A_34 = tpu.memref_slice %arg3[%dma_start3A_32, %dma_start3A_33] : memref<100000x512xf32, #tpu.memory_space<hbm>> -> memref<100000x512xf32, #tpu.memory_space<hbm>>
    tpu.enqueue_indirect_dma source(%dma_start3A_34 : memref<100000x512xf32, #tpu.memory_space<hbm>>) target(%arg9 : memref<64x512xf32, #tpu.memory_space<vmem>>) offsets(%dma_start3A_31 : memref<64xi32, #tpu.memory_space<vmem>>) semaphore(%arg11 : memref<!tpu.dma_semaphore, #tpu.memory_space<semaphore_mem>>)
    %dma_wait3A_35 = arith.constant 64 : i32
    %dma_wait3A_36 = tpu.memref_slice %arg7[%dma_wait3A_35] : memref<512xi32, #tpu.memory_space<vmem>> -> memref<64xi32, #tpu.memory_space<vmem>>
    %dma_wait3A_37 = arith.constant 0 : i32
    %dma_wait3A_38 = arith.constant 0 : i32
    %dma_wait3A_39 = tpu.memref_slice %arg2[%dma_wait3A_37, %dma_wait3A_38] : memref<100000x512xf32, #tpu.memory_space<hbm>> -> memref<100000x512xf32, #tpu.memory_space<hbm>>
    tpu.wait_indirect_dma semaphore(%arg10 : memref<!tpu.dma_semaphore, #tpu.memory_space<semaphore_mem>>) src(%dma_wait3A_39 : memref<100000x512xf32, #tpu.memory_space<hbm>>) dst(%arg8 : memref<64x512xf32, #tpu.memory_space<vmem>>)
    %add3A_40 = arith.constant 64 : i32
    %add3A_41 = arith.addi %mul3A_2, %add3A_40 : i32
    "tpu.region"() ({
      %run_scoped3A = tpu.sem_alloc : memref<!tpu.dma_semaphore, #tpu.memory_space<semaphore_mem>>
      %dma_start3A_193 = arith.constant 0 : i32
      %dma_start3A_194 = tpu.memref_slice %arg5[%add3A_41, %dma_start3A_193] : memref<16384x512xf32, #tpu.memory_space<hbm>> -> memref<64x512xf32, #tpu.memory_space<hbm>>
      %dma_start3A_195 = arith.constant 0 : i32
      %dma_start3A_196 = tpu.memref_slice %arg5[%add3A_41, %dma_start3A_195] : memref<16384x512xf32, #tpu.memory_space<hbm>> -> memref<64x512xf32, #tpu.memory_space<hbm>>
      tpu.enqueue_dma source(%arg8 : memref<64x512xf32, #tpu.memory_space<vmem>>) target(%dma_start3A_196 : memref<64x512xf32, #tpu.memory_space<hbm>>) target_semaphore(%run_scoped3A : memref<!tpu.dma_semaphore, #tpu.memory_space<semaphore_mem>>)
      %dma_wait3A_197 = arith.constant 0 : i32
      %dma_wait3A_198 = tpu.memref_slice %arg5[%add3A_41, %dma_wait3A_197] : memref<16384x512xf32, #tpu.memory_space<hbm>> -> memref<64x512xf32, #tpu.memory_space<hbm>>
      %dma_wait3A_199 = arith.constant 0 : i32
      %dma_wait3A_200 = tpu.memref_slice %arg5[%add3A_41, %dma_wait3A_199] : memref<16384x512xf32, #tpu.memory_space<hbm>> -> memref<64x512xf32, #tpu.memory_space<hbm>>
      tpu.wait_dma2 semaphore(%run_scoped3A : memref<!tpu.dma_semaphore, #tpu.memory_space<semaphore_mem>>) src(%arg8 : memref<64x512xf32, #tpu.memory_space<vmem>>) dst(%dma_wait3A_200 : memref<64x512xf32, #tpu.memory_space<hbm>>)
      tpu.yield
    }) : () -> ()
    %dma_wait3A_42 = arith.constant 64 : i32
    %dma_wait3A_43 = tpu.memref_slice %arg7[%dma_wait3A_42] : memref<512xi32, #tpu.memory_space<vmem>> -> memref<64xi32, #tpu.memory_space<vmem>>
    %dma_wait3A_44 = arith.constant 0 : i32
    %dma_wait3A_45 = arith.constant 0 : i32
    %dma_wait3A_46 = tpu.memref_slice %arg3[%dma_wait3A_44, %dma_wait3A_45] : memref<100000x512xf32, #tpu.memory_space<hbm>> -> memref<100000x512xf32, #tpu.memory_space<hbm>>
    tpu.wait_indirect_dma semaphore(%arg11 : memref<!tpu.dma_semaphore, #tpu.memory_space<semaphore_mem>>) src(%dma_wait3A_46 : memref<100000x512xf32, #tpu.memory_space<hbm>>) dst(%arg9 : memref<64x512xf32, #tpu.memory_space<vmem>>)
    %add3A_47 = arith.constant 64 : i32
    %add3A_48 = arith.addi %mul3A_2, %add3A_47 : i32
    "tpu.region"() ({
      %run_scoped3A = tpu.sem_alloc : memref<!tpu.dma_semaphore, #tpu.memory_space<semaphore_mem>>
      %dma_start3A_193 = arith.constant 0 : i32
      %dma_start3A_194 = tpu.memref_slice %arg6[%add3A_48, %dma_start3A_193] : memref<16384x512xf32, #tpu.memory_space<hbm>> -> memref<64x512xf32, #tpu.memory_space<hbm>>
      %dma_start3A_195 = arith.constant 0 : i32
      %dma_start3A_196 = tpu.memref_slice %arg6[%add3A_48, %dma_start3A_195] : memref<16384x512xf32, #tpu.memory_space<hbm>> -> memref<64x512xf32, #tpu.memory_space<hbm>>
      tpu.enqueue_dma source(%arg9 : memref<64x512xf32, #tpu.memory_space<vmem>>) target(%dma_start3A_196 : memref<64x512xf32, #tpu.memory_space<hbm>>) target_semaphore(%run_scoped3A : memref<!tpu.dma_semaphore, #tpu.memory_space<semaphore_mem>>)
      %dma_wait3A_197 = arith.constant 0 : i32
      %dma_wait3A_198 = tpu.memref_slice %arg6[%add3A_48, %dma_wait3A_197] : memref<16384x512xf32, #tpu.memory_space<hbm>> -> memref<64x512xf32, #tpu.memory_space<hbm>>
      %dma_wait3A_199 = arith.constant 0 : i32
      %dma_wait3A_200 = tpu.memref_slice %arg6[%add3A_48, %dma_wait3A_199] : memref<16384x512xf32, #tpu.memory_space<hbm>> -> memref<64x512xf32, #tpu.memory_space<hbm>>
      tpu.wait_dma2 semaphore(%run_scoped3A : memref<!tpu.dma_semaphore, #tpu.memory_space<semaphore_mem>>) src(%arg9 : memref<64x512xf32, #tpu.memory_space<vmem>>) dst(%dma_wait3A_200 : memref<64x512xf32, #tpu.memory_space<hbm>>)
      tpu.yield
    }) : () -> ()
    %dma_start3A_49 = arith.constant 128 : i32
    %dma_start3A_50 = tpu.memref_slice %arg7[%dma_start3A_49] : memref<512xi32, #tpu.memory_space<vmem>> -> memref<64xi32, #tpu.memory_space<vmem>>
    %dma_start3A_51 = arith.constant 0 : i32
    %dma_start3A_52 = arith.constant 0 : i32
    %dma_start3A_53 = tpu.memref_slice %arg2[%dma_start3A_51, %dma_start3A_52] : memref<100000x512xf32, #tpu.memory_space<hbm>> -> memref<100000x512xf32, #tpu.memory_space<hbm>>
    tpu.enqueue_indirect_dma source(%dma_start3A_53 : memref<100000x512xf32, #tpu.memory_space<hbm>>) target(%arg8 : memref<64x512xf32, #tpu.memory_space<vmem>>) offsets(%dma_start3A_50 : memref<64xi32, #tpu.memory_space<vmem>>) semaphore(%arg10 : memref<!tpu.dma_semaphore, #tpu.memory_space<semaphore_mem>>)
    %dma_start3A_54 = arith.constant 128 : i32
    %dma_start3A_55 = tpu.memref_slice %arg7[%dma_start3A_54] : memref<512xi32, #tpu.memory_space<vmem>> -> memref<64xi32, #tpu.memory_space<vmem>>
    %dma_start3A_56 = arith.constant 0 : i32
    %dma_start3A_57 = arith.constant 0 : i32
    %dma_start3A_58 = tpu.memref_slice %arg3[%dma_start3A_56, %dma_start3A_57] : memref<100000x512xf32, #tpu.memory_space<hbm>> -> memref<100000x512xf32, #tpu.memory_space<hbm>>
    tpu.enqueue_indirect_dma source(%dma_start3A_58 : memref<100000x512xf32, #tpu.memory_space<hbm>>) target(%arg9 : memref<64x512xf32, #tpu.memory_space<vmem>>) offsets(%dma_start3A_55 : memref<64xi32, #tpu.memory_space<vmem>>) semaphore(%arg11 : memref<!tpu.dma_semaphore, #tpu.memory_space<semaphore_mem>>)
    %dma_wait3A_59 = arith.constant 128 : i32
    %dma_wait3A_60 = tpu.memref_slice %arg7[%dma_wait3A_59] : memref<512xi32, #tpu.memory_space<vmem>> -> memref<64xi32, #tpu.memory_space<vmem>>
    %dma_wait3A_61 = arith.constant 0 : i32
    %dma_wait3A_62 = arith.constant 0 : i32
    %dma_wait3A_63 = tpu.memref_slice %arg2[%dma_wait3A_61, %dma_wait3A_62] : memref<100000x512xf32, #tpu.memory_space<hbm>> -> memref<100000x512xf32, #tpu.memory_space<hbm>>
    tpu.wait_indirect_dma semaphore(%arg10 : memref<!tpu.dma_semaphore, #tpu.memory_space<semaphore_mem>>) src(%dma_wait3A_63 : memref<100000x512xf32, #tpu.memory_space<hbm>>) dst(%arg8 : memref<64x512xf32, #tpu.memory_space<vmem>>)
    %add3A_64 = arith.constant 128 : i32
    %add3A_65 = arith.addi %mul3A_2, %add3A_64 : i32
    "tpu.region"() ({
      %run_scoped3A = tpu.sem_alloc : memref<!tpu.dma_semaphore, #tpu.memory_space<semaphore_mem>>
      %dma_start3A_193 = arith.constant 0 : i32
      %dma_start3A_194 = tpu.memref_slice %arg5[%add3A_65, %dma_start3A_193] : memref<16384x512xf32, #tpu.memory_space<hbm>> -> memref<64x512xf32, #tpu.memory_space<hbm>>
      %dma_start3A_195 = arith.constant 0 : i32
      %dma_start3A_196 = tpu.memref_slice %arg5[%add3A_65, %dma_start3A_195] : memref<16384x512xf32, #tpu.memory_space<hbm>> -> memref<64x512xf32, #tpu.memory_space<hbm>>
      tpu.enqueue_dma source(%arg8 : memref<64x512xf32, #tpu.memory_space<vmem>>) target(%dma_start3A_196 : memref<64x512xf32, #tpu.memory_space<hbm>>) target_semaphore(%run_scoped3A : memref<!tpu.dma_semaphore, #tpu.memory_space<semaphore_mem>>)
      %dma_wait3A_197 = arith.constant 0 : i32
      %dma_wait3A_198 = tpu.memref_slice %arg5[%add3A_65, %dma_wait3A_197] : memref<16384x512xf32, #tpu.memory_space<hbm>> -> memref<64x512xf32, #tpu.memory_space<hbm>>
      %dma_wait3A_199 = arith.constant 0 : i32
      %dma_wait3A_200 = tpu.memref_slice %arg5[%add3A_65, %dma_wait3A_199] : memref<16384x512xf32, #tpu.memory_space<hbm>> -> memref<64x512xf32, #tpu.memory_space<hbm>>
      tpu.wait_dma2 semaphore(%run_scoped3A : memref<!tpu.dma_semaphore, #tpu.memory_space<semaphore_mem>>) src(%arg8 : memref<64x512xf32, #tpu.memory_space<vmem>>) dst(%dma_wait3A_200 : memref<64x512xf32, #tpu.memory_space<hbm>>)
      tpu.yield
    }) : () -> ()
    %dma_wait3A_66 = arith.constant 128 : i32
    %dma_wait3A_67 = tpu.memref_slice %arg7[%dma_wait3A_66] : memref<512xi32, #tpu.memory_space<vmem>> -> memref<64xi32, #tpu.memory_space<vmem>>
    %dma_wait3A_68 = arith.constant 0 : i32
    %dma_wait3A_69 = arith.constant 0 : i32
    %dma_wait3A_70 = tpu.memref_slice %arg3[%dma_wait3A_68, %dma_wait3A_69] : memref<100000x512xf32, #tpu.memory_space<hbm>> -> memref<100000x512xf32, #tpu.memory_space<hbm>>
    tpu.wait_indirect_dma semaphore(%arg11 : memref<!tpu.dma_semaphore, #tpu.memory_space<semaphore_mem>>) src(%dma_wait3A_70 : memref<100000x512xf32, #tpu.memory_space<hbm>>) dst(%arg9 : memref<64x512xf32, #tpu.memory_space<vmem>>)
    %add3A_71 = arith.constant 128 : i32
    %add3A_72 = arith.addi %mul3A_2, %add3A_71 : i32
    "tpu.region"() ({
      %run_scoped3A = tpu.sem_alloc : memref<!tpu.dma_semaphore, #tpu.memory_space<semaphore_mem>>
      %dma_start3A_193 = arith.constant 0 : i32
      %dma_start3A_194 = tpu.memref_slice %arg6[%add3A_72, %dma_start3A_193] : memref<16384x512xf32, #tpu.memory_space<hbm>> -> memref<64x512xf32, #tpu.memory_space<hbm>>
      %dma_start3A_195 = arith.constant 0 : i32
      %dma_start3A_196 = tpu.memref_slice %arg6[%add3A_72, %dma_start3A_195] : memref<16384x512xf32, #tpu.memory_space<hbm>> -> memref<64x512xf32, #tpu.memory_space<hbm>>
      tpu.enqueue_dma source(%arg9 : memref<64x512xf32, #tpu.memory_space<vmem>>) target(%dma_start3A_196 : memref<64x512xf32, #tpu.memory_space<hbm>>) target_semaphore(%run_scoped3A : memref<!tpu.dma_semaphore, #tpu.memory_space<semaphore_mem>>)
      %dma_wait3A_197 = arith.constant 0 : i32
      %dma_wait3A_198 = tpu.memref_slice %arg6[%add3A_72, %dma_wait3A_197] : memref<16384x512xf32, #tpu.memory_space<hbm>> -> memref<64x512xf32, #tpu.memory_space<hbm>>
      %dma_wait3A_199 = arith.constant 0 : i32
      %dma_wait3A_200 = tpu.memref_slice %arg6[%add3A_72, %dma_wait3A_199] : memref<16384x512xf32, #tpu.memory_space<hbm>> -> memref<64x512xf32, #tpu.memory_space<hbm>>
      tpu.wait_dma2 semaphore(%run_scoped3A : memref<!tpu.dma_semaphore, #tpu.memory_space<semaphore_mem>>) src(%arg9 : memref<64x512xf32, #tpu.memory_space<vmem>>) dst(%dma_wait3A_200 : memref<64x512xf32, #tpu.memory_space<hbm>>)
      tpu.yield
    }) : () -> ()
    %dma_start3A_73 = arith.constant 192 : i32
    %dma_start3A_74 = tpu.memref_slice %arg7[%dma_start3A_73] : memref<512xi32, #tpu.memory_space<vmem>> -> memref<64xi32, #tpu.memory_space<vmem>>
    %dma_start3A_75 = arith.constant 0 : i32
    %dma_start3A_76 = arith.constant 0 : i32
    %dma_start3A_77 = tpu.memref_slice %arg2[%dma_start3A_75, %dma_start3A_76] : memref<100000x512xf32, #tpu.memory_space<hbm>> -> memref<100000x512xf32, #tpu.memory_space<hbm>>
    tpu.enqueue_indirect_dma source(%dma_start3A_77 : memref<100000x512xf32, #tpu.memory_space<hbm>>) target(%arg8 : memref<64x512xf32, #tpu.memory_space<vmem>>) offsets(%dma_start3A_74 : memref<64xi32, #tpu.memory_space<vmem>>) semaphore(%arg10 : memref<!tpu.dma_semaphore, #tpu.memory_space<semaphore_mem>>)
    %dma_start3A_78 = arith.constant 192 : i32
    %dma_start3A_79 = tpu.memref_slice %arg7[%dma_start3A_78] : memref<512xi32, #tpu.memory_space<vmem>> -> memref<64xi32, #tpu.memory_space<vmem>>
    %dma_start3A_80 = arith.constant 0 : i32
    %dma_start3A_81 = arith.constant 0 : i32
    %dma_start3A_82 = tpu.memref_slice %arg3[%dma_start3A_80, %dma_start3A_81] : memref<100000x512xf32, #tpu.memory_space<hbm>> -> memref<100000x512xf32, #tpu.memory_space<hbm>>
    tpu.enqueue_indirect_dma source(%dma_start3A_82 : memref<100000x512xf32, #tpu.memory_space<hbm>>) target(%arg9 : memref<64x512xf32, #tpu.memory_space<vmem>>) offsets(%dma_start3A_79 : memref<64xi32, #tpu.memory_space<vmem>>) semaphore(%arg11 : memref<!tpu.dma_semaphore, #tpu.memory_space<semaphore_mem>>)
    %dma_wait3A_83 = arith.constant 192 : i32
    %dma_wait3A_84 = tpu.memref_slice %arg7[%dma_wait3A_83] : memref<512xi32, #tpu.memory_space<vmem>> -> memref<64xi32, #tpu.memory_space<vmem>>
    %dma_wait3A_85 = arith.constant 0 : i32
    %dma_wait3A_86 = arith.constant 0 : i32
    %dma_wait3A_87 = tpu.memref_slice %arg2[%dma_wait3A_85, %dma_wait3A_86] : memref<100000x512xf32, #tpu.memory_space<hbm>> -> memref<100000x512xf32, #tpu.memory_space<hbm>>
    tpu.wait_indirect_dma semaphore(%arg10 : memref<!tpu.dma_semaphore, #tpu.memory_space<semaphore_mem>>) src(%dma_wait3A_87 : memref<100000x512xf32, #tpu.memory_space<hbm>>) dst(%arg8 : memref<64x512xf32, #tpu.memory_space<vmem>>)
    %add3A_88 = arith.constant 192 : i32
    %add3A_89 = arith.addi %mul3A_2, %add3A_88 : i32
    "tpu.region"() ({
      %run_scoped3A = tpu.sem_alloc : memref<!tpu.dma_semaphore, #tpu.memory_space<semaphore_mem>>
      %dma_start3A_193 = arith.constant 0 : i32
      %dma_start3A_194 = tpu.memref_slice %arg5[%add3A_89, %dma_start3A_193] : memref<16384x512xf32, #tpu.memory_space<hbm>> -> memref<64x512xf32, #tpu.memory_space<hbm>>
      %dma_start3A_195 = arith.constant 0 : i32
      %dma_start3A_196 = tpu.memref_slice %arg5[%add3A_89, %dma_start3A_195] : memref<16384x512xf32, #tpu.memory_space<hbm>> -> memref<64x512xf32, #tpu.memory_space<hbm>>
      tpu.enqueue_dma source(%arg8 : memref<64x512xf32, #tpu.memory_space<vmem>>) target(%dma_start3A_196 : memref<64x512xf32, #tpu.memory_space<hbm>>) target_semaphore(%run_scoped3A : memref<!tpu.dma_semaphore, #tpu.memory_space<semaphore_mem>>)
      %dma_wait3A_197 = arith.constant 0 : i32
      %dma_wait3A_198 = tpu.memref_slice %arg5[%add3A_89, %dma_wait3A_197] : memref<16384x512xf32, #tpu.memory_space<hbm>> -> memref<64x512xf32, #tpu.memory_space<hbm>>
      %dma_wait3A_199 = arith.constant 0 : i32
      %dma_wait3A_200 = tpu.memref_slice %arg5[%add3A_89, %dma_wait3A_199] : memref<16384x512xf32, #tpu.memory_space<hbm>> -> memref<64x512xf32, #tpu.memory_space<hbm>>
      tpu.wait_dma2 semaphore(%run_scoped3A : memref<!tpu.dma_semaphore, #tpu.memory_space<semaphore_mem>>) src(%arg8 : memref<64x512xf32, #tpu.memory_space<vmem>>) dst(%dma_wait3A_200 : memref<64x512xf32, #tpu.memory_space<hbm>>)
      tpu.yield
    }) : () -> ()
    %dma_wait3A_90 = arith.constant 192 : i32
    %dma_wait3A_91 = tpu.memref_slice %arg7[%dma_wait3A_90] : memref<512xi32, #tpu.memory_space<vmem>> -> memref<64xi32, #tpu.memory_space<vmem>>
    %dma_wait3A_92 = arith.constant 0 : i32
    %dma_wait3A_93 = arith.constant 0 : i32
    %dma_wait3A_94 = tpu.memref_slice %arg3[%dma_wait3A_92, %dma_wait3A_93] : memref<100000x512xf32, #tpu.memory_space<hbm>> -> memref<100000x512xf32, #tpu.memory_space<hbm>>
    tpu.wait_indirect_dma semaphore(%arg11 : memref<!tpu.dma_semaphore, #tpu.memory_space<semaphore_mem>>) src(%dma_wait3A_94 : memref<100000x512xf32, #tpu.memory_space<hbm>>) dst(%arg9 : memref<64x512xf32, #tpu.memory_space<vmem>>)
    %add3A_95 = arith.constant 192 : i32
    %add3A_96 = arith.addi %mul3A_2, %add3A_95 : i32
    "tpu.region"() ({
      %run_scoped3A = tpu.sem_alloc : memref<!tpu.dma_semaphore, #tpu.memory_space<semaphore_mem>>
      %dma_start3A_193 = arith.constant 0 : i32
      %dma_start3A_194 = tpu.memref_slice %arg6[%add3A_96, %dma_start3A_193] : memref<16384x512xf32, #tpu.memory_space<hbm>> -> memref<64x512xf32, #tpu.memory_space<hbm>>
      %dma_start3A_195 = arith.constant 0 : i32
      %dma_start3A_196 = tpu.memref_slice %arg6[%add3A_96, %dma_start3A_195] : memref<16384x512xf32, #tpu.memory_space<hbm>> -> memref<64x512xf32, #tpu.memory_space<hbm>>
      tpu.enqueue_dma source(%arg9 : memref<64x512xf32, #tpu.memory_space<vmem>>) target(%dma_start3A_196 : memref<64x512xf32, #tpu.memory_space<hbm>>) target_semaphore(%run_scoped3A : memref<!tpu.dma_semaphore, #tpu.memory_space<semaphore_mem>>)
      %dma_wait3A_197 = arith.constant 0 : i32
      %dma_wait3A_198 = tpu.memref_slice %arg6[%add3A_96, %dma_wait3A_197] : memref<16384x512xf32, #tpu.memory_space<hbm>> -> memref<64x512xf32, #tpu.memory_space<hbm>>
      %dma_wait3A_199 = arith.constant 0 : i32
      %dma_wait3A_200 = tpu.memref_slice %arg6[%add3A_96, %dma_wait3A_199] : memref<16384x512xf32, #tpu.memory_space<hbm>> -> memref<64x512xf32, #tpu.memory_space<hbm>>
      tpu.wait_dma2 semaphore(%run_scoped3A : memref<!tpu.dma_semaphore, #tpu.memory_space<semaphore_mem>>) src(%arg9 : memref<64x512xf32, #tpu.memory_space<vmem>>) dst(%dma_wait3A_200 : memref<64x512xf32, #tpu.memory_space<hbm>>)
      tpu.yield
    }) : () -> ()
    %dma_start3A_97 = arith.constant 256 : i32
    %dma_start3A_98 = tpu.memref_slice %arg7[%dma_start3A_97] : memref<512xi32, #tpu.memory_space<vmem>> -> memref<64xi32, #tpu.memory_space<vmem>>
    %dma_start3A_99 = arith.constant 0 : i32
    %dma_start3A_100 = arith.constant 0 : i32
    %dma_start3A_101 = tpu.memref_slice %arg2[%dma_start3A_99, %dma_start3A_100] : memref<100000x512xf32, #tpu.memory_space<hbm>> -> memref<100000x512xf32, #tpu.memory_space<hbm>>
    tpu.enqueue_indirect_dma source(%dma_start3A_101 : memref<100000x512xf32, #tpu.memory_space<hbm>>) target(%arg8 : memref<64x512xf32, #tpu.memory_space<vmem>>) offsets(%dma_start3A_98 : memref<64xi32, #tpu.memory_space<vmem>>) semaphore(%arg10 : memref<!tpu.dma_semaphore, #tpu.memory_space<semaphore_mem>>)
    %dma_start3A_102 = arith.constant 256 : i32
    %dma_start3A_103 = tpu.memref_slice %arg7[%dma_start3A_102] : memref<512xi32, #tpu.memory_space<vmem>> -> memref<64xi32, #tpu.memory_space<vmem>>
    %dma_start3A_104 = arith.constant 0 : i32
    %dma_start3A_105 = arith.constant 0 : i32
    %dma_start3A_106 = tpu.memref_slice %arg3[%dma_start3A_104, %dma_start3A_105] : memref<100000x512xf32, #tpu.memory_space<hbm>> -> memref<100000x512xf32, #tpu.memory_space<hbm>>
    tpu.enqueue_indirect_dma source(%dma_start3A_106 : memref<100000x512xf32, #tpu.memory_space<hbm>>) target(%arg9 : memref<64x512xf32, #tpu.memory_space<vmem>>) offsets(%dma_start3A_103 : memref<64xi32, #tpu.memory_space<vmem>>) semaphore(%arg11 : memref<!tpu.dma_semaphore, #tpu.memory_space<semaphore_mem>>)
    %dma_wait3A_107 = arith.constant 256 : i32
    %dma_wait3A_108 = tpu.memref_slice %arg7[%dma_wait3A_107] : memref<512xi32, #tpu.memory_space<vmem>> -> memref<64xi32, #tpu.memory_space<vmem>>
    %dma_wait3A_109 = arith.constant 0 : i32
    %dma_wait3A_110 = arith.constant 0 : i32
    %dma_wait3A_111 = tpu.memref_slice %arg2[%dma_wait3A_109, %dma_wait3A_110] : memref<100000x512xf32, #tpu.memory_space<hbm>> -> memref<100000x512xf32, #tpu.memory_space<hbm>>
    tpu.wait_indirect_dma semaphore(%arg10 : memref<!tpu.dma_semaphore, #tpu.memory_space<semaphore_mem>>) src(%dma_wait3A_111 : memref<100000x512xf32, #tpu.memory_space<hbm>>) dst(%arg8 : memref<64x512xf32, #tpu.memory_space<vmem>>)
    %add3A_112 = arith.constant 256 : i32
    %add3A_113 = arith.addi %mul3A_2, %add3A_112 : i32
    "tpu.region"() ({
      %run_scoped3A = tpu.sem_alloc : memref<!tpu.dma_semaphore, #tpu.memory_space<semaphore_mem>>
      %dma_start3A_193 = arith.constant 0 : i32
      %dma_start3A_194 = tpu.memref_slice %arg5[%add3A_113, %dma_start3A_193] : memref<16384x512xf32, #tpu.memory_space<hbm>> -> memref<64x512xf32, #tpu.memory_space<hbm>>
      %dma_start3A_195 = arith.constant 0 : i32
      %dma_start3A_196 = tpu.memref_slice %arg5[%add3A_113, %dma_start3A_195] : memref<16384x512xf32, #tpu.memory_space<hbm>> -> memref<64x512xf32, #tpu.memory_space<hbm>>
      tpu.enqueue_dma source(%arg8 : memref<64x512xf32, #tpu.memory_space<vmem>>) target(%dma_start3A_196 : memref<64x512xf32, #tpu.memory_space<hbm>>) target_semaphore(%run_scoped3A : memref<!tpu.dma_semaphore, #tpu.memory_space<semaphore_mem>>)
      %dma_wait3A_197 = arith.constant 0 : i32
      %dma_wait3A_198 = tpu.memref_slice %arg5[%add3A_113, %dma_wait3A_197] : memref<16384x512xf32, #tpu.memory_space<hbm>> -> memref<64x512xf32, #tpu.memory_space<hbm>>
      %dma_wait3A_199 = arith.constant 0 : i32
      %dma_wait3A_200 = tpu.memref_slice %arg5[%add3A_113, %dma_wait3A_199] : memref<16384x512xf32, #tpu.memory_space<hbm>> -> memref<64x512xf32, #tpu.memory_space<hbm>>
      tpu.wait_dma2 semaphore(%run_scoped3A : memref<!tpu.dma_semaphore, #tpu.memory_space<semaphore_mem>>) src(%arg8 : memref<64x512xf32, #tpu.memory_space<vmem>>) dst(%dma_wait3A_200 : memref<64x512xf32, #tpu.memory_space<hbm>>)
      tpu.yield
    }) : () -> ()
    %dma_wait3A_114 = arith.constant 256 : i32
    %dma_wait3A_115 = tpu.memref_slice %arg7[%dma_wait3A_114] : memref<512xi32, #tpu.memory_space<vmem>> -> memref<64xi32, #tpu.memory_space<vmem>>
    %dma_wait3A_116 = arith.constant 0 : i32
    %dma_wait3A_117 = arith.constant 0 : i32
    %dma_wait3A_118 = tpu.memref_slice %arg3[%dma_wait3A_116, %dma_wait3A_117] : memref<100000x512xf32, #tpu.memory_space<hbm>> -> memref<100000x512xf32, #tpu.memory_space<hbm>>
    tpu.wait_indirect_dma semaphore(%arg11 : memref<!tpu.dma_semaphore, #tpu.memory_space<semaphore_mem>>) src(%dma_wait3A_118 : memref<100000x512xf32, #tpu.memory_space<hbm>>) dst(%arg9 : memref<64x512xf32, #tpu.memory_space<vmem>>)
    %add3A_119 = arith.constant 256 : i32
    %add3A_120 = arith.addi %mul3A_2, %add3A_119 : i32
    "tpu.region"() ({
      %run_scoped3A = tpu.sem_alloc : memref<!tpu.dma_semaphore, #tpu.memory_space<semaphore_mem>>
      %dma_start3A_193 = arith.constant 0 : i32
      %dma_start3A_194 = tpu.memref_slice %arg6[%add3A_120, %dma_start3A_193] : memref<16384x512xf32, #tpu.memory_space<hbm>> -> memref<64x512xf32, #tpu.memory_space<hbm>>
      %dma_start3A_195 = arith.constant 0 : i32
      %dma_start3A_196 = tpu.memref_slice %arg6[%add3A_120, %dma_start3A_195] : memref<16384x512xf32, #tpu.memory_space<hbm>> -> memref<64x512xf32, #tpu.memory_space<hbm>>
      tpu.enqueue_dma source(%arg9 : memref<64x512xf32, #tpu.memory_space<vmem>>) target(%dma_start3A_196 : memref<64x512xf32, #tpu.memory_space<hbm>>) target_semaphore(%run_scoped3A : memref<!tpu.dma_semaphore, #tpu.memory_space<semaphore_mem>>)
      %dma_wait3A_197 = arith.constant 0 : i32
      %dma_wait3A_198 = tpu.memref_slice %arg6[%add3A_120, %dma_wait3A_197] : memref<16384x512xf32, #tpu.memory_space<hbm>> -> memref<64x512xf32, #tpu.memory_space<hbm>>
      %dma_wait3A_199 = arith.constant 0 : i32
      %dma_wait3A_200 = tpu.memref_slice %arg6[%add3A_120, %dma_wait3A_199] : memref<16384x512xf32, #tpu.memory_space<hbm>> -> memref<64x512xf32, #tpu.memory_space<hbm>>
      tpu.wait_dma2 semaphore(%run_scoped3A : memref<!tpu.dma_semaphore, #tpu.memory_space<semaphore_mem>>) src(%arg9 : memref<64x512xf32, #tpu.memory_space<vmem>>) dst(%dma_wait3A_200 : memref<64x512xf32, #tpu.memory_space<hbm>>)
      tpu.yield
    }) : () -> ()
    %dma_start3A_121 = arith.constant 320 : i32
    %dma_start3A_122 = tpu.memref_slice %arg7[%dma_start3A_121] : memref<512xi32, #tpu.memory_space<vmem>> -> memref<64xi32, #tpu.memory_space<vmem>>
    %dma_start3A_123 = arith.constant 0 : i32
    %dma_start3A_124 = arith.constant 0 : i32
    %dma_start3A_125 = tpu.memref_slice %arg2[%dma_start3A_123, %dma_start3A_124] : memref<100000x512xf32, #tpu.memory_space<hbm>> -> memref<100000x512xf32, #tpu.memory_space<hbm>>
    tpu.enqueue_indirect_dma source(%dma_start3A_125 : memref<100000x512xf32, #tpu.memory_space<hbm>>) target(%arg8 : memref<64x512xf32, #tpu.memory_space<vmem>>) offsets(%dma_start3A_122 : memref<64xi32, #tpu.memory_space<vmem>>) semaphore(%arg10 : memref<!tpu.dma_semaphore, #tpu.memory_space<semaphore_mem>>)
    %dma_start3A_126 = arith.constant 320 : i32
    %dma_start3A_127 = tpu.memref_slice %arg7[%dma_start3A_126] : memref<512xi32, #tpu.memory_space<vmem>> -> memref<64xi32, #tpu.memory_space<vmem>>
    %dma_start3A_128 = arith.constant 0 : i32
    %dma_start3A_129 = arith.constant 0 : i32
    %dma_start3A_130 = tpu.memref_slice %arg3[%dma_start3A_128, %dma_start3A_129] : memref<100000x512xf32, #tpu.memory_space<hbm>> -> memref<100000x512xf32, #tpu.memory_space<hbm>>
    tpu.enqueue_indirect_dma source(%dma_start3A_130 : memref<100000x512xf32, #tpu.memory_space<hbm>>) target(%arg9 : memref<64x512xf32, #tpu.memory_space<vmem>>) offsets(%dma_start3A_127 : memref<64xi32, #tpu.memory_space<vmem>>) semaphore(%arg11 : memref<!tpu.dma_semaphore, #tpu.memory_space<semaphore_mem>>)
    %dma_wait3A_131 = arith.constant 320 : i32
    %dma_wait3A_132 = tpu.memref_slice %arg7[%dma_wait3A_131] : memref<512xi32, #tpu.memory_space<vmem>> -> memref<64xi32, #tpu.memory_space<vmem>>
    %dma_wait3A_133 = arith.constant 0 : i32
    %dma_wait3A_134 = arith.constant 0 : i32
    %dma_wait3A_135 = tpu.memref_slice %arg2[%dma_wait3A_133, %dma_wait3A_134] : memref<100000x512xf32, #tpu.memory_space<hbm>> -> memref<100000x512xf32, #tpu.memory_space<hbm>>
    tpu.wait_indirect_dma semaphore(%arg10 : memref<!tpu.dma_semaphore, #tpu.memory_space<semaphore_mem>>) src(%dma_wait3A_135 : memref<100000x512xf32, #tpu.memory_space<hbm>>) dst(%arg8 : memref<64x512xf32, #tpu.memory_space<vmem>>)
    %add3A_136 = arith.constant 320 : i32
    %add3A_137 = arith.addi %mul3A_2, %add3A_136 : i32
    "tpu.region"() ({
      %run_scoped3A = tpu.sem_alloc : memref<!tpu.dma_semaphore, #tpu.memory_space<semaphore_mem>>
      %dma_start3A_193 = arith.constant 0 : i32
      %dma_start3A_194 = tpu.memref_slice %arg5[%add3A_137, %dma_start3A_193] : memref<16384x512xf32, #tpu.memory_space<hbm>> -> memref<64x512xf32, #tpu.memory_space<hbm>>
      %dma_start3A_195 = arith.constant 0 : i32
      %dma_start3A_196 = tpu.memref_slice %arg5[%add3A_137, %dma_start3A_195] : memref<16384x512xf32, #tpu.memory_space<hbm>> -> memref<64x512xf32, #tpu.memory_space<hbm>>
      tpu.enqueue_dma source(%arg8 : memref<64x512xf32, #tpu.memory_space<vmem>>) target(%dma_start3A_196 : memref<64x512xf32, #tpu.memory_space<hbm>>) target_semaphore(%run_scoped3A : memref<!tpu.dma_semaphore, #tpu.memory_space<semaphore_mem>>)
      %dma_wait3A_197 = arith.constant 0 : i32
      %dma_wait3A_198 = tpu.memref_slice %arg5[%add3A_137, %dma_wait3A_197] : memref<16384x512xf32, #tpu.memory_space<hbm>> -> memref<64x512xf32, #tpu.memory_space<hbm>>
      %dma_wait3A_199 = arith.constant 0 : i32
      %dma_wait3A_200 = tpu.memref_slice %arg5[%add3A_137, %dma_wait3A_199] : memref<16384x512xf32, #tpu.memory_space<hbm>> -> memref<64x512xf32, #tpu.memory_space<hbm>>
      tpu.wait_dma2 semaphore(%run_scoped3A : memref<!tpu.dma_semaphore, #tpu.memory_space<semaphore_mem>>) src(%arg8 : memref<64x512xf32, #tpu.memory_space<vmem>>) dst(%dma_wait3A_200 : memref<64x512xf32, #tpu.memory_space<hbm>>)
      tpu.yield
    }) : () -> ()
    %dma_wait3A_138 = arith.constant 320 : i32
    %dma_wait3A_139 = tpu.memref_slice %arg7[%dma_wait3A_138] : memref<512xi32, #tpu.memory_space<vmem>> -> memref<64xi32, #tpu.memory_space<vmem>>
    %dma_wait3A_140 = arith.constant 0 : i32
    %dma_wait3A_141 = arith.constant 0 : i32
    %dma_wait3A_142 = tpu.memref_slice %arg3[%dma_wait3A_140, %dma_wait3A_141] : memref<100000x512xf32, #tpu.memory_space<hbm>> -> memref<100000x512xf32, #tpu.memory_space<hbm>>
    tpu.wait_indirect_dma semaphore(%arg11 : memref<!tpu.dma_semaphore, #tpu.memory_space<semaphore_mem>>) src(%dma_wait3A_142 : memref<100000x512xf32, #tpu.memory_space<hbm>>) dst(%arg9 : memref<64x512xf32, #tpu.memory_space<vmem>>)
    %add3A_143 = arith.constant 320 : i32
    %add3A_144 = arith.addi %mul3A_2, %add3A_143 : i32
    "tpu.region"() ({
      %run_scoped3A = tpu.sem_alloc : memref<!tpu.dma_semaphore, #tpu.memory_space<semaphore_mem>>
      %dma_start3A_193 = arith.constant 0 : i32
      %dma_start3A_194 = tpu.memref_slice %arg6[%add3A_144, %dma_start3A_193] : memref<16384x512xf32, #tpu.memory_space<hbm>> -> memref<64x512xf32, #tpu.memory_space<hbm>>
      %dma_start3A_195 = arith.constant 0 : i32
      %dma_start3A_196 = tpu.memref_slice %arg6[%add3A_144, %dma_start3A_195] : memref<16384x512xf32, #tpu.memory_space<hbm>> -> memref<64x512xf32, #tpu.memory_space<hbm>>
      tpu.enqueue_dma source(%arg9 : memref<64x512xf32, #tpu.memory_space<vmem>>) target(%dma_start3A_196 : memref<64x512xf32, #tpu.memory_space<hbm>>) target_semaphore(%run_scoped3A : memref<!tpu.dma_semaphore, #tpu.memory_space<semaphore_mem>>)
      %dma_wait3A_197 = arith.constant 0 : i32
      %dma_wait3A_198 = tpu.memref_slice %arg6[%add3A_144, %dma_wait3A_197] : memref<16384x512xf32, #tpu.memory_space<hbm>> -> memref<64x512xf32, #tpu.memory_space<hbm>>
      %dma_wait3A_199 = arith.constant 0 : i32
      %dma_wait3A_200 = tpu.memref_slice %arg6[%add3A_144, %dma_wait3A_199] : memref<16384x512xf32, #tpu.memory_space<hbm>> -> memref<64x512xf32, #tpu.memory_space<hbm>>
      tpu.wait_dma2 semaphore(%run_scoped3A : memref<!tpu.dma_semaphore, #tpu.memory_space<semaphore_mem>>) src(%arg9 : memref<64x512xf32, #tpu.memory_space<vmem>>) dst(%dma_wait3A_200 : memref<64x512xf32, #tpu.memory_space<hbm>>)
      tpu.yield
    }) : () -> ()
    %dma_start3A_145 = arith.constant 384 : i32
    %dma_start3A_146 = tpu.memref_slice %arg7[%dma_start3A_145] : memref<512xi32, #tpu.memory_space<vmem>> -> memref<64xi32, #tpu.memory_space<vmem>>
    %dma_start3A_147 = arith.constant 0 : i32
    %dma_start3A_148 = arith.constant 0 : i32
    %dma_start3A_149 = tpu.memref_slice %arg2[%dma_start3A_147, %dma_start3A_148] : memref<100000x512xf32, #tpu.memory_space<hbm>> -> memref<100000x512xf32, #tpu.memory_space<hbm>>
    tpu.enqueue_indirect_dma source(%dma_start3A_149 : memref<100000x512xf32, #tpu.memory_space<hbm>>) target(%arg8 : memref<64x512xf32, #tpu.memory_space<vmem>>) offsets(%dma_start3A_146 : memref<64xi32, #tpu.memory_space<vmem>>) semaphore(%arg10 : memref<!tpu.dma_semaphore, #tpu.memory_space<semaphore_mem>>)
    %dma_start3A_150 = arith.constant 384 : i32
    %dma_start3A_151 = tpu.memref_slice %arg7[%dma_start3A_150] : memref<512xi32, #tpu.memory_space<vmem>> -> memref<64xi32, #tpu.memory_space<vmem>>
    %dma_start3A_152 = arith.constant 0 : i32
    %dma_start3A_153 = arith.constant 0 : i32
    %dma_start3A_154 = tpu.memref_slice %arg3[%dma_start3A_152, %dma_start3A_153] : memref<100000x512xf32, #tpu.memory_space<hbm>> -> memref<100000x512xf32, #tpu.memory_space<hbm>>
    tpu.enqueue_indirect_dma source(%dma_start3A_154 : memref<100000x512xf32, #tpu.memory_space<hbm>>) target(%arg9 : memref<64x512xf32, #tpu.memory_space<vmem>>) offsets(%dma_start3A_151 : memref<64xi32, #tpu.memory_space<vmem>>) semaphore(%arg11 : memref<!tpu.dma_semaphore, #tpu.memory_space<semaphore_mem>>)
    %dma_wait3A_155 = arith.constant 384 : i32
    %dma_wait3A_156 = tpu.memref_slice %arg7[%dma_wait3A_155] : memref<512xi32, #tpu.memory_space<vmem>> -> memref<64xi32, #tpu.memory_space<vmem>>
    %dma_wait3A_157 = arith.constant 0 : i32
    %dma_wait3A_158 = arith.constant 0 : i32
    %dma_wait3A_159 = tpu.memref_slice %arg2[%dma_wait3A_157, %dma_wait3A_158] : memref<100000x512xf32, #tpu.memory_space<hbm>> -> memref<100000x512xf32, #tpu.memory_space<hbm>>
    tpu.wait_indirect_dma semaphore(%arg10 : memref<!tpu.dma_semaphore, #tpu.memory_space<semaphore_mem>>) src(%dma_wait3A_159 : memref<100000x512xf32, #tpu.memory_space<hbm>>) dst(%arg8 : memref<64x512xf32, #tpu.memory_space<vmem>>)
    %add3A_160 = arith.constant 384 : i32
    %add3A_161 = arith.addi %mul3A_2, %add3A_160 : i32
    "tpu.region"() ({
      %run_scoped3A = tpu.sem_alloc : memref<!tpu.dma_semaphore, #tpu.memory_space<semaphore_mem>>
      %dma_start3A_193 = arith.constant 0 : i32
      %dma_start3A_194 = tpu.memref_slice %arg5[%add3A_161, %dma_start3A_193] : memref<16384x512xf32, #tpu.memory_space<hbm>> -> memref<64x512xf32, #tpu.memory_space<hbm>>
      %dma_start3A_195 = arith.constant 0 : i32
      %dma_start3A_196 = tpu.memref_slice %arg5[%add3A_161, %dma_start3A_195] : memref<16384x512xf32, #tpu.memory_space<hbm>> -> memref<64x512xf32, #tpu.memory_space<hbm>>
      tpu.enqueue_dma source(%arg8 : memref<64x512xf32, #tpu.memory_space<vmem>>) target(%dma_start3A_196 : memref<64x512xf32, #tpu.memory_space<hbm>>) target_semaphore(%run_scoped3A : memref<!tpu.dma_semaphore, #tpu.memory_space<semaphore_mem>>)
      %dma_wait3A_197 = arith.constant 0 : i32
      %dma_wait3A_198 = tpu.memref_slice %arg5[%add3A_161, %dma_wait3A_197] : memref<16384x512xf32, #tpu.memory_space<hbm>> -> memref<64x512xf32, #tpu.memory_space<hbm>>
      %dma_wait3A_199 = arith.constant 0 : i32
      %dma_wait3A_200 = tpu.memref_slice %arg5[%add3A_161, %dma_wait3A_199] : memref<16384x512xf32, #tpu.memory_space<hbm>> -> memref<64x512xf32, #tpu.memory_space<hbm>>
      tpu.wait_dma2 semaphore(%run_scoped3A : memref<!tpu.dma_semaphore, #tpu.memory_space<semaphore_mem>>) src(%arg8 : memref<64x512xf32, #tpu.memory_space<vmem>>) dst(%dma_wait3A_200 : memref<64x512xf32, #tpu.memory_space<hbm>>)
      tpu.yield
    }) : () -> ()
    %dma_wait3A_162 = arith.constant 384 : i32
    %dma_wait3A_163 = tpu.memref_slice %arg7[%dma_wait3A_162] : memref<512xi32, #tpu.memory_space<vmem>> -> memref<64xi32, #tpu.memory_space<vmem>>
    %dma_wait3A_164 = arith.constant 0 : i32
    %dma_wait3A_165 = arith.constant 0 : i32
    %dma_wait3A_166 = tpu.memref_slice %arg3[%dma_wait3A_164, %dma_wait3A_165] : memref<100000x512xf32, #tpu.memory_space<hbm>> -> memref<100000x512xf32, #tpu.memory_space<hbm>>
    tpu.wait_indirect_dma semaphore(%arg11 : memref<!tpu.dma_semaphore, #tpu.memory_space<semaphore_mem>>) src(%dma_wait3A_166 : memref<100000x512xf32, #tpu.memory_space<hbm>>) dst(%arg9 : memref<64x512xf32, #tpu.memory_space<vmem>>)
    %add3A_167 = arith.constant 384 : i32
    %add3A_168 = arith.addi %mul3A_2, %add3A_167 : i32
    "tpu.region"() ({
      %run_scoped3A = tpu.sem_alloc : memref<!tpu.dma_semaphore, #tpu.memory_space<semaphore_mem>>
      %dma_start3A_193 = arith.constant 0 : i32
      %dma_start3A_194 = tpu.memref_slice %arg6[%add3A_168, %dma_start3A_193] : memref<16384x512xf32, #tpu.memory_space<hbm>> -> memref<64x512xf32, #tpu.memory_space<hbm>>
      %dma_start3A_195 = arith.constant 0 : i32
      %dma_start3A_196 = tpu.memref_slice %arg6[%add3A_168, %dma_start3A_195] : memref<16384x512xf32, #tpu.memory_space<hbm>> -> memref<64x512xf32, #tpu.memory_space<hbm>>
      tpu.enqueue_dma source(%arg9 : memref<64x512xf32, #tpu.memory_space<vmem>>) target(%dma_start3A_196 : memref<64x512xf32, #tpu.memory_space<hbm>>) target_semaphore(%run_scoped3A : memref<!tpu.dma_semaphore, #tpu.memory_space<semaphore_mem>>)
      %dma_wait3A_197 = arith.constant 0 : i32
      %dma_wait3A_198 = tpu.memref_slice %arg6[%add3A_168, %dma_wait3A_197] : memref<16384x512xf32, #tpu.memory_space<hbm>> -> memref<64x512xf32, #tpu.memory_space<hbm>>
      %dma_wait3A_199 = arith.constant 0 : i32
      %dma_wait3A_200 = tpu.memref_slice %arg6[%add3A_168, %dma_wait3A_199] : memref<16384x512xf32, #tpu.memory_space<hbm>> -> memref<64x512xf32, #tpu.memory_space<hbm>>
      tpu.wait_dma2 semaphore(%run_scoped3A : memref<!tpu.dma_semaphore, #tpu.memory_space<semaphore_mem>>) src(%arg9 : memref<64x512xf32, #tpu.memory_space<vmem>>) dst(%dma_wait3A_200 : memref<64x512xf32, #tpu.memory_space<hbm>>)
      tpu.yield
    }) : () -> ()
    %dma_start3A_169 = arith.constant 448 : i32
    %dma_start3A_170 = tpu.memref_slice %arg7[%dma_start3A_169] : memref<512xi32, #tpu.memory_space<vmem>> -> memref<64xi32, #tpu.memory_space<vmem>>
    %dma_start3A_171 = arith.constant 0 : i32
    %dma_start3A_172 = arith.constant 0 : i32
    %dma_start3A_173 = tpu.memref_slice %arg2[%dma_start3A_171, %dma_start3A_172] : memref<100000x512xf32, #tpu.memory_space<hbm>> -> memref<100000x512xf32, #tpu.memory_space<hbm>>
    tpu.enqueue_indirect_dma source(%dma_start3A_173 : memref<100000x512xf32, #tpu.memory_space<hbm>>) target(%arg8 : memref<64x512xf32, #tpu.memory_space<vmem>>) offsets(%dma_start3A_170 : memref<64xi32, #tpu.memory_space<vmem>>) semaphore(%arg10 : memref<!tpu.dma_semaphore, #tpu.memory_space<semaphore_mem>>)
    %dma_start3A_174 = arith.constant 448 : i32
    %dma_start3A_175 = tpu.memref_slice %arg7[%dma_start3A_174] : memref<512xi32, #tpu.memory_space<vmem>> -> memref<64xi32, #tpu.memory_space<vmem>>
    %dma_start3A_176 = arith.constant 0 : i32
    %dma_start3A_177 = arith.constant 0 : i32
    %dma_start3A_178 = tpu.memref_slice %arg3[%dma_start3A_176, %dma_start3A_177] : memref<100000x512xf32, #tpu.memory_space<hbm>> -> memref<100000x512xf32, #tpu.memory_space<hbm>>
    tpu.enqueue_indirect_dma source(%dma_start3A_178 : memref<100000x512xf32, #tpu.memory_space<hbm>>) target(%arg9 : memref<64x512xf32, #tpu.memory_space<vmem>>) offsets(%dma_start3A_175 : memref<64xi32, #tpu.memory_space<vmem>>) semaphore(%arg11 : memref<!tpu.dma_semaphore, #tpu.memory_space<semaphore_mem>>)
    %dma_wait3A_179 = arith.constant 448 : i32
    %dma_wait3A_180 = tpu.memref_slice %arg7[%dma_wait3A_179] : memref<512xi32, #tpu.memory_space<vmem>> -> memref<64xi32, #tpu.memory_space<vmem>>
    %dma_wait3A_181 = arith.constant 0 : i32
    %dma_wait3A_182 = arith.constant 0 : i32
    %dma_wait3A_183 = tpu.memref_slice %arg2[%dma_wait3A_181, %dma_wait3A_182] : memref<100000x512xf32, #tpu.memory_space<hbm>> -> memref<100000x512xf32, #tpu.memory_space<hbm>>
    tpu.wait_indirect_dma semaphore(%arg10 : memref<!tpu.dma_semaphore, #tpu.memory_space<semaphore_mem>>) src(%dma_wait3A_183 : memref<100000x512xf32, #tpu.memory_space<hbm>>) dst(%arg8 : memref<64x512xf32, #tpu.memory_space<vmem>>)
    %add3A_184 = arith.constant 448 : i32
    %add3A_185 = arith.addi %mul3A_2, %add3A_184 : i32
    "tpu.region"() ({
      %run_scoped3A = tpu.sem_alloc : memref<!tpu.dma_semaphore, #tpu.memory_space<semaphore_mem>>
      %dma_start3A_193 = arith.constant 0 : i32
      %dma_start3A_194 = tpu.memref_slice %arg5[%add3A_185, %dma_start3A_193] : memref<16384x512xf32, #tpu.memory_space<hbm>> -> memref<64x512xf32, #tpu.memory_space<hbm>>
      %dma_start3A_195 = arith.constant 0 : i32
      %dma_start3A_196 = tpu.memref_slice %arg5[%add3A_185, %dma_start3A_195] : memref<16384x512xf32, #tpu.memory_space<hbm>> -> memref<64x512xf32, #tpu.memory_space<hbm>>
      tpu.enqueue_dma source(%arg8 : memref<64x512xf32, #tpu.memory_space<vmem>>) target(%dma_start3A_196 : memref<64x512xf32, #tpu.memory_space<hbm>>) target_semaphore(%run_scoped3A : memref<!tpu.dma_semaphore, #tpu.memory_space<semaphore_mem>>)
      %dma_wait3A_197 = arith.constant 0 : i32
      %dma_wait3A_198 = tpu.memref_slice %arg5[%add3A_185, %dma_wait3A_197] : memref<16384x512xf32, #tpu.memory_space<hbm>> -> memref<64x512xf32, #tpu.memory_space<hbm>>
      %dma_wait3A_199 = arith.constant 0 : i32
      %dma_wait3A_200 = tpu.memref_slice %arg5[%add3A_185, %dma_wait3A_199] : memref<16384x512xf32, #tpu.memory_space<hbm>> -> memref<64x512xf32, #tpu.memory_space<hbm>>
      tpu.wait_dma2 semaphore(%run_scoped3A : memref<!tpu.dma_semaphore, #tpu.memory_space<semaphore_mem>>) src(%arg8 : memref<64x512xf32, #tpu.memory_space<vmem>>) dst(%dma_wait3A_200 : memref<64x512xf32, #tpu.memory_space<hbm>>)
      tpu.yield
    }) : () -> ()
    %dma_wait3A_186 = arith.constant 448 : i32
    %dma_wait3A_187 = tpu.memref_slice %arg7[%dma_wait3A_186] : memref<512xi32, #tpu.memory_space<vmem>> -> memref<64xi32, #tpu.memory_space<vmem>>
    %dma_wait3A_188 = arith.constant 0 : i32
    %dma_wait3A_189 = arith.constant 0 : i32
    %dma_wait3A_190 = tpu.memref_slice %arg3[%dma_wait3A_188, %dma_wait3A_189] : memref<100000x512xf32, #tpu.memory_space<hbm>> -> memref<100000x512xf32, #tpu.memory_space<hbm>>
    tpu.wait_indirect_dma semaphore(%arg11 : memref<!tpu.dma_semaphore, #tpu.memory_space<semaphore_mem>>) src(%dma_wait3A_190 : memref<100000x512xf32, #tpu.memory_space<hbm>>) dst(%arg9 : memref<64x512xf32, #tpu.memory_space<vmem>>)
    %add3A_191 = arith.constant 448 : i32
    %add3A_192 = arith.addi %mul3A_2, %add3A_191 : i32
    "tpu.region"() ({
      %run_scoped3A = tpu.sem_alloc : memref<!tpu.dma_semaphore, #tpu.memory_space<semaphore_mem>>
      %dma_start3A_193 = arith.constant 0 : i32
      %dma_start3A_194 = tpu.memref_slice %arg6[%add3A_192, %dma_start3A_193] : memref<16384x512xf32, #tpu.memory_space<hbm>> -> memref<64x512xf32, #tpu.memory_space<hbm>>
      %dma_start3A_195 = arith.constant 0 : i32
      %dma_start3A_196 = tpu.memref_slice %arg6[%add3A_192, %dma_start3A_195] : memref<16384x512xf32, #tpu.memory_space<hbm>> -> memref<64x512xf32, #tpu.memory_space<hbm>>
      tpu.enqueue_dma source(%arg9 : memref<64x512xf32, #tpu.memory_space<vmem>>) target(%dma_start3A_196 : memref<64x512xf32, #tpu.memory_space<hbm>>) target_semaphore(%run_scoped3A : memref<!tpu.dma_semaphore, #tpu.memory_space<semaphore_mem>>)
      %dma_wait3A_197 = arith.constant 0 : i32
      %dma_wait3A_198 = tpu.memref_slice %arg6[%add3A_192, %dma_wait3A_197] : memref<16384x512xf32, #tpu.memory_space<hbm>> -> memref<64x512xf32, #tpu.memory_space<hbm>>
      %dma_wait3A_199 = arith.constant 0 : i32
      %dma_wait3A_200 = tpu.memref_slice %arg6[%add3A_192, %dma_wait3A_199] : memref<16384x512xf32, #tpu.memory_space<hbm>> -> memref<64x512xf32, #tpu.memory_space<hbm>>
      tpu.wait_dma2 semaphore(%run_scoped3A : memref<!tpu.dma_semaphore, #tpu.memory_space<semaphore_mem>>) src(%arg9 : memref<64x512xf32, #tpu.memory_space<vmem>>) dst(%dma_wait3A_200 : memref<64x512xf32, #tpu.memory_space<hbm>>)
      tpu.yield
    }) : () -> ()
    return
  }
}

#map = affine_map<(d0, d1) -> (0, 0)>
#map1 = affine_map<(d0, d1) -> (0)>
module attributes {stable_mosaic.version = 14 : i64} {
  func.func @k(%arg0: i32, %arg1: i32, %arg2: memref<811008x128xf32, #tpu.memory_space<hbm>>, %arg3: memref<16384xi32, #tpu.memory_space<hbm>>, %arg4: memref<16384x128xf32, #tpu.memory_space<hbm>>, %arg5: memref<128xi32, #tpu.memory_space<vmem>>, %arg6: memref<128x128xf32, #tpu.memory_space<vmem>>, %arg7: memref<!tpu.dma_semaphore, #tpu.memory_space<semaphore_mem>>) attributes {dimension_semantics = [#tpu.dimension_semantics<core_parallel>, #tpu.dimension_semantics<subcore_parallel>], iteration_bounds = array<i64: 2, 16>, scalar_prefetch = 0 : i64, scratch_operands = 3 : i64, tpu.core_type = #tpu.core_type<sc_vector_subcore>, window_params = [{transform_indices = #map}, {transform_indices = #map1}, {transform_indices = #map}]} {
    %mul3A = arith.constant 2 : i32
    %mul3A_0 = arith.muli %arg1, %mul3A : i32
    %add3A = arith.addi %mul3A_0, %arg0 : i32
    %mul3A_1 = arith.constant 512 : i32
    %mul3A_2 = arith.muli %add3A, %mul3A_1 : i32
    %add3A_3 = arith.constant 0 : i32
    %add3A_4 = arith.addi %mul3A_2, %add3A_3 : i32
    "tpu.region"() ({
      %run_scoped3A = tpu.sem_alloc : memref<!tpu.dma_semaphore, #tpu.memory_space<semaphore_mem>>
      %dma_start3A_41 = tpu.memref_slice %arg3[%add3A_4] : memref<16384xi32, #tpu.memory_space<hbm>> -> memref<128xi32, #tpu.memory_space<hbm>>
      %dma_start3A_42 = tpu.memref_slice %arg3[%add3A_4] : memref<16384xi32, #tpu.memory_space<hbm>> -> memref<128xi32, #tpu.memory_space<hbm>>
      tpu.enqueue_dma source(%dma_start3A_42 : memref<128xi32, #tpu.memory_space<hbm>>) target(%arg5 : memref<128xi32, #tpu.memory_space<vmem>>) target_semaphore(%run_scoped3A : memref<!tpu.dma_semaphore, #tpu.memory_space<semaphore_mem>>)
      %dma_wait3A_43 = tpu.memref_slice %arg3[%add3A_4] : memref<16384xi32, #tpu.memory_space<hbm>> -> memref<128xi32, #tpu.memory_space<hbm>>
      %dma_wait3A_44 = tpu.memref_slice %arg3[%add3A_4] : memref<16384xi32, #tpu.memory_space<hbm>> -> memref<128xi32, #tpu.memory_space<hbm>>
      tpu.wait_dma2 semaphore(%run_scoped3A : memref<!tpu.dma_semaphore, #tpu.memory_space<semaphore_mem>>) src(%dma_wait3A_44 : memref<128xi32, #tpu.memory_space<hbm>>) dst(%arg5 : memref<128xi32, #tpu.memory_space<vmem>>)
      tpu.yield
    }) : () -> ()
    %dma_start3A = arith.constant 0 : i32
    %dma_start3A_5 = arith.constant 0 : i32
    %dma_start3A_6 = tpu.memref_slice %arg2[%dma_start3A, %dma_start3A_5] : memref<811008x128xf32, #tpu.memory_space<hbm>> -> memref<811008x128xf32, #tpu.memory_space<hbm>>
    tpu.enqueue_indirect_dma source(%dma_start3A_6 : memref<811008x128xf32, #tpu.memory_space<hbm>>) target(%arg6 : memref<128x128xf32, #tpu.memory_space<vmem>>) offsets(%arg5 : memref<128xi32, #tpu.memory_space<vmem>>) semaphore(%arg7 : memref<!tpu.dma_semaphore, #tpu.memory_space<semaphore_mem>>)
    %dma_wait3A = arith.constant 0 : i32
    %dma_wait3A_7 = arith.constant 0 : i32
    %dma_wait3A_8 = tpu.memref_slice %arg2[%dma_wait3A, %dma_wait3A_7] : memref<811008x128xf32, #tpu.memory_space<hbm>> -> memref<811008x128xf32, #tpu.memory_space<hbm>>
    tpu.wait_indirect_dma semaphore(%arg7 : memref<!tpu.dma_semaphore, #tpu.memory_space<semaphore_mem>>) src(%dma_wait3A_8 : memref<811008x128xf32, #tpu.memory_space<hbm>>) dst(%arg6 : memref<128x128xf32, #tpu.memory_space<vmem>>)
    %add3A_9 = arith.constant 0 : i32
    %add3A_10 = arith.addi %mul3A_2, %add3A_9 : i32
    "tpu.region"() ({
      %run_scoped3A = tpu.sem_alloc : memref<!tpu.dma_semaphore, #tpu.memory_space<semaphore_mem>>
      %dma_start3A_41 = arith.constant 0 : i32
      %dma_start3A_42 = tpu.memref_slice %arg4[%add3A_10, %dma_start3A_41] : memref<16384x128xf32, #tpu.memory_space<hbm>> -> memref<128x128xf32, #tpu.memory_space<hbm>>
      %dma_start3A_43 = arith.constant 0 : i32
      %dma_start3A_44 = tpu.memref_slice %arg4[%add3A_10, %dma_start3A_43] : memref<16384x128xf32, #tpu.memory_space<hbm>> -> memref<128x128xf32, #tpu.memory_space<hbm>>
      tpu.enqueue_dma source(%arg6 : memref<128x128xf32, #tpu.memory_space<vmem>>) target(%dma_start3A_44 : memref<128x128xf32, #tpu.memory_space<hbm>>) target_semaphore(%run_scoped3A : memref<!tpu.dma_semaphore, #tpu.memory_space<semaphore_mem>>)
      %dma_wait3A_45 = arith.constant 0 : i32
      %dma_wait3A_46 = tpu.memref_slice %arg4[%add3A_10, %dma_wait3A_45] : memref<16384x128xf32, #tpu.memory_space<hbm>> -> memref<128x128xf32, #tpu.memory_space<hbm>>
      %dma_wait3A_47 = arith.constant 0 : i32
      %dma_wait3A_48 = tpu.memref_slice %arg4[%add3A_10, %dma_wait3A_47] : memref<16384x128xf32, #tpu.memory_space<hbm>> -> memref<128x128xf32, #tpu.memory_space<hbm>>
      tpu.wait_dma2 semaphore(%run_scoped3A : memref<!tpu.dma_semaphore, #tpu.memory_space<semaphore_mem>>) src(%arg6 : memref<128x128xf32, #tpu.memory_space<vmem>>) dst(%dma_wait3A_48 : memref<128x128xf32, #tpu.memory_space<hbm>>)
      tpu.yield
    }) : () -> ()
    %add3A_11 = arith.constant 128 : i32
    %add3A_12 = arith.addi %mul3A_2, %add3A_11 : i32
    "tpu.region"() ({
      %run_scoped3A = tpu.sem_alloc : memref<!tpu.dma_semaphore, #tpu.memory_space<semaphore_mem>>
      %dma_start3A_41 = tpu.memref_slice %arg3[%add3A_12] : memref<16384xi32, #tpu.memory_space<hbm>> -> memref<128xi32, #tpu.memory_space<hbm>>
      %dma_start3A_42 = tpu.memref_slice %arg3[%add3A_12] : memref<16384xi32, #tpu.memory_space<hbm>> -> memref<128xi32, #tpu.memory_space<hbm>>
      tpu.enqueue_dma source(%dma_start3A_42 : memref<128xi32, #tpu.memory_space<hbm>>) target(%arg5 : memref<128xi32, #tpu.memory_space<vmem>>) target_semaphore(%run_scoped3A : memref<!tpu.dma_semaphore, #tpu.memory_space<semaphore_mem>>)
      %dma_wait3A_43 = tpu.memref_slice %arg3[%add3A_12] : memref<16384xi32, #tpu.memory_space<hbm>> -> memref<128xi32, #tpu.memory_space<hbm>>
      %dma_wait3A_44 = tpu.memref_slice %arg3[%add3A_12] : memref<16384xi32, #tpu.memory_space<hbm>> -> memref<128xi32, #tpu.memory_space<hbm>>
      tpu.wait_dma2 semaphore(%run_scoped3A : memref<!tpu.dma_semaphore, #tpu.memory_space<semaphore_mem>>) src(%dma_wait3A_44 : memref<128xi32, #tpu.memory_space<hbm>>) dst(%arg5 : memref<128xi32, #tpu.memory_space<vmem>>)
      tpu.yield
    }) : () -> ()
    %dma_start3A_13 = arith.constant 0 : i32
    %dma_start3A_14 = arith.constant 0 : i32
    %dma_start3A_15 = tpu.memref_slice %arg2[%dma_start3A_13, %dma_start3A_14] : memref<811008x128xf32, #tpu.memory_space<hbm>> -> memref<811008x128xf32, #tpu.memory_space<hbm>>
    tpu.enqueue_indirect_dma source(%dma_start3A_15 : memref<811008x128xf32, #tpu.memory_space<hbm>>) target(%arg6 : memref<128x128xf32, #tpu.memory_space<vmem>>) offsets(%arg5 : memref<128xi32, #tpu.memory_space<vmem>>) semaphore(%arg7 : memref<!tpu.dma_semaphore, #tpu.memory_space<semaphore_mem>>)
    %dma_wait3A_16 = arith.constant 0 : i32
    %dma_wait3A_17 = arith.constant 0 : i32
    %dma_wait3A_18 = tpu.memref_slice %arg2[%dma_wait3A_16, %dma_wait3A_17] : memref<811008x128xf32, #tpu.memory_space<hbm>> -> memref<811008x128xf32, #tpu.memory_space<hbm>>
    tpu.wait_indirect_dma semaphore(%arg7 : memref<!tpu.dma_semaphore, #tpu.memory_space<semaphore_mem>>) src(%dma_wait3A_18 : memref<811008x128xf32, #tpu.memory_space<hbm>>) dst(%arg6 : memref<128x128xf32, #tpu.memory_space<vmem>>)
    %add3A_19 = arith.constant 128 : i32
    %add3A_20 = arith.addi %mul3A_2, %add3A_19 : i32
    "tpu.region"() ({
      %run_scoped3A = tpu.sem_alloc : memref<!tpu.dma_semaphore, #tpu.memory_space<semaphore_mem>>
      %dma_start3A_41 = arith.constant 0 : i32
      %dma_start3A_42 = tpu.memref_slice %arg4[%add3A_20, %dma_start3A_41] : memref<16384x128xf32, #tpu.memory_space<hbm>> -> memref<128x128xf32, #tpu.memory_space<hbm>>
      %dma_start3A_43 = arith.constant 0 : i32
      %dma_start3A_44 = tpu.memref_slice %arg4[%add3A_20, %dma_start3A_43] : memref<16384x128xf32, #tpu.memory_space<hbm>> -> memref<128x128xf32, #tpu.memory_space<hbm>>
      tpu.enqueue_dma source(%arg6 : memref<128x128xf32, #tpu.memory_space<vmem>>) target(%dma_start3A_44 : memref<128x128xf32, #tpu.memory_space<hbm>>) target_semaphore(%run_scoped3A : memref<!tpu.dma_semaphore, #tpu.memory_space<semaphore_mem>>)
      %dma_wait3A_45 = arith.constant 0 : i32
      %dma_wait3A_46 = tpu.memref_slice %arg4[%add3A_20, %dma_wait3A_45] : memref<16384x128xf32, #tpu.memory_space<hbm>> -> memref<128x128xf32, #tpu.memory_space<hbm>>
      %dma_wait3A_47 = arith.constant 0 : i32
      %dma_wait3A_48 = tpu.memref_slice %arg4[%add3A_20, %dma_wait3A_47] : memref<16384x128xf32, #tpu.memory_space<hbm>> -> memref<128x128xf32, #tpu.memory_space<hbm>>
      tpu.wait_dma2 semaphore(%run_scoped3A : memref<!tpu.dma_semaphore, #tpu.memory_space<semaphore_mem>>) src(%arg6 : memref<128x128xf32, #tpu.memory_space<vmem>>) dst(%dma_wait3A_48 : memref<128x128xf32, #tpu.memory_space<hbm>>)
      tpu.yield
    }) : () -> ()
    %add3A_21 = arith.constant 256 : i32
    %add3A_22 = arith.addi %mul3A_2, %add3A_21 : i32
    "tpu.region"() ({
      %run_scoped3A = tpu.sem_alloc : memref<!tpu.dma_semaphore, #tpu.memory_space<semaphore_mem>>
      %dma_start3A_41 = tpu.memref_slice %arg3[%add3A_22] : memref<16384xi32, #tpu.memory_space<hbm>> -> memref<128xi32, #tpu.memory_space<hbm>>
      %dma_start3A_42 = tpu.memref_slice %arg3[%add3A_22] : memref<16384xi32, #tpu.memory_space<hbm>> -> memref<128xi32, #tpu.memory_space<hbm>>
      tpu.enqueue_dma source(%dma_start3A_42 : memref<128xi32, #tpu.memory_space<hbm>>) target(%arg5 : memref<128xi32, #tpu.memory_space<vmem>>) target_semaphore(%run_scoped3A : memref<!tpu.dma_semaphore, #tpu.memory_space<semaphore_mem>>)
      %dma_wait3A_43 = tpu.memref_slice %arg3[%add3A_22] : memref<16384xi32, #tpu.memory_space<hbm>> -> memref<128xi32, #tpu.memory_space<hbm>>
      %dma_wait3A_44 = tpu.memref_slice %arg3[%add3A_22] : memref<16384xi32, #tpu.memory_space<hbm>> -> memref<128xi32, #tpu.memory_space<hbm>>
      tpu.wait_dma2 semaphore(%run_scoped3A : memref<!tpu.dma_semaphore, #tpu.memory_space<semaphore_mem>>) src(%dma_wait3A_44 : memref<128xi32, #tpu.memory_space<hbm>>) dst(%arg5 : memref<128xi32, #tpu.memory_space<vmem>>)
      tpu.yield
    }) : () -> ()
    %dma_start3A_23 = arith.constant 0 : i32
    %dma_start3A_24 = arith.constant 0 : i32
    %dma_start3A_25 = tpu.memref_slice %arg2[%dma_start3A_23, %dma_start3A_24] : memref<811008x128xf32, #tpu.memory_space<hbm>> -> memref<811008x128xf32, #tpu.memory_space<hbm>>
    tpu.enqueue_indirect_dma source(%dma_start3A_25 : memref<811008x128xf32, #tpu.memory_space<hbm>>) target(%arg6 : memref<128x128xf32, #tpu.memory_space<vmem>>) offsets(%arg5 : memref<128xi32, #tpu.memory_space<vmem>>) semaphore(%arg7 : memref<!tpu.dma_semaphore, #tpu.memory_space<semaphore_mem>>)
    %dma_wait3A_26 = arith.constant 0 : i32
    %dma_wait3A_27 = arith.constant 0 : i32
    %dma_wait3A_28 = tpu.memref_slice %arg2[%dma_wait3A_26, %dma_wait3A_27] : memref<811008x128xf32, #tpu.memory_space<hbm>> -> memref<811008x128xf32, #tpu.memory_space<hbm>>
    tpu.wait_indirect_dma semaphore(%arg7 : memref<!tpu.dma_semaphore, #tpu.memory_space<semaphore_mem>>) src(%dma_wait3A_28 : memref<811008x128xf32, #tpu.memory_space<hbm>>) dst(%arg6 : memref<128x128xf32, #tpu.memory_space<vmem>>)
    %add3A_29 = arith.constant 256 : i32
    %add3A_30 = arith.addi %mul3A_2, %add3A_29 : i32
    "tpu.region"() ({
      %run_scoped3A = tpu.sem_alloc : memref<!tpu.dma_semaphore, #tpu.memory_space<semaphore_mem>>
      %dma_start3A_41 = arith.constant 0 : i32
      %dma_start3A_42 = tpu.memref_slice %arg4[%add3A_30, %dma_start3A_41] : memref<16384x128xf32, #tpu.memory_space<hbm>> -> memref<128x128xf32, #tpu.memory_space<hbm>>
      %dma_start3A_43 = arith.constant 0 : i32
      %dma_start3A_44 = tpu.memref_slice %arg4[%add3A_30, %dma_start3A_43] : memref<16384x128xf32, #tpu.memory_space<hbm>> -> memref<128x128xf32, #tpu.memory_space<hbm>>
      tpu.enqueue_dma source(%arg6 : memref<128x128xf32, #tpu.memory_space<vmem>>) target(%dma_start3A_44 : memref<128x128xf32, #tpu.memory_space<hbm>>) target_semaphore(%run_scoped3A : memref<!tpu.dma_semaphore, #tpu.memory_space<semaphore_mem>>)
      %dma_wait3A_45 = arith.constant 0 : i32
      %dma_wait3A_46 = tpu.memref_slice %arg4[%add3A_30, %dma_wait3A_45] : memref<16384x128xf32, #tpu.memory_space<hbm>> -> memref<128x128xf32, #tpu.memory_space<hbm>>
      %dma_wait3A_47 = arith.constant 0 : i32
      %dma_wait3A_48 = tpu.memref_slice %arg4[%add3A_30, %dma_wait3A_47] : memref<16384x128xf32, #tpu.memory_space<hbm>> -> memref<128x128xf32, #tpu.memory_space<hbm>>
      tpu.wait_dma2 semaphore(%run_scoped3A : memref<!tpu.dma_semaphore, #tpu.memory_space<semaphore_mem>>) src(%arg6 : memref<128x128xf32, #tpu.memory_space<vmem>>) dst(%dma_wait3A_48 : memref<128x128xf32, #tpu.memory_space<hbm>>)
      tpu.yield
    }) : () -> ()
    %add3A_31 = arith.constant 384 : i32
    %add3A_32 = arith.addi %mul3A_2, %add3A_31 : i32
    "tpu.region"() ({
      %run_scoped3A = tpu.sem_alloc : memref<!tpu.dma_semaphore, #tpu.memory_space<semaphore_mem>>
      %dma_start3A_41 = tpu.memref_slice %arg3[%add3A_32] : memref<16384xi32, #tpu.memory_space<hbm>> -> memref<128xi32, #tpu.memory_space<hbm>>
      %dma_start3A_42 = tpu.memref_slice %arg3[%add3A_32] : memref<16384xi32, #tpu.memory_space<hbm>> -> memref<128xi32, #tpu.memory_space<hbm>>
      tpu.enqueue_dma source(%dma_start3A_42 : memref<128xi32, #tpu.memory_space<hbm>>) target(%arg5 : memref<128xi32, #tpu.memory_space<vmem>>) target_semaphore(%run_scoped3A : memref<!tpu.dma_semaphore, #tpu.memory_space<semaphore_mem>>)
      %dma_wait3A_43 = tpu.memref_slice %arg3[%add3A_32] : memref<16384xi32, #tpu.memory_space<hbm>> -> memref<128xi32, #tpu.memory_space<hbm>>
      %dma_wait3A_44 = tpu.memref_slice %arg3[%add3A_32] : memref<16384xi32, #tpu.memory_space<hbm>> -> memref<128xi32, #tpu.memory_space<hbm>>
      tpu.wait_dma2 semaphore(%run_scoped3A : memref<!tpu.dma_semaphore, #tpu.memory_space<semaphore_mem>>) src(%dma_wait3A_44 : memref<128xi32, #tpu.memory_space<hbm>>) dst(%arg5 : memref<128xi32, #tpu.memory_space<vmem>>)
      tpu.yield
    }) : () -> ()
    %dma_start3A_33 = arith.constant 0 : i32
    %dma_start3A_34 = arith.constant 0 : i32
    %dma_start3A_35 = tpu.memref_slice %arg2[%dma_start3A_33, %dma_start3A_34] : memref<811008x128xf32, #tpu.memory_space<hbm>> -> memref<811008x128xf32, #tpu.memory_space<hbm>>
    tpu.enqueue_indirect_dma source(%dma_start3A_35 : memref<811008x128xf32, #tpu.memory_space<hbm>>) target(%arg6 : memref<128x128xf32, #tpu.memory_space<vmem>>) offsets(%arg5 : memref<128xi32, #tpu.memory_space<vmem>>) semaphore(%arg7 : memref<!tpu.dma_semaphore, #tpu.memory_space<semaphore_mem>>)
    %dma_wait3A_36 = arith.constant 0 : i32
    %dma_wait3A_37 = arith.constant 0 : i32
    %dma_wait3A_38 = tpu.memref_slice %arg2[%dma_wait3A_36, %dma_wait3A_37] : memref<811008x128xf32, #tpu.memory_space<hbm>> -> memref<811008x128xf32, #tpu.memory_space<hbm>>
    tpu.wait_indirect_dma semaphore(%arg7 : memref<!tpu.dma_semaphore, #tpu.memory_space<semaphore_mem>>) src(%dma_wait3A_38 : memref<811008x128xf32, #tpu.memory_space<hbm>>) dst(%arg6 : memref<128x128xf32, #tpu.memory_space<vmem>>)
    %add3A_39 = arith.constant 384 : i32
    %add3A_40 = arith.addi %mul3A_2, %add3A_39 : i32
    "tpu.region"() ({
      %run_scoped3A = tpu.sem_alloc : memref<!tpu.dma_semaphore, #tpu.memory_space<semaphore_mem>>
      %dma_start3A_41 = arith.constant 0 : i32
      %dma_start3A_42 = tpu.memref_slice %arg4[%add3A_40, %dma_start3A_41] : memref<16384x128xf32, #tpu.memory_space<hbm>> -> memref<128x128xf32, #tpu.memory_space<hbm>>
      %dma_start3A_43 = arith.constant 0 : i32
      %dma_start3A_44 = tpu.memref_slice %arg4[%add3A_40, %dma_start3A_43] : memref<16384x128xf32, #tpu.memory_space<hbm>> -> memref<128x128xf32, #tpu.memory_space<hbm>>
      tpu.enqueue_dma source(%arg6 : memref<128x128xf32, #tpu.memory_space<vmem>>) target(%dma_start3A_44 : memref<128x128xf32, #tpu.memory_space<hbm>>) target_semaphore(%run_scoped3A : memref<!tpu.dma_semaphore, #tpu.memory_space<semaphore_mem>>)
      %dma_wait3A_45 = arith.constant 0 : i32
      %dma_wait3A_46 = tpu.memref_slice %arg4[%add3A_40, %dma_wait3A_45] : memref<16384x128xf32, #tpu.memory_space<hbm>> -> memref<128x128xf32, #tpu.memory_space<hbm>>
      %dma_wait3A_47 = arith.constant 0 : i32
      %dma_wait3A_48 = tpu.memref_slice %arg4[%add3A_40, %dma_wait3A_47] : memref<16384x128xf32, #tpu.memory_space<hbm>> -> memref<128x128xf32, #tpu.memory_space<hbm>>
      tpu.wait_dma2 semaphore(%run_scoped3A : memref<!tpu.dma_semaphore, #tpu.memory_space<semaphore_mem>>) src(%arg6 : memref<128x128xf32, #tpu.memory_space<vmem>>) dst(%dma_wait3A_48 : memref<128x128xf32, #tpu.memory_space<hbm>>)
      tpu.yield
    }) : () -> ()
    return
  }
}

module attributes {stable_mosaic.version = 14 : i64} {
  func.func @_dist_body(%arg0: i32, %arg1: memref<1024x512xf32, #tpu.memory_space<vmem>>, %arg2: memref<512x512xf32, #tpu.memory_space<vmem>>, %arg3: memref<1x512xf32, #tpu.memory_space<vmem>>, %arg4: memref<3072x512xf32, #tpu.memory_space<vmem>>, %arg5: memref<1024x24x128xf32, #tpu.memory_space<vmem>>, %arg6: memref<1x1024x24xf32, #tpu.memory_space<vmem>>, %arg7: memref<1024x512xf32, #tpu.memory_space<vmem>>) attributes {dimension_semantics = [#tpu.dimension_semantics<arbitrary>], iteration_bounds = array<i64: 33>, scalar_prefetch = 0 : i64, scratch_operands = 0 : i64, tpu.core_type = #tpu.core_type<tc>, window_params = [{pipeline_mode = #tpu.pipeline_mode<synchronous>, transform_indices = @transform_0, window_bounds = array<i64: 1024, 512>}, {pipeline_mode = #tpu.pipeline_mode<synchronous>, transform_indices = @transform_1, window_bounds = array<i64: 512, 512>}, {pipeline_mode = #tpu.pipeline_mode<synchronous>, transform_indices = @transform_2, window_bounds = array<i64: 1, 512>}, {transform_indices = @transform_3, window_bounds = array<i64: 3072, 512>}, {transform_indices = @transform_4, window_bounds = array<i64: 1024, 24, 128>}, {transform_indices = @transform_5, window_bounds = array<i64: 1, 1024, 24>}, {pipeline_mode = #tpu.pipeline_mode<synchronous>, transform_indices = @transform_6, window_bounds = array<i64: 1024, 512>}]} {
    %eq3A = arith.constant 0 : i32
    %eq3A_0 = arith.cmpi eq, %arg0, %eq3A : i32
    %convert_element_type3A = arith.extui %eq3A_0 : i1 to i32
    %cond3A = arith.constant 0 : i32
    %cond3A_1 = arith.cmpi ne, %convert_element_type3A, %cond3A : i32
    scf.if %cond3A_1 {
      %get3A_44 = arith.constant 0 : index
      %get3A_45 = arith.constant 0 : index
      %get3A_46 = vector.load %arg1[%get3A_44, %get3A_45] : memref<1024x512xf32, #tpu.memory_space<vmem>>, vector<1024x512xf32>
      %get3A_47 = arith.constant 0 : index
      %get3A_48 = arith.constant 0 : index
      %get3A_49 = vector.load %arg2[%get3A_47, %get3A_48] : memref<512x512xf32, #tpu.memory_space<vmem>>, vector<512x512xf32>
      %dot_general3A_50 = arith.constant dense<0.000000e+00> : vector<1024x512xf32>
      %dot_general3A_51 = tpu.matmul %get3A_46, %get3A_49, %dot_general3A_50 {dimension_numbers = #tpu.dot_dimension_numbers<[1], [1], [0], [0], [0, 0, 1, 0], [], []>, transpose_lhs_hint = false} : vector<1024x512xf32>, vector<512x512xf32>, vector<1024x512xf32> -> vector<1024x512xf32>
      %get3A_52 = arith.constant 0 : index
      %get3A_53 = arith.constant 0 : index
      %get3A_54 = vector.load %arg3[%get3A_52, %get3A_53] : memref<1x512xf32, #tpu.memory_space<vmem>>, vector<1x512xf32>
      %add3A_55 = vector.broadcast %get3A_54 : vector<1x512xf32> to vector<1024x512xf32>
      %add3A_56 = arith.addf %dot_general3A_51, %add3A_55 : vector<1024x512xf32>
      %swap3A_57 = arith.constant 0 : index
      %swap3A_58 = arith.constant 0 : index
      %swap3A_59 = vector.load %arg7[%swap3A_57, %swap3A_58] : memref<1024x512xf32, #tpu.memory_space<vmem>>, vector<1024x512xf32>
      tpu.vector_store %arg7[%swap3A_57, %swap3A_58], %add3A_56 {strides = array<i32>} : memref<1024x512xf32, #tpu.memory_space<vmem>>, vector<1024x512xf32>,
    } else {
    }
    %get3A = arith.constant 0 : index
    %get3A_2 = arith.constant 0 : index
    %get3A_3 = vector.load %arg7[%get3A, %get3A_2] : memref<1024x512xf32, #tpu.memory_space<vmem>>, vector<1024x512xf32>
    %get3A_4 = arith.constant 0 : index
    %get3A_5 = arith.constant 0 : index
    %get3A_6 = vector.load %arg4[%get3A_4, %get3A_5] : memref<3072x512xf32, #tpu.memory_space<vmem>>, vector<3072x512xf32>
    %iota3A = tpu.iota {dimensions = array<i32: 0>} : vector<3072x1xi32>
    %mul3A = arith.constant 3072 : i32
    %mul3A_7 = arith.muli %arg0, %mul3A : i32
    %add3A = vector.broadcast %mul3A_7 : i32 to vector<3072x1xi32>
    %add3A_8 = arith.addi %iota3A, %add3A : vector<3072x1xi32>
    %lt3A = arith.constant 100000 : i32
    %lt3A_9 = vector.broadcast %lt3A : i32 to vector<3072x1xi32>
    %lt3A_10 = arith.cmpi slt, %add3A_8, %lt3A_9 : vector<3072x1xi32>
    %jit3A = arith.constant 0.000000e+00 : f32
    %broadcast_in_dim3A = vector.shape_cast %lt3A_10 : vector<3072x1xi1> to vector<3072x1xi1>
    %broadcast_in_dim3A_11 = vector.broadcast %broadcast_in_dim3A : vector<3072x1xi1> to vector<3072x512xi1>
    %broadcast_in_dim3A_12 = vector.broadcast %jit3A : f32 to vector<3072x512xf32>
    %select_n3A = arith.select %broadcast_in_dim3A_11, %get3A_6, %broadcast_in_dim3A_12 : vector<3072x512xi1>, vector<3072x512xf32>
    %mul3A_13 = arith.mulf %get3A_3, %get3A_3 : vector<1024x512xf32>
    %reduce_sum3A = arith.constant dense<0.000000e+00> : vector<1024xf32>
    %reduce_sum3A_14 = vector.multi_reduction <add>, %mul3A_13, %reduce_sum3A [1] : vector<1024x512xf32> to vector<1024xf32>
    %broadcast_in_dim3A_15 = vector.shape_cast %reduce_sum3A_14 : vector<1024xf32> to vector<1024x1xf32>
    %mul3A_16 = arith.mulf %select_n3A, %select_n3A : vector<3072x512xf32>
    %reduce_sum3A_17 = arith.constant dense<0.000000e+00> : vector<3072xf32>
    %reduce_sum3A_18 = vector.multi_reduction <add>, %mul3A_16, %reduce_sum3A_17 [1] : vector<3072x512xf32> to vector<3072xf32>
    %broadcast_in_dim3A_19 = vector.shape_cast %reduce_sum3A_18 : vector<3072xf32> to vector<3072x1xf32>
    %jit3A_20 = arith.constant 1.000000e+30 : f32
    %broadcast_in_dim3A_21 = vector.broadcast %jit3A_20 : f32 to vector<3072x1xf32>
    %select_n3A_22 = arith.select %lt3A_10, %broadcast_in_dim3A_19, %broadcast_in_dim3A_21 : vector<3072x1xi1>, vector<3072x1xf32>
    %dot_general3A = arith.constant dense<0.000000e+00> : vector<1024x3072xf32>
    %dot_general3A_23 = tpu.matmul %get3A_3, %select_n3A, %dot_general3A {dimension_numbers = #tpu.dot_dimension_numbers<[1], [1], [0], [0], [0, 0, 1, 0], [], []>, transpose_lhs_hint = false} : vector<1024x512xf32>, vector<3072x512xf32>, vector<1024x3072xf32> -> vector<1024x3072xf32>
    %mul3A_24 = arith.constant 2.000000e+00 : f32
    %mul3A_25 = vector.broadcast %mul3A_24 : f32 to vector<1024x3072xf32>
    %mul3A_26 = arith.mulf %mul3A_25, %dot_general3A_23 : vector<1024x3072xf32>
    %sub3A = vector.broadcast %broadcast_in_dim3A_15 : vector<1024x1xf32> to vector<1024x3072xf32>
    %sub3A_27 = arith.subf %sub3A, %mul3A_26 : vector<1024x3072xf32>
    %squeeze3A = vector.shape_cast %select_n3A_22 : vector<3072x1xf32> to vector<3072xf32>
    %broadcast_in_dim3A_28 = vector.shape_cast %squeeze3A : vector<3072xf32> to vector<1x3072xf32>
    %add3A_29 = vector.broadcast %broadcast_in_dim3A_28 : vector<1x3072xf32> to vector<1024x3072xf32>
    %add3A_30 = arith.addf %sub3A_27, %add3A_29 : vector<1024x3072xf32>
    %neg3A = arith.constant 0.000000e+00 : f32
    %neg3A_31 = vector.broadcast %neg3A : f32 to vector<1024x3072xf32>
    %neg3A_32 = arith.subf %neg3A_31, %add3A_30 : vector<1024x3072xf32>
    %reshape3A = vector.shape_cast %neg3A_32 : vector<1024x3072xf32> to vector<1024x24x128xf32>
    %swap3A = arith.constant 0 : index
    %swap3A_33 = arith.constant 0 : index
    %swap3A_34 = arith.constant 0 : index
    %swap3A_35 = vector.load %arg5[%swap3A, %swap3A_33, %swap3A_34] : memref<1024x24x128xf32, #tpu.memory_space<vmem>>, vector<1024x24x128xf32>
    tpu.vector_store %arg5[%swap3A, %swap3A_33, %swap3A_34], %reshape3A {strides = array<i32>} : memref<1024x24x128xf32, #tpu.memory_space<vmem>>, vector<1024x24x128xf32>,
    %reshape3A_36 = vector.shape_cast %neg3A_32 : vector<1024x3072xf32> to vector<1024x24x128xf32>
    %reduce_max3A = arith.constant dense<0xFF800000> : vector<1024x24xf32>
    %reduce_max3A_37 = vector.multi_reduction <maximumf>, %reshape3A_36, %reduce_max3A [2] : vector<1024x24x128xf32> to vector<1024x24xf32>
    %swap3A_38 = arith.constant 0 : index
    %swap3A_39 = arith.constant 0 : index
    %swap3A_40 = arith.constant 0 : index
    %swap3A_41 = vector.load %arg6[%swap3A_38, %swap3A_39, %swap3A_40] : memref<1x1024x24xf32, #tpu.memory_space<vmem>>, vector<1x1024x24xf32>
    %swap3A_42 = vector.shape_cast %swap3A_41 : vector<1x1024x24xf32> to vector<1024x24xf32>
    %swap3A_43 = vector.shape_cast %reduce_max3A_37 : vector<1024x24xf32> to vector<1x1024x24xf32>
    tpu.vector_store %arg6[%swap3A_38, %swap3A_39, %swap3A_40], %swap3A_43 {strides = array<i32>} : memref<1x1024x24xf32, #tpu.memory_space<vmem>>, vector<1x1024x24xf32>,
    return
  }
  func.func @transform_0(%arg0: i32) -> (i32, i32) {
    %c0_i32 = arith.constant 0 : i32
    %c0_i32_0 = arith.constant 0 : i32
    %c0_i32_1 = arith.constant 0 : i32
    return %c0_i32, %c0_i32_0 : i32, i32
  }
  func.func @transform_1(%arg0: i32) -> (i32, i32) {
    %c0_i32 = arith.constant 0 : i32
    %c0_i32_0 = arith.constant 0 : i32
    %c0_i32_1 = arith.constant 0 : i32
    return %c0_i32, %c0_i32_0 : i32, i32
  }
  func.func @transform_2(%arg0: i32) -> (i32, i32) {
    %c0_i32 = arith.constant 0 : i32
    %c0_i32_0 = arith.constant 0 : i32
    %c0_i32_1 = arith.constant 0 : i32
    return %c0_i32, %c0_i32_0 : i32, i32
  }
  func.func @transform_3(%arg0: i32) -> (i32, i32) {
    %c0_i32 = arith.constant 0 : i32
    %c0_i32_0 = arith.constant 0 : i32
    return %arg0, %c0_i32 : i32, i32
  }
  func.func @transform_4(%arg0: i32) -> (i32, i32, i32) {
    %c0_i32 = arith.constant 0 : i32
    %c0_i32_0 = arith.constant 0 : i32
    %c0_i32_1 = arith.constant 0 : i32
    return %c0_i32, %arg0, %c0_i32_0 : i32, i32, i32
  }
  func.func @transform_5(%arg0: i32) -> (i32, i32, i32) {
    %c0_i32 = arith.constant 0 : i32
    %c0_i32_0 = arith.constant 0 : i32
    %c0_i32_1 = arith.constant 0 : i32
    return %arg0, %c0_i32, %c0_i32_0 : i32, i32, i32
  }
  func.func @transform_6(%arg0: i32) -> (i32, i32) {
    %c0_i32 = arith.constant 0 : i32
    %c0_i32_0 = arith.constant 0 : i32
    %c0_i32_1 = arith.constant 0 : i32
    return %c0_i32, %c0_i32_0 : i32, i32
  }
}

module attributes {stable_mosaic.version = 14 : i64} {
  func.func @_chunksel_body(%arg0: i32, %arg1: memref<256x792xf32, #tpu.memory_space<vmem>>, %arg2: memref<256x512xf32, #tpu.memory_space<vmem>>, %arg3: memref<1638x512xf32, #tpu.memory_space<vmem>>, %arg4: memref<1x1638xf32, #tpu.memory_space<vmem>>, %arg5: memref<512x512xf32, #tpu.memory_space<vmem>>, %arg6: memref<512x512xf32, #tpu.memory_space<vmem>>, %arg7: memref<512x512xf32, #tpu.memory_space<vmem>>, %arg8: memref<1536x512xf32, #tpu.memory_space<vmem>>, %arg9: memref<3x512xf32, #tpu.memory_space<vmem>>, %arg10: memref<3x512xf32, #tpu.memory_space<vmem>>, %arg11: memref<256x16xi32, #tpu.memory_space<vmem>>, %arg12: memref<256x1638xf32, #tpu.memory_space<vmem>>, %arg13: memref<512x512xf32, #tpu.memory_space<vmem>>, %arg14: memref<512x512xf32, #tpu.memory_space<vmem>>, %arg15: memref<512x512xf32, #tpu.memory_space<vmem>>, %arg16: memref<3x512xf32, #tpu.memory_space<vmem>>) attributes {dimension_semantics = [#tpu.dimension_semantics<arbitrary>], iteration_bounds = array<i64: 4>, scalar_prefetch = 0 : i64, scratch_operands = 0 : i64, tpu.core_type = #tpu.core_type<tc>, window_params = [{transform_indices = @transform_0, window_bounds = array<i64: 256, 792>}, {transform_indices = @transform_1, window_bounds = array<i64: 256, 512>}, {pipeline_mode = #tpu.pipeline_mode<synchronous>, transform_indices = @transform_2, window_bounds = array<i64: 1638, 512>}, {pipeline_mode = #tpu.pipeline_mode<synchronous>, transform_indices = @transform_3, window_bounds = array<i64: 1, 1638>}, {pipeline_mode = #tpu.pipeline_mode<synchronous>, transform_indices = @transform_4, window_bounds = array<i64: 512, 512>}, {pipeline_mode = #tpu.pipeline_mode<synchronous>, transform_indices = @transform_5, window_bounds = array<i64: 512, 512>}, {pipeline_mode = #tpu.pipeline_mode<synchronous>, transform_indices = @transform_6, window_bounds = array<i64: 512, 512>}, {pipeline_mode = #tpu.pipeline_mode<synchronous>, transform_indices = @transform_7, window_bounds = array<i64: 1536, 512>}, {pipeline_mode = #tpu.pipeline_mode<synchronous>, transform_indices = @transform_8, window_bounds = array<i64: 3, 512>}, {pipeline_mode = #tpu.pipeline_mode<synchronous>, transform_indices = @transform_9, window_bounds = array<i64: 3, 512>}, {transform_indices = @transform_10, window_bounds = array<i64: 256, 16>}, {transform_indices = @transform_11, window_bounds = array<i64: 256, 1638>}, {pipeline_mode = #tpu.pipeline_mode<synchronous>, transform_indices = @transform_12, window_bounds = array<i64: 512, 512>}, {pipeline_mode = #tpu.pipeline_mode<synchronous>, transform_indices = @transform_13, window_bounds = array<i64: 512, 512>}, {pipeline_mode = #tpu.pipeline_mode<synchronous>, transform_indices = @transform_14, window_bounds = array<i64: 512, 512>}, {pipeline_mode = #tpu.pipeline_mode<synchronous>, transform_indices = @transform_15, window_bounds = array<i64: 3, 512>}]} {
    %get3A = arith.constant 0 : index
    %get3A_0 = arith.constant 0 : index
    %get3A_1 = vector.load %arg1[%get3A, %get3A_0] : memref<256x792xf32, #tpu.memory_space<vmem>>, vector<256x792xf32>
    %iota3A = tpu.iota {dimensions = array<i32: 1>} : vector<256x792xi32>
    %reduce_max3A = arith.constant dense<0xFF800000> : vector<256xf32>
    %reduce_max3A_2 = vector.multi_reduction <maximumf>, %get3A_1, %reduce_max3A [1] : vector<256x792xf32> to vector<256xf32>
    %broadcast_in_dim3A = vector.shape_cast %reduce_max3A_2 : vector<256xf32> to vector<256x1xf32>
    %eq3A = vector.broadcast %broadcast_in_dim3A : vector<256x1xf32> to vector<256x792xf32>
    %eq3A_3 = arith.cmpf oeq, %get3A_1, %eq3A : vector<256x792xf32>
    %jit3A = arith.constant 2147483647 : i32
    %broadcast_in_dim3A_4 = vector.broadcast %jit3A : i32 to vector<256x792xi32>
    %select_n3A = arith.select %eq3A_3, %iota3A, %broadcast_in_dim3A_4 : vector<256x792xi1>, vector<256x792xi32>
    %reduce_min3A = arith.constant dense<2147483647> : vector<256xi32>
    %reduce_min3A_5 = vector.multi_reduction <minsi>, %select_n3A, %reduce_min3A [1] : vector<256x792xi32> to vector<256xi32>
    %broadcast_in_dim3A_6 = vector.shape_cast %reduce_min3A_5 : vector<256xi32> to vector<256x1xi32>
    %eq3A_7 = vector.broadcast %broadcast_in_dim3A_6 : vector<256x1xi32> to vector<256x792xi32>
    %eq3A_8 = arith.cmpi eq, %iota3A, %eq3A_7 : vector<256x792xi32>
    %jit3A_9 = arith.constant 0xFF800000 : f32
    %broadcast_in_dim3A_10 = vector.broadcast %jit3A_9 : f32 to vector<256x792xf32>
    %select_n3A_11 = arith.select %eq3A_8, %broadcast_in_dim3A_10, %get3A_1 : vector<256x792xi1>, vector<256x792xf32>
    %reduce_max3A_12 = arith.constant dense<0xFF800000> : vector<256xf32>
    %reduce_max3A_13 = vector.multi_reduction <maximumf>, %select_n3A_11, %reduce_max3A_12 [1] : vector<256x792xf32> to vector<256xf32>
    %broadcast_in_dim3A_14 = vector.shape_cast %reduce_max3A_13 : vector<256xf32> to vector<256x1xf32>
    %eq3A_15 = vector.broadcast %broadcast_in_dim3A_14 : vector<256x1xf32> to vector<256x792xf32>
    %eq3A_16 = arith.cmpf oeq, %select_n3A_11, %eq3A_15 : vector<256x792xf32>
    %jit3A_17 = arith.constant 2147483647 : i32
    %broadcast_in_dim3A_18 = vector.broadcast %jit3A_17 : i32 to vector<256x792xi32>
    %select_n3A_19 = arith.select %eq3A_16, %iota3A, %broadcast_in_dim3A_18 : vector<256x792xi1>, vector<256x792xi32>
    %reduce_min3A_20 = arith.constant dense<2147483647> : vector<256xi32>
    %reduce_min3A_21 = vector.multi_reduction <minsi>, %select_n3A_19, %reduce_min3A_20 [1] : vector<256x792xi32> to vector<256xi32>
    %broadcast_in_dim3A_22 = vector.shape_cast %reduce_min3A_21 : vector<256xi32> to vector<256x1xi32>
    %eq3A_23 = vector.broadcast %broadcast_in_dim3A_22 : vector<256x1xi32> to vector<256x792xi32>
    %eq3A_24 = arith.cmpi eq, %iota3A, %eq3A_23 : vector<256x792xi32>
    %jit3A_25 = arith.constant 0xFF800000 : f32
    %broadcast_in_dim3A_26 = vector.broadcast %jit3A_25 : f32 to vector<256x792xf32>
    %select_n3A_27 = arith.select %eq3A_24, %broadcast_in_dim3A_26, %select_n3A_11 : vector<256x792xi1>, vector<256x792xf32>
    %reduce_max3A_28 = arith.constant dense<0xFF800000> : vector<256xf32>
    %reduce_max3A_29 = vector.multi_reduction <maximumf>, %select_n3A_27, %reduce_max3A_28 [1] : vector<256x792xf32> to vector<256xf32>
    %broadcast_in_dim3A_30 = vector.shape_cast %reduce_max3A_29 : vector<256xf32> to vector<256x1xf32>
    %eq3A_31 = vector.broadcast %broadcast_in_dim3A_30 : vector<256x1xf32> to vector<256x792xf32>
    %eq3A_32 = arith.cmpf oeq, %select_n3A_27, %eq3A_31 : vector<256x792xf32>
    %jit3A_33 = arith.constant 2147483647 : i32
    %broadcast_in_dim3A_34 = vector.broadcast %jit3A_33 : i32 to vector<256x792xi32>
    %select_n3A_35 = arith.select %eq3A_32, %iota3A, %broadcast_in_dim3A_34 : vector<256x792xi1>, vector<256x792xi32>
    %reduce_min3A_36 = arith.constant dense<2147483647> : vector<256xi32>
    %reduce_min3A_37 = vector.multi_reduction <minsi>, %select_n3A_35, %reduce_min3A_36 [1] : vector<256x792xi32> to vector<256xi32>
    %broadcast_in_dim3A_38 = vector.shape_cast %reduce_min3A_37 : vector<256xi32> to vector<256x1xi32>
    %eq3A_39 = vector.broadcast %broadcast_in_dim3A_38 : vector<256x1xi32> to vector<256x792xi32>
    %eq3A_40 = arith.cmpi eq, %iota3A, %eq3A_39 : vector<256x792xi32>
    %jit3A_41 = arith.constant 0xFF800000 : f32
    %broadcast_in_dim3A_42 = vector.broadcast %jit3A_41 : f32 to vector<256x792xf32>
    %select_n3A_43 = arith.select %eq3A_40, %broadcast_in_dim3A_42, %select_n3A_27 : vector<256x792xi1>, vector<256x792xf32>
    %reduce_max3A_44 = arith.constant dense<0xFF800000> : vector<256xf32>
    %reduce_max3A_45 = vector.multi_reduction <maximumf>, %select_n3A_43, %reduce_max3A_44 [1] : vector<256x792xf32> to vector<256xf32>
    %broadcast_in_dim3A_46 = vector.shape_cast %reduce_max3A_45 : vector<256xf32> to vector<256x1xf32>
    %eq3A_47 = vector.broadcast %broadcast_in_dim3A_46 : vector<256x1xf32> to vector<256x792xf32>
    %eq3A_48 = arith.cmpf oeq, %select_n3A_43, %eq3A_47 : vector<256x792xf32>
    %jit3A_49 = arith.constant 2147483647 : i32
    %broadcast_in_dim3A_50 = vector.broadcast %jit3A_49 : i32 to vector<256x792xi32>
    %select_n3A_51 = arith.select %eq3A_48, %iota3A, %broadcast_in_dim3A_50 : vector<256x792xi1>, vector<256x792xi32>
    %reduce_min3A_52 = arith.constant dense<2147483647> : vector<256xi32>
    %reduce_min3A_53 = vector.multi_reduction <minsi>, %select_n3A_51, %reduce_min3A_52 [1] : vector<256x792xi32> to vector<256xi32>
    %broadcast_in_dim3A_54 = vector.shape_cast %reduce_min3A_53 : vector<256xi32> to vector<256x1xi32>
    %eq3A_55 = vector.broadcast %broadcast_in_dim3A_54 : vector<256x1xi32> to vector<256x792xi32>
    %eq3A_56 = arith.cmpi eq, %iota3A, %eq3A_55 : vector<256x792xi32>
    %jit3A_57 = arith.constant 0xFF800000 : f32
    %broadcast_in_dim3A_58 = vector.broadcast %jit3A_57 : f32 to vector<256x792xf32>
    %select_n3A_59 = arith.select %eq3A_56, %broadcast_in_dim3A_58, %select_n3A_43 : vector<256x792xi1>, vector<256x792xf32>
    %reduce_max3A_60 = arith.constant dense<0xFF800000> : vector<256xf32>
    %reduce_max3A_61 = vector.multi_reduction <maximumf>, %select_n3A_59, %reduce_max3A_60 [1] : vector<256x792xf32> to vector<256xf32>
    %broadcast_in_dim3A_62 = vector.shape_cast %reduce_max3A_61 : vector<256xf32> to vector<256x1xf32>
    %eq3A_63 = vector.broadcast %broadcast_in_dim3A_62 : vector<256x1xf32> to vector<256x792xf32>
    %eq3A_64 = arith.cmpf oeq, %select_n3A_59, %eq3A_63 : vector<256x792xf32>
    %jit3A_65 = arith.constant 2147483647 : i32
    %broadcast_in_dim3A_66 = vector.broadcast %jit3A_65 : i32 to vector<256x792xi32>
    %select_n3A_67 = arith.select %eq3A_64, %iota3A, %broadcast_in_dim3A_66 : vector<256x792xi1>, vector<256x792xi32>
    %reduce_min3A_68 = arith.constant dense<2147483647> : vector<256xi32>
    %reduce_min3A_69 = vector.multi_reduction <minsi>, %select_n3A_67, %reduce_min3A_68 [1] : vector<256x792xi32> to vector<256xi32>
    %broadcast_in_dim3A_70 = vector.shape_cast %reduce_min3A_69 : vector<256xi32> to vector<256x1xi32>
    %eq3A_71 = vector.broadcast %broadcast_in_dim3A_70 : vector<256x1xi32> to vector<256x792xi32>
    %eq3A_72 = arith.cmpi eq, %iota3A, %eq3A_71 : vector<256x792xi32>
    %jit3A_73 = arith.constant 0xFF800000 : f32
    %broadcast_in_dim3A_74 = vector.broadcast %jit3A_73 : f32 to vector<256x792xf32>
    %select_n3A_75 = arith.select %eq3A_72, %broadcast_in_dim3A_74, %select_n3A_59 : vector<256x792xi1>, vector<256x792xf32>
    %reduce_max3A_76 = arith.constant dense<0xFF800000> : vector<256xf32>
    %reduce_max3A_77 = vector.multi_reduction <maximumf>, %select_n3A_75, %reduce_max3A_76 [1] : vector<256x792xf32> to vector<256xf32>
    %broadcast_in_dim3A_78 = vector.shape_cast %reduce_max3A_77 : vector<256xf32> to vector<256x1xf32>
    %eq3A_79 = vector.broadcast %broadcast_in_dim3A_78 : vector<256x1xf32> to vector<256x792xf32>
    %eq3A_80 = arith.cmpf oeq, %select_n3A_75, %eq3A_79 : vector<256x792xf32>
    %jit3A_81 = arith.constant 2147483647 : i32
    %broadcast_in_dim3A_82 = vector.broadcast %jit3A_81 : i32 to vector<256x792xi32>
    %select_n3A_83 = arith.select %eq3A_80, %iota3A, %broadcast_in_dim3A_82 : vector<256x792xi1>, vector<256x792xi32>
    %reduce_min3A_84 = arith.constant dense<2147483647> : vector<256xi32>
    %reduce_min3A_85 = vector.multi_reduction <minsi>, %select_n3A_83, %reduce_min3A_84 [1] : vector<256x792xi32> to vector<256xi32>
    %broadcast_in_dim3A_86 = vector.shape_cast %reduce_min3A_85 : vector<256xi32> to vector<256x1xi32>
    %eq3A_87 = vector.broadcast %broadcast_in_dim3A_86 : vector<256x1xi32> to vector<256x792xi32>
    %eq3A_88 = arith.cmpi eq, %iota3A, %eq3A_87 : vector<256x792xi32>
    %jit3A_89 = arith.constant 0xFF800000 : f32
    %broadcast_in_dim3A_90 = vector.broadcast %jit3A_89 : f32 to vector<256x792xf32>
    %select_n3A_91 = arith.select %eq3A_88, %broadcast_in_dim3A_90, %select_n3A_75 : vector<256x792xi1>, vector<256x792xf32>
    %reduce_max3A_92 = arith.constant dense<0xFF800000> : vector<256xf32>
    %reduce_max3A_93 = vector.multi_reduction <maximumf>, %select_n3A_91, %reduce_max3A_92 [1] : vector<256x792xf32> to vector<256xf32>
    %broadcast_in_dim3A_94 = vector.shape_cast %reduce_max3A_93 : vector<256xf32> to vector<256x1xf32>
    %eq3A_95 = vector.broadcast %broadcast_in_dim3A_94 : vector<256x1xf32> to vector<256x792xf32>
    %eq3A_96 = arith.cmpf oeq, %select_n3A_91, %eq3A_95 : vector<256x792xf32>
    %jit3A_97 = arith.constant 2147483647 : i32
    %broadcast_in_dim3A_98 = vector.broadcast %jit3A_97 : i32 to vector<256x792xi32>
    %select_n3A_99 = arith.select %eq3A_96, %iota3A, %broadcast_in_dim3A_98 : vector<256x792xi1>, vector<256x792xi32>
    %reduce_min3A_100 = arith.constant dense<2147483647> : vector<256xi32>
    %reduce_min3A_101 = vector.multi_reduction <minsi>, %select_n3A_99, %reduce_min3A_100 [1] : vector<256x792xi32> to vector<256xi32>
    %broadcast_in_dim3A_102 = vector.shape_cast %reduce_min3A_101 : vector<256xi32> to vector<256x1xi32>
    %eq3A_103 = vector.broadcast %broadcast_in_dim3A_102 : vector<256x1xi32> to vector<256x792xi32>
    %eq3A_104 = arith.cmpi eq, %iota3A, %eq3A_103 : vector<256x792xi32>
    %jit3A_105 = arith.constant 0xFF800000 : f32
    %broadcast_in_dim3A_106 = vector.broadcast %jit3A_105 : f32 to vector<256x792xf32>
    %select_n3A_107 = arith.select %eq3A_104, %broadcast_in_dim3A_106, %select_n3A_91 : vector<256x792xi1>, vector<256x792xf32>
    %reduce_max3A_108 = arith.constant dense<0xFF800000> : vector<256xf32>
    %reduce_max3A_109 = vector.multi_reduction <maximumf>, %select_n3A_107, %reduce_max3A_108 [1] : vector<256x792xf32> to vector<256xf32>
    %broadcast_in_dim3A_110 = vector.shape_cast %reduce_max3A_109 : vector<256xf32> to vector<256x1xf32>
    %eq3A_111 = vector.broadcast %broadcast_in_dim3A_110 : vector<256x1xf32> to vector<256x792xf32>
    %eq3A_112 = arith.cmpf oeq, %select_n3A_107, %eq3A_111 : vector<256x792xf32>
    %jit3A_113 = arith.constant 2147483647 : i32
    %broadcast_in_dim3A_114 = vector.broadcast %jit3A_113 : i32 to vector<256x792xi32>
    %select_n3A_115 = arith.select %eq3A_112, %iota3A, %broadcast_in_dim3A_114 : vector<256x792xi1>, vector<256x792xi32>
    %reduce_min3A_116 = arith.constant dense<2147483647> : vector<256xi32>
    %reduce_min3A_117 = vector.multi_reduction <minsi>, %select_n3A_115, %reduce_min3A_116 [1] : vector<256x792xi32> to vector<256xi32>
    %broadcast_in_dim3A_118 = vector.shape_cast %reduce_min3A_117 : vector<256xi32> to vector<256x1xi32>
    %eq3A_119 = vector.broadcast %broadcast_in_dim3A_118 : vector<256x1xi32> to vector<256x792xi32>
    %eq3A_120 = arith.cmpi eq, %iota3A, %eq3A_119 : vector<256x792xi32>
    %jit3A_121 = arith.constant 0xFF800000 : f32
    %broadcast_in_dim3A_122 = vector.broadcast %jit3A_121 : f32 to vector<256x792xf32>
    %select_n3A_123 = arith.select %eq3A_120, %broadcast_in_dim3A_122, %select_n3A_107 : vector<256x792xi1>, vector<256x792xf32>
    %reduce_max3A_124 = arith.constant dense<0xFF800000> : vector<256xf32>
    %reduce_max3A_125 = vector.multi_reduction <maximumf>, %select_n3A_123, %reduce_max3A_124 [1] : vector<256x792xf32> to vector<256xf32>
    %broadcast_in_dim3A_126 = vector.shape_cast %reduce_max3A_125 : vector<256xf32> to vector<256x1xf32>
    %eq3A_127 = vector.broadcast %broadcast_in_dim3A_126 : vector<256x1xf32> to vector<256x792xf32>
    %eq3A_128 = arith.cmpf oeq, %select_n3A_123, %eq3A_127 : vector<256x792xf32>
    %jit3A_129 = arith.constant 2147483647 : i32
    %broadcast_in_dim3A_130 = vector.broadcast %jit3A_129 : i32 to vector<256x792xi32>
    %select_n3A_131 = arith.select %eq3A_128, %iota3A, %broadcast_in_dim3A_130 : vector<256x792xi1>, vector<256x792xi32>
    %reduce_min3A_132 = arith.constant dense<2147483647> : vector<256xi32>
    %reduce_min3A_133 = vector.multi_reduction <minsi>, %select_n3A_131, %reduce_min3A_132 [1] : vector<256x792xi32> to vector<256xi32>
    %broadcast_in_dim3A_134 = vector.shape_cast %reduce_min3A_133 : vector<256xi32> to vector<256x1xi32>
    %eq3A_135 = vector.broadcast %broadcast_in_dim3A_134 : vector<256x1xi32> to vector<256x792xi32>
    %eq3A_136 = arith.cmpi eq, %iota3A, %eq3A_135 : vector<256x792xi32>
    %jit3A_137 = arith.constant 0xFF800000 : f32
    %broadcast_in_dim3A_138 = vector.broadcast %jit3A_137 : f32 to vector<256x792xf32>
    %select_n3A_139 = arith.select %eq3A_136, %broadcast_in_dim3A_138, %select_n3A_123 : vector<256x792xi1>, vector<256x792xf32>
    %reduce_max3A_140 = arith.constant dense<0xFF800000> : vector<256xf32>
    %reduce_max3A_141 = vector.multi_reduction <maximumf>, %select_n3A_139, %reduce_max3A_140 [1] : vector<256x792xf32> to vector<256xf32>
    %broadcast_in_dim3A_142 = vector.shape_cast %reduce_max3A_141 : vector<256xf32> to vector<256x1xf32>
    %eq3A_143 = vector.broadcast %broadcast_in_dim3A_142 : vector<256x1xf32> to vector<256x792xf32>
    %eq3A_144 = arith.cmpf oeq, %select_n3A_139, %eq3A_143 : vector<256x792xf32>
    %jit3A_145 = arith.constant 2147483647 : i32
    %broadcast_in_dim3A_146 = vector.broadcast %jit3A_145 : i32 to vector<256x792xi32>
    %select_n3A_147 = arith.select %eq3A_144, %iota3A, %broadcast_in_dim3A_146 : vector<256x792xi1>, vector<256x792xi32>
    %reduce_min3A_148 = arith.constant dense<2147483647> : vector<256xi32>
    %reduce_min3A_149 = vector.multi_reduction <minsi>, %select_n3A_147, %reduce_min3A_148 [1] : vector<256x792xi32> to vector<256xi32>
    %broadcast_in_dim3A_150 = vector.shape_cast %reduce_min3A_149 : vector<256xi32> to vector<256x1xi32>
    %eq3A_151 = vector.broadcast %broadcast_in_dim3A_150 : vector<256x1xi32> to vector<256x792xi32>
    %eq3A_152 = arith.cmpi eq, %iota3A, %eq3A_151 : vector<256x792xi32>
    %jit3A_153 = arith.constant 0xFF800000 : f32
    %broadcast_in_dim3A_154 = vector.broadcast %jit3A_153 : f32 to vector<256x792xf32>
    %select_n3A_155 = arith.select %eq3A_152, %broadcast_in_dim3A_154, %select_n3A_139 : vector<256x792xi1>, vector<256x792xf32>
    %reduce_max3A_156 = arith.constant dense<0xFF800000> : vector<256xf32>
    %reduce_max3A_157 = vector.multi_reduction <maximumf>, %select_n3A_155, %reduce_max3A_156 [1] : vector<256x792xf32> to vector<256xf32>
    %broadcast_in_dim3A_158 = vector.shape_cast %reduce_max3A_157 : vector<256xf32> to vector<256x1xf32>
    %eq3A_159 = vector.broadcast %broadcast_in_dim3A_158 : vector<256x1xf32> to vector<256x792xf32>
    %eq3A_160 = arith.cmpf oeq, %select_n3A_155, %eq3A_159 : vector<256x792xf32>
    %jit3A_161 = arith.constant 2147483647 : i32
    %broadcast_in_dim3A_162 = vector.broadcast %jit3A_161 : i32 to vector<256x792xi32>
    %select_n3A_163 = arith.select %eq3A_160, %iota3A, %broadcast_in_dim3A_162 : vector<256x792xi1>, vector<256x792xi32>
    %reduce_min3A_164 = arith.constant dense<2147483647> : vector<256xi32>
    %reduce_min3A_165 = vector.multi_reduction <minsi>, %select_n3A_163, %reduce_min3A_164 [1] : vector<256x792xi32> to vector<256xi32>
    %broadcast_in_dim3A_166 = vector.shape_cast %reduce_min3A_165 : vector<256xi32> to vector<256x1xi32>
    %eq3A_167 = vector.broadcast %broadcast_in_dim3A_166 : vector<256x1xi32> to vector<256x792xi32>
    %eq3A_168 = arith.cmpi eq, %iota3A, %eq3A_167 : vector<256x792xi32>
    %jit3A_169 = arith.constant 0xFF800000 : f32
    %broadcast_in_dim3A_170 = vector.broadcast %jit3A_169 : f32 to vector<256x792xf32>
    %select_n3A_171 = arith.select %eq3A_168, %broadcast_in_dim3A_170, %select_n3A_155 : vector<256x792xi1>, vector<256x792xf32>
    %reduce_max3A_172 = arith.constant dense<0xFF800000> : vector<256xf32>
    %reduce_max3A_173 = vector.multi_reduction <maximumf>, %select_n3A_171, %reduce_max3A_172 [1] : vector<256x792xf32> to vector<256xf32>
    %broadcast_in_dim3A_174 = vector.shape_cast %reduce_max3A_173 : vector<256xf32> to vector<256x1xf32>
    %eq3A_175 = vector.broadcast %broadcast_in_dim3A_174 : vector<256x1xf32> to vector<256x792xf32>
    %eq3A_176 = arith.cmpf oeq, %select_n3A_171, %eq3A_175 : vector<256x792xf32>
    %jit3A_177 = arith.constant 2147483647 : i32
    %broadcast_in_dim3A_178 = vector.broadcast %jit3A_177 : i32 to vector<256x792xi32>
    %select_n3A_179 = arith.select %eq3A_176, %iota3A, %broadcast_in_dim3A_178 : vector<256x792xi1>, vector<256x792xi32>
    %reduce_min3A_180 = arith.constant dense<2147483647> : vector<256xi32>
    %reduce_min3A_181 = vector.multi_reduction <minsi>, %select_n3A_179, %reduce_min3A_180 [1] : vector<256x792xi32> to vector<256xi32>
    %broadcast_in_dim3A_182 = vector.shape_cast %reduce_min3A_181 : vector<256xi32> to vector<256x1xi32>
    %eq3A_183 = vector.broadcast %broadcast_in_dim3A_182 : vector<256x1xi32> to vector<256x792xi32>
    %eq3A_184 = arith.cmpi eq, %iota3A, %eq3A_183 : vector<256x792xi32>
    %jit3A_185 = arith.constant 0xFF800000 : f32
    %broadcast_in_dim3A_186 = vector.broadcast %jit3A_185 : f32 to vector<256x792xf32>
    %select_n3A_187 = arith.select %eq3A_184, %broadcast_in_dim3A_186, %select_n3A_171 : vector<256x792xi1>, vector<256x792xf32>
    %reduce_max3A_188 = arith.constant dense<0xFF800000> : vector<256xf32>
    %reduce_max3A_189 = vector.multi_reduction <maximumf>, %select_n3A_187, %reduce_max3A_188 [1] : vector<256x792xf32> to vector<256xf32>
    %broadcast_in_dim3A_190 = vector.shape_cast %reduce_max3A_189 : vector<256xf32> to vector<256x1xf32>
    %eq3A_191 = vector.broadcast %broadcast_in_dim3A_190 : vector<256x1xf32> to vector<256x792xf32>
    %eq3A_192 = arith.cmpf oeq, %select_n3A_187, %eq3A_191 : vector<256x792xf32>
    %jit3A_193 = arith.constant 2147483647 : i32
    %broadcast_in_dim3A_194 = vector.broadcast %jit3A_193 : i32 to vector<256x792xi32>
    %select_n3A_195 = arith.select %eq3A_192, %iota3A, %broadcast_in_dim3A_194 : vector<256x792xi1>, vector<256x792xi32>
    %reduce_min3A_196 = arith.constant dense<2147483647> : vector<256xi32>
    %reduce_min3A_197 = vector.multi_reduction <minsi>, %select_n3A_195, %reduce_min3A_196 [1] : vector<256x792xi32> to vector<256xi32>
    %broadcast_in_dim3A_198 = vector.shape_cast %reduce_min3A_197 : vector<256xi32> to vector<256x1xi32>
    %eq3A_199 = vector.broadcast %broadcast_in_dim3A_198 : vector<256x1xi32> to vector<256x792xi32>
    %eq3A_200 = arith.cmpi eq, %iota3A, %eq3A_199 : vector<256x792xi32>
    %jit3A_201 = arith.constant 0xFF800000 : f32
    %broadcast_in_dim3A_202 = vector.broadcast %jit3A_201 : f32 to vector<256x792xf32>
    %select_n3A_203 = arith.select %eq3A_200, %broadcast_in_dim3A_202, %select_n3A_187 : vector<256x792xi1>, vector<256x792xf32>
    %reduce_max3A_204 = arith.constant dense<0xFF800000> : vector<256xf32>
    %reduce_max3A_205 = vector.multi_reduction <maximumf>, %select_n3A_203, %reduce_max3A_204 [1] : vector<256x792xf32> to vector<256xf32>
    %broadcast_in_dim3A_206 = vector.shape_cast %reduce_max3A_205 : vector<256xf32> to vector<256x1xf32>
    %eq3A_207 = vector.broadcast %broadcast_in_dim3A_206 : vector<256x1xf32> to vector<256x792xf32>
    %eq3A_208 = arith.cmpf oeq, %select_n3A_203, %eq3A_207 : vector<256x792xf32>
    %jit3A_209 = arith.constant 2147483647 : i32
    %broadcast_in_dim3A_210 = vector.broadcast %jit3A_209 : i32 to vector<256x792xi32>
    %select_n3A_211 = arith.select %eq3A_208, %iota3A, %broadcast_in_dim3A_210 : vector<256x792xi1>, vector<256x792xi32>
    %reduce_min3A_212 = arith.constant dense<2147483647> : vector<256xi32>
    %reduce_min3A_213 = vector.multi_reduction <minsi>, %select_n3A_211, %reduce_min3A_212 [1] : vector<256x792xi32> to vector<256xi32>
    %broadcast_in_dim3A_214 = vector.shape_cast %reduce_min3A_213 : vector<256xi32> to vector<256x1xi32>
    %eq3A_215 = vector.broadcast %broadcast_in_dim3A_214 : vector<256x1xi32> to vector<256x792xi32>
    %eq3A_216 = arith.cmpi eq, %iota3A, %eq3A_215 : vector<256x792xi32>
    %jit3A_217 = arith.constant 0xFF800000 : f32
    %broadcast_in_dim3A_218 = vector.broadcast %jit3A_217 : f32 to vector<256x792xf32>
    %select_n3A_219 = arith.select %eq3A_216, %broadcast_in_dim3A_218, %select_n3A_203 : vector<256x792xi1>, vector<256x792xf32>
    %reduce_max3A_220 = arith.constant dense<0xFF800000> : vector<256xf32>
    %reduce_max3A_221 = vector.multi_reduction <maximumf>, %select_n3A_219, %reduce_max3A_220 [1] : vector<256x792xf32> to vector<256xf32>
    %broadcast_in_dim3A_222 = vector.shape_cast %reduce_max3A_221 : vector<256xf32> to vector<256x1xf32>
    %eq3A_223 = vector.broadcast %broadcast_in_dim3A_222 : vector<256x1xf32> to vector<256x792xf32>
    %eq3A_224 = arith.cmpf oeq, %select_n3A_219, %eq3A_223 : vector<256x792xf32>
    %jit3A_225 = arith.constant 2147483647 : i32
    %broadcast_in_dim3A_226 = vector.broadcast %jit3A_225 : i32 to vector<256x792xi32>
    %select_n3A_227 = arith.select %eq3A_224, %iota3A, %broadcast_in_dim3A_226 : vector<256x792xi1>, vector<256x792xi32>
    %reduce_min3A_228 = arith.constant dense<2147483647> : vector<256xi32>
    %reduce_min3A_229 = vector.multi_reduction <minsi>, %select_n3A_227, %reduce_min3A_228 [1] : vector<256x792xi32> to vector<256xi32>
    %broadcast_in_dim3A_230 = vector.shape_cast %reduce_min3A_229 : vector<256xi32> to vector<256x1xi32>
    %eq3A_231 = vector.broadcast %broadcast_in_dim3A_230 : vector<256x1xi32> to vector<256x792xi32>
    %eq3A_232 = arith.cmpi eq, %iota3A, %eq3A_231 : vector<256x792xi32>
    %jit3A_233 = arith.constant 0xFF800000 : f32
    %broadcast_in_dim3A_234 = vector.broadcast %jit3A_233 : f32 to vector<256x792xf32>
    %select_n3A_235 = arith.select %eq3A_232, %broadcast_in_dim3A_234, %select_n3A_219 : vector<256x792xi1>, vector<256x792xf32>
    %reduce_max3A_236 = arith.constant dense<0xFF800000> : vector<256xf32>
    %reduce_max3A_237 = vector.multi_reduction <maximumf>, %select_n3A_235, %reduce_max3A_236 [1] : vector<256x792xf32> to vector<256xf32>
    %broadcast_in_dim3A_238 = vector.shape_cast %reduce_max3A_237 : vector<256xf32> to vector<256x1xf32>
    %eq3A_239 = vector.broadcast %broadcast_in_dim3A_238 : vector<256x1xf32> to vector<256x792xf32>
    %eq3A_240 = arith.cmpf oeq, %select_n3A_235, %eq3A_239 : vector<256x792xf32>
    %jit3A_241 = arith.constant 2147483647 : i32
    %broadcast_in_dim3A_242 = vector.broadcast %jit3A_241 : i32 to vector<256x792xi32>
    %select_n3A_243 = arith.select %eq3A_240, %iota3A, %broadcast_in_dim3A_242 : vector<256x792xi1>, vector<256x792xi32>
    %reduce_min3A_244 = arith.constant dense<2147483647> : vector<256xi32>
    %reduce_min3A_245 = vector.multi_reduction <minsi>, %select_n3A_243, %reduce_min3A_244 [1] : vector<256x792xi32> to vector<256xi32>
    %broadcast_in_dim3A_246 = vector.shape_cast %reduce_min3A_245 : vector<256xi32> to vector<256x1xi32>
    %concatenate3A = tpu.concatenate %broadcast_in_dim3A_6, %broadcast_in_dim3A_22, %broadcast_in_dim3A_38, %broadcast_in_dim3A_54, %broadcast_in_dim3A_70, %broadcast_in_dim3A_86, %broadcast_in_dim3A_102, %broadcast_in_dim3A_118, %broadcast_in_dim3A_134, %broadcast_in_dim3A_150, %broadcast_in_dim3A_166, %broadcast_in_dim3A_182, %broadcast_in_dim3A_198, %broadcast_in_dim3A_214, %broadcast_in_dim3A_230, %broadcast_in_dim3A_246 in 1 : vector<256x1xi32>, vector<256x1xi32>, vector<256x1xi32>, vector<256x1xi32>, vector<256x1xi32>, vector<256x1xi32>, vector<256x1xi32>, vector<256x1xi32>, vector<256x1xi32>, vector<256x1xi32>, vector<256x1xi32>, vector<256x1xi32>, vector<256x1xi32>, vector<256x1xi32>, vector<256x1xi32>, vector<256x1xi32> -> vector<256x16xi32>
    %iota3A_247 = tpu.iota {dimensions = array<i32: 0>} : vector<256x16xi32>
    %mul3A = arith.constant 256 : i32
    %mul3A_248 = arith.muli %arg0, %mul3A : i32
    %add3A = vector.broadcast %mul3A_248 : i32 to vector<256x16xi32>
    %add3A_249 = arith.addi %iota3A_247, %add3A : vector<256x16xi32>
    %mul3A_250 = arith.constant 792 : i32
    %mul3A_251 = vector.broadcast %mul3A_250 : i32 to vector<256x16xi32>
    %mul3A_252 = arith.muli %add3A_249, %mul3A_251 : vector<256x16xi32>
    %add3A_253 = arith.addi %mul3A_252, %concatenate3A : vector<256x16xi32>
    %swap3A = arith.constant 0 : index
    %swap3A_254 = arith.constant 0 : index
    %swap3A_255 = vector.load %arg11[%swap3A, %swap3A_254] : memref<256x16xi32, #tpu.memory_space<vmem>>, vector<256x16xi32>
    tpu.vector_store %arg11[%swap3A, %swap3A_254], %add3A_253 {strides = array<i32>} : memref<256x16xi32, #tpu.memory_space<vmem>>, vector<256x16xi32>,
    %get3A_256 = arith.constant 0 : index
    %get3A_257 = arith.constant 0 : index
    %get3A_258 = vector.load %arg2[%get3A_256, %get3A_257] : memref<256x512xf32, #tpu.memory_space<vmem>>, vector<256x512xf32>
    %get3A_259 = arith.constant 0 : index
    %get3A_260 = arith.constant 0 : index
    %get3A_261 = vector.load %arg3[%get3A_259, %get3A_260] : memref<1638x512xf32, #tpu.memory_space<vmem>>, vector<1638x512xf32>
    %dot_general3A = arith.constant dense<0.000000e+00> : vector<256x1638xf32>
    %dot_general3A_262 = tpu.matmul %get3A_258, %get3A_261, %dot_general3A {dimension_numbers = #tpu.dot_dimension_numbers<[1], [1], [0], [0], [0, 0, 1, 0], [], []>, transpose_lhs_hint = false} : vector<256x512xf32>, vector<1638x512xf32>, vector<256x1638xf32> -> vector<256x1638xf32>
    %get3A_263 = arith.constant 0 : index
    %get3A_264 = arith.constant 0 : index
    %get3A_265 = vector.load %arg4[%get3A_263, %get3A_264] : memref<1x1638xf32, #tpu.memory_space<vmem>>, vector<1x1638xf32>
    %add3A_266 = vector.broadcast %get3A_265 : vector<1x1638xf32> to vector<256x1638xf32>
    %add3A_267 = arith.addf %dot_general3A_262, %add3A_266 : vector<256x1638xf32>
    %swap3A_268 = arith.constant 0 : index
    %swap3A_269 = arith.constant 0 : index
    %swap3A_270 = vector.load %arg12[%swap3A_268, %swap3A_269] : memref<256x1638xf32, #tpu.memory_space<vmem>>, vector<256x1638xf32>
    tpu.vector_store %arg12[%swap3A_268, %swap3A_269], %add3A_267 {strides = array<i32>} : memref<256x1638xf32, #tpu.memory_space<vmem>>, vector<256x1638xf32>,
    %eq3A_271 = arith.constant 0 : i32
    %eq3A_272 = arith.cmpi eq, %arg0, %eq3A_271 : i32
    %convert_element_type3A = arith.extui %eq3A_272 : i1 to i32
    %cond3A = arith.constant 0 : i32
    %cond3A_273 = arith.cmpi ne, %convert_element_type3A, %cond3A : i32
    scf.if %cond3A_273 {
      %get3A_274 = arith.constant 0 : index
      %get3A_275 = arith.constant 0 : index
      %get3A_276 = vector.load %arg8[%get3A_274, %get3A_275] : memref<1536x512xf32, #tpu.memory_space<vmem>>, vector<512x512xf32>
      %get3A_277 = arith.constant 512 : index
      %get3A_278 = arith.constant 0 : index
      %get3A_279 = vector.load %arg8[%get3A_277, %get3A_278] : memref<1536x512xf32, #tpu.memory_space<vmem>>, vector<512x512xf32>
      %get3A_280 = arith.constant 1024 : index
      %get3A_281 = arith.constant 0 : index
      %get3A_282 = vector.load %arg8[%get3A_280, %get3A_281] : memref<1536x512xf32, #tpu.memory_space<vmem>>, vector<512x512xf32>
      %get3A_283 = arith.constant 0 : index
      %get3A_284 = arith.constant 0 : index
      %get3A_285 = vector.load %arg5[%get3A_283, %get3A_284] : memref<512x512xf32, #tpu.memory_space<vmem>>, vector<512x512xf32>
      %dot_general3A_286 = arith.constant dense<0.000000e+00> : vector<512x512xf32>
      %dot_general3A_287 = tpu.matmul %get3A_276, %get3A_285, %dot_general3A_286 {dimension_numbers = #tpu.dot_dimension_numbers<[1], [0], [0], [1], [0, 0, 1, 1], [], []>, transpose_lhs_hint = false} : vector<512x512xf32>, vector<512x512xf32>, vector<512x512xf32> -> vector<512x512xf32>
      %swap3A_288 = arith.constant 0 : index
      %swap3A_289 = arith.constant 0 : index
      %swap3A_290 = vector.load %arg13[%swap3A_288, %swap3A_289] : memref<512x512xf32, #tpu.memory_space<vmem>>, vector<512x512xf32>
      tpu.vector_store %arg13[%swap3A_288, %swap3A_289], %dot_general3A_287 {strides = array<i32>} : memref<512x512xf32, #tpu.memory_space<vmem>>, vector<512x512xf32>,
      %get3A_291 = arith.constant 0 : index
      %get3A_292 = arith.constant 0 : index
      %get3A_293 = vector.load %arg6[%get3A_291, %get3A_292] : memref<512x512xf32, #tpu.memory_space<vmem>>, vector<512x512xf32>
      %dot_general3A_294 = arith.constant dense<0.000000e+00> : vector<512x512xf32>
      %dot_general3A_295 = tpu.matmul %get3A_279, %get3A_293, %dot_general3A_294 {dimension_numbers = #tpu.dot_dimension_numbers<[1], [0], [0], [1], [0, 0, 1, 1], [], []>, transpose_lhs_hint = false} : vector<512x512xf32>, vector<512x512xf32>, vector<512x512xf32> -> vector<512x512xf32>
      %swap3A_296 = arith.constant 0 : index
      %swap3A_297 = arith.constant 0 : index
      %swap3A_298 = vector.load %arg14[%swap3A_296, %swap3A_297] : memref<512x512xf32, #tpu.memory_space<vmem>>, vector<512x512xf32>
      tpu.vector_store %arg14[%swap3A_296, %swap3A_297], %dot_general3A_295 {strides = array<i32>} : memref<512x512xf32, #tpu.memory_space<vmem>>, vector<512x512xf32>,
      %get3A_299 = arith.constant 0 : index
      %get3A_300 = arith.constant 0 : index
      %get3A_301 = vector.load %arg7[%get3A_299, %get3A_300] : memref<512x512xf32, #tpu.memory_space<vmem>>, vector<512x512xf32>
      %dot_general3A_302 = arith.constant dense<0.000000e+00> : vector<512x512xf32>
      %dot_general3A_303 = tpu.matmul %get3A_282, %get3A_301, %dot_general3A_302 {dimension_numbers = #tpu.dot_dimension_numbers<[1], [0], [0], [1], [0, 0, 1, 1], [], []>, transpose_lhs_hint = false} : vector<512x512xf32>, vector<512x512xf32>, vector<512x512xf32> -> vector<512x512xf32>
      %swap3A_304 = arith.constant 0 : index
      %swap3A_305 = arith.constant 0 : index
      %swap3A_306 = vector.load %arg15[%swap3A_304, %swap3A_305] : memref<512x512xf32, #tpu.memory_space<vmem>>, vector<512x512xf32>
      tpu.vector_store %arg15[%swap3A_304, %swap3A_305], %dot_general3A_303 {strides = array<i32>} : memref<512x512xf32, #tpu.memory_space<vmem>>, vector<512x512xf32>,
      %get3A_307 = arith.constant 0 : index
      %get3A_308 = arith.constant 0 : index
      %get3A_309 = vector.load %arg9[%get3A_307, %get3A_308] : memref<3x512xf32, #tpu.memory_space<vmem>>, vector<1x512xf32>
      %dot_general3A_310 = arith.constant dense<0.000000e+00> : vector<1x512xf32>
      %dot_general3A_311 = tpu.matmul %get3A_309, %get3A_276, %dot_general3A_310 {dimension_numbers = #tpu.dot_dimension_numbers<[1], [1], [0], [0], [0, 0, 1, 0], [], []>, transpose_lhs_hint = false} : vector<1x512xf32>, vector<512x512xf32>, vector<1x512xf32> -> vector<1x512xf32>
      %get3A_312 = arith.constant 0 : index
      %get3A_313 = arith.constant 0 : index
      %get3A_314 = vector.load %arg10[%get3A_312, %get3A_313] : memref<3x512xf32, #tpu.memory_space<vmem>>, vector<1x512xf32>
      %add3A_315 = arith.addf %dot_general3A_311, %get3A_314 : vector<1x512xf32>
      %get3A_316 = arith.constant 1 : index
      %get3A_317 = arith.constant 0 : index
      %get3A_318 = vector.load %arg9[%get3A_316, %get3A_317] : memref<3x512xf32, #tpu.memory_space<vmem>>, vector<1x512xf32>
      %dot_general3A_319 = arith.constant dense<0.000000e+00> : vector<1x512xf32>
      %dot_general3A_320 = tpu.matmul %get3A_318, %get3A_279, %dot_general3A_319 {dimension_numbers = #tpu.dot_dimension_numbers<[1], [1], [0], [0], [0, 0, 1, 0], [], []>, transpose_lhs_hint = false} : vector<1x512xf32>, vector<512x512xf32>, vector<1x512xf32> -> vector<1x512xf32>
      %get3A_321 = arith.constant 1 : index
      %get3A_322 = arith.constant 0 : index
      %get3A_323 = vector.load %arg10[%get3A_321, %get3A_322] : memref<3x512xf32, #tpu.memory_space<vmem>>, vector<1x512xf32>
      %add3A_324 = arith.addf %dot_general3A_320, %get3A_323 : vector<1x512xf32>
      %get3A_325 = arith.constant 2 : index
      %get3A_326 = arith.constant 0 : index
      %get3A_327 = vector.load %arg9[%get3A_325, %get3A_326] : memref<3x512xf32, #tpu.memory_space<vmem>>, vector<1x512xf32>
      %dot_general3A_328 = arith.constant dense<0.000000e+00> : vector<1x512xf32>
      %dot_general3A_329 = tpu.matmul %get3A_327, %get3A_282, %dot_general3A_328 {dimension_numbers = #tpu.dot_dimension_numbers<[1], [1], [0], [0], [0, 0, 1, 0], [], []>, transpose_lhs_hint = false} : vector<1x512xf32>, vector<512x512xf32>, vector<1x512xf32> -> vector<1x512xf32>
      %get3A_330 = arith.constant 2 : index
      %get3A_331 = arith.constant 0 : index
      %get3A_332 = vector.load %arg10[%get3A_330, %get3A_331] : memref<3x512xf32, #tpu.memory_space<vmem>>, vector<1x512xf32>
      %add3A_333 = arith.addf %dot_general3A_329, %get3A_332 : vector<1x512xf32>
      %concatenate3A_334 = tpu.concatenate %add3A_315, %add3A_324, %add3A_333 in 0 : vector<1x512xf32>, vector<1x512xf32>, vector<1x512xf32> -> vector<3x512xf32>
      %swap3A_335 = arith.constant 0 : index
      %swap3A_336 = arith.constant 0 : index
      %swap3A_337 = vector.load %arg16[%swap3A_335, %swap3A_336] : memref<3x512xf32, #tpu.memory_space<vmem>>, vector<3x512xf32>
      tpu.vector_store %arg16[%swap3A_335, %swap3A_336], %concatenate3A_334 {strides = array<i32>} : memref<3x512xf32, #tpu.memory_space<vmem>>, vector<3x512xf32>,
    } else {
    }
    return
  }
  func.func @transform_0(%arg0: i32) -> (i32, i32) {
    %c0_i32 = arith.constant 0 : i32
    %c0_i32_0 = arith.constant 0 : i32
    return %arg0, %c0_i32 : i32, i32
  }
  func.func @transform_1(%arg0: i32) -> (i32, i32) {
    %c0_i32 = arith.constant 0 : i32
    %c0_i32_0 = arith.constant 0 : i32
    return %arg0, %c0_i32 : i32, i32
  }
  func.func @transform_2(%arg0: i32) -> (i32, i32) {
    %c0_i32 = arith.constant 0 : i32
    %c0_i32_0 = arith.constant 0 : i32
    %c0_i32_1 = arith.constant 0 : i32
    return %c0_i32, %c0_i32_0 : i32, i32
  }
  func.func @transform_3(%arg0: i32) -> (i32, i32) {
    %c0_i32 = arith.constant 0 : i32
    %c0_i32_0 = arith.constant 0 : i32
    %c0_i32_1 = arith.constant 0 : i32
    return %c0_i32, %c0_i32_0 : i32, i32
  }
  func.func @transform_4(%arg0: i32) -> (i32, i32) {
    %c0_i32 = arith.constant 0 : i32
    %c0_i32_0 = arith.constant 0 : i32
    %c0_i32_1 = arith.constant 0 : i32
    return %c0_i32, %c0_i32_0 : i32, i32
  }
  func.func @transform_5(%arg0: i32) -> (i32, i32) {
    %c0_i32 = arith.constant 0 : i32
    %c0_i32_0 = arith.constant 0 : i32
    %c0_i32_1 = arith.constant 0 : i32
    return %c0_i32, %c0_i32_0 : i32, i32
  }
  func.func @transform_6(%arg0: i32) -> (i32, i32) {
    %c0_i32 = arith.constant 0 : i32
    %c0_i32_0 = arith.constant 0 : i32
    %c0_i32_1 = arith.constant 0 : i32
    return %c0_i32, %c0_i32_0 : i32, i32
  }
  func.func @transform_7(%arg0: i32) -> (i32, i32) {
    %c0_i32 = arith.constant 0 : i32
    %c0_i32_0 = arith.constant 0 : i32
    %c0_i32_1 = arith.constant 0 : i32
    return %c0_i32, %c0_i32_0 : i32, i32
  }
  func.func @transform_8(%arg0: i32) -> (i32, i32) {
    %c0_i32 = arith.constant 0 : i32
    %c0_i32_0 = arith.constant 0 : i32
    %c0_i32_1 = arith.constant 0 : i32
    return %c0_i32, %c0_i32_0 : i32, i32
  }
  func.func @transform_9(%arg0: i32) -> (i32, i32) {
    %c0_i32 = arith.constant 0 : i32
    %c0_i32_0 = arith.constant 0 : i32
    %c0_i32_1 = arith.constant 0 : i32
    return %c0_i32, %c0_i32_0 : i32, i32
  }
  func.func @transform_10(%arg0: i32) -> (i32, i32) {
    %c0_i32 = arith.constant 0 : i32
    %c0_i32_0 = arith.constant 0 : i32
    return %arg0, %c0_i32 : i32, i32
  }
  func.func @transform_11(%arg0: i32) -> (i32, i32) {
    %c0_i32 = arith.constant 0 : i32
    %c0_i32_0 = arith.constant 0 : i32
    return %arg0, %c0_i32 : i32, i32
  }
  func.func @transform_12(%arg0: i32) -> (i32, i32) {
    %c0_i32 = arith.constant 0 : i32
    %c0_i32_0 = arith.constant 0 : i32
    %c0_i32_1 = arith.constant 0 : i32
    return %c0_i32, %c0_i32_0 : i32, i32
  }
  func.func @transform_13(%arg0: i32) -> (i32, i32) {
    %c0_i32 = arith.constant 0 : i32
    %c0_i32_0 = arith.constant 0 : i32
    %c0_i32_1 = arith.constant 0 : i32
    return %c0_i32, %c0_i32_0 : i32, i32
  }
  func.func @transform_14(%arg0: i32) -> (i32, i32) {
    %c0_i32 = arith.constant 0 : i32
    %c0_i32_0 = arith.constant 0 : i32
    %c0_i32_1 = arith.constant 0 : i32
    return %c0_i32, %c0_i32_0 : i32, i32
  }
  func.func @transform_15(%arg0: i32) -> (i32, i32) {
    %c0_i32 = arith.constant 0 : i32
    %c0_i32_0 = arith.constant 0 : i32
    %c0_i32_1 = arith.constant 0 : i32
    return %c0_i32, %c0_i32_0 : i32, i32
  }
}

module attributes {stable_mosaic.version = 14 : i64} {
  func.func @_finalsel_body(%arg0: i32, %arg1: memref<256x2048xf32, #tpu.memory_space<vmem>>, %arg2: memref<256x16xi32, #tpu.memory_space<vmem>>, %arg3: memref<256x16xi32, #tpu.memory_space<vmem>>) attributes {dimension_semantics = [#tpu.dimension_semantics<arbitrary>], iteration_bounds = array<i64: 4>, scalar_prefetch = 0 : i64, scratch_operands = 0 : i64, tpu.core_type = #tpu.core_type<tc>, window_params = [{transform_indices = @transform_0, window_bounds = array<i64: 256, 2048>}, {transform_indices = @transform_1, window_bounds = array<i64: 256, 16>}, {transform_indices = @transform_2, window_bounds = array<i64: 256, 16>}]} {
    %get3A = arith.constant 0 : index
    %get3A_0 = arith.constant 0 : index
    %get3A_1 = vector.load %arg1[%get3A, %get3A_0] : memref<256x2048xf32, #tpu.memory_space<vmem>>, vector<256x2048xf32>
    %get3A_2 = arith.constant 0 : index
    %get3A_3 = arith.constant 0 : index
    %get3A_4 = vector.load %arg2[%get3A_2, %get3A_3] : memref<256x16xi32, #tpu.memory_space<vmem>>, vector<256x16xi32>
    %iota3A = tpu.iota {dimensions = array<i32: 0>} : vector<256x16xi32>
    %mul3A = arith.constant 256 : i32
    %mul3A_5 = arith.muli %arg0, %mul3A : i32
    %add3A = vector.broadcast %mul3A_5 : i32 to vector<256x16xi32>
    %add3A_6 = arith.addi %iota3A, %add3A : vector<256x16xi32>
    %mul3A_7 = arith.constant 792 : i32
    %mul3A_8 = vector.broadcast %mul3A_7 : i32 to vector<256x16xi32>
    %mul3A_9 = arith.muli %add3A_6, %mul3A_8 : vector<256x16xi32>
    %sub3A = arith.subi %get3A_4, %mul3A_9 : vector<256x16xi32>
    %mul3A_10 = arith.constant 128 : i32
    %mul3A_11 = vector.broadcast %mul3A_10 : i32 to vector<256x16xi32>
    %mul3A_12 = arith.muli %sub3A, %mul3A_11 : vector<256x16xi32>
    %iota3A_13 = tpu.iota {dimensions = array<i32: 1>} : vector<256x128xi32>
    %slice3A = vector.extract_strided_slice %mul3A_12 {offsets = [0, 0], sizes = [256, 1], strides = [1, 1]} : vector<256x16xi32> to vector<256x1xi32>
    %add3A_14 = vector.broadcast %slice3A : vector<256x1xi32> to vector<256x128xi32>
    %add3A_15 = arith.addi %add3A_14, %iota3A_13 : vector<256x128xi32>
    %slice3A_16 = vector.extract_strided_slice %mul3A_12 {offsets = [0, 1], sizes = [256, 1], strides = [1, 1]} : vector<256x16xi32> to vector<256x1xi32>
    %add3A_17 = vector.broadcast %slice3A_16 : vector<256x1xi32> to vector<256x128xi32>
    %add3A_18 = arith.addi %add3A_17, %iota3A_13 : vector<256x128xi32>
    %slice3A_19 = vector.extract_strided_slice %mul3A_12 {offsets = [0, 2], sizes = [256, 1], strides = [1, 1]} : vector<256x16xi32> to vector<256x1xi32>
    %add3A_20 = vector.broadcast %slice3A_19 : vector<256x1xi32> to vector<256x128xi32>
    %add3A_21 = arith.addi %add3A_20, %iota3A_13 : vector<256x128xi32>
    %slice3A_22 = vector.extract_strided_slice %mul3A_12 {offsets = [0, 3], sizes = [256, 1], strides = [1, 1]} : vector<256x16xi32> to vector<256x1xi32>
    %add3A_23 = vector.broadcast %slice3A_22 : vector<256x1xi32> to vector<256x128xi32>
    %add3A_24 = arith.addi %add3A_23, %iota3A_13 : vector<256x128xi32>
    %slice3A_25 = vector.extract_strided_slice %mul3A_12 {offsets = [0, 4], sizes = [256, 1], strides = [1, 1]} : vector<256x16xi32> to vector<256x1xi32>
    %add3A_26 = vector.broadcast %slice3A_25 : vector<256x1xi32> to vector<256x128xi32>
    %add3A_27 = arith.addi %add3A_26, %iota3A_13 : vector<256x128xi32>
    %slice3A_28 = vector.extract_strided_slice %mul3A_12 {offsets = [0, 5], sizes = [256, 1], strides = [1, 1]} : vector<256x16xi32> to vector<256x1xi32>
    %add3A_29 = vector.broadcast %slice3A_28 : vector<256x1xi32> to vector<256x128xi32>
    %add3A_30 = arith.addi %add3A_29, %iota3A_13 : vector<256x128xi32>
    %slice3A_31 = vector.extract_strided_slice %mul3A_12 {offsets = [0, 6], sizes = [256, 1], strides = [1, 1]} : vector<256x16xi32> to vector<256x1xi32>
    %add3A_32 = vector.broadcast %slice3A_31 : vector<256x1xi32> to vector<256x128xi32>
    %add3A_33 = arith.addi %add3A_32, %iota3A_13 : vector<256x128xi32>
    %slice3A_34 = vector.extract_strided_slice %mul3A_12 {offsets = [0, 7], sizes = [256, 1], strides = [1, 1]} : vector<256x16xi32> to vector<256x1xi32>
    %add3A_35 = vector.broadcast %slice3A_34 : vector<256x1xi32> to vector<256x128xi32>
    %add3A_36 = arith.addi %add3A_35, %iota3A_13 : vector<256x128xi32>
    %slice3A_37 = vector.extract_strided_slice %mul3A_12 {offsets = [0, 8], sizes = [256, 1], strides = [1, 1]} : vector<256x16xi32> to vector<256x1xi32>
    %add3A_38 = vector.broadcast %slice3A_37 : vector<256x1xi32> to vector<256x128xi32>
    %add3A_39 = arith.addi %add3A_38, %iota3A_13 : vector<256x128xi32>
    %slice3A_40 = vector.extract_strided_slice %mul3A_12 {offsets = [0, 9], sizes = [256, 1], strides = [1, 1]} : vector<256x16xi32> to vector<256x1xi32>
    %add3A_41 = vector.broadcast %slice3A_40 : vector<256x1xi32> to vector<256x128xi32>
    %add3A_42 = arith.addi %add3A_41, %iota3A_13 : vector<256x128xi32>
    %slice3A_43 = vector.extract_strided_slice %mul3A_12 {offsets = [0, 10], sizes = [256, 1], strides = [1, 1]} : vector<256x16xi32> to vector<256x1xi32>
    %add3A_44 = vector.broadcast %slice3A_43 : vector<256x1xi32> to vector<256x128xi32>
    %add3A_45 = arith.addi %add3A_44, %iota3A_13 : vector<256x128xi32>
    %slice3A_46 = vector.extract_strided_slice %mul3A_12 {offsets = [0, 11], sizes = [256, 1], strides = [1, 1]} : vector<256x16xi32> to vector<256x1xi32>
    %add3A_47 = vector.broadcast %slice3A_46 : vector<256x1xi32> to vector<256x128xi32>
    %add3A_48 = arith.addi %add3A_47, %iota3A_13 : vector<256x128xi32>
    %slice3A_49 = vector.extract_strided_slice %mul3A_12 {offsets = [0, 12], sizes = [256, 1], strides = [1, 1]} : vector<256x16xi32> to vector<256x1xi32>
    %add3A_50 = vector.broadcast %slice3A_49 : vector<256x1xi32> to vector<256x128xi32>
    %add3A_51 = arith.addi %add3A_50, %iota3A_13 : vector<256x128xi32>
    %slice3A_52 = vector.extract_strided_slice %mul3A_12 {offsets = [0, 13], sizes = [256, 1], strides = [1, 1]} : vector<256x16xi32> to vector<256x1xi32>
    %add3A_53 = vector.broadcast %slice3A_52 : vector<256x1xi32> to vector<256x128xi32>
    %add3A_54 = arith.addi %add3A_53, %iota3A_13 : vector<256x128xi32>
    %slice3A_55 = vector.extract_strided_slice %mul3A_12 {offsets = [0, 14], sizes = [256, 1], strides = [1, 1]} : vector<256x16xi32> to vector<256x1xi32>
    %add3A_56 = vector.broadcast %slice3A_55 : vector<256x1xi32> to vector<256x128xi32>
    %add3A_57 = arith.addi %add3A_56, %iota3A_13 : vector<256x128xi32>
    %slice3A_58 = vector.extract_strided_slice %mul3A_12 {offsets = [0, 15], sizes = [256, 1], strides = [1, 1]} : vector<256x16xi32> to vector<256x1xi32>
    %add3A_59 = vector.broadcast %slice3A_58 : vector<256x1xi32> to vector<256x128xi32>
    %add3A_60 = arith.addi %add3A_59, %iota3A_13 : vector<256x128xi32>
    %concatenate3A = tpu.concatenate %add3A_15, %add3A_18, %add3A_21, %add3A_24, %add3A_27, %add3A_30, %add3A_33, %add3A_36, %add3A_39, %add3A_42, %add3A_45, %add3A_48, %add3A_51, %add3A_54, %add3A_57, %add3A_60 in 1 : vector<256x128xi32>, vector<256x128xi32>, vector<256x128xi32>, vector<256x128xi32>, vector<256x128xi32>, vector<256x128xi32>, vector<256x128xi32>, vector<256x128xi32>, vector<256x128xi32>, vector<256x128xi32>, vector<256x128xi32>, vector<256x128xi32>, vector<256x128xi32>, vector<256x128xi32>, vector<256x128xi32>, vector<256x128xi32> -> vector<256x2048xi32>
    %reduce_max3A = arith.constant dense<0xFF800000> : vector<256xf32>
    %reduce_max3A_61 = vector.multi_reduction <maximumf>, %get3A_1, %reduce_max3A [1] : vector<256x2048xf32> to vector<256xf32>
    %broadcast_in_dim3A = vector.shape_cast %reduce_max3A_61 : vector<256xf32> to vector<256x1xf32>
    %eq3A = vector.broadcast %broadcast_in_dim3A : vector<256x1xf32> to vector<256x2048xf32>
    %eq3A_62 = arith.cmpf oeq, %get3A_1, %eq3A : vector<256x2048xf32>
    %jit3A = arith.constant 2147483647 : i32
    %broadcast_in_dim3A_63 = vector.broadcast %jit3A : i32 to vector<256x2048xi32>
    %select_n3A = arith.select %eq3A_62, %concatenate3A, %broadcast_in_dim3A_63 : vector<256x2048xi1>, vector<256x2048xi32>
    %reduce_min3A = arith.constant dense<2147483647> : vector<256xi32>
    %reduce_min3A_64 = vector.multi_reduction <minsi>, %select_n3A, %reduce_min3A [1] : vector<256x2048xi32> to vector<256xi32>
    %broadcast_in_dim3A_65 = vector.shape_cast %reduce_min3A_64 : vector<256xi32> to vector<256x1xi32>
    %eq3A_66 = vector.broadcast %broadcast_in_dim3A_65 : vector<256x1xi32> to vector<256x2048xi32>
    %eq3A_67 = arith.cmpi eq, %concatenate3A, %eq3A_66 : vector<256x2048xi32>
    %jit3A_68 = arith.constant 0xFF800000 : f32
    %broadcast_in_dim3A_69 = vector.broadcast %jit3A_68 : f32 to vector<256x2048xf32>
    %select_n3A_70 = arith.select %eq3A_67, %broadcast_in_dim3A_69, %get3A_1 : vector<256x2048xi1>, vector<256x2048xf32>
    %reduce_max3A_71 = arith.constant dense<0xFF800000> : vector<256xf32>
    %reduce_max3A_72 = vector.multi_reduction <maximumf>, %select_n3A_70, %reduce_max3A_71 [1] : vector<256x2048xf32> to vector<256xf32>
    %broadcast_in_dim3A_73 = vector.shape_cast %reduce_max3A_72 : vector<256xf32> to vector<256x1xf32>
    %eq3A_74 = vector.broadcast %broadcast_in_dim3A_73 : vector<256x1xf32> to vector<256x2048xf32>
    %eq3A_75 = arith.cmpf oeq, %select_n3A_70, %eq3A_74 : vector<256x2048xf32>
    %jit3A_76 = arith.constant 2147483647 : i32
    %broadcast_in_dim3A_77 = vector.broadcast %jit3A_76 : i32 to vector<256x2048xi32>
    %select_n3A_78 = arith.select %eq3A_75, %concatenate3A, %broadcast_in_dim3A_77 : vector<256x2048xi1>, vector<256x2048xi32>
    %reduce_min3A_79 = arith.constant dense<2147483647> : vector<256xi32>
    %reduce_min3A_80 = vector.multi_reduction <minsi>, %select_n3A_78, %reduce_min3A_79 [1] : vector<256x2048xi32> to vector<256xi32>
    %broadcast_in_dim3A_81 = vector.shape_cast %reduce_min3A_80 : vector<256xi32> to vector<256x1xi32>
    %eq3A_82 = vector.broadcast %broadcast_in_dim3A_81 : vector<256x1xi32> to vector<256x2048xi32>
    %eq3A_83 = arith.cmpi eq, %concatenate3A, %eq3A_82 : vector<256x2048xi32>
    %jit3A_84 = arith.constant 0xFF800000 : f32
    %broadcast_in_dim3A_85 = vector.broadcast %jit3A_84 : f32 to vector<256x2048xf32>
    %select_n3A_86 = arith.select %eq3A_83, %broadcast_in_dim3A_85, %select_n3A_70 : vector<256x2048xi1>, vector<256x2048xf32>
    %reduce_max3A_87 = arith.constant dense<0xFF800000> : vector<256xf32>
    %reduce_max3A_88 = vector.multi_reduction <maximumf>, %select_n3A_86, %reduce_max3A_87 [1] : vector<256x2048xf32> to vector<256xf32>
    %broadcast_in_dim3A_89 = vector.shape_cast %reduce_max3A_88 : vector<256xf32> to vector<256x1xf32>
    %eq3A_90 = vector.broadcast %broadcast_in_dim3A_89 : vector<256x1xf32> to vector<256x2048xf32>
    %eq3A_91 = arith.cmpf oeq, %select_n3A_86, %eq3A_90 : vector<256x2048xf32>
    %jit3A_92 = arith.constant 2147483647 : i32
    %broadcast_in_dim3A_93 = vector.broadcast %jit3A_92 : i32 to vector<256x2048xi32>
    %select_n3A_94 = arith.select %eq3A_91, %concatenate3A, %broadcast_in_dim3A_93 : vector<256x2048xi1>, vector<256x2048xi32>
    %reduce_min3A_95 = arith.constant dense<2147483647> : vector<256xi32>
    %reduce_min3A_96 = vector.multi_reduction <minsi>, %select_n3A_94, %reduce_min3A_95 [1] : vector<256x2048xi32> to vector<256xi32>
    %broadcast_in_dim3A_97 = vector.shape_cast %reduce_min3A_96 : vector<256xi32> to vector<256x1xi32>
    %eq3A_98 = vector.broadcast %broadcast_in_dim3A_97 : vector<256x1xi32> to vector<256x2048xi32>
    %eq3A_99 = arith.cmpi eq, %concatenate3A, %eq3A_98 : vector<256x2048xi32>
    %jit3A_100 = arith.constant 0xFF800000 : f32
    %broadcast_in_dim3A_101 = vector.broadcast %jit3A_100 : f32 to vector<256x2048xf32>
    %select_n3A_102 = arith.select %eq3A_99, %broadcast_in_dim3A_101, %select_n3A_86 : vector<256x2048xi1>, vector<256x2048xf32>
    %reduce_max3A_103 = arith.constant dense<0xFF800000> : vector<256xf32>
    %reduce_max3A_104 = vector.multi_reduction <maximumf>, %select_n3A_102, %reduce_max3A_103 [1] : vector<256x2048xf32> to vector<256xf32>
    %broadcast_in_dim3A_105 = vector.shape_cast %reduce_max3A_104 : vector<256xf32> to vector<256x1xf32>
    %eq3A_106 = vector.broadcast %broadcast_in_dim3A_105 : vector<256x1xf32> to vector<256x2048xf32>
    %eq3A_107 = arith.cmpf oeq, %select_n3A_102, %eq3A_106 : vector<256x2048xf32>
    %jit3A_108 = arith.constant 2147483647 : i32
    %broadcast_in_dim3A_109 = vector.broadcast %jit3A_108 : i32 to vector<256x2048xi32>
    %select_n3A_110 = arith.select %eq3A_107, %concatenate3A, %broadcast_in_dim3A_109 : vector<256x2048xi1>, vector<256x2048xi32>
    %reduce_min3A_111 = arith.constant dense<2147483647> : vector<256xi32>
    %reduce_min3A_112 = vector.multi_reduction <minsi>, %select_n3A_110, %reduce_min3A_111 [1] : vector<256x2048xi32> to vector<256xi32>
    %broadcast_in_dim3A_113 = vector.shape_cast %reduce_min3A_112 : vector<256xi32> to vector<256x1xi32>
    %eq3A_114 = vector.broadcast %broadcast_in_dim3A_113 : vector<256x1xi32> to vector<256x2048xi32>
    %eq3A_115 = arith.cmpi eq, %concatenate3A, %eq3A_114 : vector<256x2048xi32>
    %jit3A_116 = arith.constant 0xFF800000 : f32
    %broadcast_in_dim3A_117 = vector.broadcast %jit3A_116 : f32 to vector<256x2048xf32>
    %select_n3A_118 = arith.select %eq3A_115, %broadcast_in_dim3A_117, %select_n3A_102 : vector<256x2048xi1>, vector<256x2048xf32>
    %reduce_max3A_119 = arith.constant dense<0xFF800000> : vector<256xf32>
    %reduce_max3A_120 = vector.multi_reduction <maximumf>, %select_n3A_118, %reduce_max3A_119 [1] : vector<256x2048xf32> to vector<256xf32>
    %broadcast_in_dim3A_121 = vector.shape_cast %reduce_max3A_120 : vector<256xf32> to vector<256x1xf32>
    %eq3A_122 = vector.broadcast %broadcast_in_dim3A_121 : vector<256x1xf32> to vector<256x2048xf32>
    %eq3A_123 = arith.cmpf oeq, %select_n3A_118, %eq3A_122 : vector<256x2048xf32>
    %jit3A_124 = arith.constant 2147483647 : i32
    %broadcast_in_dim3A_125 = vector.broadcast %jit3A_124 : i32 to vector<256x2048xi32>
    %select_n3A_126 = arith.select %eq3A_123, %concatenate3A, %broadcast_in_dim3A_125 : vector<256x2048xi1>, vector<256x2048xi32>
    %reduce_min3A_127 = arith.constant dense<2147483647> : vector<256xi32>
    %reduce_min3A_128 = vector.multi_reduction <minsi>, %select_n3A_126, %reduce_min3A_127 [1] : vector<256x2048xi32> to vector<256xi32>
    %broadcast_in_dim3A_129 = vector.shape_cast %reduce_min3A_128 : vector<256xi32> to vector<256x1xi32>
    %eq3A_130 = vector.broadcast %broadcast_in_dim3A_129 : vector<256x1xi32> to vector<256x2048xi32>
    %eq3A_131 = arith.cmpi eq, %concatenate3A, %eq3A_130 : vector<256x2048xi32>
    %jit3A_132 = arith.constant 0xFF800000 : f32
    %broadcast_in_dim3A_133 = vector.broadcast %jit3A_132 : f32 to vector<256x2048xf32>
    %select_n3A_134 = arith.select %eq3A_131, %broadcast_in_dim3A_133, %select_n3A_118 : vector<256x2048xi1>, vector<256x2048xf32>
    %reduce_max3A_135 = arith.constant dense<0xFF800000> : vector<256xf32>
    %reduce_max3A_136 = vector.multi_reduction <maximumf>, %select_n3A_134, %reduce_max3A_135 [1] : vector<256x2048xf32> to vector<256xf32>
    %broadcast_in_dim3A_137 = vector.shape_cast %reduce_max3A_136 : vector<256xf32> to vector<256x1xf32>
    %eq3A_138 = vector.broadcast %broadcast_in_dim3A_137 : vector<256x1xf32> to vector<256x2048xf32>
    %eq3A_139 = arith.cmpf oeq, %select_n3A_134, %eq3A_138 : vector<256x2048xf32>
    %jit3A_140 = arith.constant 2147483647 : i32
    %broadcast_in_dim3A_141 = vector.broadcast %jit3A_140 : i32 to vector<256x2048xi32>
    %select_n3A_142 = arith.select %eq3A_139, %concatenate3A, %broadcast_in_dim3A_141 : vector<256x2048xi1>, vector<256x2048xi32>
    %reduce_min3A_143 = arith.constant dense<2147483647> : vector<256xi32>
    %reduce_min3A_144 = vector.multi_reduction <minsi>, %select_n3A_142, %reduce_min3A_143 [1] : vector<256x2048xi32> to vector<256xi32>
    %broadcast_in_dim3A_145 = vector.shape_cast %reduce_min3A_144 : vector<256xi32> to vector<256x1xi32>
    %eq3A_146 = vector.broadcast %broadcast_in_dim3A_145 : vector<256x1xi32> to vector<256x2048xi32>
    %eq3A_147 = arith.cmpi eq, %concatenate3A, %eq3A_146 : vector<256x2048xi32>
    %jit3A_148 = arith.constant 0xFF800000 : f32
    %broadcast_in_dim3A_149 = vector.broadcast %jit3A_148 : f32 to vector<256x2048xf32>
    %select_n3A_150 = arith.select %eq3A_147, %broadcast_in_dim3A_149, %select_n3A_134 : vector<256x2048xi1>, vector<256x2048xf32>
    %reduce_max3A_151 = arith.constant dense<0xFF800000> : vector<256xf32>
    %reduce_max3A_152 = vector.multi_reduction <maximumf>, %select_n3A_150, %reduce_max3A_151 [1] : vector<256x2048xf32> to vector<256xf32>
    %broadcast_in_dim3A_153 = vector.shape_cast %reduce_max3A_152 : vector<256xf32> to vector<256x1xf32>
    %eq3A_154 = vector.broadcast %broadcast_in_dim3A_153 : vector<256x1xf32> to vector<256x2048xf32>
    %eq3A_155 = arith.cmpf oeq, %select_n3A_150, %eq3A_154 : vector<256x2048xf32>
    %jit3A_156 = arith.constant 2147483647 : i32
    %broadcast_in_dim3A_157 = vector.broadcast %jit3A_156 : i32 to vector<256x2048xi32>
    %select_n3A_158 = arith.select %eq3A_155, %concatenate3A, %broadcast_in_dim3A_157 : vector<256x2048xi1>, vector<256x2048xi32>
    %reduce_min3A_159 = arith.constant dense<2147483647> : vector<256xi32>
    %reduce_min3A_160 = vector.multi_reduction <minsi>, %select_n3A_158, %reduce_min3A_159 [1] : vector<256x2048xi32> to vector<256xi32>
    %broadcast_in_dim3A_161 = vector.shape_cast %reduce_min3A_160 : vector<256xi32> to vector<256x1xi32>
    %eq3A_162 = vector.broadcast %broadcast_in_dim3A_161 : vector<256x1xi32> to vector<256x2048xi32>
    %eq3A_163 = arith.cmpi eq, %concatenate3A, %eq3A_162 : vector<256x2048xi32>
    %jit3A_164 = arith.constant 0xFF800000 : f32
    %broadcast_in_dim3A_165 = vector.broadcast %jit3A_164 : f32 to vector<256x2048xf32>
    %select_n3A_166 = arith.select %eq3A_163, %broadcast_in_dim3A_165, %select_n3A_150 : vector<256x2048xi1>, vector<256x2048xf32>
    %reduce_max3A_167 = arith.constant dense<0xFF800000> : vector<256xf32>
    %reduce_max3A_168 = vector.multi_reduction <maximumf>, %select_n3A_166, %reduce_max3A_167 [1] : vector<256x2048xf32> to vector<256xf32>
    %broadcast_in_dim3A_169 = vector.shape_cast %reduce_max3A_168 : vector<256xf32> to vector<256x1xf32>
    %eq3A_170 = vector.broadcast %broadcast_in_dim3A_169 : vector<256x1xf32> to vector<256x2048xf32>
    %eq3A_171 = arith.cmpf oeq, %select_n3A_166, %eq3A_170 : vector<256x2048xf32>
    %jit3A_172 = arith.constant 2147483647 : i32
    %broadcast_in_dim3A_173 = vector.broadcast %jit3A_172 : i32 to vector<256x2048xi32>
    %select_n3A_174 = arith.select %eq3A_171, %concatenate3A, %broadcast_in_dim3A_173 : vector<256x2048xi1>, vector<256x2048xi32>
    %reduce_min3A_175 = arith.constant dense<2147483647> : vector<256xi32>
    %reduce_min3A_176 = vector.multi_reduction <minsi>, %select_n3A_174, %reduce_min3A_175 [1] : vector<256x2048xi32> to vector<256xi32>
    %broadcast_in_dim3A_177 = vector.shape_cast %reduce_min3A_176 : vector<256xi32> to vector<256x1xi32>
    %eq3A_178 = vector.broadcast %broadcast_in_dim3A_177 : vector<256x1xi32> to vector<256x2048xi32>
    %eq3A_179 = arith.cmpi eq, %concatenate3A, %eq3A_178 : vector<256x2048xi32>
    %jit3A_180 = arith.constant 0xFF800000 : f32
    %broadcast_in_dim3A_181 = vector.broadcast %jit3A_180 : f32 to vector<256x2048xf32>
    %select_n3A_182 = arith.select %eq3A_179, %broadcast_in_dim3A_181, %select_n3A_166 : vector<256x2048xi1>, vector<256x2048xf32>
    %reduce_max3A_183 = arith.constant dense<0xFF800000> : vector<256xf32>
    %reduce_max3A_184 = vector.multi_reduction <maximumf>, %select_n3A_182, %reduce_max3A_183 [1] : vector<256x2048xf32> to vector<256xf32>
    %broadcast_in_dim3A_185 = vector.shape_cast %reduce_max3A_184 : vector<256xf32> to vector<256x1xf32>
    %eq3A_186 = vector.broadcast %broadcast_in_dim3A_185 : vector<256x1xf32> to vector<256x2048xf32>
    %eq3A_187 = arith.cmpf oeq, %select_n3A_182, %eq3A_186 : vector<256x2048xf32>
    %jit3A_188 = arith.constant 2147483647 : i32
    %broadcast_in_dim3A_189 = vector.broadcast %jit3A_188 : i32 to vector<256x2048xi32>
    %select_n3A_190 = arith.select %eq3A_187, %concatenate3A, %broadcast_in_dim3A_189 : vector<256x2048xi1>, vector<256x2048xi32>
    %reduce_min3A_191 = arith.constant dense<2147483647> : vector<256xi32>
    %reduce_min3A_192 = vector.multi_reduction <minsi>, %select_n3A_190, %reduce_min3A_191 [1] : vector<256x2048xi32> to vector<256xi32>
    %broadcast_in_dim3A_193 = vector.shape_cast %reduce_min3A_192 : vector<256xi32> to vector<256x1xi32>
    %eq3A_194 = vector.broadcast %broadcast_in_dim3A_193 : vector<256x1xi32> to vector<256x2048xi32>
    %eq3A_195 = arith.cmpi eq, %concatenate3A, %eq3A_194 : vector<256x2048xi32>
    %jit3A_196 = arith.constant 0xFF800000 : f32
    %broadcast_in_dim3A_197 = vector.broadcast %jit3A_196 : f32 to vector<256x2048xf32>
    %select_n3A_198 = arith.select %eq3A_195, %broadcast_in_dim3A_197, %select_n3A_182 : vector<256x2048xi1>, vector<256x2048xf32>
    %reduce_max3A_199 = arith.constant dense<0xFF800000> : vector<256xf32>
    %reduce_max3A_200 = vector.multi_reduction <maximumf>, %select_n3A_198, %reduce_max3A_199 [1] : vector<256x2048xf32> to vector<256xf32>
    %broadcast_in_dim3A_201 = vector.shape_cast %reduce_max3A_200 : vector<256xf32> to vector<256x1xf32>
    %eq3A_202 = vector.broadcast %broadcast_in_dim3A_201 : vector<256x1xf32> to vector<256x2048xf32>
    %eq3A_203 = arith.cmpf oeq, %select_n3A_198, %eq3A_202 : vector<256x2048xf32>
    %jit3A_204 = arith.constant 2147483647 : i32
    %broadcast_in_dim3A_205 = vector.broadcast %jit3A_204 : i32 to vector<256x2048xi32>
    %select_n3A_206 = arith.select %eq3A_203, %concatenate3A, %broadcast_in_dim3A_205 : vector<256x2048xi1>, vector<256x2048xi32>
    %reduce_min3A_207 = arith.constant dense<2147483647> : vector<256xi32>
    %reduce_min3A_208 = vector.multi_reduction <minsi>, %select_n3A_206, %reduce_min3A_207 [1] : vector<256x2048xi32> to vector<256xi32>
    %broadcast_in_dim3A_209 = vector.shape_cast %reduce_min3A_208 : vector<256xi32> to vector<256x1xi32>
    %eq3A_210 = vector.broadcast %broadcast_in_dim3A_209 : vector<256x1xi32> to vector<256x2048xi32>
    %eq3A_211 = arith.cmpi eq, %concatenate3A, %eq3A_210 : vector<256x2048xi32>
    %jit3A_212 = arith.constant 0xFF800000 : f32
    %broadcast_in_dim3A_213 = vector.broadcast %jit3A_212 : f32 to vector<256x2048xf32>
    %select_n3A_214 = arith.select %eq3A_211, %broadcast_in_dim3A_213, %select_n3A_198 : vector<256x2048xi1>, vector<256x2048xf32>
    %reduce_max3A_215 = arith.constant dense<0xFF800000> : vector<256xf32>
    %reduce_max3A_216 = vector.multi_reduction <maximumf>, %select_n3A_214, %reduce_max3A_215 [1] : vector<256x2048xf32> to vector<256xf32>
    %broadcast_in_dim3A_217 = vector.shape_cast %reduce_max3A_216 : vector<256xf32> to vector<256x1xf32>
    %eq3A_218 = vector.broadcast %broadcast_in_dim3A_217 : vector<256x1xf32> to vector<256x2048xf32>
    %eq3A_219 = arith.cmpf oeq, %select_n3A_214, %eq3A_218 : vector<256x2048xf32>
    %jit3A_220 = arith.constant 2147483647 : i32
    %broadcast_in_dim3A_221 = vector.broadcast %jit3A_220 : i32 to vector<256x2048xi32>
    %select_n3A_222 = arith.select %eq3A_219, %concatenate3A, %broadcast_in_dim3A_221 : vector<256x2048xi1>, vector<256x2048xi32>
    %reduce_min3A_223 = arith.constant dense<2147483647> : vector<256xi32>
    %reduce_min3A_224 = vector.multi_reduction <minsi>, %select_n3A_222, %reduce_min3A_223 [1] : vector<256x2048xi32> to vector<256xi32>
    %broadcast_in_dim3A_225 = vector.shape_cast %reduce_min3A_224 : vector<256xi32> to vector<256x1xi32>
    %eq3A_226 = vector.broadcast %broadcast_in_dim3A_225 : vector<256x1xi32> to vector<256x2048xi32>
    %eq3A_227 = arith.cmpi eq, %concatenate3A, %eq3A_226 : vector<256x2048xi32>
    %jit3A_228 = arith.constant 0xFF800000 : f32
    %broadcast_in_dim3A_229 = vector.broadcast %jit3A_228 : f32 to vector<256x2048xf32>
    %select_n3A_230 = arith.select %eq3A_227, %broadcast_in_dim3A_229, %select_n3A_214 : vector<256x2048xi1>, vector<256x2048xf32>
    %reduce_max3A_231 = arith.constant dense<0xFF800000> : vector<256xf32>
    %reduce_max3A_232 = vector.multi_reduction <maximumf>, %select_n3A_230, %reduce_max3A_231 [1] : vector<256x2048xf32> to vector<256xf32>
    %broadcast_in_dim3A_233 = vector.shape_cast %reduce_max3A_232 : vector<256xf32> to vector<256x1xf32>
    %eq3A_234 = vector.broadcast %broadcast_in_dim3A_233 : vector<256x1xf32> to vector<256x2048xf32>
    %eq3A_235 = arith.cmpf oeq, %select_n3A_230, %eq3A_234 : vector<256x2048xf32>
    %jit3A_236 = arith.constant 2147483647 : i32
    %broadcast_in_dim3A_237 = vector.broadcast %jit3A_236 : i32 to vector<256x2048xi32>
    %select_n3A_238 = arith.select %eq3A_235, %concatenate3A, %broadcast_in_dim3A_237 : vector<256x2048xi1>, vector<256x2048xi32>
    %reduce_min3A_239 = arith.constant dense<2147483647> : vector<256xi32>
    %reduce_min3A_240 = vector.multi_reduction <minsi>, %select_n3A_238, %reduce_min3A_239 [1] : vector<256x2048xi32> to vector<256xi32>
    %broadcast_in_dim3A_241 = vector.shape_cast %reduce_min3A_240 : vector<256xi32> to vector<256x1xi32>
    %eq3A_242 = vector.broadcast %broadcast_in_dim3A_241 : vector<256x1xi32> to vector<256x2048xi32>
    %eq3A_243 = arith.cmpi eq, %concatenate3A, %eq3A_242 : vector<256x2048xi32>
    %jit3A_244 = arith.constant 0xFF800000 : f32
    %broadcast_in_dim3A_245 = vector.broadcast %jit3A_244 : f32 to vector<256x2048xf32>
    %select_n3A_246 = arith.select %eq3A_243, %broadcast_in_dim3A_245, %select_n3A_230 : vector<256x2048xi1>, vector<256x2048xf32>
    %reduce_max3A_247 = arith.constant dense<0xFF800000> : vector<256xf32>
    %reduce_max3A_248 = vector.multi_reduction <maximumf>, %select_n3A_246, %reduce_max3A_247 [1] : vector<256x2048xf32> to vector<256xf32>
    %broadcast_in_dim3A_249 = vector.shape_cast %reduce_max3A_248 : vector<256xf32> to vector<256x1xf32>
    %eq3A_250 = vector.broadcast %broadcast_in_dim3A_249 : vector<256x1xf32> to vector<256x2048xf32>
    %eq3A_251 = arith.cmpf oeq, %select_n3A_246, %eq3A_250 : vector<256x2048xf32>
    %jit3A_252 = arith.constant 2147483647 : i32
    %broadcast_in_dim3A_253 = vector.broadcast %jit3A_252 : i32 to vector<256x2048xi32>
    %select_n3A_254 = arith.select %eq3A_251, %concatenate3A, %broadcast_in_dim3A_253 : vector<256x2048xi1>, vector<256x2048xi32>
    %reduce_min3A_255 = arith.constant dense<2147483647> : vector<256xi32>
    %reduce_min3A_256 = vector.multi_reduction <minsi>, %select_n3A_254, %reduce_min3A_255 [1] : vector<256x2048xi32> to vector<256xi32>
    %broadcast_in_dim3A_257 = vector.shape_cast %reduce_min3A_256 : vector<256xi32> to vector<256x1xi32>
    %eq3A_258 = vector.broadcast %broadcast_in_dim3A_257 : vector<256x1xi32> to vector<256x2048xi32>
    %eq3A_259 = arith.cmpi eq, %concatenate3A, %eq3A_258 : vector<256x2048xi32>
    %jit3A_260 = arith.constant 0xFF800000 : f32
    %broadcast_in_dim3A_261 = vector.broadcast %jit3A_260 : f32 to vector<256x2048xf32>
    %select_n3A_262 = arith.select %eq3A_259, %broadcast_in_dim3A_261, %select_n3A_246 : vector<256x2048xi1>, vector<256x2048xf32>
    %reduce_max3A_263 = arith.constant dense<0xFF800000> : vector<256xf32>
    %reduce_max3A_264 = vector.multi_reduction <maximumf>, %select_n3A_262, %reduce_max3A_263 [1] : vector<256x2048xf32> to vector<256xf32>
    %broadcast_in_dim3A_265 = vector.shape_cast %reduce_max3A_264 : vector<256xf32> to vector<256x1xf32>
    %eq3A_266 = vector.broadcast %broadcast_in_dim3A_265 : vector<256x1xf32> to vector<256x2048xf32>
    %eq3A_267 = arith.cmpf oeq, %select_n3A_262, %eq3A_266 : vector<256x2048xf32>
    %jit3A_268 = arith.constant 2147483647 : i32
    %broadcast_in_dim3A_269 = vector.broadcast %jit3A_268 : i32 to vector<256x2048xi32>
    %select_n3A_270 = arith.select %eq3A_267, %concatenate3A, %broadcast_in_dim3A_269 : vector<256x2048xi1>, vector<256x2048xi32>
    %reduce_min3A_271 = arith.constant dense<2147483647> : vector<256xi32>
    %reduce_min3A_272 = vector.multi_reduction <minsi>, %select_n3A_270, %reduce_min3A_271 [1] : vector<256x2048xi32> to vector<256xi32>
    %broadcast_in_dim3A_273 = vector.shape_cast %reduce_min3A_272 : vector<256xi32> to vector<256x1xi32>
    %eq3A_274 = vector.broadcast %broadcast_in_dim3A_273 : vector<256x1xi32> to vector<256x2048xi32>
    %eq3A_275 = arith.cmpi eq, %concatenate3A, %eq3A_274 : vector<256x2048xi32>
    %jit3A_276 = arith.constant 0xFF800000 : f32
    %broadcast_in_dim3A_277 = vector.broadcast %jit3A_276 : f32 to vector<256x2048xf32>
    %select_n3A_278 = arith.select %eq3A_275, %broadcast_in_dim3A_277, %select_n3A_262 : vector<256x2048xi1>, vector<256x2048xf32>
    %reduce_max3A_279 = arith.constant dense<0xFF800000> : vector<256xf32>
    %reduce_max3A_280 = vector.multi_reduction <maximumf>, %select_n3A_278, %reduce_max3A_279 [1] : vector<256x2048xf32> to vector<256xf32>
    %broadcast_in_dim3A_281 = vector.shape_cast %reduce_max3A_280 : vector<256xf32> to vector<256x1xf32>
    %eq3A_282 = vector.broadcast %broadcast_in_dim3A_281 : vector<256x1xf32> to vector<256x2048xf32>
    %eq3A_283 = arith.cmpf oeq, %select_n3A_278, %eq3A_282 : vector<256x2048xf32>
    %jit3A_284 = arith.constant 2147483647 : i32
    %broadcast_in_dim3A_285 = vector.broadcast %jit3A_284 : i32 to vector<256x2048xi32>
    %select_n3A_286 = arith.select %eq3A_283, %concatenate3A, %broadcast_in_dim3A_285 : vector<256x2048xi1>, vector<256x2048xi32>
    %reduce_min3A_287 = arith.constant dense<2147483647> : vector<256xi32>
    %reduce_min3A_288 = vector.multi_reduction <minsi>, %select_n3A_286, %reduce_min3A_287 [1] : vector<256x2048xi32> to vector<256xi32>
    %broadcast_in_dim3A_289 = vector.shape_cast %reduce_min3A_288 : vector<256xi32> to vector<256x1xi32>
    %eq3A_290 = vector.broadcast %broadcast_in_dim3A_289 : vector<256x1xi32> to vector<256x2048xi32>
    %eq3A_291 = arith.cmpi eq, %concatenate3A, %eq3A_290 : vector<256x2048xi32>
    %jit3A_292 = arith.constant 0xFF800000 : f32
    %broadcast_in_dim3A_293 = vector.broadcast %jit3A_292 : f32 to vector<256x2048xf32>
    %select_n3A_294 = arith.select %eq3A_291, %broadcast_in_dim3A_293, %select_n3A_278 : vector<256x2048xi1>, vector<256x2048xf32>
    %reduce_max3A_295 = arith.constant dense<0xFF800000> : vector<256xf32>
    %reduce_max3A_296 = vector.multi_reduction <maximumf>, %select_n3A_294, %reduce_max3A_295 [1] : vector<256x2048xf32> to vector<256xf32>
    %broadcast_in_dim3A_297 = vector.shape_cast %reduce_max3A_296 : vector<256xf32> to vector<256x1xf32>
    %eq3A_298 = vector.broadcast %broadcast_in_dim3A_297 : vector<256x1xf32> to vector<256x2048xf32>
    %eq3A_299 = arith.cmpf oeq, %select_n3A_294, %eq3A_298 : vector<256x2048xf32>
    %jit3A_300 = arith.constant 2147483647 : i32
    %broadcast_in_dim3A_301 = vector.broadcast %jit3A_300 : i32 to vector<256x2048xi32>
    %select_n3A_302 = arith.select %eq3A_299, %concatenate3A, %broadcast_in_dim3A_301 : vector<256x2048xi1>, vector<256x2048xi32>
    %reduce_min3A_303 = arith.constant dense<2147483647> : vector<256xi32>
    %reduce_min3A_304 = vector.multi_reduction <minsi>, %select_n3A_302, %reduce_min3A_303 [1] : vector<256x2048xi32> to vector<256xi32>
    %broadcast_in_dim3A_305 = vector.shape_cast %reduce_min3A_304 : vector<256xi32> to vector<256x1xi32>
    %concatenate3A_306 = tpu.concatenate %broadcast_in_dim3A_65, %broadcast_in_dim3A_81, %broadcast_in_dim3A_97, %broadcast_in_dim3A_113, %broadcast_in_dim3A_129, %broadcast_in_dim3A_145, %broadcast_in_dim3A_161, %broadcast_in_dim3A_177, %broadcast_in_dim3A_193, %broadcast_in_dim3A_209, %broadcast_in_dim3A_225, %broadcast_in_dim3A_241, %broadcast_in_dim3A_257, %broadcast_in_dim3A_273, %broadcast_in_dim3A_289, %broadcast_in_dim3A_305 in 1 : vector<256x1xi32>, vector<256x1xi32>, vector<256x1xi32>, vector<256x1xi32>, vector<256x1xi32>, vector<256x1xi32>, vector<256x1xi32>, vector<256x1xi32>, vector<256x1xi32>, vector<256x1xi32>, vector<256x1xi32>, vector<256x1xi32>, vector<256x1xi32>, vector<256x1xi32>, vector<256x1xi32>, vector<256x1xi32> -> vector<256x16xi32>
    %swap3A = arith.constant 0 : index
    %swap3A_307 = arith.constant 0 : index
    %swap3A_308 = vector.load %arg3[%swap3A, %swap3A_307] : memref<256x16xi32, #tpu.memory_space<vmem>>, vector<256x16xi32>
    tpu.vector_store %arg3[%swap3A, %swap3A_307], %concatenate3A_306 {strides = array<i32>} : memref<256x16xi32, #tpu.memory_space<vmem>>, vector<256x16xi32>,
    return
  }
  func.func @transform_0(%arg0: i32) -> (i32, i32) {
    %c0_i32 = arith.constant 0 : i32
    %c0_i32_0 = arith.constant 0 : i32
    return %arg0, %c0_i32 : i32, i32
  }
  func.func @transform_1(%arg0: i32) -> (i32, i32) {
    %c0_i32 = arith.constant 0 : i32
    %c0_i32_0 = arith.constant 0 : i32
    return %arg0, %c0_i32 : i32, i32
  }
  func.func @transform_2(%arg0: i32) -> (i32, i32) {
    %c0_i32 = arith.constant 0 : i32
    %c0_i32_0 = arith.constant 0 : i32
    return %arg0, %c0_i32 : i32, i32
  }
}

module attributes {stable_mosaic.version = 14 : i64} {
  func.func @_tail_body(%arg0: i32, %arg1: memref<256x512xf32, #tpu.memory_space<vmem>>, %arg2: memref<256x1638xf32, #tpu.memory_space<vmem>>, %arg3: memref<16x256x512xf32, #tpu.memory_space<vmem>>, %arg4: memref<16x256x512xf32, #tpu.memory_space<vmem>>, %arg5: memref<512x512xf32, #tpu.memory_space<vmem>>, %arg6: memref<512x512xf32, #tpu.memory_space<vmem>>, %arg7: memref<512x512xf32, #tpu.memory_space<vmem>>, %arg8: memref<3x512xf32, #tpu.memory_space<vmem>>, %arg9: memref<512x512xf32, #tpu.memory_space<vmem>>, %arg10: memref<1x512xf32, #tpu.memory_space<vmem>>, %arg11: memref<410x512xf32, #tpu.memory_space<vmem>>, %arg12: memref<1x410xf32, #tpu.memory_space<vmem>>, %arg13: memref<1024x2048xf32, #tpu.memory_space<vmem>>, %arg14: memref<1x1024xf32, #tpu.memory_space<vmem>>, %arg15: memref<256x1024xf32, #tpu.memory_space<vmem>>) attributes {dimension_semantics = [#tpu.dimension_semantics<arbitrary>], iteration_bounds = array<i64: 4>, scalar_prefetch = 0 : i64, scratch_operands = 0 : i64, tpu.core_type = #tpu.core_type<tc>, window_params = [{transform_indices = @transform_0, window_bounds = array<i64: 256, 512>}, {transform_indices = @transform_1, window_bounds = array<i64: 256, 1638>}, {transform_indices = @transform_2, window_bounds = array<i64: 16, 256, 512>}, {transform_indices = @transform_3, window_bounds = array<i64: 16, 256, 512>}, {pipeline_mode = #tpu.pipeline_mode<synchronous>, transform_indices = @transform_4, window_bounds = array<i64: 512, 512>}, {pipeline_mode = #tpu.pipeline_mode<synchronous>, transform_indices = @transform_5, window_bounds = array<i64: 512, 512>}, {pipeline_mode = #tpu.pipeline_mode<synchronous>, transform_indices = @transform_6, window_bounds = array<i64: 512, 512>}, {pipeline_mode = #tpu.pipeline_mode<synchronous>, transform_indices = @transform_7, window_bounds = array<i64: 3, 512>}, {pipeline_mode = #tpu.pipeline_mode<synchronous>, transform_indices = @transform_8, window_bounds = array<i64: 512, 512>}, {pipeline_mode = #tpu.pipeline_mode<synchronous>, transform_indices = @transform_9, window_bounds = array<i64: 1, 512>}, {pipeline_mode = #tpu.pipeline_mode<synchronous>, transform_indices = @transform_10, window_bounds = array<i64: 410, 512>}, {pipeline_mode = #tpu.pipeline_mode<synchronous>, transform_indices = @transform_11, window_bounds = array<i64: 1, 410>}, {pipeline_mode = #tpu.pipeline_mode<synchronous>, transform_indices = @transform_12, window_bounds = array<i64: 1024, 2048>}, {pipeline_mode = #tpu.pipeline_mode<synchronous>, transform_indices = @transform_13, window_bounds = array<i64: 1, 1024>}, {transform_indices = @transform_14, window_bounds = array<i64: 256, 1024>}]} {
    %get3A = arith.constant 0 : index
    %get3A_0 = arith.constant 0 : index
    %get3A_1 = vector.load %arg1[%get3A, %get3A_0] : memref<256x512xf32, #tpu.memory_space<vmem>>, vector<256x512xf32>
    %get3A_2 = arith.constant 0 : index
    %get3A_3 = arith.constant 0 : index
    %get3A_4 = vector.load %arg5[%get3A_2, %get3A_3] : memref<512x512xf32, #tpu.memory_space<vmem>>, vector<512x512xf32>
    %dot_general3A = arith.constant dense<0.000000e+00> : vector<256x512xf32>
    %dot_general3A_5 = tpu.matmul %get3A_1, %get3A_4, %dot_general3A {dimension_numbers = #tpu.dot_dimension_numbers<[1], [1], [0], [0], [0, 0, 1, 0], [], []>, transpose_lhs_hint = false} : vector<256x512xf32>, vector<512x512xf32>, vector<256x512xf32> -> vector<256x512xf32>
    %get3A_6 = arith.constant 0 : index
    %get3A_7 = arith.constant 0 : index
    %get3A_8 = vector.load %arg8[%get3A_6, %get3A_7] : memref<3x512xf32, #tpu.memory_space<vmem>>, vector<1x512xf32>
    %add3A = vector.broadcast %get3A_8 : vector<1x512xf32> to vector<256x512xf32>
    %add3A_9 = arith.addf %dot_general3A_5, %add3A : vector<256x512xf32>
    %get3A_10 = arith.constant 0 : index
    %get3A_11 = arith.constant 0 : index
    %get3A_12 = arith.constant 0 : index
    %get3A_13 = vector.load %arg3[%get3A_10, %get3A_11, %get3A_12] : memref<16x256x512xf32, #tpu.memory_space<vmem>>, vector<16x256x512xf32>
    %get3A_14 = arith.constant 0 : index
    %get3A_15 = arith.constant 0 : index
    %get3A_16 = arith.constant 0 : index
    %get3A_17 = vector.load %arg4[%get3A_14, %get3A_15, %get3A_16] : memref<16x256x512xf32, #tpu.memory_space<vmem>>, vector<16x256x512xf32>
    %slice3A = vector.extract_strided_slice %add3A_9 {offsets = [0, 0], sizes = [256, 64], strides = [1, 1]} : vector<256x512xf32> to vector<256x64xf32>
    %get3A_18 = arith.constant 0 : index
    %get3A_19 = arith.constant 0 : index
    %get3A_20 = vector.load %arg6[%get3A_18, %get3A_19] : memref<512x512xf32, #tpu.memory_space<vmem>>, vector<64x512xf32>
    %dot_general3A_21 = arith.constant dense<0.000000e+00> : vector<256x512xf32>
    %dot_general3A_22 = tpu.matmul %slice3A, %get3A_20, %dot_general3A_21 {dimension_numbers = #tpu.dot_dimension_numbers<[1], [0], [0], [1], [0, 0, 1, 1], [], []>, transpose_lhs_hint = false} : vector<256x64xf32>, vector<64x512xf32>, vector<256x512xf32> -> vector<256x512xf32>
    %slice3A_23 = vector.extract_strided_slice %add3A_9 {offsets = [0, 0], sizes = [256, 64], strides = [1, 1]} : vector<256x512xf32> to vector<256x64xf32>
    %get3A_24 = arith.constant 1 : index
    %get3A_25 = arith.constant 0 : index
    %get3A_26 = vector.load %arg8[%get3A_24, %get3A_25] : memref<3x512xf32, #tpu.memory_space<vmem>>, vector<1x64xf32>
    %mul3A = vector.broadcast %get3A_26 : vector<1x64xf32> to vector<256x64xf32>
    %mul3A_27 = arith.mulf %slice3A_23, %mul3A : vector<256x64xf32>
    %reduce_sum3A = arith.constant dense<0.000000e+00> : vector<256xf32>
    %reduce_sum3A_28 = vector.multi_reduction <add>, %mul3A_27, %reduce_sum3A [1] : vector<256x64xf32> to vector<256xf32>
    %broadcast_in_dim3A = vector.shape_cast %dot_general3A_22 : vector<256x512xf32> to vector<1x256x512xf32>
    %mul3A_29 = vector.broadcast %broadcast_in_dim3A : vector<1x256x512xf32> to vector<16x256x512xf32>
    %mul3A_30 = arith.mulf %get3A_13, %mul3A_29 : vector<16x256x512xf32>
    %reduce_sum3A_31 = arith.constant dense<0.000000e+00> : vector<16x256xf32>
    %reduce_sum3A_32 = vector.multi_reduction <add>, %mul3A_30, %reduce_sum3A_31 [2] : vector<16x256x512xf32> to vector<16x256xf32>
    %broadcast_in_dim3A_33 = vector.shape_cast %reduce_sum3A_32 : vector<16x256xf32> to vector<16x256x1xf32>
    %broadcast_in_dim3A_34 = vector.shape_cast %reduce_sum3A_28 : vector<256xf32> to vector<1x256x1xf32>
    %add3A_35 = vector.broadcast %broadcast_in_dim3A_34 : vector<1x256x1xf32> to vector<16x256x1xf32>
    %add3A_36 = arith.addf %broadcast_in_dim3A_33, %add3A_35 : vector<16x256x1xf32>
    %slice3A_37 = vector.extract_strided_slice %add3A_9 {offsets = [0, 64], sizes = [256, 64], strides = [1, 1]} : vector<256x512xf32> to vector<256x64xf32>
    %get3A_38 = arith.constant 64 : index
    %get3A_39 = arith.constant 0 : index
    %get3A_40 = vector.load %arg6[%get3A_38, %get3A_39] : memref<512x512xf32, #tpu.memory_space<vmem>>, vector<64x512xf32>
    %dot_general3A_41 = arith.constant dense<0.000000e+00> : vector<256x512xf32>
    %dot_general3A_42 = tpu.matmul %slice3A_37, %get3A_40, %dot_general3A_41 {dimension_numbers = #tpu.dot_dimension_numbers<[1], [0], [0], [1], [0, 0, 1, 1], [], []>, transpose_lhs_hint = false} : vector<256x64xf32>, vector<64x512xf32>, vector<256x512xf32> -> vector<256x512xf32>
    %slice3A_43 = vector.extract_strided_slice %add3A_9 {offsets = [0, 64], sizes = [256, 64], strides = [1, 1]} : vector<256x512xf32> to vector<256x64xf32>
    %get3A_44 = arith.constant 1 : index
    %get3A_45 = arith.constant 64 : index
    %get3A_46 = vector.load %arg8[%get3A_44, %get3A_45] : memref<3x512xf32, #tpu.memory_space<vmem>>, vector<1x64xf32>
    %mul3A_47 = vector.broadcast %get3A_46 : vector<1x64xf32> to vector<256x64xf32>
    %mul3A_48 = arith.mulf %slice3A_43, %mul3A_47 : vector<256x64xf32>
    %reduce_sum3A_49 = arith.constant dense<0.000000e+00> : vector<256xf32>
    %reduce_sum3A_50 = vector.multi_reduction <add>, %mul3A_48, %reduce_sum3A_49 [1] : vector<256x64xf32> to vector<256xf32>
    %broadcast_in_dim3A_51 = vector.shape_cast %dot_general3A_42 : vector<256x512xf32> to vector<1x256x512xf32>
    %mul3A_52 = vector.broadcast %broadcast_in_dim3A_51 : vector<1x256x512xf32> to vector<16x256x512xf32>
    %mul3A_53 = arith.mulf %get3A_13, %mul3A_52 : vector<16x256x512xf32>
    %reduce_sum3A_54 = arith.constant dense<0.000000e+00> : vector<16x256xf32>
    %reduce_sum3A_55 = vector.multi_reduction <add>, %mul3A_53, %reduce_sum3A_54 [2] : vector<16x256x512xf32> to vector<16x256xf32>
    %broadcast_in_dim3A_56 = vector.shape_cast %reduce_sum3A_55 : vector<16x256xf32> to vector<16x256x1xf32>
    %broadcast_in_dim3A_57 = vector.shape_cast %reduce_sum3A_50 : vector<256xf32> to vector<1x256x1xf32>
    %add3A_58 = vector.broadcast %broadcast_in_dim3A_57 : vector<1x256x1xf32> to vector<16x256x1xf32>
    %add3A_59 = arith.addf %broadcast_in_dim3A_56, %add3A_58 : vector<16x256x1xf32>
    %slice3A_60 = vector.extract_strided_slice %add3A_9 {offsets = [0, 128], sizes = [256, 64], strides = [1, 1]} : vector<256x512xf32> to vector<256x64xf32>
    %get3A_61 = arith.constant 128 : index
    %get3A_62 = arith.constant 0 : index
    %get3A_63 = vector.load %arg6[%get3A_61, %get3A_62] : memref<512x512xf32, #tpu.memory_space<vmem>>, vector<64x512xf32>
    %dot_general3A_64 = arith.constant dense<0.000000e+00> : vector<256x512xf32>
    %dot_general3A_65 = tpu.matmul %slice3A_60, %get3A_63, %dot_general3A_64 {dimension_numbers = #tpu.dot_dimension_numbers<[1], [0], [0], [1], [0, 0, 1, 1], [], []>, transpose_lhs_hint = false} : vector<256x64xf32>, vector<64x512xf32>, vector<256x512xf32> -> vector<256x512xf32>
    %slice3A_66 = vector.extract_strided_slice %add3A_9 {offsets = [0, 128], sizes = [256, 64], strides = [1, 1]} : vector<256x512xf32> to vector<256x64xf32>
    %get3A_67 = arith.constant 1 : index
    %get3A_68 = arith.constant 128 : index
    %get3A_69 = vector.load %arg8[%get3A_67, %get3A_68] : memref<3x512xf32, #tpu.memory_space<vmem>>, vector<1x64xf32>
    %mul3A_70 = vector.broadcast %get3A_69 : vector<1x64xf32> to vector<256x64xf32>
    %mul3A_71 = arith.mulf %slice3A_66, %mul3A_70 : vector<256x64xf32>
    %reduce_sum3A_72 = arith.constant dense<0.000000e+00> : vector<256xf32>
    %reduce_sum3A_73 = vector.multi_reduction <add>, %mul3A_71, %reduce_sum3A_72 [1] : vector<256x64xf32> to vector<256xf32>
    %broadcast_in_dim3A_74 = vector.shape_cast %dot_general3A_65 : vector<256x512xf32> to vector<1x256x512xf32>
    %mul3A_75 = vector.broadcast %broadcast_in_dim3A_74 : vector<1x256x512xf32> to vector<16x256x512xf32>
    %mul3A_76 = arith.mulf %get3A_13, %mul3A_75 : vector<16x256x512xf32>
    %reduce_sum3A_77 = arith.constant dense<0.000000e+00> : vector<16x256xf32>
    %reduce_sum3A_78 = vector.multi_reduction <add>, %mul3A_76, %reduce_sum3A_77 [2] : vector<16x256x512xf32> to vector<16x256xf32>
    %broadcast_in_dim3A_79 = vector.shape_cast %reduce_sum3A_78 : vector<16x256xf32> to vector<16x256x1xf32>
    %broadcast_in_dim3A_80 = vector.shape_cast %reduce_sum3A_73 : vector<256xf32> to vector<1x256x1xf32>
    %add3A_81 = vector.broadcast %broadcast_in_dim3A_80 : vector<1x256x1xf32> to vector<16x256x1xf32>
    %add3A_82 = arith.addf %broadcast_in_dim3A_79, %add3A_81 : vector<16x256x1xf32>
    %slice3A_83 = vector.extract_strided_slice %add3A_9 {offsets = [0, 192], sizes = [256, 64], strides = [1, 1]} : vector<256x512xf32> to vector<256x64xf32>
    %get3A_84 = arith.constant 192 : index
    %get3A_85 = arith.constant 0 : index
    %get3A_86 = vector.load %arg6[%get3A_84, %get3A_85] : memref<512x512xf32, #tpu.memory_space<vmem>>, vector<64x512xf32>
    %dot_general3A_87 = arith.constant dense<0.000000e+00> : vector<256x512xf32>
    %dot_general3A_88 = tpu.matmul %slice3A_83, %get3A_86, %dot_general3A_87 {dimension_numbers = #tpu.dot_dimension_numbers<[1], [0], [0], [1], [0, 0, 1, 1], [], []>, transpose_lhs_hint = false} : vector<256x64xf32>, vector<64x512xf32>, vector<256x512xf32> -> vector<256x512xf32>
    %slice3A_89 = vector.extract_strided_slice %add3A_9 {offsets = [0, 192], sizes = [256, 64], strides = [1, 1]} : vector<256x512xf32> to vector<256x64xf32>
    %get3A_90 = arith.constant 1 : index
    %get3A_91 = arith.constant 192 : index
    %get3A_92 = vector.load %arg8[%get3A_90, %get3A_91] : memref<3x512xf32, #tpu.memory_space<vmem>>, vector<1x64xf32>
    %mul3A_93 = vector.broadcast %get3A_92 : vector<1x64xf32> to vector<256x64xf32>
    %mul3A_94 = arith.mulf %slice3A_89, %mul3A_93 : vector<256x64xf32>
    %reduce_sum3A_95 = arith.constant dense<0.000000e+00> : vector<256xf32>
    %reduce_sum3A_96 = vector.multi_reduction <add>, %mul3A_94, %reduce_sum3A_95 [1] : vector<256x64xf32> to vector<256xf32>
    %broadcast_in_dim3A_97 = vector.shape_cast %dot_general3A_88 : vector<256x512xf32> to vector<1x256x512xf32>
    %mul3A_98 = vector.broadcast %broadcast_in_dim3A_97 : vector<1x256x512xf32> to vector<16x256x512xf32>
    %mul3A_99 = arith.mulf %get3A_13, %mul3A_98 : vector<16x256x512xf32>
    %reduce_sum3A_100 = arith.constant dense<0.000000e+00> : vector<16x256xf32>
    %reduce_sum3A_101 = vector.multi_reduction <add>, %mul3A_99, %reduce_sum3A_100 [2] : vector<16x256x512xf32> to vector<16x256xf32>
    %broadcast_in_dim3A_102 = vector.shape_cast %reduce_sum3A_101 : vector<16x256xf32> to vector<16x256x1xf32>
    %broadcast_in_dim3A_103 = vector.shape_cast %reduce_sum3A_96 : vector<256xf32> to vector<1x256x1xf32>
    %add3A_104 = vector.broadcast %broadcast_in_dim3A_103 : vector<1x256x1xf32> to vector<16x256x1xf32>
    %add3A_105 = arith.addf %broadcast_in_dim3A_102, %add3A_104 : vector<16x256x1xf32>
    %slice3A_106 = vector.extract_strided_slice %add3A_9 {offsets = [0, 256], sizes = [256, 64], strides = [1, 1]} : vector<256x512xf32> to vector<256x64xf32>
    %get3A_107 = arith.constant 256 : index
    %get3A_108 = arith.constant 0 : index
    %get3A_109 = vector.load %arg6[%get3A_107, %get3A_108] : memref<512x512xf32, #tpu.memory_space<vmem>>, vector<64x512xf32>
    %dot_general3A_110 = arith.constant dense<0.000000e+00> : vector<256x512xf32>
    %dot_general3A_111 = tpu.matmul %slice3A_106, %get3A_109, %dot_general3A_110 {dimension_numbers = #tpu.dot_dimension_numbers<[1], [0], [0], [1], [0, 0, 1, 1], [], []>, transpose_lhs_hint = false} : vector<256x64xf32>, vector<64x512xf32>, vector<256x512xf32> -> vector<256x512xf32>
    %slice3A_112 = vector.extract_strided_slice %add3A_9 {offsets = [0, 256], sizes = [256, 64], strides = [1, 1]} : vector<256x512xf32> to vector<256x64xf32>
    %get3A_113 = arith.constant 1 : index
    %get3A_114 = arith.constant 256 : index
    %get3A_115 = vector.load %arg8[%get3A_113, %get3A_114] : memref<3x512xf32, #tpu.memory_space<vmem>>, vector<1x64xf32>
    %mul3A_116 = vector.broadcast %get3A_115 : vector<1x64xf32> to vector<256x64xf32>
    %mul3A_117 = arith.mulf %slice3A_112, %mul3A_116 : vector<256x64xf32>
    %reduce_sum3A_118 = arith.constant dense<0.000000e+00> : vector<256xf32>
    %reduce_sum3A_119 = vector.multi_reduction <add>, %mul3A_117, %reduce_sum3A_118 [1] : vector<256x64xf32> to vector<256xf32>
    %broadcast_in_dim3A_120 = vector.shape_cast %dot_general3A_111 : vector<256x512xf32> to vector<1x256x512xf32>
    %mul3A_121 = vector.broadcast %broadcast_in_dim3A_120 : vector<1x256x512xf32> to vector<16x256x512xf32>
    %mul3A_122 = arith.mulf %get3A_13, %mul3A_121 : vector<16x256x512xf32>
    %reduce_sum3A_123 = arith.constant dense<0.000000e+00> : vector<16x256xf32>
    %reduce_sum3A_124 = vector.multi_reduction <add>, %mul3A_122, %reduce_sum3A_123 [2] : vector<16x256x512xf32> to vector<16x256xf32>
    %broadcast_in_dim3A_125 = vector.shape_cast %reduce_sum3A_124 : vector<16x256xf32> to vector<16x256x1xf32>
    %broadcast_in_dim3A_126 = vector.shape_cast %reduce_sum3A_119 : vector<256xf32> to vector<1x256x1xf32>
    %add3A_127 = vector.broadcast %broadcast_in_dim3A_126 : vector<1x256x1xf32> to vector<16x256x1xf32>
    %add3A_128 = arith.addf %broadcast_in_dim3A_125, %add3A_127 : vector<16x256x1xf32>
    %slice3A_129 = vector.extract_strided_slice %add3A_9 {offsets = [0, 320], sizes = [256, 64], strides = [1, 1]} : vector<256x512xf32> to vector<256x64xf32>
    %get3A_130 = arith.constant 320 : index
    %get3A_131 = arith.constant 0 : index
    %get3A_132 = vector.load %arg6[%get3A_130, %get3A_131] : memref<512x512xf32, #tpu.memory_space<vmem>>, vector<64x512xf32>
    %dot_general3A_133 = arith.constant dense<0.000000e+00> : vector<256x512xf32>
    %dot_general3A_134 = tpu.matmul %slice3A_129, %get3A_132, %dot_general3A_133 {dimension_numbers = #tpu.dot_dimension_numbers<[1], [0], [0], [1], [0, 0, 1, 1], [], []>, transpose_lhs_hint = false} : vector<256x64xf32>, vector<64x512xf32>, vector<256x512xf32> -> vector<256x512xf32>
    %slice3A_135 = vector.extract_strided_slice %add3A_9 {offsets = [0, 320], sizes = [256, 64], strides = [1, 1]} : vector<256x512xf32> to vector<256x64xf32>
    %get3A_136 = arith.constant 1 : index
    %get3A_137 = arith.constant 320 : index
    %get3A_138 = vector.load %arg8[%get3A_136, %get3A_137] : memref<3x512xf32, #tpu.memory_space<vmem>>, vector<1x64xf32>
    %mul3A_139 = vector.broadcast %get3A_138 : vector<1x64xf32> to vector<256x64xf32>
    %mul3A_140 = arith.mulf %slice3A_135, %mul3A_139 : vector<256x64xf32>
    %reduce_sum3A_141 = arith.constant dense<0.000000e+00> : vector<256xf32>
    %reduce_sum3A_142 = vector.multi_reduction <add>, %mul3A_140, %reduce_sum3A_141 [1] : vector<256x64xf32> to vector<256xf32>
    %broadcast_in_dim3A_143 = vector.shape_cast %dot_general3A_134 : vector<256x512xf32> to vector<1x256x512xf32>
    %mul3A_144 = vector.broadcast %broadcast_in_dim3A_143 : vector<1x256x512xf32> to vector<16x256x512xf32>
    %mul3A_145 = arith.mulf %get3A_13, %mul3A_144 : vector<16x256x512xf32>
    %reduce_sum3A_146 = arith.constant dense<0.000000e+00> : vector<16x256xf32>
    %reduce_sum3A_147 = vector.multi_reduction <add>, %mul3A_145, %reduce_sum3A_146 [2] : vector<16x256x512xf32> to vector<16x256xf32>
    %broadcast_in_dim3A_148 = vector.shape_cast %reduce_sum3A_147 : vector<16x256xf32> to vector<16x256x1xf32>
    %broadcast_in_dim3A_149 = vector.shape_cast %reduce_sum3A_142 : vector<256xf32> to vector<1x256x1xf32>
    %add3A_150 = vector.broadcast %broadcast_in_dim3A_149 : vector<1x256x1xf32> to vector<16x256x1xf32>
    %add3A_151 = arith.addf %broadcast_in_dim3A_148, %add3A_150 : vector<16x256x1xf32>
    %slice3A_152 = vector.extract_strided_slice %add3A_9 {offsets = [0, 384], sizes = [256, 64], strides = [1, 1]} : vector<256x512xf32> to vector<256x64xf32>
    %get3A_153 = arith.constant 384 : index
    %get3A_154 = arith.constant 0 : index
    %get3A_155 = vector.load %arg6[%get3A_153, %get3A_154] : memref<512x512xf32, #tpu.memory_space<vmem>>, vector<64x512xf32>
    %dot_general3A_156 = arith.constant dense<0.000000e+00> : vector<256x512xf32>
    %dot_general3A_157 = tpu.matmul %slice3A_152, %get3A_155, %dot_general3A_156 {dimension_numbers = #tpu.dot_dimension_numbers<[1], [0], [0], [1], [0, 0, 1, 1], [], []>, transpose_lhs_hint = false} : vector<256x64xf32>, vector<64x512xf32>, vector<256x512xf32> -> vector<256x512xf32>
    %slice3A_158 = vector.extract_strided_slice %add3A_9 {offsets = [0, 384], sizes = [256, 64], strides = [1, 1]} : vector<256x512xf32> to vector<256x64xf32>
    %get3A_159 = arith.constant 1 : index
    %get3A_160 = arith.constant 384 : index
    %get3A_161 = vector.load %arg8[%get3A_159, %get3A_160] : memref<3x512xf32, #tpu.memory_space<vmem>>, vector<1x64xf32>
    %mul3A_162 = vector.broadcast %get3A_161 : vector<1x64xf32> to vector<256x64xf32>
    %mul3A_163 = arith.mulf %slice3A_158, %mul3A_162 : vector<256x64xf32>
    %reduce_sum3A_164 = arith.constant dense<0.000000e+00> : vector<256xf32>
    %reduce_sum3A_165 = vector.multi_reduction <add>, %mul3A_163, %reduce_sum3A_164 [1] : vector<256x64xf32> to vector<256xf32>
    %broadcast_in_dim3A_166 = vector.shape_cast %dot_general3A_157 : vector<256x512xf32> to vector<1x256x512xf32>
    %mul3A_167 = vector.broadcast %broadcast_in_dim3A_166 : vector<1x256x512xf32> to vector<16x256x512xf32>
    %mul3A_168 = arith.mulf %get3A_13, %mul3A_167 : vector<16x256x512xf32>
    %reduce_sum3A_169 = arith.constant dense<0.000000e+00> : vector<16x256xf32>
    %reduce_sum3A_170 = vector.multi_reduction <add>, %mul3A_168, %reduce_sum3A_169 [2] : vector<16x256x512xf32> to vector<16x256xf32>
    %broadcast_in_dim3A_171 = vector.shape_cast %reduce_sum3A_170 : vector<16x256xf32> to vector<16x256x1xf32>
    %broadcast_in_dim3A_172 = vector.shape_cast %reduce_sum3A_165 : vector<256xf32> to vector<1x256x1xf32>
    %add3A_173 = vector.broadcast %broadcast_in_dim3A_172 : vector<1x256x1xf32> to vector<16x256x1xf32>
    %add3A_174 = arith.addf %broadcast_in_dim3A_171, %add3A_173 : vector<16x256x1xf32>
    %slice3A_175 = vector.extract_strided_slice %add3A_9 {offsets = [0, 448], sizes = [256, 64], strides = [1, 1]} : vector<256x512xf32> to vector<256x64xf32>
    %get3A_176 = arith.constant 448 : index
    %get3A_177 = arith.constant 0 : index
    %get3A_178 = vector.load %arg6[%get3A_176, %get3A_177] : memref<512x512xf32, #tpu.memory_space<vmem>>, vector<64x512xf32>
    %dot_general3A_179 = arith.constant dense<0.000000e+00> : vector<256x512xf32>
    %dot_general3A_180 = tpu.matmul %slice3A_175, %get3A_178, %dot_general3A_179 {dimension_numbers = #tpu.dot_dimension_numbers<[1], [0], [0], [1], [0, 0, 1, 1], [], []>, transpose_lhs_hint = false} : vector<256x64xf32>, vector<64x512xf32>, vector<256x512xf32> -> vector<256x512xf32>
    %slice3A_181 = vector.extract_strided_slice %add3A_9 {offsets = [0, 448], sizes = [256, 64], strides = [1, 1]} : vector<256x512xf32> to vector<256x64xf32>
    %get3A_182 = arith.constant 1 : index
    %get3A_183 = arith.constant 448 : index
    %get3A_184 = vector.load %arg8[%get3A_182, %get3A_183] : memref<3x512xf32, #tpu.memory_space<vmem>>, vector<1x64xf32>
    %mul3A_185 = vector.broadcast %get3A_184 : vector<1x64xf32> to vector<256x64xf32>
    %mul3A_186 = arith.mulf %slice3A_181, %mul3A_185 : vector<256x64xf32>
    %reduce_sum3A_187 = arith.constant dense<0.000000e+00> : vector<256xf32>
    %reduce_sum3A_188 = vector.multi_reduction <add>, %mul3A_186, %reduce_sum3A_187 [1] : vector<256x64xf32> to vector<256xf32>
    %broadcast_in_dim3A_189 = vector.shape_cast %dot_general3A_180 : vector<256x512xf32> to vector<1x256x512xf32>
    %mul3A_190 = vector.broadcast %broadcast_in_dim3A_189 : vector<1x256x512xf32> to vector<16x256x512xf32>
    %mul3A_191 = arith.mulf %get3A_13, %mul3A_190 : vector<16x256x512xf32>
    %reduce_sum3A_192 = arith.constant dense<0.000000e+00> : vector<16x256xf32>
    %reduce_sum3A_193 = vector.multi_reduction <add>, %mul3A_191, %reduce_sum3A_192 [2] : vector<16x256x512xf32> to vector<16x256xf32>
    %broadcast_in_dim3A_194 = vector.shape_cast %reduce_sum3A_193 : vector<16x256xf32> to vector<16x256x1xf32>
    %broadcast_in_dim3A_195 = vector.shape_cast %reduce_sum3A_188 : vector<256xf32> to vector<1x256x1xf32>
    %add3A_196 = vector.broadcast %broadcast_in_dim3A_195 : vector<1x256x1xf32> to vector<16x256x1xf32>
    %add3A_197 = arith.addf %broadcast_in_dim3A_194, %add3A_196 : vector<16x256x1xf32>
    %concatenate3A = tpu.concatenate %add3A_36, %add3A_59, %add3A_82, %add3A_105, %add3A_128, %add3A_151, %add3A_174, %add3A_197 in 2 : vector<16x256x1xf32>, vector<16x256x1xf32>, vector<16x256x1xf32>, vector<16x256x1xf32>, vector<16x256x1xf32>, vector<16x256x1xf32>, vector<16x256x1xf32>, vector<16x256x1xf32> -> vector<16x256x8xf32>
    %mul3A_198 = arith.constant 1.250000e-01 : f32
    %mul3A_199 = vector.broadcast %mul3A_198 : f32 to vector<16x256x8xf32>
    %mul3A_200 = arith.mulf %concatenate3A, %mul3A_199 : vector<16x256x8xf32>
    %reduce_max3A = arith.constant dense<0xFF800000> : vector<256x8xf32>
    %reduce_max3A_201 = vector.multi_reduction <maximumf>, %mul3A_200, %reduce_max3A [0] : vector<16x256x8xf32> to vector<256x8xf32>
    %broadcast_in_dim3A_202 = vector.shape_cast %reduce_max3A_201 : vector<256x8xf32> to vector<1x256x8xf32>
    %sub3A = vector.broadcast %broadcast_in_dim3A_202 : vector<1x256x8xf32> to vector<16x256x8xf32>
    %sub3A_203 = arith.subf %mul3A_200, %sub3A : vector<16x256x8xf32>
    %exp3A = math.exp %sub3A_203 : vector<16x256x8xf32>
    %reduce_sum3A_204 = arith.constant dense<0.000000e+00> : vector<256x8xf32>
    %reduce_sum3A_205 = vector.multi_reduction <add>, %exp3A, %reduce_sum3A_204 [0] : vector<16x256x8xf32> to vector<256x8xf32>
    %broadcast_in_dim3A_206 = vector.shape_cast %reduce_sum3A_205 : vector<256x8xf32> to vector<1x256x8xf32>
    %div3A = vector.broadcast %broadcast_in_dim3A_206 : vector<1x256x8xf32> to vector<16x256x8xf32>
    %div3A_207 = arith.divf %exp3A, %div3A : vector<16x256x8xf32>
    %slice3A_208 = vector.extract_strided_slice %div3A_207 {offsets = [0, 0, 0], sizes = [16, 256, 1], strides = [1, 1, 1]} : vector<16x256x8xf32> to vector<16x256x1xf32>
    %broadcast_in_dim3A_209 = vector.shape_cast %slice3A_208 : vector<16x256x1xf32> to vector<16x256x1xf32>
    %broadcast_in_dim3A_210 = vector.broadcast %broadcast_in_dim3A_209 : vector<16x256x1xf32> to vector<16x256x64xf32>
    %slice3A_211 = vector.extract_strided_slice %div3A_207 {offsets = [0, 0, 1], sizes = [16, 256, 1], strides = [1, 1, 1]} : vector<16x256x8xf32> to vector<16x256x1xf32>
    %broadcast_in_dim3A_212 = vector.shape_cast %slice3A_211 : vector<16x256x1xf32> to vector<16x256x1xf32>
    %broadcast_in_dim3A_213 = vector.broadcast %broadcast_in_dim3A_212 : vector<16x256x1xf32> to vector<16x256x64xf32>
    %slice3A_214 = vector.extract_strided_slice %div3A_207 {offsets = [0, 0, 2], sizes = [16, 256, 1], strides = [1, 1, 1]} : vector<16x256x8xf32> to vector<16x256x1xf32>
    %broadcast_in_dim3A_215 = vector.shape_cast %slice3A_214 : vector<16x256x1xf32> to vector<16x256x1xf32>
    %broadcast_in_dim3A_216 = vector.broadcast %broadcast_in_dim3A_215 : vector<16x256x1xf32> to vector<16x256x64xf32>
    %slice3A_217 = vector.extract_strided_slice %div3A_207 {offsets = [0, 0, 3], sizes = [16, 256, 1], strides = [1, 1, 1]} : vector<16x256x8xf32> to vector<16x256x1xf32>
    %broadcast_in_dim3A_218 = vector.shape_cast %slice3A_217 : vector<16x256x1xf32> to vector<16x256x1xf32>
    %broadcast_in_dim3A_219 = vector.broadcast %broadcast_in_dim3A_218 : vector<16x256x1xf32> to vector<16x256x64xf32>
    %slice3A_220 = vector.extract_strided_slice %div3A_207 {offsets = [0, 0, 4], sizes = [16, 256, 1], strides = [1, 1, 1]} : vector<16x256x8xf32> to vector<16x256x1xf32>
    %broadcast_in_dim3A_221 = vector.shape_cast %slice3A_220 : vector<16x256x1xf32> to vector<16x256x1xf32>
    %broadcast_in_dim3A_222 = vector.broadcast %broadcast_in_dim3A_221 : vector<16x256x1xf32> to vector<16x256x64xf32>
    %slice3A_223 = vector.extract_strided_slice %div3A_207 {offsets = [0, 0, 5], sizes = [16, 256, 1], strides = [1, 1, 1]} : vector<16x256x8xf32> to vector<16x256x1xf32>
    %broadcast_in_dim3A_224 = vector.shape_cast %slice3A_223 : vector<16x256x1xf32> to vector<16x256x1xf32>
    %broadcast_in_dim3A_225 = vector.broadcast %broadcast_in_dim3A_224 : vector<16x256x1xf32> to vector<16x256x64xf32>
    %slice3A_226 = vector.extract_strided_slice %div3A_207 {offsets = [0, 0, 6], sizes = [16, 256, 1], strides = [1, 1, 1]} : vector<16x256x8xf32> to vector<16x256x1xf32>
    %broadcast_in_dim3A_227 = vector.shape_cast %slice3A_226 : vector<16x256x1xf32> to vector<16x256x1xf32>
    %broadcast_in_dim3A_228 = vector.broadcast %broadcast_in_dim3A_227 : vector<16x256x1xf32> to vector<16x256x64xf32>
    %slice3A_229 = vector.extract_strided_slice %div3A_207 {offsets = [0, 0, 7], sizes = [16, 256, 1], strides = [1, 1, 1]} : vector<16x256x8xf32> to vector<16x256x1xf32>
    %broadcast_in_dim3A_230 = vector.shape_cast %slice3A_229 : vector<16x256x1xf32> to vector<16x256x1xf32>
    %broadcast_in_dim3A_231 = vector.broadcast %broadcast_in_dim3A_230 : vector<16x256x1xf32> to vector<16x256x64xf32>
    %concatenate3A_232 = tpu.concatenate %broadcast_in_dim3A_210, %broadcast_in_dim3A_213, %broadcast_in_dim3A_216, %broadcast_in_dim3A_219, %broadcast_in_dim3A_222, %broadcast_in_dim3A_225, %broadcast_in_dim3A_228, %broadcast_in_dim3A_231 in 2 : vector<16x256x64xf32>, vector<16x256x64xf32>, vector<16x256x64xf32>, vector<16x256x64xf32>, vector<16x256x64xf32>, vector<16x256x64xf32>, vector<16x256x64xf32>, vector<16x256x64xf32> -> vector<16x256x512xf32>
    %mul3A_233 = arith.mulf %concatenate3A_232, %get3A_17 : vector<16x256x512xf32>
    %reduce_sum3A_234 = arith.constant dense<0.000000e+00> : vector<256x512xf32>
    %reduce_sum3A_235 = vector.multi_reduction <add>, %mul3A_233, %reduce_sum3A_234 [0] : vector<16x256x512xf32> to vector<256x512xf32>
    %get3A_236 = arith.constant 0 : index
    %get3A_237 = arith.constant 0 : index
    %get3A_238 = vector.load %arg7[%get3A_236, %get3A_237] : memref<512x512xf32, #tpu.memory_space<vmem>>, vector<512x512xf32>
    %dot_general3A_239 = arith.constant dense<0.000000e+00> : vector<256x512xf32>
    %dot_general3A_240 = tpu.matmul %reduce_sum3A_235, %get3A_238, %dot_general3A_239 {dimension_numbers = #tpu.dot_dimension_numbers<[1], [1], [0], [0], [0, 0, 1, 0], [], []>, transpose_lhs_hint = false} : vector<256x512xf32>, vector<512x512xf32>, vector<256x512xf32> -> vector<256x512xf32>
    %get3A_241 = arith.constant 2 : index
    %get3A_242 = arith.constant 0 : index
    %get3A_243 = vector.load %arg8[%get3A_241, %get3A_242] : memref<3x512xf32, #tpu.memory_space<vmem>>, vector<1x512xf32>
    %add3A_244 = vector.broadcast %get3A_243 : vector<1x512xf32> to vector<256x512xf32>
    %add3A_245 = arith.addf %dot_general3A_240, %add3A_244 : vector<256x512xf32>
    %get3A_246 = arith.constant 0 : index
    %get3A_247 = arith.constant 0 : index
    %get3A_248 = vector.load %arg9[%get3A_246, %get3A_247] : memref<512x512xf32, #tpu.memory_space<vmem>>, vector<512x512xf32>
    %dot_general3A_249 = arith.constant dense<0.000000e+00> : vector<256x512xf32>
    %dot_general3A_250 = tpu.matmul %add3A_245, %get3A_248, %dot_general3A_249 {dimension_numbers = #tpu.dot_dimension_numbers<[1], [1], [0], [0], [0, 0, 1, 0], [], []>, transpose_lhs_hint = false} : vector<256x512xf32>, vector<512x512xf32>, vector<256x512xf32> -> vector<256x512xf32>
    %get3A_251 = arith.constant 0 : index
    %get3A_252 = arith.constant 0 : index
    %get3A_253 = vector.load %arg10[%get3A_251, %get3A_252] : memref<1x512xf32, #tpu.memory_space<vmem>>, vector<1x512xf32>
    %add3A_254 = vector.broadcast %get3A_253 : vector<1x512xf32> to vector<256x512xf32>
    %add3A_255 = arith.addf %dot_general3A_250, %add3A_254 : vector<256x512xf32>
    %get3A_256 = arith.constant 0 : index
    %get3A_257 = arith.constant 0 : index
    %get3A_258 = vector.load %arg11[%get3A_256, %get3A_257] : memref<410x512xf32, #tpu.memory_space<vmem>>, vector<410x512xf32>
    %dot_general3A_259 = arith.constant dense<0.000000e+00> : vector<256x410xf32>
    %dot_general3A_260 = tpu.matmul %add3A_255, %get3A_258, %dot_general3A_259 {dimension_numbers = #tpu.dot_dimension_numbers<[1], [1], [0], [0], [0, 0, 1, 0], [], []>, transpose_lhs_hint = false} : vector<256x512xf32>, vector<410x512xf32>, vector<256x410xf32> -> vector<256x410xf32>
    %get3A_261 = arith.constant 0 : index
    %get3A_262 = arith.constant 0 : index
    %get3A_263 = vector.load %arg12[%get3A_261, %get3A_262] : memref<1x410xf32, #tpu.memory_space<vmem>>, vector<1x410xf32>
    %add3A_264 = vector.broadcast %get3A_263 : vector<1x410xf32> to vector<256x410xf32>
    %add3A_265 = arith.addf %dot_general3A_260, %add3A_264 : vector<256x410xf32>
    %get3A_266 = arith.constant 0 : index
    %get3A_267 = arith.constant 0 : index
    %get3A_268 = vector.load %arg2[%get3A_266, %get3A_267] : memref<256x1638xf32, #tpu.memory_space<vmem>>, vector<256x1638xf32>
    %concatenate3A_269 = tpu.concatenate %get3A_268, %add3A_265 in 1 : vector<256x1638xf32>, vector<256x410xf32> -> vector<256x2048xf32>
    %mul3A_270 = arith.constant 5.000000e-01 : f32
    %mul3A_271 = vector.broadcast %mul3A_270 : f32 to vector<256x2048xf32>
    %mul3A_272 = arith.mulf %concatenate3A_269, %mul3A_271 : vector<256x2048xf32>
    %mul3A_273 = arith.constant 0.707106769 : f32
    %mul3A_274 = vector.broadcast %mul3A_273 : f32 to vector<256x2048xf32>
    %mul3A_275 = arith.mulf %concatenate3A_269, %mul3A_274 : vector<256x2048xf32>
    %erf3A = math.erf %mul3A_275 : vector<256x2048xf32>
    %add3A_276 = arith.constant 1.000000e+00 : f32
    %add3A_277 = vector.broadcast %add3A_276 : f32 to vector<256x2048xf32>
    %add3A_278 = arith.addf %add3A_277, %erf3A : vector<256x2048xf32>
    %mul3A_279 = arith.mulf %mul3A_272, %add3A_278 : vector<256x2048xf32>
    %get3A_280 = arith.constant 0 : index
    %get3A_281 = arith.constant 0 : index
    %get3A_282 = vector.load %arg13[%get3A_280, %get3A_281] : memref<1024x2048xf32, #tpu.memory_space<vmem>>, vector<1024x2048xf32>
    %dot_general3A_283 = arith.constant dense<0.000000e+00> : vector<256x1024xf32>
    %dot_general3A_284 = tpu.matmul %mul3A_279, %get3A_282, %dot_general3A_283 {dimension_numbers = #tpu.dot_dimension_numbers<[1], [1], [0], [0], [0, 0, 1, 0], [], []>, transpose_lhs_hint = false} : vector<256x2048xf32>, vector<1024x2048xf32>, vector<256x1024xf32> -> vector<256x1024xf32>
    %get3A_285 = arith.constant 0 : index
    %get3A_286 = arith.constant 0 : index
    %get3A_287 = vector.load %arg14[%get3A_285, %get3A_286] : memref<1x1024xf32, #tpu.memory_space<vmem>>, vector<1x1024xf32>
    %add3A_288 = vector.broadcast %get3A_287 : vector<1x1024xf32> to vector<256x1024xf32>
    %add3A_289 = arith.addf %dot_general3A_284, %add3A_288 : vector<256x1024xf32>
    %swap3A = arith.constant 0 : index
    %swap3A_290 = arith.constant 0 : index
    %swap3A_291 = vector.load %arg15[%swap3A, %swap3A_290] : memref<256x1024xf32, #tpu.memory_space<vmem>>, vector<256x1024xf32>
    tpu.vector_store %arg15[%swap3A, %swap3A_290], %add3A_289 {strides = array<i32>} : memref<256x1024xf32, #tpu.memory_space<vmem>>, vector<256x1024xf32>,
    return
  }
  func.func @transform_0(%arg0: i32) -> (i32, i32) {
    %c0_i32 = arith.constant 0 : i32
    %c0_i32_0 = arith.constant 0 : i32
    return %arg0, %c0_i32 : i32, i32
  }
  func.func @transform_1(%arg0: i32) -> (i32, i32) {
    %c0_i32 = arith.constant 0 : i32
    %c0_i32_0 = arith.constant 0 : i32
    return %arg0, %c0_i32 : i32, i32
  }
  func.func @transform_2(%arg0: i32) -> (i32, i32, i32) {
    %c0_i32 = arith.constant 0 : i32
    %c0_i32_0 = arith.constant 0 : i32
    %c0_i32_1 = arith.constant 0 : i32
    return %c0_i32, %arg0, %c0_i32_0 : i32, i32, i32
  }
  func.func @transform_3(%arg0: i32) -> (i32, i32, i32) {
    %c0_i32 = arith.constant 0 : i32
    %c0_i32_0 = arith.constant 0 : i32
    %c0_i32_1 = arith.constant 0 : i32
    return %c0_i32, %arg0, %c0_i32_0 : i32, i32, i32
  }
  func.func @transform_4(%arg0: i32) -> (i32, i32) {
    %c0_i32 = arith.constant 0 : i32
    %c0_i32_0 = arith.constant 0 : i32
    %c0_i32_1 = arith.constant 0 : i32
    return %c0_i32, %c0_i32_0 : i32, i32
  }
  func.func @transform_5(%arg0: i32) -> (i32, i32) {
    %c0_i32 = arith.constant 0 : i32
    %c0_i32_0 = arith.constant 0 : i32
    %c0_i32_1 = arith.constant 0 : i32
    return %c0_i32, %c0_i32_0 : i32, i32
  }
  func.func @transform_6(%arg0: i32) -> (i32, i32) {
    %c0_i32 = arith.constant 0 : i32
    %c0_i32_0 = arith.constant 0 : i32
    %c0_i32_1 = arith.constant 0 : i32
    return %c0_i32, %c0_i32_0 : i32, i32
  }
  func.func @transform_7(%arg0: i32) -> (i32, i32) {
    %c0_i32 = arith.constant 0 : i32
    %c0_i32_0 = arith.constant 0 : i32
    %c0_i32_1 = arith.constant 0 : i32
    return %c0_i32, %c0_i32_0 : i32, i32
  }
  func.func @transform_8(%arg0: i32) -> (i32, i32) {
    %c0_i32 = arith.constant 0 : i32
    %c0_i32_0 = arith.constant 0 : i32
    %c0_i32_1 = arith.constant 0 : i32
    return %c0_i32, %c0_i32_0 : i32, i32
  }
  func.func @transform_9(%arg0: i32) -> (i32, i32) {
    %c0_i32 = arith.constant 0 : i32
    %c0_i32_0 = arith.constant 0 : i32
    %c0_i32_1 = arith.constant 0 : i32
    return %c0_i32, %c0_i32_0 : i32, i32
  }
  func.func @transform_10(%arg0: i32) -> (i32, i32) {
    %c0_i32 = arith.constant 0 : i32
    %c0_i32_0 = arith.constant 0 : i32
    %c0_i32_1 = arith.constant 0 : i32
    return %c0_i32, %c0_i32_0 : i32, i32
  }
  func.func @transform_11(%arg0: i32) -> (i32, i32) {
    %c0_i32 = arith.constant 0 : i32
    %c0_i32_0 = arith.constant 0 : i32
    %c0_i32_1 = arith.constant 0 : i32
    return %c0_i32, %c0_i32_0 : i32, i32
  }
  func.func @transform_12(%arg0: i32) -> (i32, i32) {
    %c0_i32 = arith.constant 0 : i32
    %c0_i32_0 = arith.constant 0 : i32
    %c0_i32_1 = arith.constant 0 : i32
    return %c0_i32, %c0_i32_0 : i32, i32
  }
  func.func @transform_13(%arg0: i32) -> (i32, i32) {
    %c0_i32 = arith.constant 0 : i32
    %c0_i32_0 = arith.constant 0 : i32
    %c0_i32_1 = arith.constant 0 : i32
    return %c0_i32, %c0_i32_0 : i32, i32
  }
  func.func @transform_14(%arg0: i32) -> (i32, i32) {
    %c0_i32 = arith.constant 0 : i32
    %c0_i32_0 = arith.constant 0 : i32
    return %arg0, %c0_i32 : i32, i32
  }
}

</mosaic_0001>

<sc_bundles>
// kernel: kernel.11.cloned.1.call-start
scs
__scs_entry_jumppad:
0x0: {  	(pc) =	sbr.rel $0x88, $3  }
0x1: {  	(tag) =	ssettag $0x0;
	lr =	simm.s32 $0x1  }
0x2: {  	[smem:$0x3F8C] =	sst lr;
	_ =	strace $0xD0000000  }
0x3: {  	_ = 	snop  }
0x4: {  	_ = 	snop  }
0x5: {  	_ = 	snop  }
0x6: {  	_ = 	snop  }
0x7: {  	_ = 	snop  }
__scs_overlays_trampoline_lowered:
0x8: {  	[smem:$0x3F9B] =	sst s0  }
0x9: {  	[smem:$0x3F9C] =	sst s1  }
0xa: {  	[smem:$0x3F9D] =	sst s2  }
0xb: {  	[smem:$0x3F9E] =	sst s3  }
0xc: {  	[smem:$0x3F9F] =	sst s4  }
0xd: {  	[smem:$0x3FA0] =	sst s5  }
0xe: {  	[smem:$0x3FA1] =	sst s6  }
0xf: {  	[smem:$0x3FA2] =	sst s7  }
0x10: {  	[smem:$0x3FA3] =	sst s8  }
0x11: {  	[smem:$0x3FA4] =	sst s9;
	s0 =	simm.s32 @!p0 $0x0  }
0x12: {  	s1 =	sld [smem:$0x3F8A];
	s0 =	simm.s32 @p0 $0x1  }
0x13: {  	[smem:$0x3FA5] =	sst s0;
	s0 =	simm.s32 @!p1 $0x0  }
0x14: {  	s2 =	sld [smem:$0x3F89];
	s0 =	simm.s32 @p1 $0x1  }
0x15: {  	[smem:$0x3FA6] =	sst s0;
	s0 =	simm.s32 @!p2 $0x0  }
0x16: {  	s3 =	sld [smem:$0x3FDB];
	s0 =	simm.s32 @p2 $0x1  }
0x17: {  	s4 =	simm.s32 $0x1BF5;
	[smem:$0x3FA8] =	sst s0  }
0x18: {  	s0 =	sld [smem:$0x3F8B];
	_ =	swait.ge [sflag:s4], $0x0  }
0x19: {  	s7 =	sld [smem:$0x3F8C]  }
0x1a: {  	s8 =	sadd.s32 $0xFFFFE003, lr  }
0x1b: {  	s9 =	sadd.s32 $0xFFFFFEF7, lr;
	s5 =	simm.s32 $0xFFFFFFFF;
	p2 =	slt.u32 s8, $0xFFFFF086  }
0x1c: {  	p1 =	slt.u32 s9, $0xF7A;
	s5 =	simm.s32 @!p2 $0x0  }
0x1d: {  	s5 =	simm.s32 @p1 $0x1;
	p0 =	seq.s32 s7, s2  }
0x1e: {  	s7 =	smul.u32 @!p0 $0xF7A, s2;
	p2 =	seq.s32 @!p0 s5, $0x0  }
0x1f: {  	s9 =	smul.u32 $0xF7A, s1;
	s8 =	simm.s32 @!p0 $0x1BF5;
	p2 =	por !p2, p0  }
0x20: {  	[sflag:s8] =	ssyncset.s32 @!p0 $0xFFFFF086;
	s6 =	sadd.s32 @!p0 s3, s7;
	s7 =	simm.s32 @!p0 $0x108  }
0x21: {  	s3 =	sadd.s32 s3, s9;
	s6 =	sadd.s32 @!p0 $0x88, s6;
	s7 =	simm.s32 @p2 $0x1082  }
0x22: {  	[simem:s7], [sflag:s8] =	dma.local @!p0 [hbm:s6], $0xF7A  }
0x23: {  	s9 =	sor.u32 $0xD0000000, s2;
	s6 =	simm.s32 $0x108;
	_ =	swait.ge @!p0 [sflag:s8], $0x0  }
0x24: {  	s3 =	sadd.s32 $0x88, s3;
	s6 =	simm.s32 @!p1 $0x1082;
	[sflag:s4] =	ssyncset.s32 $0xFFFFF086  }
0x25: {  	[simem:s6], [sflag:s4] =	dma.local [hbm:s3], $0xF7A  }
0x26: {  	[smem:$0x3F8C] =	sst s1;
	(tag) =	ssettag s2;
	_ =	strace s9  }
0x27: {  	s1 =	sld [smem:$0x3F9C]  }
0x28: {  	s2 =	sld [smem:$0x3F9D]  }
0x29: {  	s4 =	sld [smem:$0x3F9F]  }
0x2a: {  	p0 =	seq.s32 s5, $0x0;
	s5 =	sld [smem:$0x3FA0]  }
0x2b: {  	s6 =	sld [smem:$0x3FA1]  }
0x2c: {  	s7 =	sld [smem:$0x3FA2]  }
0x2d: {  	s3 =	simm.s32 $0x108;
	s8 =	sld [smem:$0x3FA3]  }
0x2e: {  	s3 =	simm.s32 @!p0 $0x1082;
	s9 =	sld [smem:$0x3FA4]  }
0x2f: {  	lr =	sadd.s32 s0, s3;
	s0 =	sld [smem:$0x3F9B]  }
0x30: {  	s3 =	sld [smem:$0x3F9E]  }
0x31: {  	[smem:$0x3FA7] =	sst s10  }
0x32: {  	s10 =	sld [smem:$0x3FA5];
	_ =	sdelay $0x3  }
0x33: {  	p0 =	seq.s32 s10, $0x1;
	s10 =	sld [smem:$0x3FA7];
	_ =	sdelay $0x3  }
0x34: {  	[smem:$0x3FA7] =	sst s10  }
0x35: {  	s10 =	sld [smem:$0x3FA6];
	_ =	sdelay $0x3  }
0x36: {  	p1 =	seq.s32 s10, $0x1;
	s10 =	sld [smem:$0x3FA7];
	_ =	sdelay $0x3  }
0x37: {  	[smem:$0x3FA7] =	sst s10  }
0x38: {  	s10 =	sld [smem:$0x3FA8]  }
0x39: {  	_ = 	snop;
	(pc) =	sbr.ind lr, $3  }
0x3a: {  	_ = 	snop  }
0x3b: {  	_ = 	snop  }
0x3c: {  	p2 =	seq.s32 s10, $0x1;
	s10 =	sld [smem:$0x3FA7]  }
0x3d: {  	_ =	shalt  }
0x3e: {  	_ =	shalt  }
0x3f: {  	_ =	shalt  }
0x40: {  	_ =	shalt  }
0x41: {  	_ =	shalt  }
0x42: {  	_ =	shalt  }
0x43: {  	_ =	shalt  }
0x44: {  	_ =	shalt  }
0x45: {  	_ =	shalt  }
0x46: {  	_ =	shalt  }
0x47: {  	_ =	shalt  }
0x48: {  	_ =	shalt  }
0x49: {  	_ =	shalt  }
0x4a: {  	_ =	shalt  }
0x4b: {  	_ =	shalt  }
0x4c: {  	_ =	shalt  }
0x4d: {  	_ =	shalt  }
0x4e: {  	_ =	shalt  }
0x4f: {  	_ =	shalt  }
0x50: {  	_ =	shalt  }
0x51: {  	_ =	shalt  }
0x52: {  	_ =	shalt  }
0x53: {  	_ =	shalt  }
0x54: {  	_ =	shalt  }
0x55: {  	_ =	shalt  }
0x56: {  	_ =	shalt  }
0x57: {  	_ =	shalt  }
0x58: {  	_ =	shalt  }
0x59: {  	_ =	shalt  }
0x5a: {  	_ =	shalt  }
0x5b: {  	_ =	shalt  }
0x5c: {  	_ =	shalt  }
0x5d: {  	_ =	shalt  }
0x5e: {  	_ =	shalt  }
0x5f: {  	_ =	shalt  }
0x60: {  	_ =	shalt  }
0x61: {  	_ =	shalt  }
0x62: {  	_ =	shalt  }
0x63: {  	_ =	shalt  }
0x64: {  	_ =	shalt  }
0x65: {  	_ =	shalt  }
0x66: {  	_ =	shalt  }
0x67: {  	_ =	shalt  }
0x68: {  	_ =	shalt  }
0x69: {  	_ =	shalt  }
0x6a: {  	_ =	shalt  }
0x6b: {  	_ =	shalt  }
0x6c: {  	_ =	shalt  }
0x6d: {  	_ =	shalt  }
0x6e: {  	_ =	shalt  }
0x6f: {  	_ =	shalt  }
0x70: {  	_ =	shalt  }
0x71: {  	_ =	shalt  }
0x72: {  	_ =	shalt  }
0x73: {  	_ =	shalt  }
0x74: {  	_ =	shalt  }
0x75: {  	_ =	shalt  }
0x76: {  	_ =	shalt  }
0x77: {  	_ =	shalt  }
0x78: {  	_ =	shalt  }
0x79: {  	_ =	shalt  }
0x7a: {  	_ =	shalt  }
0x7b: {  	_ =	shalt  }
0x7c: {  	_ =	shalt  }
0x7d: {  	_ =	shalt  }
0x7e: {  	_ =	shalt  }
0x7f: {  	_ =	shalt  }
0x80: {  	_ =	shalt  }
0x81: {  	_ =	shalt  }
0x82: {  	_ =	shalt  }
0x83: {  	_ =	shalt  }
0x84: {  	_ =	shalt  }
0x85: {  	_ =	shalt  }
0x86: {  	_ =	shalt  }
0x87: {  	_ =	shalt  }
.Lfunc_end0:
.L_simem_size_0:
called_computation.1_lowered:
.L_overlay_start_0:
0x88: {  	s2 =	sld [smem:$0x3FD9]  }
0x89: {  	s3 =	sld [smem:$0x3FFE];
	_ =	sdelay $0x1  }
0x8a: {  	s1 =	srdreg.scid  }
0x8b: {  	s0 =	sand.u32 $0x1, s1  }
0x8c: {  	s14 =	sshll.u32 s0, $0xA;
	s2 =	sadd.s32 s3, s2  }
0x8d: {  	s2 =	sadd.s32 s2, s14  }
0x8e: {  	[smem:$0x3FB3] =	sst s2  }
0x8f: {  	_ = 	snop  }
0x90: {  	s2 =	sld [smem:$0x3FD0];
	_ =	sdelay $0x1  }
0x91: {  	s15 =	sld [smem:$0x3FC8]  }
0x92: {  	s5 =	simm.s32 $0xA;
	s6 =	simm.s32 $0x10;
	s4 =	sld [smem:$0x3FC7]  }
0x93: {  	[smem:s6], [sflag:s5] =	dma.local [hbm:s2], $0x1  }
0x94: {  	_ =	swait.eq [sflag:s5], $0x1  }
0x95: {  	[sflag:s5] =	ssyncset.done $0x0  }
0x96: {  	[sflag:s5] =	ssyncadd.s32 $0xFFFFFFFF  }
0x97: {  	s16 =	sld [smem:$0x10];
	(tm) =	ssettm $0x1  }
0x98: {  	s17 =	sld [smem:$0x3FFB];
	_ =	sdelay $0x3  }
0x99: {  	_ =	strace s17  }
0x9a: {  	s5 =	sld [smem:$0x3FFC];
	_ =	sdelay $0x3  }
0x9b: {  	_ =	strace s5  }
0x9c: {  	s5 =	sld [smem:$0x3FFD];
	_ =	sdelay $0x3  }
0x9d: {  	_ =	strace s5  }
0x9e: {  	_ =	strace $0x8FFFFFFF  }
0x9f: {  	s18 =	sld [smem:$0x3FDB];
	_ =	sdelay $0x1  }
0xa0: {  	s19 =	simm.s32 $_scs_section_size  }
0xa1: {  	s7 =	simm.s32 $_size__tile_overlayer_lowered;
	s8 =	simm.s32 $_tile_overlayer_lowered  }
0xa2: {  	s22 =	simm.s32 $0x1BFF;
	s21 =	sshll.u32 s8, $0x1;
	s5 =	sadd.s32 s19, s18  }
0xa3: {  	s9 =	simm.s32 $0x0;
	s20 =	sshll.u32 s7, $0x1;
	s7 =	sadd.s32 s21, s5  }
0xa4: {  	[timem:s9], [sflag:s22] =	dma.local [hbm:s7], s20  }
0xa5: {  	_ =	swait.ge [sflag:s22], s20  }
0xa6: {  	s6 =	ssub.s32 $0x0, s20;
	[sflag:s22] =	ssyncset.done $0x0  }
0xa7: {  	[sflag:s22] =	ssyncadd.s32 s6;
	_ =	sdelay $0x1  }
0xa8: {  	s23 =	simm.s32 $0x1B8B  }
0xa9: {  	_ =	swait.ge [sflag:s23], $0x1  }
0xaa: {  	[sflag:s23] =	ssyncset.done $0x0  }
0xab: {  	s25 =	simm.s32 $0x1B8E;
	s24 =	sld [smem:$0x3FFE];
	[sflag:s23] =	ssyncadd.s32 $0xFFFFFFFF  }
0xac: {  	s26 =	simm.s32 $execute0_lowered;
	[smem:$0x3FD2] =	sst s25  }
0xad: {  	s7 =	sshll.u32 s26, $0x1;
	_ =	strace $0x80000049;
	[dreg:$0x1] =	wrdreg $0xFFFFFFFF  }
0xae: {  	s28 =	simm.s32 $_size_execute0_lowered;
	s5 =	sadd.s32 s5, s7;
	[dreg:$0x0] =	wrdreg $0x0  }
0xaf: {  	s7 =	sshll.u32 s28, $0x1;
	[dreg:$0x2] =	wrdreg s5  }
0xb0: {  	[dreg:$0x3] =	wrdreg s7  }
0xb1: {  	[dreg:$0x4] =	wrdreg $0xC0  }
0xb2: {  	_ =	task [dreg:s9], $0x5FFFF  }
0xb3: {  	[dreg:$0x1] =	wrdreg $0xFFFFFFFF  }
0xb4: {  	[dreg:$0x0] =	wrdreg $0x60  }
0xb5: {  	[dreg:$0x2] =	wrdreg s15  }
0xb6: {  	[dreg:$0x3] =	wrdreg s4  }
0xb7: {  	[dreg:$0x4] =	wrdreg s16  }
0xb8: {  	[dreg:$0x5] =	wrdreg s24  }
0xb9: {  	[dreg:$0x6] =	wrdreg $0x9  }
0xba: {  	_ =	task.clear_ibuf [dreg:s9], $0x7FFFF;
	_ =	strace $0x90000049  }
0xbb: {  	s29 =	simm.s32 $0x9;
	_ =	strace $0x8000004B  }
0xbc: {  	_ =	swait.ge [sflag:s29], $0x1  }
0xbd: {  	[sflag:s29] =	ssyncadd.s32 $0xFFFFFFFF  }
0xbe: {  	_ =	strace $0x9000004B  }
0xbf: {  	_ =	sfence  }
0xc0: {  	s30 =	sld [smem:$0x0];
	_ =	sdelay $0x2  }
0xc1: {  	s31 =	sshll.u32 s1, $0xD;
	s1 =	sshrl.u32 s1, $0x2  }
0xc2: {  	s3 =	sand.u32 $0x4000, s31;
	s1 =	sadd.s32 s1, s30  }
0xc3: {  	s0 =	sor.u32 s3, s0;
	s1 =	sshll.u32 s1, $0x11  }
0xc4: {  	s0 =	sor.u32 s1, s0  }
0xc5: {  	s0 =	sadd.s32 $0x8F2B, s0  }
0xc6: {  	[sflag:s0] =	ssyncadd.remote.s32 $0x1  }
0xc7: {  	_ =	sfence.sel $0xFFFF  }
0xc8: {  	[dreg:$0x0] =	wrdreg $0xFFFFFFFF;
	(pc) =	sbr.abs _section_cstart, $3  }
0xc9: {  	[dreg:$0x1] =	wrdreg $0xFFFFFFFF  }
0xca: {  	_ =	task.clear_ibuf [dreg:s9], $0x2FFFF;
	_ =	strace $0x9FFFFFFF  }
0xcb: {  	(tm) =	ssettm $0x7FFFFFFF  }
tec
execute0_lowered:
.L_overlay_start_1:
0x0: {  	(tag) =	ssettag $0x1  }
0x1: {  	s1 =	rddreg [dreg:$0x0]  }
0x2: {  	s2 =	rddreg [dreg:$0x1];
	s4 =	srdreg.scid  }
0x3: {  	s0 =	rddreg [dreg:$0x2];
	s6 =	stileid.u32;
	s5 =	sand.u32 $0x1, s4  }
0x4: {  	s3 =	rddreg [dreg:$0x3];
	s6 =	sshll.u32 s6, $0xA;
	s7 =	sshll.u32 s5, $0x9  }
0x5: {  	s4 =	simm.s32 $0x0;
	s8 =	sadd.s32 $0x4F400, s3;
	s6 =	sor.u32 s7, s6  }
0x6: {  	s3 =	sadd.s32 $0x14F400, s3;
	[smem:$0x7FF] =	sst s4;
	s7 =	sshrl.u32 s6, $0x3  }
0x7: {  	s5 =	ssub.s32 $0x2, s5;
	s6 =	sshll.u32 s6, $0x6;
	s0 =	sadd.s32 s0, s7  }
0x8: {  	_ =	strace $0x8000004A;
	s7 =	sadd.s32 s8, s6;
	[dreg:$0x5] =	wrdreg s0  }
0x9: {  	s9 =	sadd.s32 s3, s6;
	s10 =	sor.u32 $0x1000, s6;
	[dreg:$0x6] =	wrdreg s7  }
0xa: {  	s29 =	sshrl.u32 s5, $0x1;
	[dreg:$0x7] =	wrdreg s9;
	s11 =	sadd.s32 s8, s10  }
0xb: {  	s13 =	sor.u32 $0x2000, s6;
	s12 =	sadd.s32 s3, s10;
	[dreg:$0x8] =	wrdreg s11  }
0xc: {  	s16 =	sor.u32 $0x3000, s6;
	s14 =	sadd.s32 s8, s13;
	[dreg:$0x9] =	wrdreg s12  }
0xd: {  	s19 =	sor.u32 $0x4000, s6;
	s15 =	sadd.s32 s3, s13;
	[dreg:$0xa] =	wrdreg s14  }
0xe: {  	s22 =	sor.u32 $0x5000, s6;
	s17 =	sadd.s32 s8, s16;
	[dreg:$0xb] =	wrdreg s15  }
0xf: {  	s25 =	sor.u32 $0x6000, s6;
	s18 =	sadd.s32 s3, s16;
	[dreg:$0xc] =	wrdreg s17  }
0x10: {  	s6 =	sor.u32 $0x7000, s6;
	s20 =	sadd.s32 s8, s19;
	[dreg:$0xd] =	wrdreg s18  }
0x11: {  	s21 =	sadd.s32 s3, s19;
	s23 =	sadd.s32 s8, s22;
	[dreg:$0xe] =	wrdreg s20  }
0x12: {  	s24 =	sadd.s32 s3, s22;
	s26 =	sadd.s32 s8, s25;
	[dreg:$0xf] =	wrdreg s21  }
0x13: {  	s28 =	sadd.s32 s3, s25;
	s30 =	sadd.s32 s8, s6;
	[dreg:$0x10] =	wrdreg s23  }
0x14: {  	s7 =	ssub.s32 s5, s29;
	s31 =	sadd.s32 s3, s6;
	[dreg:$0x11] =	wrdreg s24  }
0x15: {  	s5 =	sadd.s32 $0x100, s1;
	s6 =	sadd.s32 $0x100, s2;
	[dreg:$0x12] =	wrdreg s26  }
0x16: {  	v2 =	vlaneseq.u32;
	s8 =	simm.s32 $0x3;
	s3 =	simm.s32 $0x200;
	[dreg:$0x13] =	wrdreg s28  }
0x17: {  	vm0 =	vmmov $0xffff;
	v1 =	vshrl.u32 v2, $0x3;
	s25 =	simm.s32 $0x8200;
	s19 =	simm.s32 $0x2;
	[dreg:$0x14] =	wrdreg s30  }
0x18: {  	v0 =	vand.u32 $0x7, v2;
	v2 =	vor.u32 $0x8, v2;
	v1 =	vmul.u32 $0x8, v1;
	[dreg:$0x15] =	wrdreg s31;
	s0 =	smax.u32 s7, $0x1;
	s18 =	simm.s32 $0x1  }
.LBB2_1:
0x19: {  	[dreg:$0x16] =	wrdreg s0  }
0x1a: {  	s20 =	rddreg [dreg:$0x5]  }
0x1b: {  	[tilespmem:s4], [sflag:$0x3] =	stream.linear.gather [hbm4b:s20+s4], $0x200, $0x38;
	[tilespmem:$0x10200] =	vst v63  }
0x1c: {  	_ =	swait.ge [sflag:s8], $0x200  }
0x1d: {  	[sflag:s8] =	ssyncset.done $0x0  }
0x1e: {  	[sflag:s8] =	ssyncadd.s32 $0xFFFFFE00  }
0x1f: {  	v3 =	vld [tilespmem:$0x0];
	_ =	sdelay $0x4  }
0x20: {  	v4 =	vshll.u32 v3, $0x2  }
0x21: {  	v3 =	vand.u32 $0x7, v3;
	v4 =	vand.u32 $0xFFFFFFE0, v4  }
0x22: {  	v3 =	vor.u32 v3, v4  }
0x23: {  	v4 =	vperm.xlane v3, v0;
	_ =	sdelay $0x1  }
0x24: {  	v4 =	vadd.s32 v1, v4;
	_ =	sdelay $0x1  }
0x25: {  	v3 =	vperm.xlane v3, v2;
	_ =	sdelay $0x1  }
0x26: {  	v3 =	vadd.s32 v1, v3  }
0x27: {  	[tilespmem:s3], [sflag:$0x1] =	stream.indirect_vreg.gather [hbm4b:s1+s4], $0x80, v4, vm0, $0xb8;
	[tilespmem:$0x10200] =	vst v63  }
0x28: {  	s23 =	simm.s32 $0xA00  }
0x29: {  	[tilespmem:s23], [sflag:$0x1] =	stream.indirect_vreg.gather [hbm4b:s5+s4], $0x80, v4, vm0, $0xb8;
	[tilespmem:$0x10200] =	vst v63  }
0x2a: {  	s24 =	simm.s32 $0x1200  }
0x2b: {  	[tilespmem:s24], [sflag:$0x1] =	stream.indirect_vreg.gather [hbm4b:s1+s4], $0x80, v3, vm0, $0xb8;
	[tilespmem:$0x10200] =	vst v63  }
0x2c: {  	s26 =	simm.s32 $0x1A00  }
0x2d: {  	[tilespmem:s26], [sflag:$0x1] =	stream.indirect_vreg.gather [hbm4b:s5+s4], $0x80, v3, vm0, $0xb8;
	[tilespmem:$0x10200] =	vst v63  }
0x2e: {  	v3 =	vld [tilespmem:$0x10];
	_ =	sdelay $0x4  }
0x2f: {  	v57 =	vshll.u32 v3, $0x2  }
0x30: {  	v3 =	vand.u32 $0x7, v3;
	v4 =	vand.u32 $0xFFFFFFE0, v57  }
0x31: {  	v3 =	vor.u32 v3, v4  }
0x32: {  	v4 =	vperm.xlane v3, v0;
	_ =	sdelay $0x1  }
0x33: {  	v4 =	vadd.s32 v1, v4;
	_ =	sdelay $0x1  }
0x34: {  	v3 =	vperm.xlane v3, v2;
	_ =	sdelay $0x1  }
0x35: {  	s28 =	simm.s32 $0x2200;
	v3 =	vadd.s32 v1, v3  }
0x36: {  	[tilespmem:s28], [sflag:$0x1] =	stream.indirect_vreg.gather [hbm4b:s1+s4], $0x80, v4, vm0, $0xb8;
	[tilespmem:$0x10200] =	vst v63  }
0x37: {  	s29 =	simm.s32 $0x2A00  }
0x38: {  	[tilespmem:s29], [sflag:$0x1] =	stream.indirect_vreg.gather [hbm4b:s5+s4], $0x80, v4, vm0, $0xb8;
	[tilespmem:$0x10200] =	vst v63  }
0x39: {  	s30 =	simm.s32 $0x3200  }
0x3a: {  	[tilespmem:s30], [sflag:$0x1] =	stream.indirect_vreg.gather [hbm4b:s1+s4], $0x80, v3, vm0, $0xb8;
	[tilespmem:$0x10200] =	vst v63  }
0x3b: {  	s7 =	simm.s32 $0x3A00  }
0x3c: {  	[tilespmem:s7], [sflag:$0x1] =	stream.indirect_vreg.gather [hbm4b:s5+s4], $0x80, v3, vm0, $0xb8;
	[tilespmem:$0x10200] =	vst v63  }
0x3d: {  	v3 =	vld [tilespmem:$0x20];
	_ =	sdelay $0x4  }
0x3e: {  	v58 =	vshll.u32 v3, $0x2  }
0x3f: {  	v3 =	vand.u32 $0x7, v3;
	v4 =	vand.u32 $0xFFFFFFE0, v58  }
0x40: {  	v3 =	vor.u32 v3, v4  }
0x41: {  	v4 =	vperm.xlane v3, v0;
	_ =	sdelay $0x1  }
0x42: {  	v4 =	vadd.s32 v1, v4;
	_ =	sdelay $0x1  }
0x43: {  	v3 =	vperm.xlane v3, v2;
	_ =	sdelay $0x1  }
0x44: {  	s9 =	simm.s32 $0x4200;
	v3 =	vadd.s32 v1, v3  }
0x45: {  	[tilespmem:s9], [sflag:$0x1] =	stream.indirect_vreg.gather [hbm4b:s1+s4], $0x80, v4, vm0, $0xb8;
	[tilespmem:$0x10200] =	vst v63  }
0x46: {  	s10 =	simm.s32 $0x4A00  }
0x47: {  	[tilespmem:s10], [sflag:$0x1] =	stream.indirect_vreg.gather [hbm4b:s5+s4], $0x80, v4, vm0, $0xb8;
	[tilespmem:$0x10200] =	vst v63  }
0x48: {  	s11 =	simm.s32 $0x5200  }
0x49: {  	[tilespmem:s11], [sflag:$0x1] =	stream.indirect_vreg.gather [hbm4b:s1+s4], $0x80, v3, vm0, $0xb8;
	[tilespmem:$0x10200] =	vst v63  }
0x4a: {  	s12 =	simm.s32 $0x5A00  }
0x4b: {  	[tilespmem:s12], [sflag:$0x1] =	stream.indirect_vreg.gather [hbm4b:s5+s4], $0x80, v3, vm0, $0xb8;
	[tilespmem:$0x10200] =	vst v63  }
0x4c: {  	v3 =	vld [tilespmem:$0x30];
	_ =	sdelay $0x4  }
0x4d: {  	v59 =	vshll.u32 v3, $0x2  }
0x4e: {  	v3 =	vand.u32 $0x7, v3;
	v4 =	vand.u32 $0xFFFFFFE0, v59  }
0x4f: {  	v3 =	vor.u32 v3, v4  }
0x50: {  	v4 =	vperm.xlane v3, v0;
	_ =	sdelay $0x1  }
0x51: {  	v4 =	vadd.s32 v1, v4;
	_ =	sdelay $0x1  }
0x52: {  	v3 =	vperm.xlane v3, v2;
	_ =	sdelay $0x1  }
0x53: {  	s13 =	simm.s32 $0x6200;
	v3 =	vadd.s32 v1, v3  }
0x54: {  	[tilespmem:s13], [sflag:$0x1] =	stream.indirect_vreg.gather [hbm4b:s1+s4], $0x80, v4, vm0, $0xb8;
	[tilespmem:$0x10200] =	vst v63  }
0x55: {  	s14 =	simm.s32 $0x6A00  }
0x56: {  	[tilespmem:s14], [sflag:$0x1] =	stream.indirect_vreg.gather [hbm4b:s5+s4], $0x80, v4, vm0, $0xb8;
	[tilespmem:$0x10200] =	vst v63  }
0x57: {  	s20 =	simm.s32 $0x7200  }
0x58: {  	[tilespmem:s20], [sflag:$0x1] =	stream.indirect_vreg.gather [hbm4b:s1+s4], $0x80, v3, vm0, $0xb8;
	[tilespmem:$0x10200] =	vst v63  }
0x59: {  	s24 =	simm.s32 $0x7A00  }
0x5a: {  	[tilespmem:s24], [sflag:$0x1] =	stream.indirect_vreg.gather [hbm4b:s5+s4], $0x80, v3, vm0, $0xb8;
	[tilespmem:$0x10200] =	vst v63  }
0x5b: {  	v3 =	vld [tilespmem:$0x0];
	_ =	sdelay $0x4  }
0x5c: {  	v60 =	vshll.u32 v3, $0x2  }
0x5d: {  	v3 =	vand.u32 $0x7, v3;
	v4 =	vand.u32 $0xFFFFFFE0, v60  }
0x5e: {  	v3 =	vor.u32 v3, v4  }
0x5f: {  	v4 =	vperm.xlane v3, v0;
	_ =	sdelay $0x1  }
0x60: {  	v4 =	vadd.s32 v1, v4;
	_ =	sdelay $0x1  }
0x61: {  	v3 =	vperm.xlane v3, v2;
	_ =	sdelay $0x1  }
0x62: {  	v3 =	vadd.s32 v1, v3  }
0x63: {  	[tilespmem:s25], [sflag:$0x2] =	stream.indirect_vreg.gather [hbm4b:s2+s4], $0x80, v4, vm0, $0xb8;
	[tilespmem:$0x10200] =	vst v63  }
0x64: {  	s26 =	simm.s32 $0x8A00  }
0x65: {  	[tilespmem:s26], [sflag:$0x2] =	stream.indirect_vreg.gather [hbm4b:s6+s4], $0x80, v4, vm0, $0xb8;
	[tilespmem:$0x10200] =	vst v63  }
0x66: {  	s28 =	simm.s32 $0x9200  }
0x67: {  	[tilespmem:s28], [sflag:$0x2] =	stream.indirect_vreg.gather [hbm4b:s2+s4], $0x80, v3, vm0, $0xb8;
	[tilespmem:$0x10200] =	vst v63  }
0x68: {  	s29 =	simm.s32 $0x9A00  }
0x69: {  	[tilespmem:s29], [sflag:$0x2] =	stream.indirect_vreg.gather [hbm4b:s6+s4], $0x80, v3, vm0, $0xb8;
	[tilespmem:$0x10200] =	vst v63  }
0x6a: {  	v3 =	vld [tilespmem:$0x10];
	_ =	sdelay $0x4  }
0x6b: {  	v61 =	vshll.u32 v3, $0x2  }
0x6c: {  	v3 =	vand.u32 $0x7, v3;
	v4 =	vand.u32 $0xFFFFFFE0, v61  }
0x6d: {  	v3 =	vor.u32 v3, v4  }
0x6e: {  	v4 =	vperm.xlane v3, v0;
	_ =	sdelay $0x1  }
0x6f: {  	v4 =	vadd.s32 v1, v4;
	_ =	sdelay $0x1  }
0x70: {  	v3 =	vperm.xlane v3, v2;
	_ =	sdelay $0x1  }
0x71: {  	s7 =	simm.s32 $0xA200;
	v3 =	vadd.s32 v1, v3  }
0x72: {  	[tilespmem:s7], [sflag:$0x2] =	stream.indirect_vreg.gather [hbm4b:s2+s4], $0x80, v4, vm0, $0xb8;
	[tilespmem:$0x10200] =	vst v63  }
0x73: {  	s9 =	simm.s32 $0xAA00  }
0x74: {  	[tilespmem:s9], [sflag:$0x2] =	stream.indirect_vreg.gather [hbm4b:s6+s4], $0x80, v4, vm0, $0xb8;
	[tilespmem:$0x10200] =	vst v63  }
0x75: {  	s10 =	simm.s32 $0xB200  }
0x76: {  	[tilespmem:s10], [sflag:$0x2] =	stream.indirect_vreg.gather [hbm4b:s2+s4], $0x80, v3, vm0, $0xb8;
	[tilespmem:$0x10200] =	vst v63  }
0x77: {  	s11 =	simm.s32 $0xBA00  }
0x78: {  	[tilespmem:s11], [sflag:$0x2] =	stream.indirect_vreg.gather [hbm4b:s6+s4], $0x80, v3, vm0, $0xb8;
	[tilespmem:$0x10200] =	vst v63  }
0x79: {  	v3 =	vld [tilespmem:$0x20];
	_ =	sdelay $0x4  }
0x7a: {  	v62 =	vshll.u32 v3, $0x2  }
0x7b: {  	v3 =	vand.u32 $0x7, v3;
	v4 =	vand.u32 $0xFFFFFFE0, v62  }
0x7c: {  	v3 =	vor.u32 v3, v4  }
0x7d: {  	v4 =	vperm.xlane v3, v0;
	_ =	sdelay $0x1  }
0x7e: {  	v4 =	vadd.s32 v1, v4;
	_ =	sdelay $0x1  }
0x7f: {  	v3 =	vperm.xlane v3, v2;
	_ =	sdelay $0x1  }
0x80: {  	s12 =	simm.s32 $0xC200;
	v3 =	vadd.s32 v1, v3  }
0x81: {  	[tilespmem:s12], [sflag:$0x2] =	stream.indirect_vreg.gather [hbm4b:s2+s4], $0x80, v4, vm0, $0xb8;
	[tilespmem:$0x10200] =	vst v63  }
0x82: {  	s13 =	simm.s32 $0xCA00  }
0x83: {  	[tilespmem:s13], [sflag:$0x2] =	stream.indirect_vreg.gather [hbm4b:s6+s4], $0x80, v4, vm0, $0xb8;
	[tilespmem:$0x10200] =	vst v63  }
0x84: {  	s14 =	simm.s32 $0xD200  }
0x85: {  	[tilespmem:s14], [sflag:$0x2] =	stream.indirect_vreg.gather [hbm4b:s2+s4], $0x80, v3, vm0, $0xb8;
	[tilespmem:$0x10200] =	vst v63  }
0x86: {  	s28 =	simm.s32 $0xDA00  }
0x87: {  	[tilespmem:s28], [sflag:$0x2] =	stream.indirect_vreg.gather [hbm4b:s6+s4], $0x80, v3, vm0, $0xb8;
	[tilespmem:$0x10200] =	vst v63  }
0x88: {  	v3 =	vld [tilespmem:$0x30];
	_ =	sdelay $0x4  }
0x89: {  	v63 =	vshll.u32 v3, $0x2  }
0x8a: {  	v3 =	vand.u32 $0x7, v3;
	v4 =	vand.u32 $0xFFFFFFE0, v63  }
0x8b: {  	v3 =	vor.u32 v3, v4  }
0x8c: {  	v4 =	vperm.xlane v3, v0;
	_ =	sdelay $0x1  }
0x8d: {  	v4 =	vadd.s32 v1, v4;
	_ =	sdelay $0x1  }
0x8e: {  	v3 =	vperm.xlane v3, v2;
	_ =	sdelay $0x1  }
0x8f: {  	s29 =	simm.s32 $0xE200;
	v3 =	vadd.s32 v1, v3  }
0x90: {  	[tilespmem:s29], [sflag:$0x2] =	stream.indirect_vreg.gather [hbm4b:s2+s4], $0x80, v4, vm0, $0xb8;
	[tilespmem:$0x10200] =	vst v63  }
0x91: {  	s0 =	simm.s32 $0xEA00  }
0x92: {  	[tilespmem:s0], [sflag:$0x2] =	stream.indirect_vreg.gather [hbm4b:s6+s4], $0x80, v4, vm0, $0xb8;
	[tilespmem:$0x10200] =	vst v63  }
0x93: {  	s9 =	simm.s32 $0xF200  }
0x94: {  	[tilespmem:s9], [sflag:$0x2] =	stream.indirect_vreg.gather [hbm4b:s2+s4], $0x80, v3, vm0, $0xb8;
	[tilespmem:$0x10200] =	vst v63  }
0x95: {  	s29 =	simm.s32 $0xFA00  }
0x96: {  	[tilespmem:s29], [sflag:$0x2] =	stream.indirect_vreg.gather [hbm4b:s6+s4], $0x80, v3, vm0, $0xb8;
	[tilespmem:$0x10200] =	vst v63  }
0x97: {  	_ =	swait.ge [sflag:s18], $0x8000  }
0x98: {  	[sflag:s18] =	ssyncset.done $0x0  }
0x99: {  	s0 =	rddreg [dreg:$0x6];
	[sflag:s18] =	ssyncadd.s32 $0xFFFF8000  }
0x9a: {  	[hbm4b:s0+s4] =	stream.linear.scatter [tilespmem:s3], [sflag:$0x3], $0x8000, $0x38;
	[tilespmem:$0x10200] =	vst v63  }
0x9b: {  	_ =	swait.ge [sflag:s8], $0x8000  }
0x9c: {  	[sflag:s8] =	ssyncset.done $0x0  }
0x9d: {  	[sflag:s8] =	ssyncadd.s32 $0xFFFF8000  }
0x9e: {  	_ =	swait.ge [sflag:s19], $0x8000  }
0x9f: {  	[sflag:s19] =	ssyncset.done $0x0  }
0xa0: {  	s9 =	rddreg [dreg:$0x7];
	[sflag:s19] =	ssyncadd.s32 $0xFFFF8000  }
0xa1: {  	[hbm4b:s9+s4] =	stream.linear.scatter [tilespmem:s25], [sflag:$0x3], $0x8000, $0x38;
	[tilespmem:$0x10200] =	vst v63  }
0xa2: {  	_ =	swait.ge [sflag:s8], $0x8000  }
0xa3: {  	[sflag:s8] =	ssyncset.done $0x0  }
0xa4: {  	[sflag:s8] =	ssyncadd.s32 $0xFFFF8000  }
0xa5: {  	v3 =	vld [tilespmem:$0x40];
	_ =	sdelay $0x4  }
0xa6: {  	v8 =	vshll.u32 v3, $0x2  }
0xa7: {  	v3 =	vand.u32 $0x7, v3;
	v4 =	vand.u32 $0xFFFFFFE0, v8  }
0xa8: {  	v3 =	vor.u32 v3, v4  }
0xa9: {  	v4 =	vperm.xlane v3, v0;
	_ =	sdelay $0x1  }
0xaa: {  	v4 =	vadd.s32 v1, v4;
	_ =	sdelay $0x1  }
0xab: {  	v3 =	vperm.xlane v3, v2;
	_ =	sdelay $0x1  }
0xac: {  	v3 =	vadd.s32 v1, v3  }
0xad: {  	[tilespmem:s3], [sflag:$0x1] =	stream.indirect_vreg.gather [hbm4b:s1+s4], $0x80, v4, vm0, $0xb8;
	[tilespmem:$0x10200] =	vst v63  }
0xae: {  	s15 =	simm.s32 $0xA00  }
0xaf: {  	[tilespmem:s15], [sflag:$0x1] =	stream.indirect_vreg.gather [hbm4b:s5+s4], $0x80, v4, vm0, $0xb8;
	[tilespmem:$0x10200] =	vst v63  }
0xb0: {  	s16 =	simm.s32 $0x1200  }
0xb1: {  	[tilespmem:s16], [sflag:$0x1] =	stream.indirect_vreg.gather [hbm4b:s1+s4], $0x80, v3, vm0, $0xb8;
	[tilespmem:$0x10200] =	vst v63  }
0xb2: {  	s31 =	simm.s32 $0x1A00  }
0xb3: {  	[tilespmem:s31], [sflag:$0x1] =	stream.indirect_vreg.gather [hbm4b:s5+s4], $0x80, v3, vm0, $0xb8;
	[tilespmem:$0x10200] =	vst v63  }
0xb4: {  	v3 =	vld [tilespmem:$0x50];
	_ =	sdelay $0x4  }
0xb5: {  	v9 =	vshll.u32 v3, $0x2  }
0xb6: {  	v3 =	vand.u32 $0x7, v3;
	v4 =	vand.u32 $0xFFFFFFE0, v9  }
0xb7: {  	v3 =	vor.u32 v3, v4  }
0xb8: {  	v4 =	vperm.xlane v3, v0;
	_ =	sdelay $0x1  }
0xb9: {  	v4 =	vadd.s32 v1, v4;
	_ =	sdelay $0x1  }
0xba: {  	v3 =	vperm.xlane v3, v2;
	_ =	sdelay $0x1  }
0xbb: {  	s17 =	simm.s32 $0x2200;
	v3 =	vadd.s32 v1, v3  }
0xbc: {  	[tilespmem:s17], [sflag:$0x1] =	stream.indirect_vreg.gather [hbm4b:s1+s4], $0x80, v4, vm0, $0xb8;
	[tilespmem:$0x10200] =	vst v63  }
0xbd: {  	s21 =	simm.s32 $0x2A00  }
0xbe: {  	[tilespmem:s21], [sflag:$0x1] =	stream.indirect_vreg.gather [hbm4b:s5+s4], $0x80, v4, vm0, $0xb8;
	[tilespmem:$0x10200] =	vst v63  }
0xbf: {  	s22 =	simm.s32 $0x3200  }
0xc0: {  	[tilespmem:s22], [sflag:$0x1] =	stream.indirect_vreg.gather [hbm4b:s1+s4], $0x80, v3, vm0, $0xb8;
	[tilespmem:$0x10200] =	vst v63  }
0xc1: {  	s9 =	simm.s32 $0x3A00  }
0xc2: {  	[tilespmem:s9], [sflag:$0x1] =	stream.indirect_vreg.gather [hbm4b:s5+s4], $0x80, v3, vm0, $0xb8;
	[tilespmem:$0x10200] =	vst v63  }
0xc3: {  	v3 =	vld [tilespmem:$0x60];
	_ =	sdelay $0x4  }
0xc4: {  	v10 =	vshll.u32 v3, $0x2  }
0xc5: {  	v3 =	vand.u32 $0x7, v3;
	v4 =	vand.u32 $0xFFFFFFE0, v10  }
0xc6: {  	v3 =	vor.u32 v3, v4  }
0xc7: {  	v4 =	vperm.xlane v3, v0;
	_ =	sdelay $0x1  }
0xc8: {  	v4 =	vadd.s32 v1, v4;
	_ =	sdelay $0x1  }
0xc9: {  	v3 =	vperm.xlane v3, v2;
	_ =	sdelay $0x1  }
0xca: {  	s23 =	simm.s32 $0x4200;
	v3 =	vadd.s32 v1, v3  }
0xcb: {  	[tilespmem:s23], [sflag:$0x1] =	stream.indirect_vreg.gather [hbm4b:s1+s4], $0x80, v4, vm0, $0xb8;
	[tilespmem:$0x10200] =	vst v63  }
0xcc: {  	s30 =	simm.s32 $0x4A00  }
0xcd: {  	[tilespmem:s30], [sflag:$0x1] =	stream.indirect_vreg.gather [hbm4b:s5+s4], $0x80, v4, vm0, $0xb8;
	[tilespmem:$0x10200] =	vst v63  }
0xce: {  	s15 =	simm.s32 $0x5200  }
0xcf: {  	[tilespmem:s15], [sflag:$0x1] =	stream.indirect_vreg.gather [hbm4b:s1+s4], $0x80, v3, vm0, $0xb8;
	[tilespmem:$0x10200] =	vst v63  }
0xd0: {  	s30 =	simm.s32 $0x5A00  }
0xd1: {  	[tilespmem:s30], [sflag:$0x1] =	stream.indirect_vreg.gather [hbm4b:s5+s4], $0x80, v3, vm0, $0xb8;
	[tilespmem:$0x10200] =	vst v63  }
0xd2: {  	v3 =	vld [tilespmem:$0x70];
	_ =	sdelay $0x4  }
0xd3: {  	v11 =	vshll.u32 v3, $0x2  }
0xd4: {  	v3 =	vand.u32 $0x7, v3;
	v4 =	vand.u32 $0xFFFFFFE0, v11  }
0xd5: {  	v3 =	vor.u32 v3, v4  }
0xd6: {  	v4 =	vperm.xlane v3, v0;
	_ =	sdelay $0x1  }
0xd7: {  	v4 =	vadd.s32 v1, v4;
	_ =	sdelay $0x1  }
0xd8: {  	v3 =	vperm.xlane v3, v2;
	_ =	sdelay $0x1  }
0xd9: {  	s16 =	simm.s32 $0x6200;
	v3 =	vadd.s32 v1, v3  }
0xda: {  	[tilespmem:s16], [sflag:$0x1] =	stream.indirect_vreg.gather [hbm4b:s1+s4], $0x80, v4, vm0, $0xb8;
	[tilespmem:$0x10200] =	vst v63  }
0xdb: {  	s17 =	simm.s32 $0x6A00  }
0xdc: {  	[tilespmem:s17], [sflag:$0x1] =	stream.indirect_vreg.gather [hbm4b:s5+s4], $0x80, v4, vm0, $0xb8;
	[tilespmem:$0x10200] =	vst v63  }
0xdd: {  	s21 =	simm.s32 $0x7200  }
0xde: {  	[tilespmem:s21], [sflag:$0x1] =	stream.indirect_vreg.gather [hbm4b:s1+s4], $0x80, v3, vm0, $0xb8;
	[tilespmem:$0x10200] =	vst v63  }
0xdf: {  	s31 =	simm.s32 $0x7A00  }
0xe0: {  	[tilespmem:s31], [sflag:$0x1] =	stream.indirect_vreg.gather [hbm4b:s5+s4], $0x80, v3, vm0, $0xb8;
	[tilespmem:$0x10200] =	vst v63  }
0xe1: {  	v3 =	vld [tilespmem:$0x40];
	_ =	sdelay $0x4  }
0xe2: {  	v12 =	vshll.u32 v3, $0x2  }
0xe3: {  	v3 =	vand.u32 $0x7, v3;
	v4 =	vand.u32 $0xFFFFFFE0, v12  }
0xe4: {  	v3 =	vor.u32 v3, v4  }
0xe5: {  	v4 =	vperm.xlane v3, v0;
	_ =	sdelay $0x1  }
0xe6: {  	v4 =	vadd.s32 v1, v4;
	_ =	sdelay $0x1  }
0xe7: {  	v3 =	vperm.xlane v3, v2;
	_ =	sdelay $0x1  }
0xe8: {  	v3 =	vadd.s32 v1, v3  }
0xe9: {  	[tilespmem:s25], [sflag:$0x2] =	stream.indirect_vreg.gather [hbm4b:s2+s4], $0x80, v4, vm0, $0xb8;
	[tilespmem:$0x10200] =	vst v63  }
0xea: {  	s22 =	simm.s32 $0x8A00  }
0xeb: {  	[tilespmem:s22], [sflag:$0x2] =	stream.indirect_vreg.gather [hbm4b:s6+s4], $0x80, v4, vm0, $0xb8;
	[tilespmem:$0x10200] =	vst v63  }
0xec: {  	s23 =	simm.s32 $0x9200  }
0xed: {  	[tilespmem:s23], [sflag:$0x2] =	stream.indirect_vreg.gather [hbm4b:s2+s4], $0x80, v3, vm0, $0xb8;
	[tilespmem:$0x10200] =	vst v63  }
0xee: {  	s0 =	simm.s32 $0x9A00  }
0xef: {  	[tilespmem:s0], [sflag:$0x2] =	stream.indirect_vreg.gather [hbm4b:s6+s4], $0x80, v3, vm0, $0xb8;
	[tilespmem:$0x10200] =	vst v63  }
0xf0: {  	v3 =	vld [tilespmem:$0x50];
	_ =	sdelay $0x4  }
0xf1: {  	v13 =	vshll.u32 v3, $0x2  }
0xf2: {  	v3 =	vand.u32 $0x7, v3;
	v4 =	vand.u32 $0xFFFFFFE0, v13  }
0xf3: {  	v3 =	vor.u32 v3, v4  }
0xf4: {  	v4 =	vperm.xlane v3, v0;
	_ =	sdelay $0x1  }
0xf5: {  	v4 =	vadd.s32 v1, v4;
	_ =	sdelay $0x1  }
0xf6: {  	v3 =	vperm.xlane v3, v2;
	_ =	sdelay $0x1  }
0xf7: {  	s24 =	simm.s32 $0xA200;
	v3 =	vadd.s32 v1, v3  }
0xf8: {  	[tilespmem:s24], [sflag:$0x2] =	stream.indirect_vreg.gather [hbm4b:s2+s4], $0x80, v4, vm0, $0xb8;
	[tilespmem:$0x10200] =	vst v63  }
0xf9: {  	s7 =	simm.s32 $0xAA00  }
0xfa: {  	[tilespmem:s7], [sflag:$0x2] =	stream.indirect_vreg.gather [hbm4b:s6+s4], $0x80, v4, vm0, $0xb8;
	[tilespmem:$0x10200] =	vst v63  }
0xfb: {  	s10 =	simm.s32 $0xB200  }
0xfc: {  	[tilespmem:s10], [sflag:$0x2] =	stream.indirect_vreg.gather [hbm4b:s2+s4], $0x80, v3, vm0, $0xb8;
	[tilespmem:$0x10200] =	vst v63  }
0xfd: {  	s26 =	simm.s32 $0xBA00  }
0xfe: {  	[tilespmem:s26], [sflag:$0x2] =	stream.indirect_vreg.gather [hbm4b:s6+s4], $0x80, v3, vm0, $0xb8;
	[tilespmem:$0x10200] =	vst v63  }
0xff: {  	v3 =	vld [tilespmem:$0x60];
	_ =	sdelay $0x4  }
0x100: {  	v14 =	vshll.u32 v3, $0x2  }
0x101: {  	v3 =	vand.u32 $0x7, v3;
	v4 =	vand.u32 $0xFFFFFFE0, v14  }
0x102: {  	v3 =	vor.u32 v3, v4  }
0x103: {  	v4 =	vperm.xlane v3, v0;
	_ =	sdelay $0x1  }
0x104: {  	v4 =	vadd.s32 v1, v4;
	_ =	sdelay $0x1  }
0x105: {  	v3 =	vperm.xlane v3, v2;
	_ =	sdelay $0x1  }
0x106: {  	s11 =	simm.s32 $0xC200;
	v3 =	vadd.s32 v1, v3  }
0x107: {  	[tilespmem:s11], [sflag:$0x2] =	stream.indirect_vreg.gather [hbm4b:s2+s4], $0x80, v4, vm0, $0xb8;
	[tilespmem:$0x10200] =	vst v63  }
0x108: {  	s12 =	simm.s32 $0xCA00  }
0x109: {  	[tilespmem:s12], [sflag:$0x2] =	stream.indirect_vreg.gather [hbm4b:s6+s4], $0x80, v4, vm0, $0xb8;
	[tilespmem:$0x10200] =	vst v63  }
0x10a: {  	s13 =	simm.s32 $0xD200  }
0x10b: {  	[tilespmem:s13], [sflag:$0x2] =	stream.indirect_vreg.gather [hbm4b:s2+s4], $0x80, v3, vm0, $0xb8;
	[tilespmem:$0x10200] =	vst v63  }
0x10c: {  	s28 =	simm.s32 $0xDA00  }
0x10d: {  	[tilespmem:s28], [sflag:$0x2] =	stream.indirect_vreg.gather [hbm4b:s6+s4], $0x80, v3, vm0, $0xb8;
	[tilespmem:$0x10200] =	vst v63  }
0x10e: {  	v3 =	vld [tilespmem:$0x70];
	_ =	sdelay $0x4  }
0x10f: {  	v15 =	vshll.u32 v3, $0x2  }
0x110: {  	v3 =	vand.u32 $0x7, v3;
	v4 =	vand.u32 $0xFFFFFFE0, v15  }
0x111: {  	v3 =	vor.u32 v3, v4  }
0x112: {  	v4 =	vperm.xlane v3, v0;
	_ =	sdelay $0x1  }
0x113: {  	v4 =	vadd.s32 v1, v4;
	_ =	sdelay $0x1  }
0x114: {  	v3 =	vperm.xlane v3, v2;
	_ =	sdelay $0x1  }
0x115: {  	s14 =	simm.s32 $0xE200;
	v3 =	vadd.s32 v1, v3  }
0x116: {  	[tilespmem:s14], [sflag:$0x2] =	stream.indirect_vreg.gather [hbm4b:s2+s4], $0x80, v4, vm0, $0xb8;
	[tilespmem:$0x10200] =	vst v63  }
0x117: {  	s24 =	simm.s32 $0xEA00  }
0x118: {  	[tilespmem:s24], [sflag:$0x2] =	stream.indirect_vreg.gather [hbm4b:s6+s4], $0x80, v4, vm0, $0xb8;
	[tilespmem:$0x10200] =	vst v63  }
0x119: {  	s26 =	simm.s32 $0xF200  }
0x11a: {  	[tilespmem:s26], [sflag:$0x2] =	stream.indirect_vreg.gather [hbm4b:s2+s4], $0x80, v3, vm0, $0xb8;
	[tilespmem:$0x10200] =	vst v63  }
0x11b: {  	s29 =	simm.s32 $0xFA00  }
0x11c: {  	[tilespmem:s29], [sflag:$0x2] =	stream.indirect_vreg.gather [hbm4b:s6+s4], $0x80, v3, vm0, $0xb8;
	[tilespmem:$0x10200] =	vst v63  }
0x11d: {  	_ =	swait.ge [sflag:s18], $0x8000  }
0x11e: {  	[sflag:s18] =	ssyncset.done $0x0  }
0x11f: {  	s20 =	rddreg [dreg:$0x8];
	[sflag:s18] =	ssyncadd.s32 $0xFFFF8000  }
0x120: {  	[hbm4b:s20+s4] =	stream.linear.scatter [tilespmem:s3], [sflag:$0x3], $0x8000, $0x38;
	[tilespmem:$0x10200] =	vst v63  }
0x121: {  	_ =	swait.ge [sflag:s8], $0x8000  }
0x122: {  	[sflag:s8] =	ssyncset.done $0x0  }
0x123: {  	[sflag:s8] =	ssyncadd.s32 $0xFFFF8000  }
0x124: {  	_ =	swait.ge [sflag:s19], $0x8000  }
0x125: {  	[sflag:s19] =	ssyncset.done $0x0  }
0x126: {  	s20 =	rddreg [dreg:$0x9];
	[sflag:s19] =	ssyncadd.s32 $0xFFFF8000  }
0x127: {  	[hbm4b:s20+s4] =	stream.linear.scatter [tilespmem:s25], [sflag:$0x3], $0x8000, $0x38;
	[tilespmem:$0x10200] =	vst v63  }
0x128: {  	_ =	swait.ge [sflag:s8], $0x8000  }
0x129: {  	[sflag:s8] =	ssyncset.done $0x0  }
0x12a: {  	[sflag:s8] =	ssyncadd.s32 $0xFFFF8000  }
0x12b: {  	v3 =	vld [tilespmem:$0x80];
	_ =	sdelay $0x4  }
0x12c: {  	v16 =	vshll.u32 v3, $0x2  }
0x12d: {  	v3 =	vand.u32 $0x7, v3;
	v4 =	vand.u32 $0xFFFFFFE0, v16  }
0x12e: {  	v3 =	vor.u32 v3, v4  }
0x12f: {  	v4 =	vperm.xlane v3, v0;
	_ =	sdelay $0x1  }
0x130: {  	v4 =	vadd.s32 v1, v4;
	_ =	sdelay $0x1  }
0x131: {  	v3 =	vperm.xlane v3, v2;
	_ =	sdelay $0x1  }
0x132: {  	v3 =	vadd.s32 v1, v3  }
0x133: {  	[tilespmem:s3], [sflag:$0x1] =	stream.indirect_vreg.gather [hbm4b:s1+s4], $0x80, v4, vm0, $0xb8;
	[tilespmem:$0x10200] =	vst v63  }
0x134: {  	s20 =	simm.s32 $0xA00  }
0x135: {  	[tilespmem:s20], [sflag:$0x1] =	stream.indirect_vreg.gather [hbm4b:s5+s4], $0x80, v4, vm0, $0xb8;
	[tilespmem:$0x10200] =	vst v63  }
0x136: {  	s20 =	simm.s32 $0x1200  }
0x137: {  	[tilespmem:s20], [sflag:$0x1] =	stream.indirect_vreg.gather [hbm4b:s1+s4], $0x80, v3, vm0, $0xb8;
	[tilespmem:$0x10200] =	vst v63  }
0x138: {  	s20 =	simm.s32 $0x1A00  }
0x139: {  	[tilespmem:s20], [sflag:$0x1] =	stream.indirect_vreg.gather [hbm4b:s5+s4], $0x80, v3, vm0, $0xb8;
	[tilespmem:$0x10200] =	vst v63  }
0x13a: {  	v3 =	vld [tilespmem:$0x90];
	_ =	sdelay $0x4  }
0x13b: {  	v17 =	vshll.u32 v3, $0x2  }
0x13c: {  	v3 =	vand.u32 $0x7, v3;
	v4 =	vand.u32 $0xFFFFFFE0, v17  }
0x13d: {  	v3 =	vor.u32 v3, v4  }
0x13e: {  	v4 =	vperm.xlane v3, v0;
	_ =	sdelay $0x1  }
0x13f: {  	v4 =	vadd.s32 v1, v4;
	_ =	sdelay $0x1  }
0x140: {  	v3 =	vperm.xlane v3, v2;
	_ =	sdelay $0x1  }
0x141: {  	s20 =	simm.s32 $0x2200;
	v3 =	vadd.s32 v1, v3  }
0x142: {  	[tilespmem:s20], [sflag:$0x1] =	stream.indirect_vreg.gather [hbm4b:s1+s4], $0x80, v4, vm0, $0xb8;
	[tilespmem:$0x10200] =	vst v63  }
0x143: {  	s20 =	simm.s32 $0x2A00  }
0x144: {  	[tilespmem:s20], [sflag:$0x1] =	stream.indirect_vreg.gather [hbm4b:s5+s4], $0x80, v4, vm0, $0xb8;
	[tilespmem:$0x10200] =	vst v63  }
0x145: {  	s20 =	simm.s32 $0x3200  }
0x146: {  	[tilespmem:s20], [sflag:$0x1] =	stream.indirect_vreg.gather [hbm4b:s1+s4], $0x80, v3, vm0, $0xb8;
	[tilespmem:$0x10200] =	vst v63  }
0x147: {  	_ = 	snop  }
0x148: {  	[tilespmem:s9], [sflag:$0x1] =	stream.indirect_vreg.gather [hbm4b:s5+s4], $0x80, v3, vm0, $0xb8;
	[tilespmem:$0x10200] =	vst v63  }
0x149: {  	v3 =	vld [tilespmem:$0xA0];
	_ =	sdelay $0x4  }
0x14a: {  	v18 =	vshll.u32 v3, $0x2  }
0x14b: {  	v3 =	vand.u32 $0x7, v3;
	v4 =	vand.u32 $0xFFFFFFE0, v18  }
0x14c: {  	v3 =	vor.u32 v3, v4  }
0x14d: {  	v4 =	vperm.xlane v3, v0;
	_ =	sdelay $0x1  }
0x14e: {  	v4 =	vadd.s32 v1, v4;
	_ =	sdelay $0x1  }
0x14f: {  	v3 =	vperm.xlane v3, v2;
	_ =	sdelay $0x1  }
0x150: {  	s20 =	simm.s32 $0x4200;
	v3 =	vadd.s32 v1, v3  }
0x151: {  	[tilespmem:s20], [sflag:$0x1] =	stream.indirect_vreg.gather [hbm4b:s1+s4], $0x80, v4, vm0, $0xb8;
	[tilespmem:$0x10200] =	vst v63  }
0x152: {  	s20 =	simm.s32 $0x4A00  }
0x153: {  	[tilespmem:s20], [sflag:$0x1] =	stream.indirect_vreg.gather [hbm4b:s5+s4], $0x80, v4, vm0, $0xb8;
	[tilespmem:$0x10200] =	vst v63  }
0x154: {  	_ = 	snop  }
0x155: {  	[tilespmem:s15], [sflag:$0x1] =	stream.indirect_vreg.gather [hbm4b:s1+s4], $0x80, v3, vm0, $0xb8;
	[tilespmem:$0x10200] =	vst v63  }
0x156: {  	_ = 	snop  }
0x157: {  	[tilespmem:s30], [sflag:$0x1] =	stream.indirect_vreg.gather [hbm4b:s5+s4], $0x80, v3, vm0, $0xb8;
	[tilespmem:$0x10200] =	vst v63  }
0x158: {  	v3 =	vld [tilespmem:$0xB0];
	_ =	sdelay $0x4  }
0x159: {  	v19 =	vshll.u32 v3, $0x2  }
0x15a: {  	v3 =	vand.u32 $0x7, v3;
	v4 =	vand.u32 $0xFFFFFFE0, v19  }
0x15b: {  	v3 =	vor.u32 v3, v4  }
0x15c: {  	v4 =	vperm.xlane v3, v0;
	_ =	sdelay $0x1  }
0x15d: {  	v4 =	vadd.s32 v1, v4;
	_ =	sdelay $0x1  }
0x15e: {  	v3 =	vperm.xlane v3, v2;
	_ =	sdelay $0x1  }
0x15f: {  	v3 =	vadd.s32 v1, v3  }
0x160: {  	[tilespmem:s16], [sflag:$0x1] =	stream.indirect_vreg.gather [hbm4b:s1+s4], $0x80, v4, vm0, $0xb8;
	[tilespmem:$0x10200] =	vst v63  }
0x161: {  	_ = 	snop  }
0x162: {  	[tilespmem:s17], [sflag:$0x1] =	stream.indirect_vreg.gather [hbm4b:s5+s4], $0x80, v4, vm0, $0xb8;
	[tilespmem:$0x10200] =	vst v63  }
0x163: {  	_ = 	snop  }
0x164: {  	[tilespmem:s21], [sflag:$0x1] =	stream.indirect_vreg.gather [hbm4b:s1+s4], $0x80, v3, vm0, $0xb8;
	[tilespmem:$0x10200] =	vst v63  }
0x165: {  	_ = 	snop  }
0x166: {  	[tilespmem:s31], [sflag:$0x1] =	stream.indirect_vreg.gather [hbm4b:s5+s4], $0x80, v3, vm0, $0xb8;
	[tilespmem:$0x10200] =	vst v63  }
0x167: {  	v3 =	vld [tilespmem:$0x80];
	_ =	sdelay $0x4  }
0x168: {  	v20 =	vshll.u32 v3, $0x2  }
0x169: {  	v3 =	vand.u32 $0x7, v3;
	v4 =	vand.u32 $0xFFFFFFE0, v20  }
0x16a: {  	v3 =	vor.u32 v3, v4  }
0x16b: {  	v4 =	vperm.xlane v3, v0;
	_ =	sdelay $0x1  }
0x16c: {  	v4 =	vadd.s32 v1, v4;
	_ =	sdelay $0x1  }
0x16d: {  	v3 =	vperm.xlane v3, v2;
	_ =	sdelay $0x1  }
0x16e: {  	v3 =	vadd.s32 v1, v3  }
0x16f: {  	[tilespmem:s25], [sflag:$0x2] =	stream.indirect_vreg.gather [hbm4b:s2+s4], $0x80, v4, vm0, $0xb8;
	[tilespmem:$0x10200] =	vst v63  }
0x170: {  	_ = 	snop  }
0x171: {  	[tilespmem:s22], [sflag:$0x2] =	stream.indirect_vreg.gather [hbm4b:s6+s4], $0x80, v4, vm0, $0xb8;
	[tilespmem:$0x10200] =	vst v63  }
0x172: {  	_ = 	snop  }
0x173: {  	[tilespmem:s23], [sflag:$0x2] =	stream.indirect_vreg.gather [hbm4b:s2+s4], $0x80, v3, vm0, $0xb8;
	[tilespmem:$0x10200] =	vst v63  }
0x174: {  	_ = 	snop  }
0x175: {  	[tilespmem:s0], [sflag:$0x2] =	stream.indirect_vreg.gather [hbm4b:s6+s4], $0x80, v3, vm0, $0xb8;
	[tilespmem:$0x10200] =	vst v63  }
0x176: {  	v3 =	vld [tilespmem:$0x90];
	_ =	sdelay $0x4  }
0x177: {  	v21 =	vshll.u32 v3, $0x2  }
0x178: {  	v3 =	vand.u32 $0x7, v3;
	v4 =	vand.u32 $0xFFFFFFE0, v21  }
0x179: {  	v3 =	vor.u32 v3, v4  }
0x17a: {  	v4 =	vperm.xlane v3, v0;
	_ =	sdelay $0x1  }
0x17b: {  	v4 =	vadd.s32 v1, v4;
	_ =	sdelay $0x1  }
0x17c: {  	v3 =	vperm.xlane v3, v2;
	_ =	sdelay $0x1  }
0x17d: {  	s30 =	simm.s32 $0xA200;
	v3 =	vadd.s32 v1, v3  }
0x17e: {  	[tilespmem:s30], [sflag:$0x2] =	stream.indirect_vreg.gather [hbm4b:s2+s4], $0x80, v4, vm0, $0xb8;
	[tilespmem:$0x10200] =	vst v63  }
0x17f: {  	s7 =	simm.s32 $0xAA00  }
0x180: {  	[tilespmem:s7], [sflag:$0x2] =	stream.indirect_vreg.gather [hbm4b:s6+s4], $0x80, v4, vm0, $0xb8;
	[tilespmem:$0x10200] =	vst v63  }
0x181: {  	s10 =	simm.s32 $0xB200  }
0x182: {  	[tilespmem:s10], [sflag:$0x2] =	stream.indirect_vreg.gather [hbm4b:s2+s4], $0x80, v3, vm0, $0xb8;
	[tilespmem:$0x10200] =	vst v63  }
0x183: {  	s20 =	simm.s32 $0xBA00  }
0x184: {  	[tilespmem:s20], [sflag:$0x2] =	stream.indirect_vreg.gather [hbm4b:s6+s4], $0x80, v3, vm0, $0xb8;
	[tilespmem:$0x10200] =	vst v63  }
0x185: {  	v3 =	vld [tilespmem:$0xA0];
	_ =	sdelay $0x4  }
0x186: {  	v22 =	vshll.u32 v3, $0x2  }
0x187: {  	v3 =	vand.u32 $0x7, v3;
	v4 =	vand.u32 $0xFFFFFFE0, v22  }
0x188: {  	v3 =	vor.u32 v3, v4  }
0x189: {  	v4 =	vperm.xlane v3, v0;
	_ =	sdelay $0x1  }
0x18a: {  	v4 =	vadd.s32 v1, v4;
	_ =	sdelay $0x1  }
0x18b: {  	v3 =	vperm.xlane v3, v2;
	_ =	sdelay $0x1  }
0x18c: {  	s11 =	simm.s32 $0xC200;
	v3 =	vadd.s32 v1, v3  }
0x18d: {  	[tilespmem:s11], [sflag:$0x2] =	stream.indirect_vreg.gather [hbm4b:s2+s4], $0x80, v4, vm0, $0xb8;
	[tilespmem:$0x10200] =	vst v63  }
0x18e: {  	s12 =	simm.s32 $0xCA00  }
0x18f: {  	[tilespmem:s12], [sflag:$0x2] =	stream.indirect_vreg.gather [hbm4b:s6+s4], $0x80, v4, vm0, $0xb8;
	[tilespmem:$0x10200] =	vst v63  }
0x190: {  	s13 =	simm.s32 $0xD200  }
0x191: {  	[tilespmem:s13], [sflag:$0x2] =	stream.indirect_vreg.gather [hbm4b:s2+s4], $0x80, v3, vm0, $0xb8;
	[tilespmem:$0x10200] =	vst v63  }
0x192: {  	s28 =	simm.s32 $0xDA00  }
0x193: {  	[tilespmem:s28], [sflag:$0x2] =	stream.indirect_vreg.gather [hbm4b:s6+s4], $0x80, v3, vm0, $0xb8;
	[tilespmem:$0x10200] =	vst v63  }
0x194: {  	v3 =	vld [tilespmem:$0xB0];
	_ =	sdelay $0x4  }
0x195: {  	v23 =	vshll.u32 v3, $0x2  }
0x196: {  	v3 =	vand.u32 $0x7, v3;
	v4 =	vand.u32 $0xFFFFFFE0, v23  }
0x197: {  	v3 =	vor.u32 v3, v4  }
0x198: {  	v4 =	vperm.xlane v3, v0;
	_ =	sdelay $0x1  }
0x199: {  	v4 =	vadd.s32 v1, v4;
	_ =	sdelay $0x1  }
0x19a: {  	v3 =	vperm.xlane v3, v2;
	_ =	sdelay $0x1  }
0x19b: {  	s14 =	simm.s32 $0xE200;
	v3 =	vadd.s32 v1, v3  }
0x19c: {  	[tilespmem:s14], [sflag:$0x2] =	stream.indirect_vreg.gather [hbm4b:s2+s4], $0x80, v4, vm0, $0xb8;
	[tilespmem:$0x10200] =	vst v63  }
0x19d: {  	s24 =	simm.s32 $0xEA00  }
0x19e: {  	[tilespmem:s24], [sflag:$0x2] =	stream.indirect_vreg.gather [hbm4b:s6+s4], $0x80, v4, vm0, $0xb8;
	[tilespmem:$0x10200] =	vst v63  }
0x19f: {  	s26 =	simm.s32 $0xF200  }
0x1a0: {  	[tilespmem:s26], [sflag:$0x2] =	stream.indirect_vreg.gather [hbm4b:s2+s4], $0x80, v3, vm0, $0xb8;
	[tilespmem:$0x10200] =	vst v63  }
0x1a1: {  	s29 =	simm.s32 $0xFA00  }
0x1a2: {  	[tilespmem:s29], [sflag:$0x2] =	stream.indirect_vreg.gather [hbm4b:s6+s4], $0x80, v3, vm0, $0xb8;
	[tilespmem:$0x10200] =	vst v63  }
0x1a3: {  	_ =	swait.ge [sflag:s18], $0x8000  }
0x1a4: {  	[sflag:s18] =	ssyncset.done $0x0  }
0x1a5: {  	s20 =	rddreg [dreg:$0xa];
	[sflag:s18] =	ssyncadd.s32 $0xFFFF8000  }
0x1a6: {  	[hbm4b:s20+s4] =	stream.linear.scatter [tilespmem:s3], [sflag:$0x3], $0x8000, $0x38;
	[tilespmem:$0x10200] =	vst v63  }
0x1a7: {  	_ =	swait.ge [sflag:s8], $0x8000  }
0x1a8: {  	[sflag:s8] =	ssyncset.done $0x0  }
0x1a9: {  	[sflag:s8] =	ssyncadd.s32 $0xFFFF8000  }
0x1aa: {  	_ =	swait.ge [sflag:s19], $0x8000  }
0x1ab: {  	[sflag:s19] =	ssyncset.done $0x0  }
0x1ac: {  	s20 =	rddreg [dreg:$0xb];
	[sflag:s19] =	ssyncadd.s32 $0xFFFF8000  }
0x1ad: {  	[hbm4b:s20+s4] =	stream.linear.scatter [tilespmem:s25], [sflag:$0x3], $0x8000, $0x38;
	[tilespmem:$0x10200] =	vst v63  }
0x1ae: {  	_ =	swait.ge [sflag:s8], $0x8000  }
0x1af: {  	[sflag:s8] =	ssyncset.done $0x0  }
0x1b0: {  	[sflag:s8] =	ssyncadd.s32 $0xFFFF8000  }
0x1b1: {  	v3 =	vld [tilespmem:$0xC0];
	_ =	sdelay $0x4  }
0x1b2: {  	v24 =	vshll.u32 v3, $0x2  }
0x1b3: {  	v3 =	vand.u32 $0x7, v3;
	v4 =	vand.u32 $0xFFFFFFE0, v24  }
0x1b4: {  	v3 =	vor.u32 v3, v4  }
0x1b5: {  	v4 =	vperm.xlane v3, v0;
	_ =	sdelay $0x1  }
0x1b6: {  	v4 =	vadd.s32 v1, v4;
	_ =	sdelay $0x1  }
0x1b7: {  	v3 =	vperm.xlane v3, v2;
	_ =	sdelay $0x1  }
0x1b8: {  	v3 =	vadd.s32 v1, v3  }
0x1b9: {  	[tilespmem:s3], [sflag:$0x1] =	stream.indirect_vreg.gather [hbm4b:s1+s4], $0x80, v4, vm0, $0xb8;
	[tilespmem:$0x10200] =	vst v63  }
0x1ba: {  	s20 =	simm.s32 $0xA00  }
0x1bb: {  	[tilespmem:s20], [sflag:$0x1] =	stream.indirect_vreg.gather [hbm4b:s5+s4], $0x80, v4, vm0, $0xb8;
	[tilespmem:$0x10200] =	vst v63  }
0x1bc: {  	s20 =	simm.s32 $0x1200  }
0x1bd: {  	[tilespmem:s20], [sflag:$0x1] =	stream.indirect_vreg.gather [hbm4b:s1+s4], $0x80, v3, vm0, $0xb8;
	[tilespmem:$0x10200] =	vst v63  }
0x1be: {  	s20 =	simm.s32 $0x1A00  }
0x1bf: {  	[tilespmem:s20], [sflag:$0x1] =	stream.indirect_vreg.gather [hbm4b:s5+s4], $0x80, v3, vm0, $0xb8;
	[tilespmem:$0x10200] =	vst v63  }
0x1c0: {  	v3 =	vld [tilespmem:$0xD0];
	_ =	sdelay $0x4  }
0x1c1: {  	v25 =	vshll.u32 v3, $0x2  }
0x1c2: {  	v3 =	vand.u32 $0x7, v3;
	v4 =	vand.u32 $0xFFFFFFE0, v25  }
0x1c3: {  	v3 =	vor.u32 v3, v4  }
0x1c4: {  	v4 =	vperm.xlane v3, v0;
	_ =	sdelay $0x1  }
0x1c5: {  	v4 =	vadd.s32 v1, v4;
	_ =	sdelay $0x1  }
0x1c6: {  	v3 =	vperm.xlane v3, v2;
	_ =	sdelay $0x1  }
0x1c7: {  	s20 =	simm.s32 $0x2200;
	v3 =	vadd.s32 v1, v3  }
0x1c8: {  	[tilespmem:s20], [sflag:$0x1] =	stream.indirect_vreg.gather [hbm4b:s1+s4], $0x80, v4, vm0, $0xb8;
	[tilespmem:$0x10200] =	vst v63  }
0x1c9: {  	s20 =	simm.s32 $0x2A00  }
0x1ca: {  	[tilespmem:s20], [sflag:$0x1] =	stream.indirect_vreg.gather [hbm4b:s5+s4], $0x80, v4, vm0, $0xb8;
	[tilespmem:$0x10200] =	vst v63  }
0x1cb: {  	s20 =	simm.s32 $0x3200  }
0x1cc: {  	[tilespmem:s20], [sflag:$0x1] =	stream.indirect_vreg.gather [hbm4b:s1+s4], $0x80, v3, vm0, $0xb8;
	[tilespmem:$0x10200] =	vst v63  }
0x1cd: {  	s20 =	simm.s32 $0x3A00  }
0x1ce: {  	[tilespmem:s20], [sflag:$0x1] =	stream.indirect_vreg.gather [hbm4b:s5+s4], $0x80, v3, vm0, $0xb8;
	[tilespmem:$0x10200] =	vst v63  }
0x1cf: {  	v3 =	vld [tilespmem:$0xE0];
	_ =	sdelay $0x4  }
0x1d0: {  	v26 =	vshll.u32 v3, $0x2  }
0x1d1: {  	v3 =	vand.u32 $0x7, v3;
	v4 =	vand.u32 $0xFFFFFFE0, v26  }
0x1d2: {  	v3 =	vor.u32 v3, v4  }
0x1d3: {  	v4 =	vperm.xlane v3, v0;
	_ =	sdelay $0x1  }
0x1d4: {  	v4 =	vadd.s32 v1, v4;
	_ =	sdelay $0x1  }
0x1d5: {  	v3 =	vperm.xlane v3, v2;
	_ =	sdelay $0x1  }
0x1d6: {  	s20 =	simm.s32 $0x4200;
	v3 =	vadd.s32 v1, v3  }
0x1d7: {  	[tilespmem:s20], [sflag:$0x1] =	stream.indirect_vreg.gather [hbm4b:s1+s4], $0x80, v4, vm0, $0xb8;
	[tilespmem:$0x10200] =	vst v63  }
0x1d8: {  	s20 =	simm.s32 $0x4A00  }
0x1d9: {  	[tilespmem:s20], [sflag:$0x1] =	stream.indirect_vreg.gather [hbm4b:s5+s4], $0x80, v4, vm0, $0xb8;
	[tilespmem:$0x10200] =	vst v63  }
0x1da: {  	s9 =	simm.s32 $0x5200  }
0x1db: {  	[tilespmem:s9], [sflag:$0x1] =	stream.indirect_vreg.gather [hbm4b:s1+s4], $0x80, v3, vm0, $0xb8;
	[tilespmem:$0x10200] =	vst v63  }
0x1dc: {  	s15 =	simm.s32 $0x5A00  }
0x1dd: {  	[tilespmem:s15], [sflag:$0x1] =	stream.indirect_vreg.gather [hbm4b:s5+s4], $0x80, v3, vm0, $0xb8;
	[tilespmem:$0x10200] =	vst v63  }
0x1de: {  	v3 =	vld [tilespmem:$0xF0];
	_ =	sdelay $0x4  }
0x1df: {  	v27 =	vshll.u32 v3, $0x2  }
0x1e0: {  	v3 =	vand.u32 $0x7, v3;
	v4 =	vand.u32 $0xFFFFFFE0, v27  }
0x1e1: {  	v3 =	vor.u32 v3, v4  }
0x1e2: {  	v4 =	vperm.xlane v3, v0;
	_ =	sdelay $0x1  }
0x1e3: {  	v4 =	vadd.s32 v1, v4;
	_ =	sdelay $0x1  }
0x1e4: {  	v3 =	vperm.xlane v3, v2;
	_ =	sdelay $0x1  }
0x1e5: {  	s16 =	simm.s32 $0x6200;
	v3 =	vadd.s32 v1, v3  }
0x1e6: {  	[tilespmem:s16], [sflag:$0x1] =	stream.indirect_vreg.gather [hbm4b:s1+s4], $0x80, v4, vm0, $0xb8;
	[tilespmem:$0x10200] =	vst v63  }
0x1e7: {  	s17 =	simm.s32 $0x6A00  }
0x1e8: {  	[tilespmem:s17], [sflag:$0x1] =	stream.indirect_vreg.gather [hbm4b:s5+s4], $0x80, v4, vm0, $0xb8;
	[tilespmem:$0x10200] =	vst v63  }
0x1e9: {  	s21 =	simm.s32 $0x7200  }
0x1ea: {  	[tilespmem:s21], [sflag:$0x1] =	stream.indirect_vreg.gather [hbm4b:s1+s4], $0x80, v3, vm0, $0xb8;
	[tilespmem:$0x10200] =	vst v63  }
0x1eb: {  	s31 =	simm.s32 $0x7A00  }
0x1ec: {  	[tilespmem:s31], [sflag:$0x1] =	stream.indirect_vreg.gather [hbm4b:s5+s4], $0x80, v3, vm0, $0xb8;
	[tilespmem:$0x10200] =	vst v63  }
0x1ed: {  	v3 =	vld [tilespmem:$0xC0];
	_ =	sdelay $0x4  }
0x1ee: {  	v28 =	vshll.u32 v3, $0x2  }
0x1ef: {  	v3 =	vand.u32 $0x7, v3;
	v4 =	vand.u32 $0xFFFFFFE0, v28  }
0x1f0: {  	v3 =	vor.u32 v3, v4  }
0x1f1: {  	v4 =	vperm.xlane v3, v0;
	_ =	sdelay $0x1  }
0x1f2: {  	v4 =	vadd.s32 v1, v4;
	_ =	sdelay $0x1  }
0x1f3: {  	v3 =	vperm.xlane v3, v2;
	_ =	sdelay $0x1  }
0x1f4: {  	v3 =	vadd.s32 v1, v3  }
0x1f5: {  	[tilespmem:s25], [sflag:$0x2] =	stream.indirect_vreg.gather [hbm4b:s2+s4], $0x80, v4, vm0, $0xb8;
	[tilespmem:$0x10200] =	vst v63  }
0x1f6: {  	s22 =	simm.s32 $0x8A00  }
0x1f7: {  	[tilespmem:s22], [sflag:$0x2] =	stream.indirect_vreg.gather [hbm4b:s6+s4], $0x80, v4, vm0, $0xb8;
	[tilespmem:$0x10200] =	vst v63  }
0x1f8: {  	s23 =	simm.s32 $0x9200  }
0x1f9: {  	[tilespmem:s23], [sflag:$0x2] =	stream.indirect_vreg.gather [hbm4b:s2+s4], $0x80, v3, vm0, $0xb8;
	[tilespmem:$0x10200] =	vst v63  }
0x1fa: {  	s0 =	simm.s32 $0x9A00  }
0x1fb: {  	[tilespmem:s0], [sflag:$0x2] =	stream.indirect_vreg.gather [hbm4b:s6+s4], $0x80, v3, vm0, $0xb8;
	[tilespmem:$0x10200] =	vst v63  }
0x1fc: {  	v3 =	vld [tilespmem:$0xD0];
	_ =	sdelay $0x4  }
0x1fd: {  	v29 =	vshll.u32 v3, $0x2  }
0x1fe: {  	v3 =	vand.u32 $0x7, v3;
	v4 =	vand.u32 $0xFFFFFFE0, v29  }
0x1ff: {  	v3 =	vor.u32 v3, v4  }
0x200: {  	v4 =	vperm.xlane v3, v0;
	_ =	sdelay $0x1  }
0x201: {  	v4 =	vadd.s32 v1, v4;
	_ =	sdelay $0x1  }
0x202: {  	v3 =	vperm.xlane v3, v2;
	_ =	sdelay $0x1  }
0x203: {  	s30 =	simm.s32 $0xA200;
	v3 =	vadd.s32 v1, v3  }
0x204: {  	[tilespmem:s30], [sflag:$0x2] =	stream.indirect_vreg.gather [hbm4b:s2+s4], $0x80, v4, vm0, $0xb8;
	[tilespmem:$0x10200] =	vst v63  }
0x205: {  	s7 =	simm.s32 $0xAA00  }
0x206: {  	[tilespmem:s7], [sflag:$0x2] =	stream.indirect_vreg.gather [hbm4b:s6+s4], $0x80, v4, vm0, $0xb8;
	[tilespmem:$0x10200] =	vst v63  }
0x207: {  	s10 =	simm.s32 $0xB200  }
0x208: {  	[tilespmem:s10], [sflag:$0x2] =	stream.indirect_vreg.gather [hbm4b:s2+s4], $0x80, v3, vm0, $0xb8;
	[tilespmem:$0x10200] =	vst v63  }
0x209: {  	s30 =	simm.s32 $0xBA00  }
0x20a: {  	[tilespmem:s30], [sflag:$0x2] =	stream.indirect_vreg.gather [hbm4b:s6+s4], $0x80, v3, vm0, $0xb8;
	[tilespmem:$0x10200] =	vst v63  }
0x20b: {  	v3 =	vld [tilespmem:$0xE0];
	_ =	sdelay $0x4  }
0x20c: {  	v30 =	vshll.u32 v3, $0x2  }
0x20d: {  	v3 =	vand.u32 $0x7, v3;
	v4 =	vand.u32 $0xFFFFFFE0, v30  }
0x20e: {  	v3 =	vor.u32 v3, v4  }
0x20f: {  	v4 =	vperm.xlane v3, v0;
	_ =	sdelay $0x1  }
0x210: {  	v4 =	vadd.s32 v1, v4;
	_ =	sdelay $0x1  }
0x211: {  	v3 =	vperm.xlane v3, v2;
	_ =	sdelay $0x1  }
0x212: {  	s11 =	simm.s32 $0xC200;
	v3 =	vadd.s32 v1, v3  }
0x213: {  	[tilespmem:s11], [sflag:$0x2] =	stream.indirect_vreg.gather [hbm4b:s2+s4], $0x80, v4, vm0, $0xb8;
	[tilespmem:$0x10200] =	vst v63  }
0x214: {  	s12 =	simm.s32 $0xCA00  }
0x215: {  	[tilespmem:s12], [sflag:$0x2] =	stream.indirect_vreg.gather [hbm4b:s6+s4], $0x80, v4, vm0, $0xb8;
	[tilespmem:$0x10200] =	vst v63  }
0x216: {  	s13 =	simm.s32 $0xD200  }
0x217: {  	[tilespmem:s13], [sflag:$0x2] =	stream.indirect_vreg.gather [hbm4b:s2+s4], $0x80, v3, vm0, $0xb8;
	[tilespmem:$0x10200] =	vst v63  }
0x218: {  	s28 =	simm.s32 $0xDA00  }
0x219: {  	[tilespmem:s28], [sflag:$0x2] =	stream.indirect_vreg.gather [hbm4b:s6+s4], $0x80, v3, vm0, $0xb8;
	[tilespmem:$0x10200] =	vst v63  }
0x21a: {  	v3 =	vld [tilespmem:$0xF0];
	_ =	sdelay $0x4  }
0x21b: {  	v31 =	vshll.u32 v3, $0x2  }
0x21c: {  	v3 =	vand.u32 $0x7, v3;
	v4 =	vand.u32 $0xFFFFFFE0, v31  }
0x21d: {  	v3 =	vor.u32 v3, v4  }
0x21e: {  	v4 =	vperm.xlane v3, v0;
	_ =	sdelay $0x1  }
0x21f: {  	v4 =	vadd.s32 v1, v4;
	_ =	sdelay $0x1  }
0x220: {  	v3 =	vperm.xlane v3, v2;
	_ =	sdelay $0x1  }
0x221: {  	s14 =	simm.s32 $0xE200;
	v3 =	vadd.s32 v1, v3  }
0x222: {  	[tilespmem:s14], [sflag:$0x2] =	stream.indirect_vreg.gather [hbm4b:s2+s4], $0x80, v4, vm0, $0xb8;
	[tilespmem:$0x10200] =	vst v63  }
0x223: {  	s24 =	simm.s32 $0xEA00  }
0x224: {  	[tilespmem:s24], [sflag:$0x2] =	stream.indirect_vreg.gather [hbm4b:s6+s4], $0x80, v4, vm0, $0xb8;
	[tilespmem:$0x10200] =	vst v63  }
0x225: {  	s26 =	simm.s32 $0xF200  }
0x226: {  	[tilespmem:s26], [sflag:$0x2] =	stream.indirect_vreg.gather [hbm4b:s2+s4], $0x80, v3, vm0, $0xb8;
	[tilespmem:$0x10200] =	vst v63  }
0x227: {  	s29 =	simm.s32 $0xFA00  }
0x228: {  	[tilespmem:s29], [sflag:$0x2] =	stream.indirect_vreg.gather [hbm4b:s6+s4], $0x80, v3, vm0, $0xb8;
	[tilespmem:$0x10200] =	vst v63  }
0x229: {  	_ =	swait.ge [sflag:s18], $0x8000  }
0x22a: {  	[sflag:s18] =	ssyncset.done $0x0  }
0x22b: {  	s20 =	rddreg [dreg:$0xc];
	[sflag:s18] =	ssyncadd.s32 $0xFFFF8000  }
0x22c: {  	[hbm4b:s20+s4] =	stream.linear.scatter [tilespmem:s3], [sflag:$0x3], $0x8000, $0x38;
	[tilespmem:$0x10200] =	vst v63  }
0x22d: {  	_ =	swait.ge [sflag:s8], $0x8000  }
0x22e: {  	[sflag:s8] =	ssyncset.done $0x0  }
0x22f: {  	[sflag:s8] =	ssyncadd.s32 $0xFFFF8000  }
0x230: {  	_ =	swait.ge [sflag:s19], $0x8000  }
0x231: {  	[sflag:s19] =	ssyncset.done $0x0  }
0x232: {  	s20 =	rddreg [dreg:$0xd];
	[sflag:s19] =	ssyncadd.s32 $0xFFFF8000  }
0x233: {  	[hbm4b:s20+s4] =	stream.linear.scatter [tilespmem:s25], [sflag:$0x3], $0x8000, $0x38;
	[tilespmem:$0x10200] =	vst v63  }
0x234: {  	_ =	swait.ge [sflag:s8], $0x8000  }
0x235: {  	[sflag:s8] =	ssyncset.done $0x0  }
0x236: {  	[sflag:s8] =	ssyncadd.s32 $0xFFFF8000  }
0x237: {  	v3 =	vld [tilespmem:$0x100];
	_ =	sdelay $0x4  }
0x238: {  	v32 =	vshll.u32 v3, $0x2  }
0x239: {  	v3 =	vand.u32 $0x7, v3;
	v4 =	vand.u32 $0xFFFFFFE0, v32  }
0x23a: {  	v3 =	vor.u32 v3, v4  }
0x23b: {  	v4 =	vperm.xlane v3, v0;
	_ =	sdelay $0x1  }
0x23c: {  	v4 =	vadd.s32 v1, v4;
	_ =	sdelay $0x1  }
0x23d: {  	v3 =	vperm.xlane v3, v2;
	_ =	sdelay $0x1  }
0x23e: {  	v3 =	vadd.s32 v1, v3  }
0x23f: {  	[tilespmem:s3], [sflag:$0x1] =	stream.indirect_vreg.gather [hbm4b:s1+s4], $0x80, v4, vm0, $0xb8;
	[tilespmem:$0x10200] =	vst v63  }
0x240: {  	s20 =	simm.s32 $0xA00  }
0x241: {  	[tilespmem:s20], [sflag:$0x1] =	stream.indirect_vreg.gather [hbm4b:s5+s4], $0x80, v4, vm0, $0xb8;
	[tilespmem:$0x10200] =	vst v63  }
0x242: {  	s20 =	simm.s32 $0x1200  }
0x243: {  	[tilespmem:s20], [sflag:$0x1] =	stream.indirect_vreg.gather [hbm4b:s1+s4], $0x80, v3, vm0, $0xb8;
	[tilespmem:$0x10200] =	vst v63  }
0x244: {  	s20 =	simm.s32 $0x1A00  }
0x245: {  	[tilespmem:s20], [sflag:$0x1] =	stream.indirect_vreg.gather [hbm4b:s5+s4], $0x80, v3, vm0, $0xb8;
	[tilespmem:$0x10200] =	vst v63  }
0x246: {  	v3 =	vld [tilespmem:$0x110];
	_ =	sdelay $0x4  }
0x247: {  	v33 =	vshll.u32 v3, $0x2  }
0x248: {  	v3 =	vand.u32 $0x7, v3;
	v4 =	vand.u32 $0xFFFFFFE0, v33  }
0x249: {  	v3 =	vor.u32 v3, v4  }
0x24a: {  	v4 =	vperm.xlane v3, v0;
	_ =	sdelay $0x1  }
0x24b: {  	v4 =	vadd.s32 v1, v4;
	_ =	sdelay $0x1  }
0x24c: {  	v3 =	vperm.xlane v3, v2;
	_ =	sdelay $0x1  }
0x24d: {  	s20 =	simm.s32 $0x2200;
	v3 =	vadd.s32 v1, v3  }
0x24e: {  	[tilespmem:s20], [sflag:$0x1] =	stream.indirect_vreg.gather [hbm4b:s1+s4], $0x80, v4, vm0, $0xb8;
	[tilespmem:$0x10200] =	vst v63  }
0x24f: {  	s20 =	simm.s32 $0x2A00  }
0x250: {  	[tilespmem:s20], [sflag:$0x1] =	stream.indirect_vreg.gather [hbm4b:s5+s4], $0x80, v4, vm0, $0xb8;
	[tilespmem:$0x10200] =	vst v63  }
0x251: {  	s20 =	simm.s32 $0x3200  }
0x252: {  	[tilespmem:s20], [sflag:$0x1] =	stream.indirect_vreg.gather [hbm4b:s1+s4], $0x80, v3, vm0, $0xb8;
	[tilespmem:$0x10200] =	vst v63  }
0x253: {  	s20 =	simm.s32 $0x3A00  }
0x254: {  	[tilespmem:s20], [sflag:$0x1] =	stream.indirect_vreg.gather [hbm4b:s5+s4], $0x80, v3, vm0, $0xb8;
	[tilespmem:$0x10200] =	vst v63  }
0x255: {  	v3 =	vld [tilespmem:$0x120];
	_ =	sdelay $0x4  }
0x256: {  	v34 =	vshll.u32 v3, $0x2  }
0x257: {  	v3 =	vand.u32 $0x7, v3;
	v4 =	vand.u32 $0xFFFFFFE0, v34  }
0x258: {  	v3 =	vor.u32 v3, v4  }
0x259: {  	v4 =	vperm.xlane v3, v0;
	_ =	sdelay $0x1  }
0x25a: {  	v4 =	vadd.s32 v1, v4;
	_ =	sdelay $0x1  }
0x25b: {  	v3 =	vperm.xlane v3, v2;
	_ =	sdelay $0x1  }
0x25c: {  	s20 =	simm.s32 $0x4200;
	v3 =	vadd.s32 v1, v3  }
0x25d: {  	[tilespmem:s20], [sflag:$0x1] =	stream.indirect_vreg.gather [hbm4b:s1+s4], $0x80, v4, vm0, $0xb8;
	[tilespmem:$0x10200] =	vst v63  }
0x25e: {  	s20 =	simm.s32 $0x4A00  }
0x25f: {  	[tilespmem:s20], [sflag:$0x1] =	stream.indirect_vreg.gather [hbm4b:s5+s4], $0x80, v4, vm0, $0xb8;
	[tilespmem:$0x10200] =	vst v63  }
0x260: {  	s9 =	simm.s32 $0x5200  }
0x261: {  	[tilespmem:s9], [sflag:$0x1] =	stream.indirect_vreg.gather [hbm4b:s1+s4], $0x80, v3, vm0, $0xb8;
	[tilespmem:$0x10200] =	vst v63  }
0x262: {  	s15 =	simm.s32 $0x5A00  }
0x263: {  	[tilespmem:s15], [sflag:$0x1] =	stream.indirect_vreg.gather [hbm4b:s5+s4], $0x80, v3, vm0, $0xb8;
	[tilespmem:$0x10200] =	vst v63  }
0x264: {  	v3 =	vld [tilespmem:$0x130];
	_ =	sdelay $0x4  }
0x265: {  	v35 =	vshll.u32 v3, $0x2  }
0x266: {  	v3 =	vand.u32 $0x7, v3;
	v4 =	vand.u32 $0xFFFFFFE0, v35  }
0x267: {  	v3 =	vor.u32 v3, v4  }
0x268: {  	v4 =	vperm.xlane v3, v0;
	_ =	sdelay $0x1  }
0x269: {  	v4 =	vadd.s32 v1, v4;
	_ =	sdelay $0x1  }
0x26a: {  	v3 =	vperm.xlane v3, v2;
	_ =	sdelay $0x1  }
0x26b: {  	s16 =	simm.s32 $0x6200;
	v3 =	vadd.s32 v1, v3  }
0x26c: {  	[tilespmem:s16], [sflag:$0x1] =	stream.indirect_vreg.gather [hbm4b:s1+s4], $0x80, v4, vm0, $0xb8;
	[tilespmem:$0x10200] =	vst v63  }
0x26d: {  	s17 =	simm.s32 $0x6A00  }
0x26e: {  	[tilespmem:s17], [sflag:$0x1] =	stream.indirect_vreg.gather [hbm4b:s5+s4], $0x80, v4, vm0, $0xb8;
	[tilespmem:$0x10200] =	vst v63  }
0x26f: {  	s21 =	simm.s32 $0x7200  }
0x270: {  	[tilespmem:s21], [sflag:$0x1] =	stream.indirect_vreg.gather [hbm4b:s1+s4], $0x80, v3, vm0, $0xb8;
	[tilespmem:$0x10200] =	vst v63  }
0x271: {  	s20 =	simm.s32 $0x7A00  }
0x272: {  	[tilespmem:s20], [sflag:$0x1] =	stream.indirect_vreg.gather [hbm4b:s5+s4], $0x80, v3, vm0, $0xb8;
	[tilespmem:$0x10200] =	vst v63  }
0x273: {  	v3 =	vld [tilespmem:$0x100];
	_ =	sdelay $0x4  }
0x274: {  	v36 =	vshll.u32 v3, $0x2  }
0x275: {  	v3 =	vand.u32 $0x7, v3;
	v4 =	vand.u32 $0xFFFFFFE0, v36  }
0x276: {  	v3 =	vor.u32 v3, v4  }
0x277: {  	v4 =	vperm.xlane v3, v0;
	_ =	sdelay $0x1  }
0x278: {  	v4 =	vadd.s32 v1, v4;
	_ =	sdelay $0x1  }
0x279: {  	v3 =	vperm.xlane v3, v2;
	_ =	sdelay $0x1  }
0x27a: {  	v3 =	vadd.s32 v1, v3  }
0x27b: {  	[tilespmem:s25], [sflag:$0x2] =	stream.indirect_vreg.gather [hbm4b:s2+s4], $0x80, v4, vm0, $0xb8;
	[tilespmem:$0x10200] =	vst v63  }
0x27c: {  	s22 =	simm.s32 $0x8A00  }
0x27d: {  	[tilespmem:s22], [sflag:$0x2] =	stream.indirect_vreg.gather [hbm4b:s6+s4], $0x80, v4, vm0, $0xb8;
	[tilespmem:$0x10200] =	vst v63  }
0x27e: {  	s23 =	simm.s32 $0x9200  }
0x27f: {  	[tilespmem:s23], [sflag:$0x2] =	stream.indirect_vreg.gather [hbm4b:s2+s4], $0x80, v3, vm0, $0xb8;
	[tilespmem:$0x10200] =	vst v63  }
0x280: {  	s0 =	simm.s32 $0x9A00  }
0x281: {  	[tilespmem:s0], [sflag:$0x2] =	stream.indirect_vreg.gather [hbm4b:s6+s4], $0x80, v3, vm0, $0xb8;
	[tilespmem:$0x10200] =	vst v63  }
0x282: {  	v3 =	vld [tilespmem:$0x110];
	_ =	sdelay $0x4  }
0x283: {  	v37 =	vshll.u32 v3, $0x2  }
0x284: {  	v3 =	vand.u32 $0x7, v3;
	v4 =	vand.u32 $0xFFFFFFE0, v37  }
0x285: {  	v3 =	vor.u32 v3, v4  }
0x286: {  	v4 =	vperm.xlane v3, v0;
	_ =	sdelay $0x1  }
0x287: {  	v4 =	vadd.s32 v1, v4;
	_ =	sdelay $0x1  }
0x288: {  	v3 =	vperm.xlane v3, v2;
	_ =	sdelay $0x1  }
0x289: {  	s31 =	simm.s32 $0xA200;
	v3 =	vadd.s32 v1, v3  }
0x28a: {  	[tilespmem:s31], [sflag:$0x2] =	stream.indirect_vreg.gather [hbm4b:s2+s4], $0x80, v4, vm0, $0xb8;
	[tilespmem:$0x10200] =	vst v63  }
0x28b: {  	s7 =	simm.s32 $0xAA00  }
0x28c: {  	[tilespmem:s7], [sflag:$0x2] =	stream.indirect_vreg.gather [hbm4b:s6+s4], $0x80, v4, vm0, $0xb8;
	[tilespmem:$0x10200] =	vst v63  }
0x28d: {  	s10 =	simm.s32 $0xB200  }
0x28e: {  	[tilespmem:s10], [sflag:$0x2] =	stream.indirect_vreg.gather [hbm4b:s2+s4], $0x80, v3, vm0, $0xb8;
	[tilespmem:$0x10200] =	vst v63  }
0x28f: {  	s30 =	simm.s32 $0xBA00  }
0x290: {  	[tilespmem:s30], [sflag:$0x2] =	stream.indirect_vreg.gather [hbm4b:s6+s4], $0x80, v3, vm0, $0xb8;
	[tilespmem:$0x10200] =	vst v63  }
0x291: {  	v3 =	vld [tilespmem:$0x120];
	_ =	sdelay $0x4  }
0x292: {  	v38 =	vshll.u32 v3, $0x2  }
0x293: {  	v3 =	vand.u32 $0x7, v3;
	v4 =	vand.u32 $0xFFFFFFE0, v38  }
0x294: {  	v3 =	vor.u32 v3, v4  }
0x295: {  	v4 =	vperm.xlane v3, v0;
	_ =	sdelay $0x1  }
0x296: {  	v4 =	vadd.s32 v1, v4;
	_ =	sdelay $0x1  }
0x297: {  	v3 =	vperm.xlane v3, v2;
	_ =	sdelay $0x1  }
0x298: {  	s11 =	simm.s32 $0xC200;
	v3 =	vadd.s32 v1, v3  }
0x299: {  	[tilespmem:s11], [sflag:$0x2] =	stream.indirect_vreg.gather [hbm4b:s2+s4], $0x80, v4, vm0, $0xb8;
	[tilespmem:$0x10200] =	vst v63  }
0x29a: {  	s12 =	simm.s32 $0xCA00  }
0x29b: {  	[tilespmem:s12], [sflag:$0x2] =	stream.indirect_vreg.gather [hbm4b:s6+s4], $0x80, v4, vm0, $0xb8;
	[tilespmem:$0x10200] =	vst v63  }
0x29c: {  	s13 =	simm.s32 $0xD200  }
0x29d: {  	[tilespmem:s13], [sflag:$0x2] =	stream.indirect_vreg.gather [hbm4b:s2+s4], $0x80, v3, vm0, $0xb8;
	[tilespmem:$0x10200] =	vst v63  }
0x29e: {  	s28 =	simm.s32 $0xDA00  }
0x29f: {  	[tilespmem:s28], [sflag:$0x2] =	stream.indirect_vreg.gather [hbm4b:s6+s4], $0x80, v3, vm0, $0xb8;
	[tilespmem:$0x10200] =	vst v63  }
0x2a0: {  	v3 =	vld [tilespmem:$0x130];
	_ =	sdelay $0x4  }
0x2a1: {  	v39 =	vshll.u32 v3, $0x2  }
0x2a2: {  	v3 =	vand.u32 $0x7, v3;
	v4 =	vand.u32 $0xFFFFFFE0, v39  }
0x2a3: {  	v3 =	vor.u32 v3, v4  }
0x2a4: {  	v4 =	vperm.xlane v3, v0;
	_ =	sdelay $0x1  }
0x2a5: {  	v4 =	vadd.s32 v1, v4;
	_ =	sdelay $0x1  }
0x2a6: {  	v3 =	vperm.xlane v3, v2;
	_ =	sdelay $0x1  }
0x2a7: {  	s14 =	simm.s32 $0xE200;
	v3 =	vadd.s32 v1, v3  }
0x2a8: {  	[tilespmem:s14], [sflag:$0x2] =	stream.indirect_vreg.gather [hbm4b:s2+s4], $0x80, v4, vm0, $0xb8;
	[tilespmem:$0x10200] =	vst v63  }
0x2a9: {  	s24 =	simm.s32 $0xEA00  }
0x2aa: {  	[tilespmem:s24], [sflag:$0x2] =	stream.indirect_vreg.gather [hbm4b:s6+s4], $0x80, v4, vm0, $0xb8;
	[tilespmem:$0x10200] =	vst v63  }
0x2ab: {  	s26 =	simm.s32 $0xF200  }
0x2ac: {  	[tilespmem:s26], [sflag:$0x2] =	stream.indirect_vreg.gather [hbm4b:s2+s4], $0x80, v3, vm0, $0xb8;
	[tilespmem:$0x10200] =	vst v63  }
0x2ad: {  	s29 =	simm.s32 $0xFA00  }
0x2ae: {  	[tilespmem:s29], [sflag:$0x2] =	stream.indirect_vreg.gather [hbm4b:s6+s4], $0x80, v3, vm0, $0xb8;
	[tilespmem:$0x10200] =	vst v63  }
0x2af: {  	_ =	swait.ge [sflag:s18], $0x8000  }
0x2b0: {  	[sflag:s18] =	ssyncset.done $0x0  }
0x2b1: {  	s20 =	rddreg [dreg:$0xe];
	[sflag:s18] =	ssyncadd.s32 $0xFFFF8000  }
0x2b2: {  	[hbm4b:s20+s4] =	stream.linear.scatter [tilespmem:s3], [sflag:$0x3], $0x8000, $0x38;
	[tilespmem:$0x10200] =	vst v63  }
0x2b3: {  	_ =	swait.ge [sflag:s8], $0x8000  }
0x2b4: {  	[sflag:s8] =	ssyncset.done $0x0  }
0x2b5: {  	[sflag:s8] =	ssyncadd.s32 $0xFFFF8000  }
0x2b6: {  	_ =	swait.ge [sflag:s19], $0x8000  }
0x2b7: {  	[sflag:s19] =	ssyncset.done $0x0  }
0x2b8: {  	s20 =	rddreg [dreg:$0xf];
	[sflag:s19] =	ssyncadd.s32 $0xFFFF8000  }
0x2b9: {  	[hbm4b:s20+s4] =	stream.linear.scatter [tilespmem:s25], [sflag:$0x3], $0x8000, $0x38;
	[tilespmem:$0x10200] =	vst v63  }
0x2ba: {  	_ =	swait.ge [sflag:s8], $0x8000  }
0x2bb: {  	[sflag:s8] =	ssyncset.done $0x0  }
0x2bc: {  	[sflag:s8] =	ssyncadd.s32 $0xFFFF8000  }
0x2bd: {  	v3 =	vld [tilespmem:$0x140];
	_ =	sdelay $0x4  }
0x2be: {  	v40 =	vshll.u32 v3, $0x2  }
0x2bf: {  	v3 =	vand.u32 $0x7, v3;
	v4 =	vand.u32 $0xFFFFFFE0, v40  }
0x2c0: {  	v3 =	vor.u32 v3, v4  }
0x2c1: {  	v4 =	vperm.xlane v3, v0;
	_ =	sdelay $0x1  }
0x2c2: {  	v4 =	vadd.s32 v1, v4;
	_ =	sdelay $0x1  }
0x2c3: {  	v3 =	vperm.xlane v3, v2;
	_ =	sdelay $0x1  }
0x2c4: {  	v3 =	vadd.s32 v1, v3  }
0x2c5: {  	[tilespmem:s3], [sflag:$0x1] =	stream.indirect_vreg.gather [hbm4b:s1+s4], $0x80, v4, vm0, $0xb8;
	[tilespmem:$0x10200] =	vst v63  }
0x2c6: {  	s20 =	simm.s32 $0xA00  }
0x2c7: {  	[tilespmem:s20], [sflag:$0x1] =	stream.indirect_vreg.gather [hbm4b:s5+s4], $0x80, v4, vm0, $0xb8;
	[tilespmem:$0x10200] =	vst v63  }
0x2c8: {  	s20 =	simm.s32 $0x1200  }
0x2c9: {  	[tilespmem:s20], [sflag:$0x1] =	stream.indirect_vreg.gather [hbm4b:s1+s4], $0x80, v3, vm0, $0xb8;
	[tilespmem:$0x10200] =	vst v63  }
0x2ca: {  	s20 =	simm.s32 $0x1A00  }
0x2cb: {  	[tilespmem:s20], [sflag:$0x1] =	stream.indirect_vreg.gather [hbm4b:s5+s4], $0x80, v3, vm0, $0xb8;
	[tilespmem:$0x10200] =	vst v63  }
0x2cc: {  	v3 =	vld [tilespmem:$0x150];
	_ =	sdelay $0x4  }
0x2cd: {  	v41 =	vshll.u32 v3, $0x2  }
0x2ce: {  	v3 =	vand.u32 $0x7, v3;
	v4 =	vand.u32 $0xFFFFFFE0, v41  }
0x2cf: {  	v3 =	vor.u32 v3, v4  }
0x2d0: {  	v4 =	vperm.xlane v3, v0;
	_ =	sdelay $0x1  }
0x2d1: {  	v4 =	vadd.s32 v1, v4;
	_ =	sdelay $0x1  }
0x2d2: {  	v3 =	vperm.xlane v3, v2;
	_ =	sdelay $0x1  }
0x2d3: {  	s20 =	simm.s32 $0x2200;
	v3 =	vadd.s32 v1, v3  }
0x2d4: {  	[tilespmem:s20], [sflag:$0x1] =	stream.indirect_vreg.gather [hbm4b:s1+s4], $0x80, v4, vm0, $0xb8;
	[tilespmem:$0x10200] =	vst v63  }
0x2d5: {  	s20 =	simm.s32 $0x2A00  }
0x2d6: {  	[tilespmem:s20], [sflag:$0x1] =	stream.indirect_vreg.gather [hbm4b:s5+s4], $0x80, v4, vm0, $0xb8;
	[tilespmem:$0x10200] =	vst v63  }
0x2d7: {  	s20 =	simm.s32 $0x3200  }
0x2d8: {  	[tilespmem:s20], [sflag:$0x1] =	stream.indirect_vreg.gather [hbm4b:s1+s4], $0x80, v3, vm0, $0xb8;
	[tilespmem:$0x10200] =	vst v63  }
0x2d9: {  	s20 =	simm.s32 $0x3A00  }
0x2da: {  	[tilespmem:s20], [sflag:$0x1] =	stream.indirect_vreg.gather [hbm4b:s5+s4], $0x80, v3, vm0, $0xb8;
	[tilespmem:$0x10200] =	vst v63  }
0x2db: {  	v3 =	vld [tilespmem:$0x160];
	_ =	sdelay $0x4  }
0x2dc: {  	v42 =	vshll.u32 v3, $0x2  }
0x2dd: {  	v3 =	vand.u32 $0x7, v3;
	v4 =	vand.u32 $0xFFFFFFE0, v42  }
0x2de: {  	v3 =	vor.u32 v3, v4  }
0x2df: {  	v4 =	vperm.xlane v3, v0;
	_ =	sdelay $0x1  }
0x2e0: {  	v4 =	vadd.s32 v1, v4;
	_ =	sdelay $0x1  }
0x2e1: {  	v3 =	vperm.xlane v3, v2;
	_ =	sdelay $0x1  }
0x2e2: {  	s20 =	simm.s32 $0x4200;
	v3 =	vadd.s32 v1, v3  }
0x2e3: {  	[tilespmem:s20], [sflag:$0x1] =	stream.indirect_vreg.gather [hbm4b:s1+s4], $0x80, v4, vm0, $0xb8;
	[tilespmem:$0x10200] =	vst v63  }
0x2e4: {  	s20 =	simm.s32 $0x4A00  }
0x2e5: {  	[tilespmem:s20], [sflag:$0x1] =	stream.indirect_vreg.gather [hbm4b:s5+s4], $0x80, v4, vm0, $0xb8;
	[tilespmem:$0x10200] =	vst v63  }
0x2e6: {  	s9 =	simm.s32 $0x5200  }
0x2e7: {  	[tilespmem:s9], [sflag:$0x1] =	stream.indirect_vreg.gather [hbm4b:s1+s4], $0x80, v3, vm0, $0xb8;
	[tilespmem:$0x10200] =	vst v63  }
0x2e8: {  	s15 =	simm.s32 $0x5A00  }
0x2e9: {  	[tilespmem:s15], [sflag:$0x1] =	stream.indirect_vreg.gather [hbm4b:s5+s4], $0x80, v3, vm0, $0xb8;
	[tilespmem:$0x10200] =	vst v63  }
0x2ea: {  	v3 =	vld [tilespmem:$0x170];
	_ =	sdelay $0x4  }
0x2eb: {  	v43 =	vshll.u32 v3, $0x2  }
0x2ec: {  	v3 =	vand.u32 $0x7, v3;
	v4 =	vand.u32 $0xFFFFFFE0, v43  }
0x2ed: {  	v3 =	vor.u32 v3, v4  }
0x2ee: {  	v4 =	vperm.xlane v3, v0;
	_ =	sdelay $0x1  }
0x2ef: {  	v4 =	vadd.s32 v1, v4;
	_ =	sdelay $0x1  }
0x2f0: {  	v3 =	vperm.xlane v3, v2;
	_ =	sdelay $0x1  }
0x2f1: {  	s16 =	simm.s32 $0x6200;
	v3 =	vadd.s32 v1, v3  }
0x2f2: {  	[tilespmem:s16], [sflag:$0x1] =	stream.indirect_vreg.gather [hbm4b:s1+s4], $0x80, v4, vm0, $0xb8;
	[tilespmem:$0x10200] =	vst v63  }
0x2f3: {  	s17 =	simm.s32 $0x6A00  }
0x2f4: {  	[tilespmem:s17], [sflag:$0x1] =	stream.indirect_vreg.gather [hbm4b:s5+s4], $0x80, v4, vm0, $0xb8;
	[tilespmem:$0x10200] =	vst v63  }
0x2f5: {  	s21 =	simm.s32 $0x7200  }
0x2f6: {  	[tilespmem:s21], [sflag:$0x1] =	stream.indirect_vreg.gather [hbm4b:s1+s4], $0x80, v3, vm0, $0xb8;
	[tilespmem:$0x10200] =	vst v63  }
0x2f7: {  	s20 =	simm.s32 $0x7A00  }
0x2f8: {  	[tilespmem:s20], [sflag:$0x1] =	stream.indirect_vreg.gather [hbm4b:s5+s4], $0x80, v3, vm0, $0xb8;
	[tilespmem:$0x10200] =	vst v63  }
0x2f9: {  	v3 =	vld [tilespmem:$0x140];
	_ =	sdelay $0x4  }
0x2fa: {  	v44 =	vshll.u32 v3, $0x2  }
0x2fb: {  	v3 =	vand.u32 $0x7, v3;
	v4 =	vand.u32 $0xFFFFFFE0, v44  }
0x2fc: {  	v3 =	vor.u32 v3, v4  }
0x2fd: {  	v4 =	vperm.xlane v3, v0;
	_ =	sdelay $0x1  }
0x2fe: {  	v4 =	vadd.s32 v1, v4;
	_ =	sdelay $0x1  }
0x2ff: {  	v3 =	vperm.xlane v3, v2;
	_ =	sdelay $0x1  }
0x300: {  	v3 =	vadd.s32 v1, v3  }
0x301: {  	[tilespmem:s25], [sflag:$0x2] =	stream.indirect_vreg.gather [hbm4b:s2+s4], $0x80, v4, vm0, $0xb8;
	[tilespmem:$0x10200] =	vst v63  }
0x302: {  	s22 =	simm.s32 $0x8A00  }
0x303: {  	[tilespmem:s22], [sflag:$0x2] =	stream.indirect_vreg.gather [hbm4b:s6+s4], $0x80, v4, vm0, $0xb8;
	[tilespmem:$0x10200] =	vst v63  }
0x304: {  	s23 =	simm.s32 $0x9200  }
0x305: {  	[tilespmem:s23], [sflag:$0x2] =	stream.indirect_vreg.gather [hbm4b:s2+s4], $0x80, v3, vm0, $0xb8;
	[tilespmem:$0x10200] =	vst v63  }
0x306: {  	s0 =	simm.s32 $0x9A00  }
0x307: {  	[tilespmem:s0], [sflag:$0x2] =	stream.indirect_vreg.gather [hbm4b:s6+s4], $0x80, v3, vm0, $0xb8;
	[tilespmem:$0x10200] =	vst v63  }
0x308: {  	v3 =	vld [tilespmem:$0x150];
	_ =	sdelay $0x4  }
0x309: {  	v45 =	vshll.u32 v3, $0x2  }
0x30a: {  	v3 =	vand.u32 $0x7, v3;
	v4 =	vand.u32 $0xFFFFFFE0, v45  }
0x30b: {  	v3 =	vor.u32 v3, v4  }
0x30c: {  	v4 =	vperm.xlane v3, v0;
	_ =	sdelay $0x1  }
0x30d: {  	v4 =	vadd.s32 v1, v4;
	_ =	sdelay $0x1  }
0x30e: {  	v3 =	vperm.xlane v3, v2;
	_ =	sdelay $0x1  }
0x30f: {  	s31 =	simm.s32 $0xA200;
	v3 =	vadd.s32 v1, v3  }
0x310: {  	[tilespmem:s31], [sflag:$0x2] =	stream.indirect_vreg.gather [hbm4b:s2+s4], $0x80, v4, vm0, $0xb8;
	[tilespmem:$0x10200] =	vst v63  }
0x311: {  	s7 =	simm.s32 $0xAA00  }
0x312: {  	[tilespmem:s7], [sflag:$0x2] =	stream.indirect_vreg.gather [hbm4b:s6+s4], $0x80, v4, vm0, $0xb8;
	[tilespmem:$0x10200] =	vst v63  }
0x313: {  	s10 =	simm.s32 $0xB200  }
0x314: {  	[tilespmem:s10], [sflag:$0x2] =	stream.indirect_vreg.gather [hbm4b:s2+s4], $0x80, v3, vm0, $0xb8;
	[tilespmem:$0x10200] =	vst v63  }
0x315: {  	s30 =	simm.s32 $0xBA00  }
0x316: {  	[tilespmem:s30], [sflag:$0x2] =	stream.indirect_vreg.gather [hbm4b:s6+s4], $0x80, v3, vm0, $0xb8;
	[tilespmem:$0x10200] =	vst v63  }
0x317: {  	v3 =	vld [tilespmem:$0x160];
	_ =	sdelay $0x4  }
0x318: {  	v46 =	vshll.u32 v3, $0x2  }
0x319: {  	v3 =	vand.u32 $0x7, v3;
	v4 =	vand.u32 $0xFFFFFFE0, v46  }
0x31a: {  	v3 =	vor.u32 v3, v4  }
0x31b: {  	v4 =	vperm.xlane v3, v0;
	_ =	sdelay $0x1  }
0x31c: {  	v4 =	vadd.s32 v1, v4;
	_ =	sdelay $0x1  }
0x31d: {  	v3 =	vperm.xlane v3, v2;
	_ =	sdelay $0x1  }
0x31e: {  	s11 =	simm.s32 $0xC200;
	v3 =	vadd.s32 v1, v3  }
0x31f: {  	[tilespmem:s11], [sflag:$0x2] =	stream.indirect_vreg.gather [hbm4b:s2+s4], $0x80, v4, vm0, $0xb8;
	[tilespmem:$0x10200] =	vst v63  }
0x320: {  	s12 =	simm.s32 $0xCA00  }
0x321: {  	[tilespmem:s12], [sflag:$0x2] =	stream.indirect_vreg.gather [hbm4b:s6+s4], $0x80, v4, vm0, $0xb8;
	[tilespmem:$0x10200] =	vst v63  }
0x322: {  	s13 =	simm.s32 $0xD200  }
0x323: {  	[tilespmem:s13], [sflag:$0x2] =	stream.indirect_vreg.gather [hbm4b:s2+s4], $0x80, v3, vm0, $0xb8;
	[tilespmem:$0x10200] =	vst v63  }
0x324: {  	s28 =	simm.s32 $0xDA00  }
0x325: {  	[tilespmem:s28], [sflag:$0x2] =	stream.indirect_vreg.gather [hbm4b:s6+s4], $0x80, v3, vm0, $0xb8;
	[tilespmem:$0x10200] =	vst v63  }
0x326: {  	v3 =	vld [tilespmem:$0x170];
	_ =	sdelay $0x4  }
0x327: {  	v47 =	vshll.u32 v3, $0x2  }
0x328: {  	v3 =	vand.u32 $0x7, v3;
	v4 =	vand.u32 $0xFFFFFFE0, v47  }
0x329: {  	v3 =	vor.u32 v3, v4  }
0x32a: {  	v4 =	vperm.xlane v3, v0;
	_ =	sdelay $0x1  }
0x32b: {  	v4 =	vadd.s32 v1, v4;
	_ =	sdelay $0x1  }
0x32c: {  	v3 =	vperm.xlane v3, v2;
	_ =	sdelay $0x1  }
0x32d: {  	s14 =	simm.s32 $0xE200;
	v3 =	vadd.s32 v1, v3  }
0x32e: {  	[tilespmem:s14], [sflag:$0x2] =	stream.indirect_vreg.gather [hbm4b:s2+s4], $0x80, v4, vm0, $0xb8;
	[tilespmem:$0x10200] =	vst v63  }
0x32f: {  	s24 =	simm.s32 $0xEA00  }
0x330: {  	[tilespmem:s24], [sflag:$0x2] =	stream.indirect_vreg.gather [hbm4b:s6+s4], $0x80, v4, vm0, $0xb8;
	[tilespmem:$0x10200] =	vst v63  }
0x331: {  	s26 =	simm.s32 $0xF200  }
0x332: {  	[tilespmem:s26], [sflag:$0x2] =	stream.indirect_vreg.gather [hbm4b:s2+s4], $0x80, v3, vm0, $0xb8;
	[tilespmem:$0x10200] =	vst v63  }
0x333: {  	s29 =	simm.s32 $0xFA00  }
0x334: {  	[tilespmem:s29], [sflag:$0x2] =	stream.indirect_vreg.gather [hbm4b:s6+s4], $0x80, v3, vm0, $0xb8;
	[tilespmem:$0x10200] =	vst v63  }
0x335: {  	_ =	swait.ge [sflag:s18], $0x8000  }
0x336: {  	[sflag:s18] =	ssyncset.done $0x0  }
0x337: {  	s7 =	rddreg [dreg:$0x10];
	[sflag:s18] =	ssyncadd.s32 $0xFFFF8000  }
0x338: {  	[hbm4b:s7+s4] =	stream.linear.scatter [tilespmem:s3], [sflag:$0x3], $0x8000, $0x38;
	[tilespmem:$0x10200] =	vst v63  }
0x339: {  	_ =	swait.ge [sflag:s8], $0x8000  }
0x33a: {  	[sflag:s8] =	ssyncset.done $0x0  }
0x33b: {  	[sflag:s8] =	ssyncadd.s32 $0xFFFF8000  }
0x33c: {  	_ =	swait.ge [sflag:s19], $0x8000  }
0x33d: {  	[sflag:s19] =	ssyncset.done $0x0  }
0x33e: {  	s28 =	rddreg [dreg:$0x11];
	[sflag:s19] =	ssyncadd.s32 $0xFFFF8000  }
0x33f: {  	[hbm4b:s28+s4] =	stream.linear.scatter [tilespmem:s25], [sflag:$0x3], $0x8000, $0x38;
	[tilespmem:$0x10200] =	vst v63  }
0x340: {  	_ =	swait.ge [sflag:s8], $0x8000  }
0x341: {  	[sflag:s8] =	ssyncset.done $0x0  }
0x342: {  	[sflag:s8] =	ssyncadd.s32 $0xFFFF8000  }
0x343: {  	v3 =	vld [tilespmem:$0x180];
	_ =	sdelay $0x4  }
0x344: {  	v48 =	vshll.u32 v3, $0x2  }
0x345: {  	v3 =	vand.u32 $0x7, v3;
	v4 =	vand.u32 $0xFFFFFFE0, v48  }
0x346: {  	v3 =	vor.u32 v3, v4  }
0x347: {  	v4 =	vperm.xlane v3, v0;
	_ =	sdelay $0x1  }
0x348: {  	v4 =	vadd.s32 v1, v4;
	_ =	sdelay $0x1  }
0x349: {  	v3 =	vperm.xlane v3, v2;
	_ =	sdelay $0x1  }
0x34a: {  	v3 =	vadd.s32 v1, v3  }
0x34b: {  	[tilespmem:s3], [sflag:$0x1] =	stream.indirect_vreg.gather [hbm4b:s1+s4], $0x80, v4, vm0, $0xb8;
	[tilespmem:$0x10200] =	vst v63  }
0x34c: {  	s29 =	simm.s32 $0xA00  }
0x34d: {  	[tilespmem:s29], [sflag:$0x1] =	stream.indirect_vreg.gather [hbm4b:s5+s4], $0x80, v4, vm0, $0xb8;
	[tilespmem:$0x10200] =	vst v63  }
0x34e: {  	s30 =	simm.s32 $0x1200  }
0x34f: {  	[tilespmem:s30], [sflag:$0x1] =	stream.indirect_vreg.gather [hbm4b:s1+s4], $0x80, v3, vm0, $0xb8;
	[tilespmem:$0x10200] =	vst v63  }
0x350: {  	s20 =	simm.s32 $0x1A00  }
0x351: {  	[tilespmem:s20], [sflag:$0x1] =	stream.indirect_vreg.gather [hbm4b:s5+s4], $0x80, v3, vm0, $0xb8;
	[tilespmem:$0x10200] =	vst v63  }
0x352: {  	v3 =	vld [tilespmem:$0x190];
	_ =	sdelay $0x4  }
0x353: {  	v49 =	vshll.u32 v3, $0x2  }
0x354: {  	v3 =	vand.u32 $0x7, v3;
	v4 =	vand.u32 $0xFFFFFFE0, v49  }
0x355: {  	v3 =	vor.u32 v3, v4  }
0x356: {  	v4 =	vperm.xlane v3, v0;
	_ =	sdelay $0x1  }
0x357: {  	v4 =	vadd.s32 v1, v4;
	_ =	sdelay $0x1  }
0x358: {  	v3 =	vperm.xlane v3, v2;
	_ =	sdelay $0x1  }
0x359: {  	s28 =	simm.s32 $0x2200;
	v3 =	vadd.s32 v1, v3  }
0x35a: {  	[tilespmem:s28], [sflag:$0x1] =	stream.indirect_vreg.gather [hbm4b:s1+s4], $0x80, v4, vm0, $0xb8;
	[tilespmem:$0x10200] =	vst v63  }
0x35b: {  	s29 =	simm.s32 $0x2A00  }
0x35c: {  	[tilespmem:s29], [sflag:$0x1] =	stream.indirect_vreg.gather [hbm4b:s5+s4], $0x80, v4, vm0, $0xb8;
	[tilespmem:$0x10200] =	vst v63  }
0x35d: {  	s30 =	simm.s32 $0x3200  }
0x35e: {  	[tilespmem:s30], [sflag:$0x1] =	stream.indirect_vreg.gather [hbm4b:s1+s4], $0x80, v3, vm0, $0xb8;
	[tilespmem:$0x10200] =	vst v63  }
0x35f: {  	s7 =	simm.s32 $0x3A00  }
0x360: {  	[tilespmem:s7], [sflag:$0x1] =	stream.indirect_vreg.gather [hbm4b:s5+s4], $0x80, v3, vm0, $0xb8;
	[tilespmem:$0x10200] =	vst v63  }
0x361: {  	v3 =	vld [tilespmem:$0x1A0];
	_ =	sdelay $0x4  }
0x362: {  	v50 =	vshll.u32 v3, $0x2  }
0x363: {  	v3 =	vand.u32 $0x7, v3;
	v4 =	vand.u32 $0xFFFFFFE0, v50  }
0x364: {  	v3 =	vor.u32 v3, v4  }
0x365: {  	v4 =	vperm.xlane v3, v0;
	_ =	sdelay $0x1  }
0x366: {  	v4 =	vadd.s32 v1, v4;
	_ =	sdelay $0x1  }
0x367: {  	v3 =	vperm.xlane v3, v2;
	_ =	sdelay $0x1  }
0x368: {  	s20 =	simm.s32 $0x4200;
	v3 =	vadd.s32 v1, v3  }
0x369: {  	[tilespmem:s20], [sflag:$0x1] =	stream.indirect_vreg.gather [hbm4b:s1+s4], $0x80, v4, vm0, $0xb8;
	[tilespmem:$0x10200] =	vst v63  }
0x36a: {  	s28 =	simm.s32 $0x4A00  }
0x36b: {  	[tilespmem:s28], [sflag:$0x1] =	stream.indirect_vreg.gather [hbm4b:s5+s4], $0x80, v4, vm0, $0xb8;
	[tilespmem:$0x10200] =	vst v63  }
0x36c: {  	s9 =	simm.s32 $0x5200  }
0x36d: {  	[tilespmem:s9], [sflag:$0x1] =	stream.indirect_vreg.gather [hbm4b:s1+s4], $0x80, v3, vm0, $0xb8;
	[tilespmem:$0x10200] =	vst v63  }
0x36e: {  	s15 =	simm.s32 $0x5A00  }
0x36f: {  	[tilespmem:s15], [sflag:$0x1] =	stream.indirect_vreg.gather [hbm4b:s5+s4], $0x80, v3, vm0, $0xb8;
	[tilespmem:$0x10200] =	vst v63  }
0x370: {  	v3 =	vld [tilespmem:$0x1B0];
	_ =	sdelay $0x4  }
0x371: {  	v51 =	vshll.u32 v3, $0x2  }
0x372: {  	v3 =	vand.u32 $0x7, v3;
	v4 =	vand.u32 $0xFFFFFFE0, v51  }
0x373: {  	v3 =	vor.u32 v3, v4  }
0x374: {  	v4 =	vperm.xlane v3, v0;
	_ =	sdelay $0x1  }
0x375: {  	v4 =	vadd.s32 v1, v4;
	_ =	sdelay $0x1  }
0x376: {  	v3 =	vperm.xlane v3, v2;
	_ =	sdelay $0x1  }
0x377: {  	s16 =	simm.s32 $0x6200;
	v3 =	vadd.s32 v1, v3  }
0x378: {  	[tilespmem:s16], [sflag:$0x1] =	stream.indirect_vreg.gather [hbm4b:s1+s4], $0x80, v4, vm0, $0xb8;
	[tilespmem:$0x10200] =	vst v63  }
0x379: {  	s17 =	simm.s32 $0x6A00  }
0x37a: {  	[tilespmem:s17], [sflag:$0x1] =	stream.indirect_vreg.gather [hbm4b:s5+s4], $0x80, v4, vm0, $0xb8;
	[tilespmem:$0x10200] =	vst v63  }
0x37b: {  	s21 =	simm.s32 $0x7200  }
0x37c: {  	[tilespmem:s21], [sflag:$0x1] =	stream.indirect_vreg.gather [hbm4b:s1+s4], $0x80, v3, vm0, $0xb8;
	[tilespmem:$0x10200] =	vst v63  }
0x37d: {  	s30 =	simm.s32 $0x7A00  }
0x37e: {  	[tilespmem:s30], [sflag:$0x1] =	stream.indirect_vreg.gather [hbm4b:s5+s4], $0x80, v3, vm0, $0xb8;
	[tilespmem:$0x10200] =	vst v63  }
0x37f: {  	v3 =	vld [tilespmem:$0x180];
	_ =	sdelay $0x4  }
0x380: {  	v52 =	vshll.u32 v3, $0x2  }
0x381: {  	v3 =	vand.u32 $0x7, v3;
	v4 =	vand.u32 $0xFFFFFFE0, v52  }
0x382: {  	v3 =	vor.u32 v3, v4  }
0x383: {  	v4 =	vperm.xlane v3, v0;
	_ =	sdelay $0x1  }
0x384: {  	v4 =	vadd.s32 v1, v4;
	_ =	sdelay $0x1  }
0x385: {  	v3 =	vperm.xlane v3, v2;
	_ =	sdelay $0x1  }
0x386: {  	v3 =	vadd.s32 v1, v3  }
0x387: {  	[tilespmem:s25], [sflag:$0x2] =	stream.indirect_vreg.gather [hbm4b:s2+s4], $0x80, v4, vm0, $0xb8;
	[tilespmem:$0x10200] =	vst v63  }
0x388: {  	s22 =	simm.s32 $0x8A00  }
0x389: {  	[tilespmem:s22], [sflag:$0x2] =	stream.indirect_vreg.gather [hbm4b:s6+s4], $0x80, v4, vm0, $0xb8;
	[tilespmem:$0x10200] =	vst v63  }
0x38a: {  	s23 =	simm.s32 $0x9200  }
0x38b: {  	[tilespmem:s23], [sflag:$0x2] =	stream.indirect_vreg.gather [hbm4b:s2+s4], $0x80, v3, vm0, $0xb8;
	[tilespmem:$0x10200] =	vst v63  }
0x38c: {  	s0 =	simm.s32 $0x9A00  }
0x38d: {  	[tilespmem:s0], [sflag:$0x2] =	stream.indirect_vreg.gather [hbm4b:s6+s4], $0x80, v3, vm0, $0xb8;
	[tilespmem:$0x10200] =	vst v63  }
0x38e: {  	v3 =	vld [tilespmem:$0x190];
	_ =	sdelay $0x4  }
0x38f: {  	v53 =	vshll.u32 v3, $0x2  }
0x390: {  	v3 =	vand.u32 $0x7, v3;
	v4 =	vand.u32 $0xFFFFFFE0, v53  }
0x391: {  	v3 =	vor.u32 v3, v4  }
0x392: {  	v4 =	vperm.xlane v3, v0;
	_ =	sdelay $0x1  }
0x393: {  	v4 =	vadd.s32 v1, v4;
	_ =	sdelay $0x1  }
0x394: {  	v3 =	vperm.xlane v3, v2;
	_ =	sdelay $0x1  }
0x395: {  	s20 =	simm.s32 $0xA200;
	v3 =	vadd.s32 v1, v3  }
0x396: {  	[tilespmem:s20], [sflag:$0x2] =	stream.indirect_vreg.gather [hbm4b:s2+s4], $0x80, v4, vm0, $0xb8;
	[tilespmem:$0x10200] =	vst v63  }
0x397: {  	s31 =	simm.s32 $0xAA00  }
0x398: {  	[tilespmem:s31], [sflag:$0x2] =	stream.indirect_vreg.gather [hbm4b:s6+s4], $0x80, v4, vm0, $0xb8;
	[tilespmem:$0x10200] =	vst v63  }
0x399: {  	s10 =	simm.s32 $0xB200  }
0x39a: {  	[tilespmem:s10], [sflag:$0x2] =	stream.indirect_vreg.gather [hbm4b:s2+s4], $0x80, v3, vm0, $0xb8;
	[tilespmem:$0x10200] =	vst v63  }
0x39b: {  	s20 =	simm.s32 $0xBA00  }
0x39c: {  	[tilespmem:s20], [sflag:$0x2] =	stream.indirect_vreg.gather [hbm4b:s6+s4], $0x80, v3, vm0, $0xb8;
	[tilespmem:$0x10200] =	vst v63  }
0x39d: {  	v3 =	vld [tilespmem:$0x1A0];
	_ =	sdelay $0x4  }
0x39e: {  	v54 =	vshll.u32 v3, $0x2  }
0x39f: {  	v3 =	vand.u32 $0x7, v3;
	v4 =	vand.u32 $0xFFFFFFE0, v54  }
0x3a0: {  	v3 =	vor.u32 v3, v4  }
0x3a1: {  	v4 =	vperm.xlane v3, v0;
	_ =	sdelay $0x1  }
0x3a2: {  	v4 =	vadd.s32 v1, v4;
	_ =	sdelay $0x1  }
0x3a3: {  	v3 =	vperm.xlane v3, v2;
	_ =	sdelay $0x1  }
0x3a4: {  	s11 =	simm.s32 $0xC200;
	v3 =	vadd.s32 v1, v3  }
0x3a5: {  	[tilespmem:s11], [sflag:$0x2] =	stream.indirect_vreg.gather [hbm4b:s2+s4], $0x80, v4, vm0, $0xb8;
	[tilespmem:$0x10200] =	vst v63  }
0x3a6: {  	s12 =	simm.s32 $0xCA00  }
0x3a7: {  	[tilespmem:s12], [sflag:$0x2] =	stream.indirect_vreg.gather [hbm4b:s6+s4], $0x80, v4, vm0, $0xb8;
	[tilespmem:$0x10200] =	vst v63  }
0x3a8: {  	s13 =	simm.s32 $0xD200  }
0x3a9: {  	[tilespmem:s13], [sflag:$0x2] =	stream.indirect_vreg.gather [hbm4b:s2+s4], $0x80, v3, vm0, $0xb8;
	[tilespmem:$0x10200] =	vst v63  }
0x3aa: {  	s20 =	simm.s32 $0xDA00  }
0x3ab: {  	[tilespmem:s20], [sflag:$0x2] =	stream.indirect_vreg.gather [hbm4b:s6+s4], $0x80, v3, vm0, $0xb8;
	[tilespmem:$0x10200] =	vst v63  }
0x3ac: {  	v3 =	vld [tilespmem:$0x1B0];
	_ =	sdelay $0x4  }
0x3ad: {  	v55 =	vshll.u32 v3, $0x2  }
0x3ae: {  	v3 =	vand.u32 $0x7, v3;
	v4 =	vand.u32 $0xFFFFFFE0, v55  }
0x3af: {  	v3 =	vor.u32 v3, v4  }
0x3b0: {  	v4 =	vperm.xlane v3, v0;
	_ =	sdelay $0x1  }
0x3b1: {  	v4 =	vadd.s32 v1, v4;
	_ =	sdelay $0x1  }
0x3b2: {  	v3 =	vperm.xlane v3, v2;
	_ =	sdelay $0x1  }
0x3b3: {  	s14 =	simm.s32 $0xE200;
	v3 =	vadd.s32 v1, v3  }
0x3b4: {  	[tilespmem:s14], [sflag:$0x2] =	stream.indirect_vreg.gather [hbm4b:s2+s4], $0x80, v4, vm0, $0xb8;
	[tilespmem:$0x10200] =	vst v63  }
0x3b5: {  	s24 =	simm.s32 $0xEA00  }
0x3b6: {  	[tilespmem:s24], [sflag:$0x2] =	stream.indirect_vreg.gather [hbm4b:s6+s4], $0x80, v4, vm0, $0xb8;
	[tilespmem:$0x10200] =	vst v63  }
0x3b7: {  	s26 =	simm.s32 $0xF200  }
0x3b8: {  	[tilespmem:s26], [sflag:$0x2] =	stream.indirect_vreg.gather [hbm4b:s2+s4], $0x80, v3, vm0, $0xb8;
	[tilespmem:$0x10200] =	vst v63  }
0x3b9: {  	s26 =	simm.s32 $0xFA00  }
0x3ba: {  	[tilespmem:s26], [sflag:$0x2] =	stream.indirect_vreg.gather [hbm4b:s6+s4], $0x80, v3, vm0, $0xb8;
	[tilespmem:$0x10200] =	vst v63  }
0x3bb: {  	_ =	swait.ge [sflag:s18], $0x8000  }
0x3bc: {  	[sflag:s18] =	ssyncset.done $0x0  }
0x3bd: {  	s20 =	rddreg [dreg:$0x12];
	[sflag:s18] =	ssyncadd.s32 $0xFFFF8000  }
0x3be: {  	[hbm4b:s20+s4] =	stream.linear.scatter [tilespmem:s3], [sflag:$0x3], $0x8000, $0x38;
	[tilespmem:$0x10200] =	vst v63  }
0x3bf: {  	_ =	swait.ge [sflag:s8], $0x8000  }
0x3c0: {  	[sflag:s8] =	ssyncset.done $0x0  }
0x3c1: {  	[sflag:s8] =	ssyncadd.s32 $0xFFFF8000  }
0x3c2: {  	_ =	swait.ge [sflag:s19], $0x8000  }
0x3c3: {  	[sflag:s19] =	ssyncset.done $0x0  }
0x3c4: {  	s20 =	rddreg [dreg:$0x13];
	[sflag:s19] =	ssyncadd.s32 $0xFFFF8000  }
0x3c5: {  	[hbm4b:s20+s4] =	stream.linear.scatter [tilespmem:s25], [sflag:$0x3], $0x8000, $0x38;
	[tilespmem:$0x10200] =	vst v63  }
0x3c6: {  	_ =	swait.ge [sflag:s8], $0x8000  }
0x3c7: {  	[sflag:s8] =	ssyncset.done $0x0  }
0x3c8: {  	[sflag:s8] =	ssyncadd.s32 $0xFFFF8000  }
0x3c9: {  	v3 =	vld [tilespmem:$0x1C0];
	_ =	sdelay $0x4  }
0x3ca: {  	v56 =	vshll.u32 v3, $0x2  }
0x3cb: {  	v3 =	vand.u32 $0x7, v3;
	v4 =	vand.u32 $0xFFFFFFE0, v56  }
0x3cc: {  	v3 =	vor.u32 v3, v4  }
0x3cd: {  	v4 =	vperm.xlane v3, v0;
	_ =	sdelay $0x1  }
0x3ce: {  	v4 =	vadd.s32 v1, v4;
	_ =	sdelay $0x1  }
0x3cf: {  	v3 =	vperm.xlane v3, v2;
	_ =	sdelay $0x1  }
0x3d0: {  	v3 =	vadd.s32 v1, v3  }
0x3d1: {  	[tilespmem:s3], [sflag:$0x1] =	stream.indirect_vreg.gather [hbm4b:s1+s4], $0x80, v4, vm0, $0xb8;
	[tilespmem:$0x10200] =	vst v63  }
0x3d2: {  	s20 =	simm.s32 $0xA00  }
0x3d3: {  	[tilespmem:s20], [sflag:$0x1] =	stream.indirect_vreg.gather [hbm4b:s5+s4], $0x80, v4, vm0, $0xb8;
	[tilespmem:$0x10200] =	vst v63  }
0x3d4: {  	s20 =	simm.s32 $0x1200  }
0x3d5: {  	[tilespmem:s20], [sflag:$0x1] =	stream.indirect_vreg.gather [hbm4b:s1+s4], $0x80, v3, vm0, $0xb8;
	[tilespmem:$0x10200] =	vst v63  }
0x3d6: {  	s20 =	simm.s32 $0x1A00  }
0x3d7: {  	[tilespmem:s20], [sflag:$0x1] =	stream.indirect_vreg.gather [hbm4b:s5+s4], $0x80, v3, vm0, $0xb8;
	[tilespmem:$0x10200] =	vst v63  }
0x3d8: {  	v3 =	vld [tilespmem:$0x1D0];
	_ =	sdelay $0x4  }
0x3d9: {  	v57 =	vshll.u32 v3, $0x2  }
0x3da: {  	v3 =	vand.u32 $0x7, v3;
	v4 =	vand.u32 $0xFFFFFFE0, v57  }
0x3db: {  	v3 =	vor.u32 v3, v4  }
0x3dc: {  	v4 =	vperm.xlane v3, v0;
	_ =	sdelay $0x1  }
0x3dd: {  	v4 =	vadd.s32 v1, v4;
	_ =	sdelay $0x1  }
0x3de: {  	v3 =	vperm.xlane v3, v2;
	_ =	sdelay $0x1  }
0x3df: {  	s20 =	simm.s32 $0x2200;
	v3 =	vadd.s32 v1, v3  }
0x3e0: {  	[tilespmem:s20], [sflag:$0x1] =	stream.indirect_vreg.gather [hbm4b:s1+s4], $0x80, v4, vm0, $0xb8;
	[tilespmem:$0x10200] =	vst v63  }
0x3e1: {  	s20 =	simm.s32 $0x2A00  }
0x3e2: {  	[tilespmem:s20], [sflag:$0x1] =	stream.indirect_vreg.gather [hbm4b:s5+s4], $0x80, v4, vm0, $0xb8;
	[tilespmem:$0x10200] =	vst v63  }
0x3e3: {  	s20 =	simm.s32 $0x3200  }
0x3e4: {  	[tilespmem:s20], [sflag:$0x1] =	stream.indirect_vreg.gather [hbm4b:s1+s4], $0x80, v3, vm0, $0xb8;
	[tilespmem:$0x10200] =	vst v63  }
0x3e5: {  	s29 =	simm.s32 $0x3A00  }
0x3e6: {  	[tilespmem:s29], [sflag:$0x1] =	stream.indirect_vreg.gather [hbm4b:s5+s4], $0x80, v3, vm0, $0xb8;
	[tilespmem:$0x10200] =	vst v63  }
0x3e7: {  	v3 =	vld [tilespmem:$0x1E0];
	_ =	sdelay $0x4  }
0x3e8: {  	v58 =	vshll.u32 v3, $0x2  }
0x3e9: {  	v3 =	vand.u32 $0x7, v3;
	v4 =	vand.u32 $0xFFFFFFE0, v58  }
0x3ea: {  	v3 =	vor.u32 v3, v4  }
0x3eb: {  	v4 =	vperm.xlane v3, v0;
	_ =	sdelay $0x1  }
0x3ec: {  	v4 =	vadd.s32 v1, v4;
	_ =	sdelay $0x1  }
0x3ed: {  	v3 =	vperm.xlane v3, v2;
	_ =	sdelay $0x1  }
0x3ee: {  	s29 =	simm.s32 $0x4200;
	v3 =	vadd.s32 v1, v3  }
0x3ef: {  	[tilespmem:s29], [sflag:$0x1] =	stream.indirect_vreg.gather [hbm4b:s1+s4], $0x80, v4, vm0, $0xb8;
	[tilespmem:$0x10200] =	vst v63  }
0x3f0: {  	s7 =	simm.s32 $0x4A00  }
0x3f1: {  	[tilespmem:s7], [sflag:$0x1] =	stream.indirect_vreg.gather [hbm4b:s5+s4], $0x80, v4, vm0, $0xb8;
	[tilespmem:$0x10200] =	vst v63  }
0x3f2: {  	s28 =	simm.s32 $0x5200  }
0x3f3: {  	[tilespmem:s28], [sflag:$0x1] =	stream.indirect_vreg.gather [hbm4b:s1+s4], $0x80, v3, vm0, $0xb8;
	[tilespmem:$0x10200] =	vst v63  }
0x3f4: {  	s9 =	simm.s32 $0x5A00  }
0x3f5: {  	[tilespmem:s9], [sflag:$0x1] =	stream.indirect_vreg.gather [hbm4b:s5+s4], $0x80, v3, vm0, $0xb8;
	[tilespmem:$0x10200] =	vst v63  }
0x3f6: {  	v3 =	vld [tilespmem:$0x1F0];
	_ =	sdelay $0x4  }
0x3f7: {  	v59 =	vshll.u32 v3, $0x2  }
0x3f8: {  	v3 =	vand.u32 $0x7, v3;
	v4 =	vand.u32 $0xFFFFFFE0, v59  }
0x3f9: {  	v3 =	vor.u32 v3, v4  }
0x3fa: {  	v4 =	vperm.xlane v3, v0;
	_ =	sdelay $0x1  }
0x3fb: {  	v4 =	vadd.s32 v1, v4;
	_ =	sdelay $0x1  }
0x3fc: {  	v3 =	vperm.xlane v3, v2;
	_ =	sdelay $0x1  }
0x3fd: {  	s15 =	simm.s32 $0x6200;
	v3 =	vadd.s32 v1, v3  }
0x3fe: {  	[tilespmem:s15], [sflag:$0x1] =	stream.indirect_vreg.gather [hbm4b:s1+s4], $0x80, v4, vm0, $0xb8;
	[tilespmem:$0x10200] =	vst v63  }
0x3ff: {  	s16 =	simm.s32 $0x6A00  }
0x400: {  	[tilespmem:s16], [sflag:$0x1] =	stream.indirect_vreg.gather [hbm4b:s5+s4], $0x80, v4, vm0, $0xb8;
	[tilespmem:$0x10200] =	vst v63  }
0x401: {  	s17 =	simm.s32 $0x7200  }
0x402: {  	[tilespmem:s17], [sflag:$0x1] =	stream.indirect_vreg.gather [hbm4b:s1+s4], $0x80, v3, vm0, $0xb8;
	[tilespmem:$0x10200] =	vst v63  }
0x403: {  	s30 =	simm.s32 $0x7A00  }
0x404: {  	[tilespmem:s30], [sflag:$0x1] =	stream.indirect_vreg.gather [hbm4b:s5+s4], $0x80, v3, vm0, $0xb8;
	[tilespmem:$0x10200] =	vst v63  }
0x405: {  	v3 =	vld [tilespmem:$0x1C0];
	_ =	sdelay $0x4  }
0x406: {  	v60 =	vshll.u32 v3, $0x2  }
0x407: {  	v3 =	vand.u32 $0x7, v3;
	v4 =	vand.u32 $0xFFFFFFE0, v60  }
0x408: {  	v3 =	vor.u32 v3, v4  }
0x409: {  	v4 =	vperm.xlane v3, v0;
	_ =	sdelay $0x1  }
0x40a: {  	v4 =	vadd.s32 v1, v4;
	_ =	sdelay $0x1  }
0x40b: {  	v3 =	vperm.xlane v3, v2;
	_ =	sdelay $0x1  }
0x40c: {  	v3 =	vadd.s32 v1, v3  }
0x40d: {  	[tilespmem:s25], [sflag:$0x2] =	stream.indirect_vreg.gather [hbm4b:s2+s4], $0x80, v4, vm0, $0xb8;
	[tilespmem:$0x10200] =	vst v63  }
0x40e: {  	s21 =	simm.s32 $0x8A00  }
0x40f: {  	[tilespmem:s21], [sflag:$0x2] =	stream.indirect_vreg.gather [hbm4b:s6+s4], $0x80, v4, vm0, $0xb8;
	[tilespmem:$0x10200] =	vst v63  }
0x410: {  	s22 =	simm.s32 $0x9200  }
0x411: {  	[tilespmem:s22], [sflag:$0x2] =	stream.indirect_vreg.gather [hbm4b:s2+s4], $0x80, v3, vm0, $0xb8;
	[tilespmem:$0x10200] =	vst v63  }
0x412: {  	s23 =	simm.s32 $0x9A00  }
0x413: {  	[tilespmem:s23], [sflag:$0x2] =	stream.indirect_vreg.gather [hbm4b:s6+s4], $0x80, v3, vm0, $0xb8;
	[tilespmem:$0x10200] =	vst v63  }
0x414: {  	v3 =	vld [tilespmem:$0x1D0];
	_ =	sdelay $0x4  }
0x415: {  	v61 =	vshll.u32 v3, $0x2  }
0x416: {  	v3 =	vand.u32 $0x7, v3;
	v4 =	vand.u32 $0xFFFFFFE0, v61  }
0x417: {  	v3 =	vor.u32 v3, v4  }
0x418: {  	v4 =	vperm.xlane v3, v0;
	_ =	sdelay $0x1  }
0x419: {  	v4 =	vadd.s32 v1, v4;
	_ =	sdelay $0x1  }
0x41a: {  	v3 =	vperm.xlane v3, v2;
	_ =	sdelay $0x1  }
0x41b: {  	s22 =	simm.s32 $0xA200;
	v3 =	vadd.s32 v1, v3  }
0x41c: {  	[tilespmem:s22], [sflag:$0x2] =	stream.indirect_vreg.gather [hbm4b:s2+s4], $0x80, v4, vm0, $0xb8;
	[tilespmem:$0x10200] =	vst v63  }
0x41d: {  	s0 =	simm.s32 $0xAA00  }
0x41e: {  	[tilespmem:s0], [sflag:$0x2] =	stream.indirect_vreg.gather [hbm4b:s6+s4], $0x80, v4, vm0, $0xb8;
	[tilespmem:$0x10200] =	vst v63  }
0x41f: {  	s31 =	simm.s32 $0xB200  }
0x420: {  	[tilespmem:s31], [sflag:$0x2] =	stream.indirect_vreg.gather [hbm4b:s2+s4], $0x80, v3, vm0, $0xb8;
	[tilespmem:$0x10200] =	vst v63  }
0x421: {  	s28 =	simm.s32 $0xBA00  }
0x422: {  	[tilespmem:s28], [sflag:$0x2] =	stream.indirect_vreg.gather [hbm4b:s6+s4], $0x80, v3, vm0, $0xb8;
	[tilespmem:$0x10200] =	vst v63  }
0x423: {  	v3 =	vld [tilespmem:$0x1E0];
	_ =	sdelay $0x4  }
0x424: {  	v62 =	vshll.u32 v3, $0x2  }
0x425: {  	v3 =	vand.u32 $0x7, v3;
	v4 =	vand.u32 $0xFFFFFFE0, v62  }
0x426: {  	v3 =	vor.u32 v3, v4  }
0x427: {  	v4 =	vperm.xlane v3, v0;
	_ =	sdelay $0x1  }
0x428: {  	v4 =	vadd.s32 v1, v4;
	_ =	sdelay $0x1  }
0x429: {  	v3 =	vperm.xlane v3, v2;
	_ =	sdelay $0x1  }
0x42a: {  	s10 =	simm.s32 $0xC200;
	v3 =	vadd.s32 v1, v3  }
0x42b: {  	[tilespmem:s10], [sflag:$0x2] =	stream.indirect_vreg.gather [hbm4b:s2+s4], $0x80, v4, vm0, $0xb8;
	[tilespmem:$0x10200] =	vst v63  }
0x42c: {  	s11 =	simm.s32 $0xCA00  }
0x42d: {  	[tilespmem:s11], [sflag:$0x2] =	stream.indirect_vreg.gather [hbm4b:s6+s4], $0x80, v4, vm0, $0xb8;
	[tilespmem:$0x10200] =	vst v63  }
0x42e: {  	s12 =	simm.s32 $0xD200  }
0x42f: {  	[tilespmem:s12], [sflag:$0x2] =	stream.indirect_vreg.gather [hbm4b:s2+s4], $0x80, v3, vm0, $0xb8;
	[tilespmem:$0x10200] =	vst v63  }
0x430: {  	s29 =	simm.s32 $0xDA00  }
0x431: {  	[tilespmem:s29], [sflag:$0x2] =	stream.indirect_vreg.gather [hbm4b:s6+s4], $0x80, v3, vm0, $0xb8;
	[tilespmem:$0x10200] =	vst v63  }
0x432: {  	v3 =	vld [tilespmem:$0x1F0];
	_ =	sdelay $0x4  }
0x433: {  	v63 =	vshll.u32 v3, $0x2  }
0x434: {  	v3 =	vand.u32 $0x7, v3;
	v4 =	vand.u32 $0xFFFFFFE0, v63  }
0x435: {  	v3 =	vor.u32 v3, v4  }
0x436: {  	v4 =	vperm.xlane v3, v0;
	_ =	sdelay $0x1  }
0x437: {  	v4 =	vadd.s32 v1, v4;
	_ =	sdelay $0x1  }
0x438: {  	v3 =	vperm.xlane v3, v2;
	_ =	sdelay $0x1  }
0x439: {  	s13 =	simm.s32 $0xE200;
	v3 =	vadd.s32 v1, v3  }
0x43a: {  	[tilespmem:s13], [sflag:$0x2] =	stream.indirect_vreg.gather [hbm4b:s2+s4], $0x80, v4, vm0, $0xb8;
	[tilespmem:$0x10200] =	vst v63  }
0x43b: {  	s14 =	simm.s32 $0xEA00  }
0x43c: {  	[tilespmem:s14], [sflag:$0x2] =	stream.indirect_vreg.gather [hbm4b:s6+s4], $0x80, v4, vm0, $0xb8;
	[tilespmem:$0x10200] =	vst v63  }
0x43d: {  	s24 =	simm.s32 $0xF200  }
0x43e: {  	[tilespmem:s24], [sflag:$0x2] =	stream.indirect_vreg.gather [hbm4b:s2+s4], $0x80, v3, vm0, $0xb8;
	[tilespmem:$0x10200] =	vst v63  }
0x43f: {  	s26 =	simm.s32 $0xFA00  }
0x440: {  	[tilespmem:s26], [sflag:$0x2] =	stream.indirect_vreg.gather [hbm4b:s6+s4], $0x80, v3, vm0, $0xb8;
	[tilespmem:$0x10200] =	vst v63  }
0x441: {  	s23 =	rddreg [dreg:$0x16];
	_ =	swait.ge [sflag:s18], $0x8000  }
0x442: {  	[sflag:s18] =	ssyncset.done $0x0  }
0x443: {  	s30 =	rddreg [dreg:$0x14];
	[sflag:s18] =	ssyncadd.s32 $0xFFFF8000  }
0x444: {  	[hbm4b:s30+s4] =	stream.linear.scatter [tilespmem:s3], [sflag:$0x3], $0x8000, $0x38;
	[tilespmem:$0x10200] =	vst v63  }
0x445: {  	_ =	swait.ge [sflag:s8], $0x8000  }
0x446: {  	[sflag:s8] =	ssyncset.done $0x0  }
0x447: {  	[sflag:s8] =	ssyncadd.s32 $0xFFFF8000  }
0x448: {  	_ =	swait.ge [sflag:s19], $0x8000  }
0x449: {  	p0 =	sne.s32 s23, $0x1;
	[sflag:s19] =	ssyncset.done $0x0  }
.Ltmp0:
0x44a: {  	s31 =	rddreg [dreg:$0x15];
	[sflag:s19] =	ssyncadd.s32 $0xFFFF8000;
	(pc) =	sbr.rel @p0 .LBB2_1-.Ltmp0, $4  }
0x44b: {  	[hbm4b:s31+s4] =	stream.linear.scatter [tilespmem:s25], [sflag:$0x3], $0x8000, $0x38;
	[tilespmem:$0x10200] =	vst v63  }
0x44c: {  	_ =	swait.ge [sflag:s8], $0x8000  }
0x44d: {  	[sflag:s8] =	ssyncset.done $0x0  }
0x44e: {  	s0 =	sadd.s32 $0xFFFFFFFF, s23;
	[sflag:s8] =	ssyncadd.s32 $0xFFFF8000  }
0x44f: {  	_ =	sfence.sel $0x180000  }
0x450: {  	[bflag:$0x0] =	sbarrier.arrive $0xFFFF  }
0x451: {  	_ =	strace $0x9000004A  }
0x452: {  	s0 =	stileid.u32;
	[bflag:$0x2] =	sbarrier.arrive $0xFFFF  }
0x453: {  	p0 =	sne.s32 s0, $0x0;
	s0 =	rddreg [dreg:$0x4]  }
0x454: {  	s0 =	sadd.s32 @!p0 $0x100000, s0  }
0x455: {  	[sflag:s0] =	ssyncadd.tile.s32 @!p0 $0x1;
	_ =	shalt  }
.Lfunc_end2:
_tile_overlayer_lowered:
.L_overlay_start_2:
0x456: {  	(tag) =	ssettag $0x2  }
0x457: {  	s0 =	rddreg [dreg:$0x0];
	s2 =	stileid.u32  }
0x458: {  	s1 =	rddreg [dreg:$0x1];
	p0 =	sne.s32 s2, $0x0  }
0x459: {  	s3 =	rddreg [dreg:$0x2];
	[bflag:$0x3] =	sbarrier.arrive $0xFFFF;
	s2 =	simm.s32 @!p0 $0x1C03  }
0x45a: {  	[timem:s3], [sflag:s2] =	dma.local @!p0 [hbm:s0], s1  }
0x45b: {  	s0 =	simm.s32 @!p0 $0x3  }
0x45c: {  	_ =	swait.ge @!p0 [sflag:s0], s1  }
0x45d: {  	s1 =	ssub.s32 @!p0 $0x0, s1;
	[sflag:s0] =	ssyncset.done @!p0 $0x0  }
0x45e: {  	[sflag:s0] =	ssyncadd.s32 @!p0 s1  }
0x45f: {  	[bflag:$0x3] =	sbarrier.arrive $0xFFFF  }
0x460: {  	_ =	shalt  }

// kernel: kernel.8.cloned.1.call-start
scs
__scs_entry_jumppad:
0x0: {  	(pc) =	sbr.rel $0x88, $3  }
0x1: {  	(tag) =	ssettag $0x0;
	lr =	simm.s32 $0x1  }
0x2: {  	[smem:$0x3F8C] =	sst lr;
	_ =	strace $0xD0000000  }
0x3: {  	_ = 	snop  }
0x4: {  	_ = 	snop  }
0x5: {  	_ = 	snop  }
0x6: {  	_ = 	snop  }
0x7: {  	_ = 	snop  }
__scs_overlays_trampoline_lowered:
0x8: {  	[smem:$0x3F9B] =	sst s0  }
0x9: {  	[smem:$0x3F9C] =	sst s1  }
0xa: {  	[smem:$0x3F9D] =	sst s2  }
0xb: {  	[smem:$0x3F9E] =	sst s3  }
0xc: {  	[smem:$0x3F9F] =	sst s4  }
0xd: {  	[smem:$0x3FA0] =	sst s5  }
0xe: {  	[smem:$0x3FA1] =	sst s6  }
0xf: {  	[smem:$0x3FA2] =	sst s7  }
0x10: {  	[smem:$0x3FA3] =	sst s8  }
0x11: {  	[smem:$0x3FA4] =	sst s9;
	s0 =	simm.s32 @!p0 $0x0  }
0x12: {  	s1 =	sld [smem:$0x3F8A];
	s0 =	simm.s32 @p0 $0x1  }
0x13: {  	[smem:$0x3FA5] =	sst s0;
	s0 =	simm.s32 @!p1 $0x0  }
0x14: {  	s2 =	sld [smem:$0x3F89];
	s0 =	simm.s32 @p1 $0x1  }
0x15: {  	[smem:$0x3FA6] =	sst s0;
	s0 =	simm.s32 @!p2 $0x0  }
0x16: {  	s3 =	sld [smem:$0x3FDB];
	s0 =	simm.s32 @p2 $0x1  }
0x17: {  	s4 =	simm.s32 $0x1BF5;
	[smem:$0x3FA8] =	sst s0  }
0x18: {  	s0 =	sld [smem:$0x3F8B];
	_ =	swait.ge [sflag:s4], $0x0  }
0x19: {  	s7 =	sld [smem:$0x3F8C]  }
0x1a: {  	s8 =	sadd.s32 $0xFFFFE003, lr  }
0x1b: {  	s9 =	sadd.s32 $0xFFFFFEF7, lr;
	s5 =	simm.s32 $0xFFFFFFFF;
	p2 =	slt.u32 s8, $0xFFFFF086  }
0x1c: {  	p1 =	slt.u32 s9, $0xF7A;
	s5 =	simm.s32 @!p2 $0x0  }
0x1d: {  	s5 =	simm.s32 @p1 $0x1;
	p0 =	seq.s32 s7, s2  }
0x1e: {  	s7 =	smul.u32 @!p0 $0xF7A, s2;
	p2 =	seq.s32 @!p0 s5, $0x0  }
0x1f: {  	s9 =	smul.u32 $0xF7A, s1;
	s8 =	simm.s32 @!p0 $0x1BF5;
	p2 =	por !p2, p0  }
0x20: {  	[sflag:s8] =	ssyncset.s32 @!p0 $0xFFFFF086;
	s6 =	sadd.s32 @!p0 s3, s7;
	s7 =	simm.s32 @!p0 $0x108  }
0x21: {  	s3 =	sadd.s32 s3, s9;
	s6 =	sadd.s32 @!p0 $0x88, s6;
	s7 =	simm.s32 @p2 $0x1082  }
0x22: {  	[simem:s7], [sflag:s8] =	dma.local @!p0 [hbm:s6], $0xF7A  }
0x23: {  	s9 =	sor.u32 $0xD0000000, s2;
	s6 =	simm.s32 $0x108;
	_ =	swait.ge @!p0 [sflag:s8], $0x0  }
0x24: {  	s3 =	sadd.s32 $0x88, s3;
	s6 =	simm.s32 @!p1 $0x1082;
	[sflag:s4] =	ssyncset.s32 $0xFFFFF086  }
0x25: {  	[simem:s6], [sflag:s4] =	dma.local [hbm:s3], $0xF7A  }
0x26: {  	[smem:$0x3F8C] =	sst s1;
	(tag) =	ssettag s2;
	_ =	strace s9  }
0x27: {  	s1 =	sld [smem:$0x3F9C]  }
0x28: {  	s2 =	sld [smem:$0x3F9D]  }
0x29: {  	s4 =	sld [smem:$0x3F9F]  }
0x2a: {  	p0 =	seq.s32 s5, $0x0;
	s5 =	sld [smem:$0x3FA0]  }
0x2b: {  	s6 =	sld [smem:$0x3FA1]  }
0x2c: {  	s7 =	sld [smem:$0x3FA2]  }
0x2d: {  	s3 =	simm.s32 $0x108;
	s8 =	sld [smem:$0x3FA3]  }
0x2e: {  	s3 =	simm.s32 @!p0 $0x1082;
	s9 =	sld [smem:$0x3FA4]  }
0x2f: {  	lr =	sadd.s32 s0, s3;
	s0 =	sld [smem:$0x3F9B]  }
0x30: {  	s3 =	sld [smem:$0x3F9E]  }
0x31: {  	[smem:$0x3FA7] =	sst s10  }
0x32: {  	s10 =	sld [smem:$0x3FA5];
	_ =	sdelay $0x3  }
0x33: {  	p0 =	seq.s32 s10, $0x1;
	s10 =	sld [smem:$0x3FA7];
	_ =	sdelay $0x3  }
0x34: {  	[smem:$0x3FA7] =	sst s10  }
0x35: {  	s10 =	sld [smem:$0x3FA6];
	_ =	sdelay $0x3  }
0x36: {  	p1 =	seq.s32 s10, $0x1;
	s10 =	sld [smem:$0x3FA7];
	_ =	sdelay $0x3  }
0x37: {  	[smem:$0x3FA7] =	sst s10  }
0x38: {  	s10 =	sld [smem:$0x3FA8]  }
0x39: {  	_ = 	snop;
	(pc) =	sbr.ind lr, $3  }
0x3a: {  	_ = 	snop  }
0x3b: {  	_ = 	snop  }
0x3c: {  	p2 =	seq.s32 s10, $0x1;
	s10 =	sld [smem:$0x3FA7]  }
0x3d: {  	_ =	shalt  }
0x3e: {  	_ =	shalt  }
0x3f: {  	_ =	shalt  }
0x40: {  	_ =	shalt  }
0x41: {  	_ =	shalt  }
0x42: {  	_ =	shalt  }
0x43: {  	_ =	shalt  }
0x44: {  	_ =	shalt  }
0x45: {  	_ =	shalt  }
0x46: {  	_ =	shalt  }
0x47: {  	_ =	shalt  }
0x48: {  	_ =	shalt  }
0x49: {  	_ =	shalt  }
0x4a: {  	_ =	shalt  }
0x4b: {  	_ =	shalt  }
0x4c: {  	_ =	shalt  }
0x4d: {  	_ =	shalt  }
0x4e: {  	_ =	shalt  }
0x4f: {  	_ =	shalt  }
0x50: {  	_ =	shalt  }
0x51: {  	_ =	shalt  }
0x52: {  	_ =	shalt  }
0x53: {  	_ =	shalt  }
0x54: {  	_ =	shalt  }
0x55: {  	_ =	shalt  }
0x56: {  	_ =	shalt  }
0x57: {  	_ =	shalt  }
0x58: {  	_ =	shalt  }
0x59: {  	_ =	shalt  }
0x5a: {  	_ =	shalt  }
0x5b: {  	_ =	shalt  }
0x5c: {  	_ =	shalt  }
0x5d: {  	_ =	shalt  }
0x5e: {  	_ =	shalt  }
0x5f: {  	_ =	shalt  }
0x60: {  	_ =	shalt  }
0x61: {  	_ =	shalt  }
0x62: {  	_ =	shalt  }
0x63: {  	_ =	shalt  }
0x64: {  	_ =	shalt  }
0x65: {  	_ =	shalt  }
0x66: {  	_ =	shalt  }
0x67: {  	_ =	shalt  }
0x68: {  	_ =	shalt  }
0x69: {  	_ =	shalt  }
0x6a: {  	_ =	shalt  }
0x6b: {  	_ =	shalt  }
0x6c: {  	_ =	shalt  }
0x6d: {  	_ =	shalt  }
0x6e: {  	_ =	shalt  }
0x6f: {  	_ =	shalt  }
0x70: {  	_ =	shalt  }
0x71: {  	_ =	shalt  }
0x72: {  	_ =	shalt  }
0x73: {  	_ =	shalt  }
0x74: {  	_ =	shalt  }
0x75: {  	_ =	shalt  }
0x76: {  	_ =	shalt  }
0x77: {  	_ =	shalt  }
0x78: {  	_ =	shalt  }
0x79: {  	_ =	shalt  }
0x7a: {  	_ =	shalt  }
0x7b: {  	_ =	shalt  }
0x7c: {  	_ =	shalt  }
0x7d: {  	_ =	shalt  }
0x7e: {  	_ =	shalt  }
0x7f: {  	_ =	shalt  }
0x80: {  	_ =	shalt  }
0x81: {  	_ =	shalt  }
0x82: {  	_ =	shalt  }
0x83: {  	_ =	shalt  }
0x84: {  	_ =	shalt  }
0x85: {  	_ =	shalt  }
0x86: {  	_ =	shalt  }
0x87: {  	_ =	shalt  }
.Lfunc_end0:
.L_simem_size_0:
called_computation_lowered:
.L_overlay_start_0:
0x88: {  	s2 =	sld [smem:$0x3FD9]  }
0x89: {  	s3 =	sld [smem:$0x3FFE];
	_ =	sdelay $0x1  }
0x8a: {  	s1 =	srdreg.scid  }
0x8b: {  	s0 =	sand.u32 $0x1, s1  }
0x8c: {  	s16 =	sshll.u32 s0, $0xA;
	s2 =	sadd.s32 s3, s2  }
0x8d: {  	s2 =	sadd.s32 s2, s16  }
0x8e: {  	[smem:$0x3FB3] =	sst s2  }
0x8f: {  	_ = 	snop  }
0x90: {  	(tm) =	ssettm $0x1  }
0x91: {  	s17 =	sld [smem:$0x3FFB];
	_ =	sdelay $0x3  }
0x92: {  	_ =	strace s17  }
0x93: {  	s2 =	sld [smem:$0x3FFC];
	_ =	sdelay $0x3  }
0x94: {  	_ =	strace s2  }
0x95: {  	s2 =	sld [smem:$0x3FFD];
	_ =	sdelay $0x3  }
0x96: {  	_ =	strace s2  }
0x97: {  	_ =	strace $0x8FFFFFFF  }
0x98: {  	s18 =	sld [smem:$0x3FDB];
	_ =	sdelay $0x1  }
0x99: {  	s19 =	simm.s32 $_scs_section_size  }
0x9a: {  	s4 =	simm.s32 $_size__tile_overlayer_lowered;
	s5 =	simm.s32 $_tile_overlayer_lowered  }
0x9b: {  	s22 =	simm.s32 $0x1BFF;
	s21 =	sshll.u32 s5, $0x1;
	s2 =	sadd.s32 s19, s18  }
0x9c: {  	s6 =	simm.s32 $0x0;
	s20 =	sshll.u32 s4, $0x1;
	s4 =	sadd.s32 s21, s2  }
0x9d: {  	[timem:s6], [sflag:s22] =	dma.local [hbm:s4], s20  }
0x9e: {  	_ =	swait.ge [sflag:s22], s20  }
0x9f: {  	s3 =	ssub.s32 $0x0, s20;
	[sflag:s22] =	ssyncset.done $0x0  }
0xa0: {  	[sflag:s22] =	ssyncadd.s32 s3;
	_ =	sdelay $0x1  }
0xa1: {  	s23 =	simm.s32 $0x1B8B  }
0xa2: {  	_ =	swait.ge [sflag:s23], $0x1  }
0xa3: {  	[sflag:s23] =	ssyncset.done $0x0  }
0xa4: {  	s25 =	simm.s32 $0x1B8E;
	s24 =	sld [smem:$0x3FFE];
	[sflag:s23] =	ssyncadd.s32 $0xFFFFFFFF  }
0xa5: {  	s26 =	simm.s32 $execute0_lowered;
	[smem:$0x3FD2] =	sst s25  }
0xa6: {  	s4 =	sshll.u32 s26, $0x1;
	_ =	strace $0x80000046;
	[dreg:$0x1] =	wrdreg $0xFFFFFFFF  }
0xa7: {  	s28 =	simm.s32 $_size_execute0_lowered;
	s2 =	sadd.s32 s2, s4;
	[dreg:$0x0] =	wrdreg $0x0  }
0xa8: {  	s4 =	sshll.u32 s28, $0x1;
	[dreg:$0x2] =	wrdreg s2  }
0xa9: {  	[dreg:$0x3] =	wrdreg s4  }
0xaa: {  	[dreg:$0x4] =	wrdreg $0xC0  }
0xab: {  	_ =	task [dreg:s6], $0x5FFFF  }
0xac: {  	[dreg:$0x1] =	wrdreg $0xFFFFFFFF  }
0xad: {  	[dreg:$0x0] =	wrdreg $0x60  }
0xae: {  	[dreg:$0x2] =	wrdreg s24  }
0xaf: {  	[dreg:$0x3] =	wrdreg $0x9  }
0xb0: {  	_ =	task.clear_ibuf [dreg:s6], $0x4FFFF;
	_ =	strace $0x90000046  }
0xb1: {  	s29 =	simm.s32 $0x9;
	_ =	strace $0x80000048  }
0xb2: {  	_ =	swait.ge [sflag:s29], $0x1  }
0xb3: {  	[sflag:s29] =	ssyncadd.s32 $0xFFFFFFFF  }
0xb4: {  	_ =	strace $0x90000048  }
0xb5: {  	_ =	sfence  }
0xb6: {  	s30 =	sld [smem:$0x0];
	_ =	sdelay $0x2  }
0xb7: {  	s31 =	sshll.u32 s1, $0xD;
	s1 =	sshrl.u32 s1, $0x2  }
0xb8: {  	s3 =	sand.u32 $0x4000, s31;
	s1 =	sadd.s32 s1, s30  }
0xb9: {  	s0 =	sor.u32 s3, s0;
	s1 =	sshll.u32 s1, $0x11  }
0xba: {  	s0 =	sor.u32 s1, s0  }
0xbb: {  	s0 =	sadd.s32 $0x8F2B, s0  }
0xbc: {  	[sflag:s0] =	ssyncadd.remote.s32 $0x1  }
0xbd: {  	_ =	sfence.sel $0xFFFF  }
0xbe: {  	[dreg:$0x0] =	wrdreg $0xFFFFFFFF;
	(pc) =	sbr.abs _section_cstart, $3  }
0xbf: {  	[dreg:$0x1] =	wrdreg $0xFFFFFFFF  }
0xc0: {  	_ =	task.clear_ibuf [dreg:s6], $0x2FFFF;
	_ =	strace $0x9FFFFFFF  }
0xc1: {  	(tm) =	ssettm $0x7FFFFFFF  }
tec
execute0_lowered:
.L_overlay_start_1:
0x0: {  	(tag) =	ssettag $0x1  }
0x1: {  	s1 =	srdreg.scid  }
0x2: {  	s0 =	stileid.u32;
	s14 =	sand.u32 $0x1, s1  }
0x3: {  	s8 =	rddreg [dreg:$0x0];
	s3 =	sshll.u32 s0, $0xA;
	s4 =	sshll.u32 s14, $0x9  }
0x4: {  	s2 =	simm.s32 $0x0;
	s1 =	rddreg [dreg:$0x1];
	s13 =	sor.u32 s4, s3  }
0x5: {  	[smem:$0x7FF] =	sst s2;
	s15 =	sadd.s32 $0x4F400, s8;
	s3 =	sshrl.u32 s13, $0x3  }
0x6: {  	_ =	strace $0x80000047;
	s4 =	sadd.s32 s15, s3;
	s3 =	simm.s32 $0x2  }
0x7: {  	[tilespmem:s2], [sflag:$0x2] =	stream.linear.gather [hbm4b:s4+s2], $0x80, $0x38;
	[tilespmem:$0x4080] =	vst v63  }
0x8: {  	_ =	swait.ge [sflag:s3], $0x80  }
0x9: {  	s6 =	simm.s32 $0x80;
	[sflag:s3] =	ssyncset.done $0x0  }
0xa: {  	s7 =	simm.s32 $0x1;
	s5 =	sadd.s32 $0x87200, s8;
	[sflag:s3] =	ssyncadd.s32 $0xFFFFFF80  }
0xb: {  	[tilespmem:s6], [sflag:$0x1] =	stream.indirect.gather [hbm4b:s5+s6], $0x80, s2, s6, $0xb8;
	[tilespmem:$0x4080] =	vst v63  }
0xc: {  	_ =	swait.ge [sflag:s7], $0x4000  }
0xd: {  	s16 =	sadd.s32 $0xCE7200, s8;
	s29 =	sshll.u32 s13, $0x4;
	[sflag:s7] =	ssyncset.done $0x0  }
0xe: {  	s8 =	sadd.s32 s16, s29;
	[sflag:s7] =	ssyncadd.s32 $0xFFFFC000  }
0xf: {  	[hbm4b:s8+s2] =	stream.linear.scatter [tilespmem:s6], [sflag:$0x2], $0x4000, $0x38;
	[tilespmem:$0x4080] =	vst v63  }
0x10: {  	s10 =	sor.u32 $0x80, s13;
	_ =	swait.ge [sflag:s3], $0x4000  }
0x11: {  	s9 =	sshrl.u32 s10, $0x3;
	[sflag:s3] =	ssyncset.done $0x0  }
0x12: {  	s9 =	sadd.s32 s15, s9;
	[sflag:s3] =	ssyncadd.s32 $0xFFFFC000  }
0x13: {  	[tilespmem:s2], [sflag:$0x2] =	stream.linear.gather [hbm4b:s9+s2], $0x80, $0x38;
	[tilespmem:$0x4080] =	vst v63  }
0x14: {  	_ =	swait.ge [sflag:s3], $0x80  }
0x15: {  	[sflag:s3] =	ssyncset.done $0x0  }
0x16: {  	[sflag:s3] =	ssyncadd.s32 $0xFFFFFF80  }
0x17: {  	[tilespmem:s6], [sflag:$0x1] =	stream.indirect.gather [hbm4b:s5+s6], $0x80, s2, s6, $0xb8;
	[tilespmem:$0x4080] =	vst v63  }
0x18: {  	_ =	swait.ge [sflag:s7], $0x4000  }
0x19: {  	s10 =	sshll.u32 s10, $0x4;
	[sflag:s7] =	ssyncset.done $0x0  }
0x1a: {  	s10 =	sadd.s32 s16, s10;
	[sflag:s7] =	ssyncadd.s32 $0xFFFFC000  }
0x1b: {  	[hbm4b:s10+s2] =	stream.linear.scatter [tilespmem:s6], [sflag:$0x2], $0x4000, $0x38;
	[tilespmem:$0x4080] =	vst v63  }
0x1c: {  	s12 =	sor.u32 $0x100, s13;
	_ =	swait.ge [sflag:s3], $0x4000  }
0x1d: {  	s11 =	sshrl.u32 s12, $0x3;
	[sflag:s3] =	ssyncset.done $0x0  }
0x1e: {  	s11 =	sadd.s32 s15, s11;
	[sflag:s3] =	ssyncadd.s32 $0xFFFFC000  }
0x1f: {  	[tilespmem:s2], [sflag:$0x2] =	stream.linear.gather [hbm4b:s11+s2], $0x80, $0x38;
	[tilespmem:$0x4080] =	vst v63  }
0x20: {  	_ =	swait.ge [sflag:s3], $0x80  }
0x21: {  	[sflag:s3] =	ssyncset.done $0x0  }
0x22: {  	[sflag:s3] =	ssyncadd.s32 $0xFFFFFF80  }
0x23: {  	[tilespmem:s6], [sflag:$0x1] =	stream.indirect.gather [hbm4b:s5+s6], $0x80, s2, s6, $0xb8;
	[tilespmem:$0x4080] =	vst v63  }
0x24: {  	_ =	swait.ge [sflag:s7], $0x4000  }
0x25: {  	s12 =	sshll.u32 s12, $0x4;
	[sflag:s7] =	ssyncset.done $0x0  }
0x26: {  	s12 =	sadd.s32 s16, s12;
	[sflag:s7] =	ssyncadd.s32 $0xFFFFC000  }
0x27: {  	[hbm4b:s12+s2] =	stream.linear.scatter [tilespmem:s6], [sflag:$0x2], $0x4000, $0x38;
	[tilespmem:$0x4080] =	vst v63  }
0x28: {  	s17 =	sor.u32 $0x180, s13;
	_ =	swait.ge [sflag:s3], $0x4000  }
0x29: {  	s13 =	sshrl.u32 s17, $0x3;
	[sflag:s3] =	ssyncset.done $0x0  }
0x2a: {  	s14 =	ssub.s32 $0x2, s14;
	s13 =	sadd.s32 s15, s13;
	[sflag:s3] =	ssyncadd.s32 $0xFFFFC000  }
0x2b: {  	[tilespmem:s2], [sflag:$0x2] =	stream.linear.gather [hbm4b:s13+s2], $0x80, $0x38;
	[tilespmem:$0x4080] =	vst v63  }
0x2c: {  	s30 =	sshrl.u32 s14, $0x1;
	_ =	swait.ge [sflag:s3], $0x80  }
0x2d: {  	s15 =	ssub.s32 s14, s30;
	[sflag:s3] =	ssyncset.done $0x0  }
0x2e: {  	s15 =	smax.u32 s15, $0x1;
	[sflag:s3] =	ssyncadd.s32 $0xFFFFFF80  }
0x2f: {  	[tilespmem:s6], [sflag:$0x1] =	stream.indirect.gather [hbm4b:s5+s6], $0x80, s2, s6, $0xb8;
	[tilespmem:$0x4080] =	vst v63  }
0x30: {  	p0 =	sne.s32 s15, $0x1;
	_ =	swait.ge [sflag:s7], $0x4000  }
.Ltmp0:
0x31: {  	s31 =	sshll.u32 s17, $0x4;
	[sflag:s7] =	ssyncset.done $0x0;
	(pc) =	sbr.rel @!p0 .LBB2_2-.Ltmp0, $4  }
0x32: {  	s14 =	sadd.s32 s16, s31;
	[sflag:s7] =	ssyncadd.s32 $0xFFFFC000  }
0x33: {  	[hbm4b:s14+s2] =	stream.linear.scatter [tilespmem:s6], [sflag:$0x2], $0x4000, $0x38;
	[tilespmem:$0x4080] =	vst v63  }
0x34: {  	_ =	swait.ge [sflag:s3], $0x4000  }
0x35: {  	s15 =	sadd.s32 $0xFFFFFFFF, s15;
	[sflag:s3] =	ssyncset.done $0x0  }
.LBB2_1:
0x36: {  	p0 =	sne.s32 s15, $0x1;
	s15 =	sadd.s32 $0xFFFFFFFF, s15;
	[sflag:s3] =	ssyncadd.s32 $0xFFFFC000  }
0x37: {  	[tilespmem:s2], [sflag:$0x2] =	stream.linear.gather [hbm4b:s4+s2], $0x80, $0x38;
	[tilespmem:$0x4080] =	vst v63  }
0x38: {  	_ =	swait.ge [sflag:s3], $0x80  }
0x39: {  	[sflag:s3] =	ssyncset.done $0x0  }
0x3a: {  	[sflag:s3] =	ssyncadd.s32 $0xFFFFFF80  }
0x3b: {  	[tilespmem:s6], [sflag:$0x1] =	stream.indirect.gather [hbm4b:s5+s6], $0x80, s2, s6, $0xb8;
	[tilespmem:$0x4080] =	vst v63  }
0x3c: {  	_ =	swait.ge [sflag:s7], $0x4000  }
0x3d: {  	[sflag:s7] =	ssyncset.done $0x0  }
0x3e: {  	[sflag:s7] =	ssyncadd.s32 $0xFFFFC000  }
0x3f: {  	[hbm4b:s8+s2] =	stream.linear.scatter [tilespmem:s6], [sflag:$0x2], $0x4000, $0x38;
	[tilespmem:$0x4080] =	vst v63  }
0x40: {  	_ =	swait.ge [sflag:s3], $0x4000  }
0x41: {  	[sflag:s3] =	ssyncset.done $0x0  }
0x42: {  	[sflag:s3] =	ssyncadd.s32 $0xFFFFC000  }
0x43: {  	[tilespmem:s2], [sflag:$0x2] =	stream.linear.gather [hbm4b:s9+s2], $0x80, $0x38;
	[tilespmem:$0x4080] =	vst v63  }
0x44: {  	_ =	swait.ge [sflag:s3], $0x80  }
0x45: {  	[sflag:s3] =	ssyncset.done $0x0  }
0x46: {  	[sflag:s3] =	ssyncadd.s32 $0xFFFFFF80  }
0x47: {  	[tilespmem:s6], [sflag:$0x1] =	stream.indirect.gather [hbm4b:s5+s6], $0x80, s2, s6, $0xb8;
	[tilespmem:$0x4080] =	vst v63  }
0x48: {  	_ =	swait.ge [sflag:s7], $0x4000  }
0x49: {  	[sflag:s7] =	ssyncset.done $0x0  }
0x4a: {  	[sflag:s7] =	ssyncadd.s32 $0xFFFFC000  }
0x4b: {  	[hbm4b:s10+s2] =	stream.linear.scatter [tilespmem:s6], [sflag:$0x2], $0x4000, $0x38;
	[tilespmem:$0x4080] =	vst v63  }
0x4c: {  	_ =	swait.ge [sflag:s3], $0x4000  }
0x4d: {  	[sflag:s3] =	ssyncset.done $0x0  }
0x4e: {  	[sflag:s3] =	ssyncadd.s32 $0xFFFFC000  }
0x4f: {  	[tilespmem:s2], [sflag:$0x2] =	stream.linear.gather [hbm4b:s11+s2], $0x80, $0x38;
	[tilespmem:$0x4080] =	vst v63  }
0x50: {  	_ =	swait.ge [sflag:s3], $0x80  }
0x51: {  	[sflag:s3] =	ssyncset.done $0x0  }
0x52: {  	[sflag:s3] =	ssyncadd.s32 $0xFFFFFF80  }
0x53: {  	[tilespmem:s6], [sflag:$0x1] =	stream.indirect.gather [hbm4b:s5+s6], $0x80, s2, s6, $0xb8;
	[tilespmem:$0x4080] =	vst v63  }
0x54: {  	_ =	swait.ge [sflag:s7], $0x4000  }
0x55: {  	[sflag:s7] =	ssyncset.done $0x0  }
0x56: {  	[sflag:s7] =	ssyncadd.s32 $0xFFFFC000  }
0x57: {  	[hbm4b:s12+s2] =	stream.linear.scatter [tilespmem:s6], [sflag:$0x2], $0x4000, $0x38;
	[tilespmem:$0x4080] =	vst v63  }
0x58: {  	_ =	swait.ge [sflag:s3], $0x4000  }
0x59: {  	[sflag:s3] =	ssyncset.done $0x0  }
0x5a: {  	[sflag:s3] =	ssyncadd.s32 $0xFFFFC000  }
0x5b: {  	[tilespmem:s2], [sflag:$0x2] =	stream.linear.gather [hbm4b:s13+s2], $0x80, $0x38;
	[tilespmem:$0x4080] =	vst v63  }
0x5c: {  	_ =	swait.ge [sflag:s3], $0x80  }
0x5d: {  	[sflag:s3] =	ssyncset.done $0x0  }
0x5e: {  	[sflag:s3] =	ssyncadd.s32 $0xFFFFFF80  }
0x5f: {  	[tilespmem:s6], [sflag:$0x1] =	stream.indirect.gather [hbm4b:s5+s6], $0x80, s2, s6, $0xb8;
	[tilespmem:$0x4080] =	vst v63  }
0x60: {  	_ =	swait.ge [sflag:s7], $0x4000  }
.Ltmp1:
0x61: {  	[sflag:s7] =	ssyncset.done $0x0;
	(pc) =	sbr.rel @p0 .LBB2_1-.Ltmp1, $4  }
0x62: {  	[sflag:s7] =	ssyncadd.s32 $0xFFFFC000  }
0x63: {  	[hbm4b:s14+s2] =	stream.linear.scatter [tilespmem:s6], [sflag:$0x2], $0x4000, $0x38;
	[tilespmem:$0x4080] =	vst v63  }
0x64: {  	_ =	swait.ge [sflag:s3], $0x4000  }
0x65: {  	[sflag:s3] =	ssyncset.done $0x0  }
.LBB2_2:
0x66: {  	[sflag:s3] =	ssyncadd.s32 $0xFFFFC000  }
0x67: {  	_ =	sfence.sel $0x180000  }
0x68: {  	[bflag:$0x0] =	sbarrier.arrive $0xFFFF  }
0x69: {  	p0 =	sne.s32 s0, $0x0;
	_ =	strace $0x90000047  }
0x6a: {  	s0 =	sadd.s32 @!p0 $0x100000, s1;
	[bflag:$0x2] =	sbarrier.arrive $0xFFFF  }
0x6b: {  	[sflag:s0] =	ssyncadd.tile.s32 @!p0 $0x1;
	_ =	shalt  }
.Lfunc_end2:
_tile_overlayer_lowered:
.L_overlay_start_2:
0x6c: {  	(tag) =	ssettag $0x2  }
0x6d: {  	s0 =	rddreg [dreg:$0x0];
	s2 =	stileid.u32  }
0x6e: {  	s1 =	rddreg [dreg:$0x1];
	p0 =	sne.s32 s2, $0x0  }
0x6f: {  	s3 =	rddreg [dreg:$0x2];
	[bflag:$0x3] =	sbarrier.arrive $0xFFFF;
	s2 =	simm.s32 @!p0 $0x1C02  }
0x70: {  	[timem:s3], [sflag:s2] =	dma.local @!p0 [hbm:s0], s1  }
0x71: {  	s0 =	simm.s32 @!p0 $0x2  }
0x72: {  	_ =	swait.ge @!p0 [sflag:s0], s1  }
0x73: {  	s1 =	ssub.s32 @!p0 $0x0, s1;
	[sflag:s0] =	ssyncset.done @!p0 $0x0  }
0x74: {  	[sflag:s0] =	ssyncadd.s32 @!p0 s1  }
0x75: {  	[bflag:$0x3] =	sbarrier.arrive $0xFFFF  }
0x76: {  	_ =	shalt  }

</sc_bundles>
